<compile_context>
chip_gen: v7x
topology: tpu7x:2x2x1
jax: 0.10.2.dev20260603
libtpu: 0.0.44.dev20260713+nightly
codegen_flags: <defaults>
</compile_context>

<pallas_src>
import functools
import math

import jax
import jax.numpy as jnp
from jax import lax
from jax.experimental import pallas as pl
from jax.experimental.pallas import tpu as pltpu
from jax.experimental.pallas import tpu_sc as plsc

NC = 2
NS = 16
EB = 64


def _ru(x, m):
    return (x + m - 1) // m * m


def _gelu(x):
    return 0.5 * x * (1.0 + lax.erf(x * (1.0 / math.sqrt(2.0))))



def _qkv_body(h_ref, w1_ref, b1_ref, w2_ref, b2_ref, wq_ref, wk_ref, wv_ref,
              q_ref, k_ref, v_ref):
    h = h_ref[...]
    m = _gelu(jnp.dot(h, w1_ref[...], preferred_element_type=jnp.float32)
              + b1_ref[...])
    m = _gelu(jnp.dot(m, w2_ref[...], preferred_element_type=jnp.float32)
              + b2_ref[...])
    q_ref[...] = jnp.dot(h, wq_ref[...], preferred_element_type=jnp.float32)
    k_ref[...] = jnp.dot(h, wk_ref[...], preferred_element_type=jnp.float32)
    v_ref[...] = jnp.dot(m, wv_ref[...], preferred_element_type=jnp.float32)


def _qkv(hn, msg_W1, msg_b1, msg_W2, msg_b2, Wq, Wk, Wv, blk):
    tt, dh = hn.shape
    grid = (tt // blk,)
    full = lambda s: pl.BlockSpec(s, lambda i: (0, 0))
    rows = pl.BlockSpec((blk, dh), lambda i: (i, 0))
    return pl.pallas_call(
        _qkv_body,
        grid=grid,
        in_specs=[rows, full((dh, dh)), full((1, dh)), full((dh, dh)),
                  full((1, dh)), full((dh, dh)), full((dh, dh)),
                  full((dh, dh))],
        out_specs=[rows, rows, rows],
        out_shape=[jax.ShapeDtypeStruct((tt, dh), jnp.float32)] * 3,
    )(hn, msg_W1, msg_b1.reshape(1, dh), msg_W2, msg_b2.reshape(1, dh),
      Wq, Wk, Wv)



def _sc_edge(qtab, kvtab, meta, wdat, ha, hd, n_heads, d_k, blocks_per_w,
             n_passes):
    dh = qtab.shape[1]
    rp = ha // NS
    rpd = hd // NS
    inv_sqrt = 1.0 / math.sqrt(d_k)
    mesh = plsc.VectorSubcoreMesh(core_axis_name="c", subcore_axis_name="s",
                                  num_cores=NC, num_subcores=NS)

    @functools.partial(
        pl.kernel,
        out_type=[jax.ShapeDtypeStruct((NC, n_passes, ha, dh), jnp.float32),
                  jax.ShapeDtypeStruct((NC, n_passes, hd, dh), jnp.float32)],
        mesh=mesh,
        compiler_params=pltpu.CompilerParams(needs_layout_passes=False),
        scratch_types=[
            pltpu.VMEM((2 + 2 * n_passes, EB), jnp.int32),
            pltpu.VMEM((1 + n_passes, EB), jnp.float32),
            pltpu.VMEM((EB, dh), jnp.float32),
            pltpu.VMEM((EB, 2 * dh), jnp.float32),
            pltpu.VMEM((EB, dh), jnp.float32),
            pltpu.VMEM_SHARED((ha, dh), jnp.float32),
            pltpu.VMEM_SHARED((hd, dh), jnp.float32),
            pltpu.SemaphoreType.DMA,
            pltpu.SemaphoreType.DMA,
            pltpu.SemaphoreType.DMA,
            pltpu.SemaphoreType.DMA,
            pltpu.SemaphoreType.DMA,
            pltpu.SemaphoreType.DMA,
        ],
    )
    def body(qtab_h, kvtab_h, meta_h, wdat_h, znum_h, num_out, den_out,
             meta_v, wdat_v, qb, kvb, pb, num_acc, den_acc, sem0, sem1,
             semm0, semm1, sems0, sems1):
        c = lax.axis_index("c")
        s = lax.axis_index("s")
        pltpu.sync_copy(znum_h.at[pl.ds(0, EB)], pb)
        lane = lax.iota(jnp.int32, 16)

        for half in range(n_passes):
            pltpu.sync_copy(znum_h.at[pl.ds(s * rp, rp)],
                            num_acc.at[pl.ds(s * rp, rp)])
            pltpu.sync_copy(znum_h.at[pl.ds(s * rpd, rpd)],
                            den_acc.at[pl.ds(s * rpd, rpd)])
            plsc.subcore_barrier()

            def block_body(b, _):
                blk = s * blocks_per_w + b
                cpm = pltpu.async_copy(meta_h.at[c, blk], meta_v, semm0)
                cpw = pltpu.async_copy(wdat_h.at[c, blk], wdat_v, semm1)
                cpm.wait()
                cpw.wait()
                cp0 = pltpu.async_copy(qtab_h.at[meta_v.at[0]], qb, sem0)
                cp1 = pltpu.async_copy(kvtab_h.at[meta_v.at[1]], kvb, sem1)
                cp0.wait()
                cp1.wait()

                def group_body(g, _):
                    erow = lane + g * 16
                    wvec = plsc.load_gather(wdat_v,
                                            [jnp.zeros((16,), jnp.int32),
                                             erow])
                    cb = plsc.load_gather(wdat_v,
                                          [jnp.full((16,), 1 + half,
                                                    jnp.int32), erow]
                                          ).astype(jnp.int32)
                    wclip = jnp.maximum(wvec, 1e-10)
                    ps = []
                    for h in range(n_heads):
                        def dot_f(f4, acc):
                            f = f4 * 4
                            base = jnp.full((16,), h * d_k, jnp.int32) + f
                            for j in range(4):
                                qv = plsc.load_gather(qb, [erow, base + j])
                                kv = plsc.load_gather(kvb, [erow, base + j])
                                acc = acc + qv * kv
                            return acc
                        acc = lax.fori_loop(0, d_k // 4, dot_f,
                                            jnp.zeros((16,), jnp.float32))
                        p = wclip * jnp.exp(acc * inv_sqrt)
                        ps.append(p)
                        plsc.store_scatter(pb, [erow, cb + h], p)
                    for h in range(n_heads):
                        def wv_f(f4, _):
                            f = f4 * 4
                            base = jnp.full((16,), h * d_k, jnp.int32) + f
                            for j in range(4):
                                vv = plsc.load_gather(kvb,
                                                      [erow, base + j + dh])
                                plsc.store_scatter(qb, [erow, base + j],
                                                   vv * ps[h])
                            return 0
                        lax.fori_loop(0, d_k // 4, wv_f, 0)
                    return 0

                lax.fori_loop(0, EB // 16, group_body, 0)
                cpn = pltpu.async_copy(qb, num_acc.at[meta_v.at[2 + half]],
                                       sems0, add=True)
                cpd = pltpu.async_copy(
                    pb, den_acc.at[meta_v.at[2 + n_passes + half]], sems1,
                    add=True)
                cpn.wait()
                cpd.wait()

                def zero_body(g, _):
                    erow = lane + g * 16
                    cb = plsc.load_gather(wdat_v,
                                          [jnp.full((16,), 1 + half,
                                                    jnp.int32), erow]
                                          ).astype(jnp.int32)
                    zz = jnp.zeros((16,), jnp.float32)
                    for h in range(n_heads):
                        plsc.store_scatter(pb, [erow, cb + h], zz)
                    return 0

                lax.fori_loop(0, EB // 16, zero_body, 0)
                return 0

            lax.fori_loop(0, blocks_per_w, block_body, 0)
            plsc.subcore_barrier()
            pltpu.sync_copy(num_acc.at[pl.ds(s * rp, rp)],
                            num_out.at[c, half, pl.ds(s * rp, rp)])
            pltpu.sync_copy(den_acc.at[pl.ds(s * rpd, rpd)],
                            den_out.at[c, half, pl.ds(s * rpd, rpd)])

    znum = jnp.zeros((ha, dh), jnp.float32)
    return body(qtab, kvtab, meta, wdat, znum)



def _upd_body(h_ref, num_ref, den_ref, w1a_ref, w1b_ref, b1_ref, w2_ref,
              b2_ref, out_ref, *, n_heads, d_k):
    den16 = den_ref[...]
    heads = lax.broadcasted_iota(jnp.int32, (16, n_heads * d_k), 0)
    cols = lax.broadcasted_iota(jnp.int32, (16, n_heads * d_k), 1) // d_k
    expand = (heads == cols).astype(jnp.float32)
    den_exp = jnp.dot(den16, expand, preferred_element_type=jnp.float32)
    msg = num_ref[...] / (den_exp + 1e-10)
    h = h_ref[...]
    h1 = _gelu(jnp.dot(h, w1a_ref[...], preferred_element_type=jnp.float32)
               + jnp.dot(msg, w1b_ref[...], preferred_element_type=jnp.float32)
               + b1_ref[...])
    out_ref[...] = _gelu(jnp.dot(h1, w2_ref[...],
                                 preferred_element_type=jnp.float32)
                         + b2_ref[...])


def _update(hn, num, den, upd_W1, upd_b1, upd_W2, upd_b2, n_heads, d_k, blk):
    tt, dh = hn.shape
    grid = (tt // blk,)
    full = lambda s: pl.BlockSpec(s, lambda i: (0, 0))
    rows = pl.BlockSpec((blk, dh), lambda i: (i, 0))
    rows16 = pl.BlockSpec((blk, 16), lambda i: (i, 0))
    w1a = upd_W1[:dh]
    w1b = upd_W1[dh:]
    return pl.pallas_call(
        functools.partial(_upd_body, n_heads=n_heads, d_k=d_k),
        grid=grid,
        in_specs=[rows, rows, rows16, full((dh, dh)), full((dh, dh)),
                  full((1, dh)), full((dh, dh)), full((1, dh))],
        out_specs=rows,
        out_shape=jax.ShapeDtypeStruct((tt, dh), jnp.float32),
    )(hn, num, den, w1a, w1b, upd_b1.reshape(1, dh), upd_W2,
      upd_b2.reshape(1, dh))



def kernel(inv_h, asset_h, edge_index, inv_norm_w, asset_norm_w,
           num_investors, num_assets,
           msg_W1, msg_b1, msg_W2, msg_b2, Wq, Wk, Wv,
           upd_W1, upd_b1, upd_W2, upd_b2):
    n_i, dh = inv_h.shape
    n_a = asset_h.shape[0]
    n_e = edge_index.shape[1]
    hd = Wq.shape[1]
    d_k = 32
    n_heads = hd // d_k

    roff = _ru(max(n_i, n_a) + 1, NS * 8)
    tt = _ru(2 * roff, 1024)
    hn = jnp.zeros((tt, dh), jnp.float32)
    hn = hn.at[:n_i].set(inv_h).at[roff:roff + n_a].set(asset_h)

    pe = _ru(n_e, NS * EB)
    pad = pe - n_e
    tgt = edge_index[0].astype(jnp.int32)
    src = edge_index[1].astype(jnp.int32)
    tgt_p = jnp.concatenate([tgt, jnp.full((pad,), n_i, jnp.int32)])
    src_p = jnp.concatenate([src, jnp.full((pad,), n_a, jnp.int32)])
    srco_p = src_p + roff
    wi_p = jnp.concatenate([inv_norm_w, jnp.zeros((pad,), jnp.float32)])
    wa_p = jnp.concatenate([asset_norm_w, jnp.zeros((pad,), jnp.float32)])

    NP = 2
    hs = roff // NP
    ha = _ru(hs + 1, NS * 8)
    hd = _ru(hs // 8 + 1, NS * 8)
    out0 = jnp.stack([tgt_p, src_p])
    ohs, drows, dcbs = [], [], []
    for k in range(NP):
        inr = (out0 >= k * hs) & (out0 < (k + 1) * hs)
        tk = out0 - k * hs
        ohs.append(jnp.where(inr, tk, hs).reshape(NC, -1, 1, EB))
        drows.append(jnp.where(inr, tk // 8, hd - 1).reshape(NC, -1, 1, EB))
        dcbs.append(jnp.where(inr, (tk % 8) * 16, 0)
                    .astype(jnp.float32).reshape(NC, -1, 1, EB))

    nblk = pe // EB
    qidx = jnp.stack([tgt_p, srco_p]).reshape(NC, nblk, 1, EB)
    kvidx = jnp.stack([srco_p, tgt_p]).reshape(NC, nblk, 1, EB)
    meta = jnp.concatenate([qidx, kvidx] + ohs + drows, axis=2)
    wdat = jnp.concatenate(
        [jnp.stack([wi_p, wa_p]).reshape(NC, nblk, 1, EB)] + dcbs, axis=2)

    q, k, v = _qkv(hn, msg_W1, msg_b1, msg_W2, msg_b2, Wq, Wk, Wv, blk=1024)
    kv = jnp.concatenate([k, v], axis=1)

    num, den = _sc_edge(q, kv, meta, wdat, ha, hd, n_heads, d_k,
                        blocks_per_w=nblk // NS, n_passes=NP)

    numf = jnp.zeros((tt, dh), jnp.float32)
    denf = jnp.zeros((tt, 16), jnp.float32)
    for c in range(NC):
        base = c * roff
        for k in range(NP):
            den16 = den[c, k, :hs // 8].reshape(hs, 16)
            numf = numf.at[base + k * hs:base + (k + 1) * hs].set(
                num[c, k, :hs])
            denf = denf.at[base + k * hs:base + (k + 1) * hs].set(den16)

    out = _update(hn, numf, denf, upd_W1, upd_b1, upd_W2, upd_b2,
                  n_heads, d_k, blk=1024)
    return out[:n_i], out[roff:roff + n_a]

# --- scband reference (transcript-rebuilt; emitter-appended) ---
"""Pipeline reference for scband-message-passing-layer-84774064488460 (READ-ONLY COPY).

The authoritative reference and input builder live on the scoring server;
editing this copy changes nothing except your own understanding.
"""

import math
import jax, jax.numpy as jnp
import numpy as np

D_H = 128
H = 4
D_K = 32
I = 10000
A = 10000
E = 320000


def _ff(x, W1, b1, W2, b2):
    h = jax.nn.gelu(x @ W1 + b1, approximate=False)
    return jax.nn.gelu(h @ W2 + b2, approximate=False)


def _neighborhood_softmax(scores, target_idx, num_targets):
    # torch scatter_reduce amax with zeros init + include_self=True -> max(group_max, 0)
    smax = jax.ops.segment_max(scores, target_idx, num_segments=num_targets)
    smax = jnp.maximum(smax, 0.0)
    sc = scores - smax[target_idx]
    ex = jnp.exp(sc)
    den = jax.ops.segment_sum(ex, target_idx, num_segments=num_targets)
    return ex / (den[target_idx] + 1e-10)


def _attend(h_target, h_source, target_idx, source_idx, norm_weights, num_target,
            msg_W1, msg_b1, msg_W2, msg_b2, Wq, Wk, Wv):
    M_source = _ff(h_source, msg_W1, msg_b1, msg_W2, msg_b2)
    Q = h_target @ Wq
    K = h_source @ Wk
    V = M_source @ Wv
    E_ = target_idx.shape[0]
    Q_edge = Q[target_idx].reshape(E_, H, D_K)
    K_edge = K[source_idx].reshape(E_, H, D_K)
    V_edge = V[source_idx].reshape(E_, H, D_K)
    attn_scores = (Q_edge * K_edge).sum(axis=-1) / math.sqrt(D_K)
    log_bias = jnp.log(jnp.clip(norm_weights, 1e-10, None))[:, None]
    attn_scores = attn_scores + log_bias
    attn_weights = _neighborhood_softmax(attn_scores, target_idx, num_target)
    weighted_V = (attn_weights[..., None] * V_edge).reshape(E_, H * D_K)
    return jax.ops.segment_sum(weighted_V, target_idx, num_segments=num_target)


def setup_inputs(seed: int = 0) -> dict:
    key = jax.random.key(seed)
    ks = jax.random.split(key, 20)
    s = 0.02
    inp = {}
    inp["inv_h"] = jax.random.normal(ks[0], (I, D_H), dtype=jnp.float32)
    inp["asset_h"] = jax.random.normal(ks[1], (A, D_H), dtype=jnp.float32)
    tgt = jax.random.randint(ks[2], (E,), 0, I, dtype=jnp.int32)
    src = jax.random.randint(ks[3], (E,), 0, A, dtype=jnp.int32)
    inp["edge_index"] = jnp.stack([tgt, src], axis=0)
    inp["inv_norm_w"] = jax.random.uniform(ks[4], (E,), dtype=jnp.float32)
    inp["asset_norm_w"] = jax.random.uniform(ks[5], (E,), dtype=jnp.float32)
    inp["num_investors"] = I
    inp["num_assets"] = A
    inp["msg_W1"] = jax.random.normal(ks[6], (D_H, D_H), dtype=jnp.float32) * s
    inp["msg_b1"] = jnp.zeros((D_H,), dtype=jnp.float32)
    inp["msg_W2"] = jax.random.normal(ks[7], (D_H, D_H), dtype=jnp.float32) * s
    inp["msg_b2"] = jnp.zeros((D_H,), dtype=jnp.float32)
    inp["Wq"] = jax.random.normal(ks[8], (D_H, H * D_K), dtype=jnp.float32) * s
    inp["Wk"] = jax.random.normal(ks[9], (D_H, H * D_K), dtype=jnp.float32) * s
    inp["Wv"] = jax.random.normal(ks[10], (D_H, H * D_K), dtype=jnp.float32) * s
    inp["upd_W1"] = jax.random.normal(ks[11], (2 * D_H, D_H), dtype=jnp.float32) * s
    inp["upd_b1"] = jnp.zeros((D_H,), dtype=jnp.float32)
    inp["upd_W2"] = jax.random.normal(ks[12], (D_H, D_H), dtype=jnp.float32) * s
    inp["upd_b2"] = jnp.zeros((D_H,), dtype=jnp.float32)
    return inp


def reference(inv_h, asset_h, edge_index, inv_norm_w, asset_norm_w,
              num_investors, num_assets,
              msg_W1, msg_b1, msg_W2, msg_b2, Wq, Wk, Wv,
              upd_W1, upd_b1, upd_W2, upd_b2):
    num_investors_static = inv_h.shape[0]
    num_assets_static = asset_h.shape[0]
    tgt_i = edge_index[0] + 0 * jnp.asarray(num_investors, dtype=edge_index.dtype)
    src_a = edge_index[1] + 0 * jnp.asarray(num_assets, dtype=edge_index.dtype)
    inv_msg = _attend(inv_h, asset_h, tgt_i, src_a, inv_norm_w, num_investors_static,
                      msg_W1, msg_b1, msg_W2, msg_b2, Wq, Wk, Wv)
    # reversed direction (edge_index_ai = stack([src, tgt]))
    asset_msg = _attend(asset_h, inv_h, src_a, tgt_i, asset_norm_w, num_assets_static,
                        msg_W1, msg_b1, msg_W2, msg_b2, Wq, Wk, Wv)
    inv_h_new = _ff(jnp.concatenate([inv_h, inv_msg], axis=-1), upd_W1, upd_b1, upd_W2, upd_b2)
    asset_h_new = _ff(jnp.concatenate([asset_h, asset_msg], axis=-1), upd_W1, upd_b1, upd_W2, upd_b2)
    return (inv_h_new, asset_h_new)

if __name__ == "__main__":
    import jax
    _d = setup_inputs()
    print(jax.jit(kernel)(*tuple(_d.values())))

</pallas_src>

<mosaic_0001>
#map = affine_map<(d0, d1) -> (0, 0)>
#map1 = affine_map<(d0, d1) -> (0, 0, 0, 0)>
module attributes {stable_mosaic.version = 14 : i64} {
  func.func @body(%arg0: i32, %arg1: i32, %arg2: memref<20480x128xf32, #tpu.memory_space<hbm>>, %arg3: memref<20480x256xf32, #tpu.memory_space<hbm>>, %arg4: memref<2x5008x6x64xi32, #tpu.memory_space<hbm>>, %arg5: memref<2x5008x3x64xf32, #tpu.memory_space<hbm>>, %arg6: memref<5120x128xf32, #tpu.memory_space<hbm>>, %arg7: memref<2x2x5120x128xf32, #tpu.memory_space<hbm>>, %arg8: memref<2x2x640x128xf32, #tpu.memory_space<hbm>>, %arg9: memref<6x64xi32, #tpu.memory_space<vmem>>, %arg10: memref<3x64xf32, #tpu.memory_space<vmem>>, %arg11: memref<64x128xf32, #tpu.memory_space<vmem>>, %arg12: memref<64x256xf32, #tpu.memory_space<vmem>>, %arg13: memref<64x128xf32, #tpu.memory_space<vmem>>, %arg14: memref<5120x128xf32, #tpu.memory_space<vmem_shared>>, %arg15: memref<640x128xf32, #tpu.memory_space<vmem_shared>>, %arg16: memref<!tpu.dma_semaphore, #tpu.memory_space<semaphore_mem>>, %arg17: memref<!tpu.dma_semaphore, #tpu.memory_space<semaphore_mem>>, %arg18: memref<!tpu.dma_semaphore, #tpu.memory_space<semaphore_mem>>, %arg19: memref<!tpu.dma_semaphore, #tpu.memory_space<semaphore_mem>>, %arg20: memref<!tpu.dma_semaphore, #tpu.memory_space<semaphore_mem>>, %arg21: memref<!tpu.dma_semaphore, #tpu.memory_space<semaphore_mem>>) attributes {dimension_semantics = [#tpu.dimension_semantics<core_parallel>, #tpu.dimension_semantics<subcore_parallel>], iteration_bounds = array<i64: 2, 16>, scalar_prefetch = 0 : i64, scratch_operands = 13 : i64, tpu.core_type = #tpu.core_type<sc_vector_subcore>, window_params = [{transform_indices = #map}, {transform_indices = #map}, {transform_indices = #map1}, {transform_indices = #map1}, {transform_indices = #map}, {transform_indices = #map1}, {transform_indices = #map1}]} {
    "tpu.region"() ({
      %run_scoped3A_50 = tpu.sem_alloc : memref<!tpu.dma_semaphore, #tpu.memory_space<semaphore_mem>>
      %dma_start3A = arith.constant 0 : i32
      %dma_start3A_51 = arith.constant 0 : i32
      %dma_start3A_52 = tpu.memref_slice %arg6[%dma_start3A, %dma_start3A_51] : memref<5120x128xf32, #tpu.memory_space<hbm>> -> memref<64x128xf32, #tpu.memory_space<hbm>>
      %dma_start3A_53 = arith.constant 0 : i32
      %dma_start3A_54 = arith.constant 0 : i32
      %dma_start3A_55 = tpu.memref_slice %arg6[%dma_start3A_53, %dma_start3A_54] : memref<5120x128xf32, #tpu.memory_space<hbm>> -> memref<64x128xf32, #tpu.memory_space<hbm>>
      tpu.enqueue_dma source(%dma_start3A_55 : memref<64x128xf32, #tpu.memory_space<hbm>>) target(%arg13 : memref<64x128xf32, #tpu.memory_space<vmem>>) target_semaphore(%run_scoped3A_50 : memref<!tpu.dma_semaphore, #tpu.memory_space<semaphore_mem>>)
      %dma_wait3A = arith.constant 0 : i32
      %dma_wait3A_56 = arith.constant 0 : i32
      %dma_wait3A_57 = tpu.memref_slice %arg6[%dma_wait3A, %dma_wait3A_56] : memref<5120x128xf32, #tpu.memory_space<hbm>> -> memref<64x128xf32, #tpu.memory_space<hbm>>
      %dma_wait3A_58 = arith.constant 0 : i32
      %dma_wait3A_59 = arith.constant 0 : i32
      %dma_wait3A_60 = tpu.memref_slice %arg6[%dma_wait3A_58, %dma_wait3A_59] : memref<5120x128xf32, #tpu.memory_space<hbm>> -> memref<64x128xf32, #tpu.memory_space<hbm>>
      tpu.wait_dma2 semaphore(%run_scoped3A_50 : memref<!tpu.dma_semaphore, #tpu.memory_space<semaphore_mem>>) src(%dma_wait3A_60 : memref<64x128xf32, #tpu.memory_space<hbm>>) dst(%arg13 : memref<64x128xf32, #tpu.memory_space<vmem>>)
      tpu.yield
    }) : () -> ()
    %iota3A = tpu.iota {dimensions = array<i32: 0>} : vector<16xi32>
    %mul3A = arith.constant 320 : i32
    %mul3A_0 = arith.muli %arg1, %mul3A : i32
    %mul3A_1 = arith.constant 320 : i32
    %mul3A_2 = arith.muli %arg1, %mul3A_1 : i32
    "tpu.region"() ({
      %run_scoped3A_50 = tpu.sem_alloc : memref<!tpu.dma_semaphore, #tpu.memory_space<semaphore_mem>>
      %dma_start3A = arith.constant 0 : i32
      %dma_start3A_51 = tpu.memref_slice %arg14[%mul3A_2, %dma_start3A] : memref<5120x128xf32, #tpu.memory_space<vmem_shared>> -> memref<320x128xf32, #tpu.memory_space<vmem_shared>>
      %dma_start3A_52 = arith.constant 0 : i32
      %dma_start3A_53 = tpu.memref_slice %arg6[%mul3A_0, %dma_start3A_52] : memref<5120x128xf32, #tpu.memory_space<hbm>> -> memref<320x128xf32, #tpu.memory_space<hbm>>
      tpu.enqueue_dma source(%dma_start3A_53 : memref<320x128xf32, #tpu.memory_space<hbm>>) target(%dma_start3A_51 : memref<320x128xf32, #tpu.memory_space<vmem_shared>>) target_semaphore(%run_scoped3A_50 : memref<!tpu.dma_semaphore, #tpu.memory_space<semaphore_mem>>)
      %dma_wait3A = arith.constant 0 : i32
      %dma_wait3A_54 = tpu.memref_slice %arg14[%mul3A_2, %dma_wait3A] : memref<5120x128xf32, #tpu.memory_space<vmem_shared>> -> memref<320x128xf32, #tpu.memory_space<vmem_shared>>
      %dma_wait3A_55 = arith.constant 0 : i32
      %dma_wait3A_56 = tpu.memref_slice %arg6[%mul3A_0, %dma_wait3A_55] : memref<5120x128xf32, #tpu.memory_space<hbm>> -> memref<320x128xf32, #tpu.memory_space<hbm>>
      tpu.wait_dma2 semaphore(%run_scoped3A_50 : memref<!tpu.dma_semaphore, #tpu.memory_space<semaphore_mem>>) src(%dma_wait3A_56 : memref<320x128xf32, #tpu.memory_space<hbm>>) dst(%dma_wait3A_54 : memref<320x128xf32, #tpu.memory_space<vmem_shared>>)
      tpu.yield
    }) : () -> ()
    %mul3A_3 = arith.constant 40 : i32
    %mul3A_4 = arith.muli %arg1, %mul3A_3 : i32
    %mul3A_5 = arith.constant 40 : i32
    %mul3A_6 = arith.muli %arg1, %mul3A_5 : i32
    "tpu.region"() ({
      %run_scoped3A_50 = tpu.sem_alloc : memref<!tpu.dma_semaphore, #tpu.memory_space<semaphore_mem>>
      %dma_start3A = arith.constant 0 : i32
      %dma_start3A_51 = tpu.memref_slice %arg15[%mul3A_6, %dma_start3A] : memref<640x128xf32, #tpu.memory_space<vmem_shared>> -> memref<40x128xf32, #tpu.memory_space<vmem_shared>>
      %dma_start3A_52 = arith.constant 0 : i32
      %dma_start3A_53 = tpu.memref_slice %arg6[%mul3A_4, %dma_start3A_52] : memref<5120x128xf32, #tpu.memory_space<hbm>> -> memref<40x128xf32, #tpu.memory_space<hbm>>
      tpu.enqueue_dma source(%dma_start3A_53 : memref<40x128xf32, #tpu.memory_space<hbm>>) target(%dma_start3A_51 : memref<40x128xf32, #tpu.memory_space<vmem_shared>>) target_semaphore(%run_scoped3A_50 : memref<!tpu.dma_semaphore, #tpu.memory_space<semaphore_mem>>)
      %dma_wait3A = arith.constant 0 : i32
      %dma_wait3A_54 = tpu.memref_slice %arg15[%mul3A_6, %dma_wait3A] : memref<640x128xf32, #tpu.memory_space<vmem_shared>> -> memref<40x128xf32, #tpu.memory_space<vmem_shared>>
      %dma_wait3A_55 = arith.constant 0 : i32
      %dma_wait3A_56 = tpu.memref_slice %arg6[%mul3A_4, %dma_wait3A_55] : memref<5120x128xf32, #tpu.memory_space<hbm>> -> memref<40x128xf32, #tpu.memory_space<hbm>>
      tpu.wait_dma2 semaphore(%run_scoped3A_50 : memref<!tpu.dma_semaphore, #tpu.memory_space<semaphore_mem>>) src(%dma_wait3A_56 : memref<40x128xf32, #tpu.memory_space<hbm>>) dst(%dma_wait3A_54 : memref<40x128xf32, #tpu.memory_space<vmem_shared>>)
      tpu.yield
    }) : () -> ()
    %barrier3A = arith.constant 0 : index
    tpu.barrier barrier_id(%barrier3A)
    %scan3A = arith.constant 0 : i32
    %scan3A_7 = arith.constant 0 : i32
    %scan3A_8 = arith.constant 313 : i32
    %scan3A_9 = arith.addi %scan3A_7, %scan3A_8 : i32
    %scan3A_10 = arith.constant 1 : i32
    %scan3A_11 = scf.for %scan3A_50 = %scan3A_7 to %scan3A_9 step %scan3A_10 iter_args(%scan3A_51 = %scan3A) -> (i32)  : i32 {
      %mul3A_52 = arith.constant 313 : i32
      %mul3A_53 = arith.muli %arg1, %mul3A_52 : i32
      %add3A = arith.addi %mul3A_53, %scan3A_50 : i32
      %dma_start3A = arith.constant 0 : i32
      %dma_start3A_54 = arith.constant 0 : i32
      %dma_start3A_55 = tpu.memref_slice %arg4[%arg0, %add3A, %dma_start3A, %dma_start3A_54] : memref<2x5008x6x64xi32, #tpu.memory_space<hbm>> -> memref<1x1x6x64xi32, #tpu.memory_space<hbm>>
      %dma_start3A_56 = tpu.memref_squeeze %dma_start3A_55 : memref<1x1x6x64xi32, #tpu.memory_space<hbm>> -> memref<6x64xi32, #tpu.memory_space<hbm>>
      %dma_start3A_57 = arith.constant 0 : i32
      %dma_start3A_58 = arith.constant 0 : i32
      %dma_start3A_59 = tpu.memref_slice %arg4[%arg0, %add3A, %dma_start3A_57, %dma_start3A_58] : memref<2x5008x6x64xi32, #tpu.memory_space<hbm>> -> memref<1x1x6x64xi32, #tpu.memory_space<hbm>>
      %dma_start3A_60 = tpu.memref_squeeze %dma_start3A_59 : memref<1x1x6x64xi32, #tpu.memory_space<hbm>> -> memref<6x64xi32, #tpu.memory_space<hbm>>
      tpu.enqueue_dma source(%dma_start3A_60 : memref<6x64xi32, #tpu.memory_space<hbm>>) target(%arg9 : memref<6x64xi32, #tpu.memory_space<vmem>>) target_semaphore(%arg18 : memref<!tpu.dma_semaphore, #tpu.memory_space<semaphore_mem>>)
      %dma_start3A_61 = arith.constant 0 : i32
      %dma_start3A_62 = arith.constant 0 : i32
      %dma_start3A_63 = tpu.memref_slice %arg5[%arg0, %add3A, %dma_start3A_61, %dma_start3A_62] : memref<2x5008x3x64xf32, #tpu.memory_space<hbm>> -> memref<1x1x3x64xf32, #tpu.memory_space<hbm>>
      %dma_start3A_64 = tpu.memref_squeeze %dma_start3A_63 : memref<1x1x3x64xf32, #tpu.memory_space<hbm>> -> memref<3x64xf32, #tpu.memory_space<hbm>>
      %dma_start3A_65 = arith.constant 0 : i32
      %dma_start3A_66 = arith.constant 0 : i32
      %dma_start3A_67 = tpu.memref_slice %arg5[%arg0, %add3A, %dma_start3A_65, %dma_start3A_66] : memref<2x5008x3x64xf32, #tpu.memory_space<hbm>> -> memref<1x1x3x64xf32, #tpu.memory_space<hbm>>
      %dma_start3A_68 = tpu.memref_squeeze %dma_start3A_67 : memref<1x1x3x64xf32, #tpu.memory_space<hbm>> -> memref<3x64xf32, #tpu.memory_space<hbm>>
      tpu.enqueue_dma source(%dma_start3A_68 : memref<3x64xf32, #tpu.memory_space<hbm>>) target(%arg10 : memref<3x64xf32, #tpu.memory_space<vmem>>) target_semaphore(%arg19 : memref<!tpu.dma_semaphore, #tpu.memory_space<semaphore_mem>>)
      %dma_wait3A = arith.constant 0 : i32
      %dma_wait3A_69 = arith.constant 0 : i32
      %dma_wait3A_70 = tpu.memref_slice %arg4[%arg0, %add3A, %dma_wait3A, %dma_wait3A_69] : memref<2x5008x6x64xi32, #tpu.memory_space<hbm>> -> memref<1x1x6x64xi32, #tpu.memory_space<hbm>>
      %dma_wait3A_71 = tpu.memref_squeeze %dma_wait3A_70 : memref<1x1x6x64xi32, #tpu.memory_space<hbm>> -> memref<6x64xi32, #tpu.memory_space<hbm>>
      %dma_wait3A_72 = arith.constant 0 : i32
      %dma_wait3A_73 = arith.constant 0 : i32
      %dma_wait3A_74 = tpu.memref_slice %arg4[%arg0, %add3A, %dma_wait3A_72, %dma_wait3A_73] : memref<2x5008x6x64xi32, #tpu.memory_space<hbm>> -> memref<1x1x6x64xi32, #tpu.memory_space<hbm>>
      %dma_wait3A_75 = tpu.memref_squeeze %dma_wait3A_74 : memref<1x1x6x64xi32, #tpu.memory_space<hbm>> -> memref<6x64xi32, #tpu.memory_space<hbm>>
      tpu.wait_dma2 semaphore(%arg18 : memref<!tpu.dma_semaphore, #tpu.memory_space<semaphore_mem>>) src(%dma_wait3A_75 : memref<6x64xi32, #tpu.memory_space<hbm>>) dst(%arg9 : memref<6x64xi32, #tpu.memory_space<vmem>>)
      %dma_wait3A_76 = arith.constant 0 : i32
      %dma_wait3A_77 = arith.constant 0 : i32
      %dma_wait3A_78 = tpu.memref_slice %arg5[%arg0, %add3A, %dma_wait3A_76, %dma_wait3A_77] : memref<2x5008x3x64xf32, #tpu.memory_space<hbm>> -> memref<1x1x3x64xf32, #tpu.memory_space<hbm>>
      %dma_wait3A_79 = tpu.memref_squeeze %dma_wait3A_78 : memref<1x1x3x64xf32, #tpu.memory_space<hbm>> -> memref<3x64xf32, #tpu.memory_space<hbm>>
      %dma_wait3A_80 = arith.constant 0 : i32
      %dma_wait3A_81 = arith.constant 0 : i32
      %dma_wait3A_82 = tpu.memref_slice %arg5[%arg0, %add3A, %dma_wait3A_80, %dma_wait3A_81] : memref<2x5008x3x64xf32, #tpu.memory_space<hbm>> -> memref<1x1x3x64xf32, #tpu.memory_space<hbm>>
      %dma_wait3A_83 = tpu.memref_squeeze %dma_wait3A_82 : memref<1x1x3x64xf32, #tpu.memory_space<hbm>> -> memref<3x64xf32, #tpu.memory_space<hbm>>
      tpu.wait_dma2 semaphore(%arg19 : memref<!tpu.dma_semaphore, #tpu.memory_space<semaphore_mem>>) src(%dma_wait3A_83 : memref<3x64xf32, #tpu.memory_space<hbm>>) dst(%arg10 : memref<3x64xf32, #tpu.memory_space<vmem>>)
      %dma_start3A_84 = arith.constant 0 : i32
      %dma_start3A_85 = arith.constant 0 : i32
      %dma_start3A_86 = tpu.memref_slice %arg9[%dma_start3A_84, %dma_start3A_85] : memref<6x64xi32, #tpu.memory_space<vmem>> -> memref<1x64xi32, #tpu.memory_space<vmem>>
      %dma_start3A_87 = tpu.memref_squeeze %dma_start3A_86 : memref<1x64xi32, #tpu.memory_space<vmem>> -> memref<64xi32, #tpu.memory_space<vmem>>
      %dma_start3A_88 = arith.constant 0 : i32
      %dma_start3A_89 = arith.constant 0 : i32
      %dma_start3A_90 = tpu.memref_slice %arg2[%dma_start3A_88, %dma_start3A_89] : memref<20480x128xf32, #tpu.memory_space<hbm>> -> memref<20480x128xf32, #tpu.memory_space<hbm>>
      tpu.enqueue_indirect_dma source(%dma_start3A_90 : memref<20480x128xf32, #tpu.memory_space<hbm>>) target(%arg11 : memref<64x128xf32, #tpu.memory_space<vmem>>) offsets(%dma_start3A_87 : memref<64xi32, #tpu.memory_space<vmem>>) semaphore(%arg16 : memref<!tpu.dma_semaphore, #tpu.memory_space<semaphore_mem>>)
      %dma_start3A_91 = arith.constant 1 : i32
      %dma_start3A_92 = arith.constant 0 : i32
      %dma_start3A_93 = tpu.memref_slice %arg9[%dma_start3A_91, %dma_start3A_92] : memref<6x64xi32, #tpu.memory_space<vmem>> -> memref<1x64xi32, #tpu.memory_space<vmem>>
      %dma_start3A_94 = tpu.memref_squeeze %dma_start3A_93 : memref<1x64xi32, #tpu.memory_space<vmem>> -> memref<64xi32, #tpu.memory_space<vmem>>
      %dma_start3A_95 = arith.constant 0 : i32
      %dma_start3A_96 = arith.constant 0 : i32
      %dma_start3A_97 = tpu.memref_slice %arg3[%dma_start3A_95, %dma_start3A_96] : memref<20480x256xf32, #tpu.memory_space<hbm>> -> memref<20480x256xf32, #tpu.memory_space<hbm>>
      tpu.enqueue_indirect_dma source(%dma_start3A_97 : memref<20480x256xf32, #tpu.memory_space<hbm>>) target(%arg12 : memref<64x256xf32, #tpu.memory_space<vmem>>) offsets(%dma_start3A_94 : memref<64xi32, #tpu.memory_space<vmem>>) semaphore(%arg17 : memref<!tpu.dma_semaphore, #tpu.memory_space<semaphore_mem>>)
      %dma_wait3A_98 = arith.constant 0 : i32
      %dma_wait3A_99 = arith.constant 0 : i32
      %dma_wait3A_100 = tpu.memref_slice %arg9[%dma_wait3A_98, %dma_wait3A_99] : memref<6x64xi32, #tpu.memory_space<vmem>> -> memref<1x64xi32, #tpu.memory_space<vmem>>
      %dma_wait3A_101 = tpu.memref_squeeze %dma_wait3A_100 : memref<1x64xi32, #tpu.memory_space<vmem>> -> memref<64xi32, #tpu.memory_space<vmem>>
      %dma_wait3A_102 = arith.constant 0 : i32
      %dma_wait3A_103 = arith.constant 0 : i32
      %dma_wait3A_104 = tpu.memref_slice %arg2[%dma_wait3A_102, %dma_wait3A_103] : memref<20480x128xf32, #tpu.memory_space<hbm>> -> memref<20480x128xf32, #tpu.memory_space<hbm>>
      tpu.wait_indirect_dma semaphore(%arg16 : memref<!tpu.dma_semaphore, #tpu.memory_space<semaphore_mem>>) src(%dma_wait3A_104 : memref<20480x128xf32, #tpu.memory_space<hbm>>) dst(%arg11 : memref<64x128xf32, #tpu.memory_space<vmem>>)
      %dma_wait3A_105 = arith.constant 1 : i32
      %dma_wait3A_106 = arith.constant 0 : i32
      %dma_wait3A_107 = tpu.memref_slice %arg9[%dma_wait3A_105, %dma_wait3A_106] : memref<6x64xi32, #tpu.memory_space<vmem>> -> memref<1x64xi32, #tpu.memory_space<vmem>>
      %dma_wait3A_108 = tpu.memref_squeeze %dma_wait3A_107 : memref<1x64xi32, #tpu.memory_space<vmem>> -> memref<64xi32, #tpu.memory_space<vmem>>
      %dma_wait3A_109 = arith.constant 0 : i32
      %dma_wait3A_110 = arith.constant 0 : i32
      %dma_wait3A_111 = tpu.memref_slice %arg3[%dma_wait3A_109, %dma_wait3A_110] : memref<20480x256xf32, #tpu.memory_space<hbm>> -> memref<20480x256xf32, #tpu.memory_space<hbm>>
      tpu.wait_indirect_dma semaphore(%arg17 : memref<!tpu.dma_semaphore, #tpu.memory_space<semaphore_mem>>) src(%dma_wait3A_111 : memref<20480x256xf32, #tpu.memory_space<hbm>>) dst(%arg12 : memref<64x256xf32, #tpu.memory_space<vmem>>)
      %scan3A_112 = arith.constant 0 : i32
      %scan3A_113 = arith.constant 0 : i32
      %scan3A_114 = arith.constant 4 : i32
      %scan3A_115 = arith.addi %scan3A_113, %scan3A_114 : i32
      %scan3A_116 = arith.constant 1 : i32
      %scan3A_117 = scf.for %scan3A_155 = %scan3A_113 to %scan3A_115 step %scan3A_116 iter_args(%scan3A_156 = %scan3A_112) -> (i32)  : i32 {
        %mul3A_157 = arith.constant 16 : i32
        %mul3A_158 = arith.muli %scan3A_155, %mul3A_157 : i32
        %add3A_159 = vector.broadcast %mul3A_158 : i32 to vector<16xi32>
        %add3A_160 = arith.addi %iota3A, %add3A_159 : vector<16xi32>
        %broadcast_in_dim3A = arith.constant 0 : i32
        %broadcast_in_dim3A_161 = vector.broadcast %broadcast_in_dim3A : i32 to vector<16xi32>
        %gather3A = tpu.vector_load_idx %arg10[%broadcast_in_dim3A_161, %add3A_160] : memref<3x64xf32, #tpu.memory_space<vmem>>[vector<16xi32>, vector<16xi32>], vector<16xf32>,
        %broadcast_in_dim3A_162 = arith.constant 1 : i32
        %broadcast_in_dim3A_163 = vector.broadcast %broadcast_in_dim3A_162 : i32 to vector<16xi32>
        %gather3A_164 = tpu.vector_load_idx %arg10[%broadcast_in_dim3A_163, %add3A_160] : memref<3x64xf32, #tpu.memory_space<vmem>>[vector<16xi32>, vector<16xi32>], vector<16xf32>,
        %convert_element_type3A = arith.fptosi %gather3A_164 : vector<16xf32> to vector<16xi32>
        %max3A = arith.constant 1.000000e-10 : f32
        %max3A_165 = vector.broadcast %max3A : f32 to vector<16xf32>
        %max3A_166 = arith.maximumf %gather3A, %max3A_165 : vector<16xf32>
        %broadcast_in_dim3A_167 = arith.constant 0.000000e+00 : f32
        %broadcast_in_dim3A_168 = vector.broadcast %broadcast_in_dim3A_167 : f32 to vector<16xf32>
        %scan3A_169 = arith.constant 0 : i32
        %scan3A_170 = arith.constant 8 : i32
        %scan3A_171 = arith.addi %scan3A_169, %scan3A_170 : i32
        %scan3A_172 = arith.constant 1 : i32
        %scan3A_173 = scf.for %scan3A_259 = %scan3A_169 to %scan3A_171 step %scan3A_172 iter_args(%scan3A_260 = %broadcast_in_dim3A_168) -> (vector<16xf32>)  : i32 {
          %mul3A_261 = arith.constant 4 : i32
          %mul3A_262 = arith.muli %scan3A_259, %mul3A_261 : i32
          %broadcast_in_dim3A_263 = arith.constant 0 : i32
          %broadcast_in_dim3A_264 = vector.broadcast %broadcast_in_dim3A_263 : i32 to vector<16xi32>
          %add3A_265 = vector.broadcast %mul3A_262 : i32 to vector<16xi32>
          %add3A_266 = arith.addi %broadcast_in_dim3A_264, %add3A_265 : vector<16xi32>
          %add3A_267 = arith.constant 0 : i32
          %add3A_268 = vector.broadcast %add3A_267 : i32 to vector<16xi32>
          %add3A_269 = arith.addi %add3A_266, %add3A_268 : vector<16xi32>
          %gather3A_270 = tpu.vector_load_idx %arg11[%add3A_160, %add3A_269] : memref<64x128xf32, #tpu.memory_space<vmem>>[vector<16xi32>, vector<16xi32>], vector<16xf32>,
          %add3A_271 = arith.constant 0 : i32
          %add3A_272 = vector.broadcast %add3A_271 : i32 to vector<16xi32>
          %add3A_273 = arith.addi %add3A_266, %add3A_272 : vector<16xi32>
          %gather3A_274 = tpu.vector_load_idx %arg12[%add3A_160, %add3A_273] : memref<64x256xf32, #tpu.memory_space<vmem>>[vector<16xi32>, vector<16xi32>], vector<16xf32>,
          %mul3A_275 = arith.mulf %gather3A_270, %gather3A_274 : vector<16xf32>
          %add3A_276 = arith.addf %scan3A_260, %mul3A_275 : vector<16xf32>
          %add3A_277 = arith.constant 1 : i32
          %add3A_278 = vector.broadcast %add3A_277 : i32 to vector<16xi32>
          %add3A_279 = arith.addi %add3A_266, %add3A_278 : vector<16xi32>
          %gather3A_280 = tpu.vector_load_idx %arg11[%add3A_160, %add3A_279] : memref<64x128xf32, #tpu.memory_space<vmem>>[vector<16xi32>, vector<16xi32>], vector<16xf32>,
          %add3A_281 = arith.constant 1 : i32
          %add3A_282 = vector.broadcast %add3A_281 : i32 to vector<16xi32>
          %add3A_283 = arith.addi %add3A_266, %add3A_282 : vector<16xi32>
          %gather3A_284 = tpu.vector_load_idx %arg12[%add3A_160, %add3A_283] : memref<64x256xf32, #tpu.memory_space<vmem>>[vector<16xi32>, vector<16xi32>], vector<16xf32>,
          %mul3A_285 = arith.mulf %gather3A_280, %gather3A_284 : vector<16xf32>
          %add3A_286 = arith.addf %add3A_276, %mul3A_285 : vector<16xf32>
          %add3A_287 = arith.constant 2 : i32
          %add3A_288 = vector.broadcast %add3A_287 : i32 to vector<16xi32>
          %add3A_289 = arith.addi %add3A_266, %add3A_288 : vector<16xi32>
          %gather3A_290 = tpu.vector_load_idx %arg11[%add3A_160, %add3A_289] : memref<64x128xf32, #tpu.memory_space<vmem>>[vector<16xi32>, vector<16xi32>], vector<16xf32>,
          %add3A_291 = arith.constant 2 : i32
          %add3A_292 = vector.broadcast %add3A_291 : i32 to vector<16xi32>
          %add3A_293 = arith.addi %add3A_266, %add3A_292 : vector<16xi32>
          %gather3A_294 = tpu.vector_load_idx %arg12[%add3A_160, %add3A_293] : memref<64x256xf32, #tpu.memory_space<vmem>>[vector<16xi32>, vector<16xi32>], vector<16xf32>,
          %mul3A_295 = arith.mulf %gather3A_290, %gather3A_294 : vector<16xf32>
          %add3A_296 = arith.addf %add3A_286, %mul3A_295 : vector<16xf32>
          %add3A_297 = arith.constant 3 : i32
          %add3A_298 = vector.broadcast %add3A_297 : i32 to vector<16xi32>
          %add3A_299 = arith.addi %add3A_266, %add3A_298 : vector<16xi32>
          %gather3A_300 = tpu.vector_load_idx %arg11[%add3A_160, %add3A_299] : memref<64x128xf32, #tpu.memory_space<vmem>>[vector<16xi32>, vector<16xi32>], vector<16xf32>,
          %add3A_301 = arith.constant 3 : i32
          %add3A_302 = vector.broadcast %add3A_301 : i32 to vector<16xi32>
          %add3A_303 = arith.addi %add3A_266, %add3A_302 : vector<16xi32>
          %gather3A_304 = tpu.vector_load_idx %arg12[%add3A_160, %add3A_303] : memref<64x256xf32, #tpu.memory_space<vmem>>[vector<16xi32>, vector<16xi32>], vector<16xf32>,
          %mul3A_305 = arith.mulf %gather3A_300, %gather3A_304 : vector<16xf32>
          %add3A_306 = arith.addf %add3A_296, %mul3A_305 : vector<16xf32>
          scf.yield %add3A_306 : vector<16xf32>
        }
        %scan3A_174 = arith.constant 8 : i32
        %mul3A_175 = arith.constant 0.176776692 : f32
        %mul3A_176 = vector.broadcast %mul3A_175 : f32 to vector<16xf32>
        %mul3A_177 = arith.mulf %scan3A_173, %mul3A_176 : vector<16xf32>
        %exp3A = math.exp %mul3A_177 : vector<16xf32>
        %mul3A_178 = arith.mulf %max3A_166, %exp3A : vector<16xf32>
        %add3A_179 = arith.constant 0 : i32
        %add3A_180 = vector.broadcast %add3A_179 : i32 to vector<16xi32>
        %add3A_181 = arith.addi %convert_element_type3A, %add3A_180 : vector<16xi32>
        tpu.vector_store_idx %arg13[%add3A_160, %add3A_181], %mul3A_178 : memref<64x128xf32, #tpu.memory_space<vmem>>[vector<16xi32>, vector<16xi32>], vector<16xf32>,
        %broadcast_in_dim3A_182 = arith.constant 0.000000e+00 : f32
        %broadcast_in_dim3A_183 = vector.broadcast %broadcast_in_dim3A_182 : f32 to vector<16xf32>
        %scan3A_184 = arith.constant 0 : i32
        %scan3A_185 = arith.constant 8 : i32
        %scan3A_186 = arith.addi %scan3A_184, %scan3A_185 : i32
        %scan3A_187 = arith.constant 1 : i32
        %scan3A_188 = scf.for %scan3A_259 = %scan3A_184 to %scan3A_186 step %scan3A_187 iter_args(%scan3A_260 = %broadcast_in_dim3A_183) -> (vector<16xf32>)  : i32 {
          %mul3A_261 = arith.constant 4 : i32
          %mul3A_262 = arith.muli %scan3A_259, %mul3A_261 : i32
          %broadcast_in_dim3A_263 = arith.constant 32 : i32
          %broadcast_in_dim3A_264 = vector.broadcast %broadcast_in_dim3A_263 : i32 to vector<16xi32>
          %add3A_265 = vector.broadcast %mul3A_262 : i32 to vector<16xi32>
          %add3A_266 = arith.addi %broadcast_in_dim3A_264, %add3A_265 : vector<16xi32>
          %add3A_267 = arith.constant 0 : i32
          %add3A_268 = vector.broadcast %add3A_267 : i32 to vector<16xi32>
          %add3A_269 = arith.addi %add3A_266, %add3A_268 : vector<16xi32>
          %gather3A_270 = tpu.vector_load_idx %arg11[%add3A_160, %add3A_269] : memref<64x128xf32, #tpu.memory_space<vmem>>[vector<16xi32>, vector<16xi32>], vector<16xf32>,
          %add3A_271 = arith.constant 0 : i32
          %add3A_272 = vector.broadcast %add3A_271 : i32 to vector<16xi32>
          %add3A_273 = arith.addi %add3A_266, %add3A_272 : vector<16xi32>
          %gather3A_274 = tpu.vector_load_idx %arg12[%add3A_160, %add3A_273] : memref<64x256xf32, #tpu.memory_space<vmem>>[vector<16xi32>, vector<16xi32>], vector<16xf32>,
          %mul3A_275 = arith.mulf %gather3A_270, %gather3A_274 : vector<16xf32>
          %add3A_276 = arith.addf %scan3A_260, %mul3A_275 : vector<16xf32>
          %add3A_277 = arith.constant 1 : i32
          %add3A_278 = vector.broadcast %add3A_277 : i32 to vector<16xi32>
          %add3A_279 = arith.addi %add3A_266, %add3A_278 : vector<16xi32>
          %gather3A_280 = tpu.vector_load_idx %arg11[%add3A_160, %add3A_279] : memref<64x128xf32, #tpu.memory_space<vmem>>[vector<16xi32>, vector<16xi32>], vector<16xf32>,
          %add3A_281 = arith.constant 1 : i32
          %add3A_282 = vector.broadcast %add3A_281 : i32 to vector<16xi32>
          %add3A_283 = arith.addi %add3A_266, %add3A_282 : vector<16xi32>
          %gather3A_284 = tpu.vector_load_idx %arg12[%add3A_160, %add3A_283] : memref<64x256xf32, #tpu.memory_space<vmem>>[vector<16xi32>, vector<16xi32>], vector<16xf32>,
          %mul3A_285 = arith.mulf %gather3A_280, %gather3A_284 : vector<16xf32>
          %add3A_286 = arith.addf %add3A_276, %mul3A_285 : vector<16xf32>
          %add3A_287 = arith.constant 2 : i32
          %add3A_288 = vector.broadcast %add3A_287 : i32 to vector<16xi32>
          %add3A_289 = arith.addi %add3A_266, %add3A_288 : vector<16xi32>
          %gather3A_290 = tpu.vector_load_idx %arg11[%add3A_160, %add3A_289] : memref<64x128xf32, #tpu.memory_space<vmem>>[vector<16xi32>, vector<16xi32>], vector<16xf32>,
          %add3A_291 = arith.constant 2 : i32
          %add3A_292 = vector.broadcast %add3A_291 : i32 to vector<16xi32>
          %add3A_293 = arith.addi %add3A_266, %add3A_292 : vector<16xi32>
          %gather3A_294 = tpu.vector_load_idx %arg12[%add3A_160, %add3A_293] : memref<64x256xf32, #tpu.memory_space<vmem>>[vector<16xi32>, vector<16xi32>], vector<16xf32>,
          %mul3A_295 = arith.mulf %gather3A_290, %gather3A_294 : vector<16xf32>
          %add3A_296 = arith.addf %add3A_286, %mul3A_295 : vector<16xf32>
          %add3A_297 = arith.constant 3 : i32
          %add3A_298 = vector.broadcast %add3A_297 : i32 to vector<16xi32>
          %add3A_299 = arith.addi %add3A_266, %add3A_298 : vector<16xi32>
          %gather3A_300 = tpu.vector_load_idx %arg11[%add3A_160, %add3A_299] : memref<64x128xf32, #tpu.memory_space<vmem>>[vector<16xi32>, vector<16xi32>], vector<16xf32>,
          %add3A_301 = arith.constant 3 : i32
          %add3A_302 = vector.broadcast %add3A_301 : i32 to vector<16xi32>
          %add3A_303 = arith.addi %add3A_266, %add3A_302 : vector<16xi32>
          %gather3A_304 = tpu.vector_load_idx %arg12[%add3A_160, %add3A_303] : memref<64x256xf32, #tpu.memory_space<vmem>>[vector<16xi32>, vector<16xi32>], vector<16xf32>,
          %mul3A_305 = arith.mulf %gather3A_300, %gather3A_304 : vector<16xf32>
          %add3A_306 = arith.addf %add3A_296, %mul3A_305 : vector<16xf32>
          scf.yield %add3A_306 : vector<16xf32>
        }
        %scan3A_189 = arith.constant 8 : i32
        %mul3A_190 = arith.constant 0.176776692 : f32
        %mul3A_191 = vector.broadcast %mul3A_190 : f32 to vector<16xf32>
        %mul3A_192 = arith.mulf %scan3A_188, %mul3A_191 : vector<16xf32>
        %exp3A_193 = math.exp %mul3A_192 : vector<16xf32>
        %mul3A_194 = arith.mulf %max3A_166, %exp3A_193 : vector<16xf32>
        %add3A_195 = arith.constant 1 : i32
        %add3A_196 = vector.broadcast %add3A_195 : i32 to vector<16xi32>
        %add3A_197 = arith.addi %convert_element_type3A, %add3A_196 : vector<16xi32>
        tpu.vector_store_idx %arg13[%add3A_160, %add3A_197], %mul3A_194 : memref<64x128xf32, #tpu.memory_space<vmem>>[vector<16xi32>, vector<16xi32>], vector<16xf32>,
        %broadcast_in_dim3A_198 = arith.constant 0.000000e+00 : f32
        %broadcast_in_dim3A_199 = vector.broadcast %broadcast_in_dim3A_198 : f32 to vector<16xf32>
        %scan3A_200 = arith.constant 0 : i32
        %scan3A_201 = arith.constant 8 : i32
        %scan3A_202 = arith.addi %scan3A_200, %scan3A_201 : i32
        %scan3A_203 = arith.constant 1 : i32
        %scan3A_204 = scf.for %scan3A_259 = %scan3A_200 to %scan3A_202 step %scan3A_203 iter_args(%scan3A_260 = %broadcast_in_dim3A_199) -> (vector<16xf32>)  : i32 {
          %mul3A_261 = arith.constant 4 : i32
          %mul3A_262 = arith.muli %scan3A_259, %mul3A_261 : i32
          %broadcast_in_dim3A_263 = arith.constant 64 : i32
          %broadcast_in_dim3A_264 = vector.broadcast %broadcast_in_dim3A_263 : i32 to vector<16xi32>
          %add3A_265 = vector.broadcast %mul3A_262 : i32 to vector<16xi32>
          %add3A_266 = arith.addi %broadcast_in_dim3A_264, %add3A_265 : vector<16xi32>
          %add3A_267 = arith.constant 0 : i32
          %add3A_268 = vector.broadcast %add3A_267 : i32 to vector<16xi32>
          %add3A_269 = arith.addi %add3A_266, %add3A_268 : vector<16xi32>
          %gather3A_270 = tpu.vector_load_idx %arg11[%add3A_160, %add3A_269] : memref<64x128xf32, #tpu.memory_space<vmem>>[vector<16xi32>, vector<16xi32>], vector<16xf32>,
          %add3A_271 = arith.constant 0 : i32
          %add3A_272 = vector.broadcast %add3A_271 : i32 to vector<16xi32>
          %add3A_273 = arith.addi %add3A_266, %add3A_272 : vector<16xi32>
          %gather3A_274 = tpu.vector_load_idx %arg12[%add3A_160, %add3A_273] : memref<64x256xf32, #tpu.memory_space<vmem>>[vector<16xi32>, vector<16xi32>], vector<16xf32>,
          %mul3A_275 = arith.mulf %gather3A_270, %gather3A_274 : vector<16xf32>
          %add3A_276 = arith.addf %scan3A_260, %mul3A_275 : vector<16xf32>
          %add3A_277 = arith.constant 1 : i32
          %add3A_278 = vector.broadcast %add3A_277 : i32 to vector<16xi32>
          %add3A_279 = arith.addi %add3A_266, %add3A_278 : vector<16xi32>
          %gather3A_280 = tpu.vector_load_idx %arg11[%add3A_160, %add3A_279] : memref<64x128xf32, #tpu.memory_space<vmem>>[vector<16xi32>, vector<16xi32>], vector<16xf32>,
          %add3A_281 = arith.constant 1 : i32
          %add3A_282 = vector.broadcast %add3A_281 : i32 to vector<16xi32>
          %add3A_283 = arith.addi %add3A_266, %add3A_282 : vector<16xi32>
          %gather3A_284 = tpu.vector_load_idx %arg12[%add3A_160, %add3A_283] : memref<64x256xf32, #tpu.memory_space<vmem>>[vector<16xi32>, vector<16xi32>], vector<16xf32>,
          %mul3A_285 = arith.mulf %gather3A_280, %gather3A_284 : vector<16xf32>
          %add3A_286 = arith.addf %add3A_276, %mul3A_285 : vector<16xf32>
          %add3A_287 = arith.constant 2 : i32
          %add3A_288 = vector.broadcast %add3A_287 : i32 to vector<16xi32>
          %add3A_289 = arith.addi %add3A_266, %add3A_288 : vector<16xi32>
          %gather3A_290 = tpu.vector_load_idx %arg11[%add3A_160, %add3A_289] : memref<64x128xf32, #tpu.memory_space<vmem>>[vector<16xi32>, vector<16xi32>], vector<16xf32>,
          %add3A_291 = arith.constant 2 : i32
          %add3A_292 = vector.broadcast %add3A_291 : i32 to vector<16xi32>
          %add3A_293 = arith.addi %add3A_266, %add3A_292 : vector<16xi32>
          %gather3A_294 = tpu.vector_load_idx %arg12[%add3A_160, %add3A_293] : memref<64x256xf32, #tpu.memory_space<vmem>>[vector<16xi32>, vector<16xi32>], vector<16xf32>,
          %mul3A_295 = arith.mulf %gather3A_290, %gather3A_294 : vector<16xf32>
          %add3A_296 = arith.addf %add3A_286, %mul3A_295 : vector<16xf32>
          %add3A_297 = arith.constant 3 : i32
          %add3A_298 = vector.broadcast %add3A_297 : i32 to vector<16xi32>
          %add3A_299 = arith.addi %add3A_266, %add3A_298 : vector<16xi32>
          %gather3A_300 = tpu.vector_load_idx %arg11[%add3A_160, %add3A_299] : memref<64x128xf32, #tpu.memory_space<vmem>>[vector<16xi32>, vector<16xi32>], vector<16xf32>,
          %add3A_301 = arith.constant 3 : i32
          %add3A_302 = vector.broadcast %add3A_301 : i32 to vector<16xi32>
          %add3A_303 = arith.addi %add3A_266, %add3A_302 : vector<16xi32>
          %gather3A_304 = tpu.vector_load_idx %arg12[%add3A_160, %add3A_303] : memref<64x256xf32, #tpu.memory_space<vmem>>[vector<16xi32>, vector<16xi32>], vector<16xf32>,
          %mul3A_305 = arith.mulf %gather3A_300, %gather3A_304 : vector<16xf32>
          %add3A_306 = arith.addf %add3A_296, %mul3A_305 : vector<16xf32>
          scf.yield %add3A_306 : vector<16xf32>
        }
        %scan3A_205 = arith.constant 8 : i32
        %mul3A_206 = arith.constant 0.176776692 : f32
        %mul3A_207 = vector.broadcast %mul3A_206 : f32 to vector<16xf32>
        %mul3A_208 = arith.mulf %scan3A_204, %mul3A_207 : vector<16xf32>
        %exp3A_209 = math.exp %mul3A_208 : vector<16xf32>
        %mul3A_210 = arith.mulf %max3A_166, %exp3A_209 : vector<16xf32>
        %add3A_211 = arith.constant 2 : i32
        %add3A_212 = vector.broadcast %add3A_211 : i32 to vector<16xi32>
        %add3A_213 = arith.addi %convert_element_type3A, %add3A_212 : vector<16xi32>
        tpu.vector_store_idx %arg13[%add3A_160, %add3A_213], %mul3A_210 : memref<64x128xf32, #tpu.memory_space<vmem>>[vector<16xi32>, vector<16xi32>], vector<16xf32>,
        %broadcast_in_dim3A_214 = arith.constant 0.000000e+00 : f32
        %broadcast_in_dim3A_215 = vector.broadcast %broadcast_in_dim3A_214 : f32 to vector<16xf32>
        %scan3A_216 = arith.constant 0 : i32
        %scan3A_217 = arith.constant 8 : i32
        %scan3A_218 = arith.addi %scan3A_216, %scan3A_217 : i32
        %scan3A_219 = arith.constant 1 : i32
        %scan3A_220 = scf.for %scan3A_259 = %scan3A_216 to %scan3A_218 step %scan3A_219 iter_args(%scan3A_260 = %broadcast_in_dim3A_215) -> (vector<16xf32>)  : i32 {
          %mul3A_261 = arith.constant 4 : i32
          %mul3A_262 = arith.muli %scan3A_259, %mul3A_261 : i32
          %broadcast_in_dim3A_263 = arith.constant 96 : i32
          %broadcast_in_dim3A_264 = vector.broadcast %broadcast_in_dim3A_263 : i32 to vector<16xi32>
          %add3A_265 = vector.broadcast %mul3A_262 : i32 to vector<16xi32>
          %add3A_266 = arith.addi %broadcast_in_dim3A_264, %add3A_265 : vector<16xi32>
          %add3A_267 = arith.constant 0 : i32
          %add3A_268 = vector.broadcast %add3A_267 : i32 to vector<16xi32>
          %add3A_269 = arith.addi %add3A_266, %add3A_268 : vector<16xi32>
          %gather3A_270 = tpu.vector_load_idx %arg11[%add3A_160, %add3A_269] : memref<64x128xf32, #tpu.memory_space<vmem>>[vector<16xi32>, vector<16xi32>], vector<16xf32>,
          %add3A_271 = arith.constant 0 : i32
          %add3A_272 = vector.broadcast %add3A_271 : i32 to vector<16xi32>
          %add3A_273 = arith.addi %add3A_266, %add3A_272 : vector<16xi32>
          %gather3A_274 = tpu.vector_load_idx %arg12[%add3A_160, %add3A_273] : memref<64x256xf32, #tpu.memory_space<vmem>>[vector<16xi32>, vector<16xi32>], vector<16xf32>,
          %mul3A_275 = arith.mulf %gather3A_270, %gather3A_274 : vector<16xf32>
          %add3A_276 = arith.addf %scan3A_260, %mul3A_275 : vector<16xf32>
          %add3A_277 = arith.constant 1 : i32
          %add3A_278 = vector.broadcast %add3A_277 : i32 to vector<16xi32>
          %add3A_279 = arith.addi %add3A_266, %add3A_278 : vector<16xi32>
          %gather3A_280 = tpu.vector_load_idx %arg11[%add3A_160, %add3A_279] : memref<64x128xf32, #tpu.memory_space<vmem>>[vector<16xi32>, vector<16xi32>], vector<16xf32>,
          %add3A_281 = arith.constant 1 : i32
          %add3A_282 = vector.broadcast %add3A_281 : i32 to vector<16xi32>
          %add3A_283 = arith.addi %add3A_266, %add3A_282 : vector<16xi32>
          %gather3A_284 = tpu.vector_load_idx %arg12[%add3A_160, %add3A_283] : memref<64x256xf32, #tpu.memory_space<vmem>>[vector<16xi32>, vector<16xi32>], vector<16xf32>,
          %mul3A_285 = arith.mulf %gather3A_280, %gather3A_284 : vector<16xf32>
          %add3A_286 = arith.addf %add3A_276, %mul3A_285 : vector<16xf32>
          %add3A_287 = arith.constant 2 : i32
          %add3A_288 = vector.broadcast %add3A_287 : i32 to vector<16xi32>
          %add3A_289 = arith.addi %add3A_266, %add3A_288 : vector<16xi32>
          %gather3A_290 = tpu.vector_load_idx %arg11[%add3A_160, %add3A_289] : memref<64x128xf32, #tpu.memory_space<vmem>>[vector<16xi32>, vector<16xi32>], vector<16xf32>,
          %add3A_291 = arith.constant 2 : i32
          %add3A_292 = vector.broadcast %add3A_291 : i32 to vector<16xi32>
          %add3A_293 = arith.addi %add3A_266, %add3A_292 : vector<16xi32>
          %gather3A_294 = tpu.vector_load_idx %arg12[%add3A_160, %add3A_293] : memref<64x256xf32, #tpu.memory_space<vmem>>[vector<16xi32>, vector<16xi32>], vector<16xf32>,
          %mul3A_295 = arith.mulf %gather3A_290, %gather3A_294 : vector<16xf32>
          %add3A_296 = arith.addf %add3A_286, %mul3A_295 : vector<16xf32>
          %add3A_297 = arith.constant 3 : i32
          %add3A_298 = vector.broadcast %add3A_297 : i32 to vector<16xi32>
          %add3A_299 = arith.addi %add3A_266, %add3A_298 : vector<16xi32>
          %gather3A_300 = tpu.vector_load_idx %arg11[%add3A_160, %add3A_299] : memref<64x128xf32, #tpu.memory_space<vmem>>[vector<16xi32>, vector<16xi32>], vector<16xf32>,
          %add3A_301 = arith.constant 3 : i32
          %add3A_302 = vector.broadcast %add3A_301 : i32 to vector<16xi32>
          %add3A_303 = arith.addi %add3A_266, %add3A_302 : vector<16xi32>
          %gather3A_304 = tpu.vector_load_idx %arg12[%add3A_160, %add3A_303] : memref<64x256xf32, #tpu.memory_space<vmem>>[vector<16xi32>, vector<16xi32>], vector<16xf32>,
          %mul3A_305 = arith.mulf %gather3A_300, %gather3A_304 : vector<16xf32>
          %add3A_306 = arith.addf %add3A_296, %mul3A_305 : vector<16xf32>
          scf.yield %add3A_306 : vector<16xf32>
        }
        %scan3A_221 = arith.constant 8 : i32
        %mul3A_222 = arith.constant 0.176776692 : f32
        %mul3A_223 = vector.broadcast %mul3A_222 : f32 to vector<16xf32>
        %mul3A_224 = arith.mulf %scan3A_220, %mul3A_223 : vector<16xf32>
        %exp3A_225 = math.exp %mul3A_224 : vector<16xf32>
        %mul3A_226 = arith.mulf %max3A_166, %exp3A_225 : vector<16xf32>
        %add3A_227 = arith.constant 3 : i32
        %add3A_228 = vector.broadcast %add3A_227 : i32 to vector<16xi32>
        %add3A_229 = arith.addi %convert_element_type3A, %add3A_228 : vector<16xi32>
        tpu.vector_store_idx %arg13[%add3A_160, %add3A_229], %mul3A_226 : memref<64x128xf32, #tpu.memory_space<vmem>>[vector<16xi32>, vector<16xi32>], vector<16xf32>,
        %scan3A_230 = arith.constant 0 : i32
        %scan3A_231 = arith.constant 0 : i32
        %scan3A_232 = arith.constant 8 : i32
        %scan3A_233 = arith.addi %scan3A_231, %scan3A_232 : i32
        %scan3A_234 = arith.constant 1 : i32
        %scan3A_235 = scf.for %scan3A_259 = %scan3A_231 to %scan3A_233 step %scan3A_234 iter_args(%scan3A_260 = %scan3A_230) -> (i32)  : i32 {
          %mul3A_261 = arith.constant 4 : i32
          %mul3A_262 = arith.muli %scan3A_259, %mul3A_261 : i32
          %broadcast_in_dim3A_263 = arith.constant 0 : i32
          %broadcast_in_dim3A_264 = vector.broadcast %broadcast_in_dim3A_263 : i32 to vector<16xi32>
          %add3A_265 = vector.broadcast %mul3A_262 : i32 to vector<16xi32>
          %add3A_266 = arith.addi %broadcast_in_dim3A_264, %add3A_265 : vector<16xi32>
          %add3A_267 = arith.constant 0 : i32
          %add3A_268 = vector.broadcast %add3A_267 : i32 to vector<16xi32>
          %add3A_269 = arith.addi %add3A_266, %add3A_268 : vector<16xi32>
          %add3A_270 = arith.constant 128 : i32
          %add3A_271 = vector.broadcast %add3A_270 : i32 to vector<16xi32>
          %add3A_272 = arith.addi %add3A_269, %add3A_271 : vector<16xi32>
          %gather3A_273 = tpu.vector_load_idx %arg12[%add3A_160, %add3A_272] : memref<64x256xf32, #tpu.memory_space<vmem>>[vector<16xi32>, vector<16xi32>], vector<16xf32>,
          %add3A_274 = arith.constant 0 : i32
          %add3A_275 = vector.broadcast %add3A_274 : i32 to vector<16xi32>
          %add3A_276 = arith.addi %add3A_266, %add3A_275 : vector<16xi32>
          %mul3A_277 = arith.mulf %gather3A_273, %mul3A_178 : vector<16xf32>
          tpu.vector_store_idx %arg11[%add3A_160, %add3A_276], %mul3A_277 : memref<64x128xf32, #tpu.memory_space<vmem>>[vector<16xi32>, vector<16xi32>], vector<16xf32>,
          %add3A_278 = arith.constant 1 : i32
          %add3A_279 = vector.broadcast %add3A_278 : i32 to vector<16xi32>
          %add3A_280 = arith.addi %add3A_266, %add3A_279 : vector<16xi32>
          %add3A_281 = arith.constant 128 : i32
          %add3A_282 = vector.broadcast %add3A_281 : i32 to vector<16xi32>
          %add3A_283 = arith.addi %add3A_280, %add3A_282 : vector<16xi32>
          %gather3A_284 = tpu.vector_load_idx %arg12[%add3A_160, %add3A_283] : memref<64x256xf32, #tpu.memory_space<vmem>>[vector<16xi32>, vector<16xi32>], vector<16xf32>,
          %add3A_285 = arith.constant 1 : i32
          %add3A_286 = vector.broadcast %add3A_285 : i32 to vector<16xi32>
          %add3A_287 = arith.addi %add3A_266, %add3A_286 : vector<16xi32>
          %mul3A_288 = arith.mulf %gather3A_284, %mul3A_178 : vector<16xf32>
          tpu.vector_store_idx %arg11[%add3A_160, %add3A_287], %mul3A_288 : memref<64x128xf32, #tpu.memory_space<vmem>>[vector<16xi32>, vector<16xi32>], vector<16xf32>,
          %add3A_289 = arith.constant 2 : i32
          %add3A_290 = vector.broadcast %add3A_289 : i32 to vector<16xi32>
          %add3A_291 = arith.addi %add3A_266, %add3A_290 : vector<16xi32>
          %add3A_292 = arith.constant 128 : i32
          %add3A_293 = vector.broadcast %add3A_292 : i32 to vector<16xi32>
          %add3A_294 = arith.addi %add3A_291, %add3A_293 : vector<16xi32>
          %gather3A_295 = tpu.vector_load_idx %arg12[%add3A_160, %add3A_294] : memref<64x256xf32, #tpu.memory_space<vmem>>[vector<16xi32>, vector<16xi32>], vector<16xf32>,
          %add3A_296 = arith.constant 2 : i32
          %add3A_297 = vector.broadcast %add3A_296 : i32 to vector<16xi32>
          %add3A_298 = arith.addi %add3A_266, %add3A_297 : vector<16xi32>
          %mul3A_299 = arith.mulf %gather3A_295, %mul3A_178 : vector<16xf32>
          tpu.vector_store_idx %arg11[%add3A_160, %add3A_298], %mul3A_299 : memref<64x128xf32, #tpu.memory_space<vmem>>[vector<16xi32>, vector<16xi32>], vector<16xf32>,
          %add3A_300 = arith.constant 3 : i32
          %add3A_301 = vector.broadcast %add3A_300 : i32 to vector<16xi32>
          %add3A_302 = arith.addi %add3A_266, %add3A_301 : vector<16xi32>
          %add3A_303 = arith.constant 128 : i32
          %add3A_304 = vector.broadcast %add3A_303 : i32 to vector<16xi32>
          %add3A_305 = arith.addi %add3A_302, %add3A_304 : vector<16xi32>
          %gather3A_306 = tpu.vector_load_idx %arg12[%add3A_160, %add3A_305] : memref<64x256xf32, #tpu.memory_space<vmem>>[vector<16xi32>, vector<16xi32>], vector<16xf32>,
          %add3A_307 = arith.constant 3 : i32
          %add3A_308 = vector.broadcast %add3A_307 : i32 to vector<16xi32>
          %add3A_309 = arith.addi %add3A_266, %add3A_308 : vector<16xi32>
          %mul3A_310 = arith.mulf %gather3A_306, %mul3A_178 : vector<16xf32>
          tpu.vector_store_idx %arg11[%add3A_160, %add3A_309], %mul3A_310 : memref<64x128xf32, #tpu.memory_space<vmem>>[vector<16xi32>, vector<16xi32>], vector<16xf32>,
          %scan3A_311 = arith.constant 0 : i32
          scf.yield %scan3A_311 : i32
        }
        %scan3A_236 = arith.constant 8 : i32
        %scan3A_237 = arith.constant 0 : i32
        %scan3A_238 = arith.constant 0 : i32
        %scan3A_239 = arith.constant 8 : i32
        %scan3A_240 = arith.addi %scan3A_238, %scan3A_239 : i32
        %scan3A_241 = arith.constant 1 : i32
        %scan3A_242 = scf.for %scan3A_259 = %scan3A_238 to %scan3A_240 step %scan3A_241 iter_args(%scan3A_260 = %scan3A_237) -> (i32)  : i32 {
          %mul3A_261 = arith.constant 4 : i32
          %mul3A_262 = arith.muli %scan3A_259, %mul3A_261 : i32
          %broadcast_in_dim3A_263 = arith.constant 32 : i32
          %broadcast_in_dim3A_264 = vector.broadcast %broadcast_in_dim3A_263 : i32 to vector<16xi32>
          %add3A_265 = vector.broadcast %mul3A_262 : i32 to vector<16xi32>
          %add3A_266 = arith.addi %broadcast_in_dim3A_264, %add3A_265 : vector<16xi32>
          %add3A_267 = arith.constant 0 : i32
          %add3A_268 = vector.broadcast %add3A_267 : i32 to vector<16xi32>
          %add3A_269 = arith.addi %add3A_266, %add3A_268 : vector<16xi32>
          %add3A_270 = arith.constant 128 : i32
          %add3A_271 = vector.broadcast %add3A_270 : i32 to vector<16xi32>
          %add3A_272 = arith.addi %add3A_269, %add3A_271 : vector<16xi32>
          %gather3A_273 = tpu.vector_load_idx %arg12[%add3A_160, %add3A_272] : memref<64x256xf32, #tpu.memory_space<vmem>>[vector<16xi32>, vector<16xi32>], vector<16xf32>,
          %add3A_274 = arith.constant 0 : i32
          %add3A_275 = vector.broadcast %add3A_274 : i32 to vector<16xi32>
          %add3A_276 = arith.addi %add3A_266, %add3A_275 : vector<16xi32>
          %mul3A_277 = arith.mulf %gather3A_273, %mul3A_194 : vector<16xf32>
          tpu.vector_store_idx %arg11[%add3A_160, %add3A_276], %mul3A_277 : memref<64x128xf32, #tpu.memory_space<vmem>>[vector<16xi32>, vector<16xi32>], vector<16xf32>,
          %add3A_278 = arith.constant 1 : i32
          %add3A_279 = vector.broadcast %add3A_278 : i32 to vector<16xi32>
          %add3A_280 = arith.addi %add3A_266, %add3A_279 : vector<16xi32>
          %add3A_281 = arith.constant 128 : i32
          %add3A_282 = vector.broadcast %add3A_281 : i32 to vector<16xi32>
          %add3A_283 = arith.addi %add3A_280, %add3A_282 : vector<16xi32>
          %gather3A_284 = tpu.vector_load_idx %arg12[%add3A_160, %add3A_283] : memref<64x256xf32, #tpu.memory_space<vmem>>[vector<16xi32>, vector<16xi32>], vector<16xf32>,
          %add3A_285 = arith.constant 1 : i32
          %add3A_286 = vector.broadcast %add3A_285 : i32 to vector<16xi32>
          %add3A_287 = arith.addi %add3A_266, %add3A_286 : vector<16xi32>
          %mul3A_288 = arith.mulf %gather3A_284, %mul3A_194 : vector<16xf32>
          tpu.vector_store_idx %arg11[%add3A_160, %add3A_287], %mul3A_288 : memref<64x128xf32, #tpu.memory_space<vmem>>[vector<16xi32>, vector<16xi32>], vector<16xf32>,
          %add3A_289 = arith.constant 2 : i32
          %add3A_290 = vector.broadcast %add3A_289 : i32 to vector<16xi32>
          %add3A_291 = arith.addi %add3A_266, %add3A_290 : vector<16xi32>
          %add3A_292 = arith.constant 128 : i32
          %add3A_293 = vector.broadcast %add3A_292 : i32 to vector<16xi32>
          %add3A_294 = arith.addi %add3A_291, %add3A_293 : vector<16xi32>
          %gather3A_295 = tpu.vector_load_idx %arg12[%add3A_160, %add3A_294] : memref<64x256xf32, #tpu.memory_space<vmem>>[vector<16xi32>, vector<16xi32>], vector<16xf32>,
          %add3A_296 = arith.constant 2 : i32
          %add3A_297 = vector.broadcast %add3A_296 : i32 to vector<16xi32>
          %add3A_298 = arith.addi %add3A_266, %add3A_297 : vector<16xi32>
          %mul3A_299 = arith.mulf %gather3A_295, %mul3A_194 : vector<16xf32>
          tpu.vector_store_idx %arg11[%add3A_160, %add3A_298], %mul3A_299 : memref<64x128xf32, #tpu.memory_space<vmem>>[vector<16xi32>, vector<16xi32>], vector<16xf32>,
          %add3A_300 = arith.constant 3 : i32
          %add3A_301 = vector.broadcast %add3A_300 : i32 to vector<16xi32>
          %add3A_302 = arith.addi %add3A_266, %add3A_301 : vector<16xi32>
          %add3A_303 = arith.constant 128 : i32
          %add3A_304 = vector.broadcast %add3A_303 : i32 to vector<16xi32>
          %add3A_305 = arith.addi %add3A_302, %add3A_304 : vector<16xi32>
          %gather3A_306 = tpu.vector_load_idx %arg12[%add3A_160, %add3A_305] : memref<64x256xf32, #tpu.memory_space<vmem>>[vector<16xi32>, vector<16xi32>], vector<16xf32>,
          %add3A_307 = arith.constant 3 : i32
          %add3A_308 = vector.broadcast %add3A_307 : i32 to vector<16xi32>
          %add3A_309 = arith.addi %add3A_266, %add3A_308 : vector<16xi32>
          %mul3A_310 = arith.mulf %gather3A_306, %mul3A_194 : vector<16xf32>
          tpu.vector_store_idx %arg11[%add3A_160, %add3A_309], %mul3A_310 : memref<64x128xf32, #tpu.memory_space<vmem>>[vector<16xi32>, vector<16xi32>], vector<16xf32>,
          %scan3A_311 = arith.constant 0 : i32
          scf.yield %scan3A_311 : i32
        }
        %scan3A_243 = arith.constant 8 : i32
        %scan3A_244 = arith.constant 0 : i32
        %scan3A_245 = arith.constant 0 : i32
        %scan3A_246 = arith.constant 8 : i32
        %scan3A_247 = arith.addi %scan3A_245, %scan3A_246 : i32
        %scan3A_248 = arith.constant 1 : i32
        %scan3A_249 = scf.for %scan3A_259 = %scan3A_245 to %scan3A_247 step %scan3A_248 iter_args(%scan3A_260 = %scan3A_244) -> (i32)  : i32 {
          %mul3A_261 = arith.constant 4 : i32
          %mul3A_262 = arith.muli %scan3A_259, %mul3A_261 : i32
          %broadcast_in_dim3A_263 = arith.constant 64 : i32
          %broadcast_in_dim3A_264 = vector.broadcast %broadcast_in_dim3A_263 : i32 to vector<16xi32>
          %add3A_265 = vector.broadcast %mul3A_262 : i32 to vector<16xi32>
          %add3A_266 = arith.addi %broadcast_in_dim3A_264, %add3A_265 : vector<16xi32>
          %add3A_267 = arith.constant 0 : i32
          %add3A_268 = vector.broadcast %add3A_267 : i32 to vector<16xi32>
          %add3A_269 = arith.addi %add3A_266, %add3A_268 : vector<16xi32>
          %add3A_270 = arith.constant 128 : i32
          %add3A_271 = vector.broadcast %add3A_270 : i32 to vector<16xi32>
          %add3A_272 = arith.addi %add3A_269, %add3A_271 : vector<16xi32>
          %gather3A_273 = tpu.vector_load_idx %arg12[%add3A_160, %add3A_272] : memref<64x256xf32, #tpu.memory_space<vmem>>[vector<16xi32>, vector<16xi32>], vector<16xf32>,
          %add3A_274 = arith.constant 0 : i32
          %add3A_275 = vector.broadcast %add3A_274 : i32 to vector<16xi32>
          %add3A_276 = arith.addi %add3A_266, %add3A_275 : vector<16xi32>
          %mul3A_277 = arith.mulf %gather3A_273, %mul3A_210 : vector<16xf32>
          tpu.vector_store_idx %arg11[%add3A_160, %add3A_276], %mul3A_277 : memref<64x128xf32, #tpu.memory_space<vmem>>[vector<16xi32>, vector<16xi32>], vector<16xf32>,
          %add3A_278 = arith.constant 1 : i32
          %add3A_279 = vector.broadcast %add3A_278 : i32 to vector<16xi32>
          %add3A_280 = arith.addi %add3A_266, %add3A_279 : vector<16xi32>
          %add3A_281 = arith.constant 128 : i32
          %add3A_282 = vector.broadcast %add3A_281 : i32 to vector<16xi32>
          %add3A_283 = arith.addi %add3A_280, %add3A_282 : vector<16xi32>
          %gather3A_284 = tpu.vector_load_idx %arg12[%add3A_160, %add3A_283] : memref<64x256xf32, #tpu.memory_space<vmem>>[vector<16xi32>, vector<16xi32>], vector<16xf32>,
          %add3A_285 = arith.constant 1 : i32
          %add3A_286 = vector.broadcast %add3A_285 : i32 to vector<16xi32>
          %add3A_287 = arith.addi %add3A_266, %add3A_286 : vector<16xi32>
          %mul3A_288 = arith.mulf %gather3A_284, %mul3A_210 : vector<16xf32>
          tpu.vector_store_idx %arg11[%add3A_160, %add3A_287], %mul3A_288 : memref<64x128xf32, #tpu.memory_space<vmem>>[vector<16xi32>, vector<16xi32>], vector<16xf32>,
          %add3A_289 = arith.constant 2 : i32
          %add3A_290 = vector.broadcast %add3A_289 : i32 to vector<16xi32>
          %add3A_291 = arith.addi %add3A_266, %add3A_290 : vector<16xi32>
          %add3A_292 = arith.constant 128 : i32
          %add3A_293 = vector.broadcast %add3A_292 : i32 to vector<16xi32>
          %add3A_294 = arith.addi %add3A_291, %add3A_293 : vector<16xi32>
          %gather3A_295 = tpu.vector_load_idx %arg12[%add3A_160, %add3A_294] : memref<64x256xf32, #tpu.memory_space<vmem>>[vector<16xi32>, vector<16xi32>], vector<16xf32>,
          %add3A_296 = arith.constant 2 : i32
          %add3A_297 = vector.broadcast %add3A_296 : i32 to vector<16xi32>
          %add3A_298 = arith.addi %add3A_266, %add3A_297 : vector<16xi32>
          %mul3A_299 = arith.mulf %gather3A_295, %mul3A_210 : vector<16xf32>
          tpu.vector_store_idx %arg11[%add3A_160, %add3A_298], %mul3A_299 : memref<64x128xf32, #tpu.memory_space<vmem>>[vector<16xi32>, vector<16xi32>], vector<16xf32>,
          %add3A_300 = arith.constant 3 : i32
          %add3A_301 = vector.broadcast %add3A_300 : i32 to vector<16xi32>
          %add3A_302 = arith.addi %add3A_266, %add3A_301 : vector<16xi32>
          %add3A_303 = arith.constant 128 : i32
          %add3A_304 = vector.broadcast %add3A_303 : i32 to vector<16xi32>
          %add3A_305 = arith.addi %add3A_302, %add3A_304 : vector<16xi32>
          %gather3A_306 = tpu.vector_load_idx %arg12[%add3A_160, %add3A_305] : memref<64x256xf32, #tpu.memory_space<vmem>>[vector<16xi32>, vector<16xi32>], vector<16xf32>,
          %add3A_307 = arith.constant 3 : i32
          %add3A_308 = vector.broadcast %add3A_307 : i32 to vector<16xi32>
          %add3A_309 = arith.addi %add3A_266, %add3A_308 : vector<16xi32>
          %mul3A_310 = arith.mulf %gather3A_306, %mul3A_210 : vector<16xf32>
          tpu.vector_store_idx %arg11[%add3A_160, %add3A_309], %mul3A_310 : memref<64x128xf32, #tpu.memory_space<vmem>>[vector<16xi32>, vector<16xi32>], vector<16xf32>,
          %scan3A_311 = arith.constant 0 : i32
          scf.yield %scan3A_311 : i32
        }
        %scan3A_250 = arith.constant 8 : i32
        %scan3A_251 = arith.constant 0 : i32
        %scan3A_252 = arith.constant 0 : i32
        %scan3A_253 = arith.constant 8 : i32
        %scan3A_254 = arith.addi %scan3A_252, %scan3A_253 : i32
        %scan3A_255 = arith.constant 1 : i32
        %scan3A_256 = scf.for %scan3A_259 = %scan3A_252 to %scan3A_254 step %scan3A_255 iter_args(%scan3A_260 = %scan3A_251) -> (i32)  : i32 {
          %mul3A_261 = arith.constant 4 : i32
          %mul3A_262 = arith.muli %scan3A_259, %mul3A_261 : i32
          %broadcast_in_dim3A_263 = arith.constant 96 : i32
          %broadcast_in_dim3A_264 = vector.broadcast %broadcast_in_dim3A_263 : i32 to vector<16xi32>
          %add3A_265 = vector.broadcast %mul3A_262 : i32 to vector<16xi32>
          %add3A_266 = arith.addi %broadcast_in_dim3A_264, %add3A_265 : vector<16xi32>
          %add3A_267 = arith.constant 0 : i32
          %add3A_268 = vector.broadcast %add3A_267 : i32 to vector<16xi32>
          %add3A_269 = arith.addi %add3A_266, %add3A_268 : vector<16xi32>
          %add3A_270 = arith.constant 128 : i32
          %add3A_271 = vector.broadcast %add3A_270 : i32 to vector<16xi32>
          %add3A_272 = arith.addi %add3A_269, %add3A_271 : vector<16xi32>
          %gather3A_273 = tpu.vector_load_idx %arg12[%add3A_160, %add3A_272] : memref<64x256xf32, #tpu.memory_space<vmem>>[vector<16xi32>, vector<16xi32>], vector<16xf32>,
          %add3A_274 = arith.constant 0 : i32
          %add3A_275 = vector.broadcast %add3A_274 : i32 to vector<16xi32>
          %add3A_276 = arith.addi %add3A_266, %add3A_275 : vector<16xi32>
          %mul3A_277 = arith.mulf %gather3A_273, %mul3A_226 : vector<16xf32>
          tpu.vector_store_idx %arg11[%add3A_160, %add3A_276], %mul3A_277 : memref<64x128xf32, #tpu.memory_space<vmem>>[vector<16xi32>, vector<16xi32>], vector<16xf32>,
          %add3A_278 = arith.constant 1 : i32
          %add3A_279 = vector.broadcast %add3A_278 : i32 to vector<16xi32>
          %add3A_280 = arith.addi %add3A_266, %add3A_279 : vector<16xi32>
          %add3A_281 = arith.constant 128 : i32
          %add3A_282 = vector.broadcast %add3A_281 : i32 to vector<16xi32>
          %add3A_283 = arith.addi %add3A_280, %add3A_282 : vector<16xi32>
          %gather3A_284 = tpu.vector_load_idx %arg12[%add3A_160, %add3A_283] : memref<64x256xf32, #tpu.memory_space<vmem>>[vector<16xi32>, vector<16xi32>], vector<16xf32>,
          %add3A_285 = arith.constant 1 : i32
          %add3A_286 = vector.broadcast %add3A_285 : i32 to vector<16xi32>
          %add3A_287 = arith.addi %add3A_266, %add3A_286 : vector<16xi32>
          %mul3A_288 = arith.mulf %gather3A_284, %mul3A_226 : vector<16xf32>
          tpu.vector_store_idx %arg11[%add3A_160, %add3A_287], %mul3A_288 : memref<64x128xf32, #tpu.memory_space<vmem>>[vector<16xi32>, vector<16xi32>], vector<16xf32>,
          %add3A_289 = arith.constant 2 : i32
          %add3A_290 = vector.broadcast %add3A_289 : i32 to vector<16xi32>
          %add3A_291 = arith.addi %add3A_266, %add3A_290 : vector<16xi32>
          %add3A_292 = arith.constant 128 : i32
          %add3A_293 = vector.broadcast %add3A_292 : i32 to vector<16xi32>
          %add3A_294 = arith.addi %add3A_291, %add3A_293 : vector<16xi32>
          %gather3A_295 = tpu.vector_load_idx %arg12[%add3A_160, %add3A_294] : memref<64x256xf32, #tpu.memory_space<vmem>>[vector<16xi32>, vector<16xi32>], vector<16xf32>,
          %add3A_296 = arith.constant 2 : i32
          %add3A_297 = vector.broadcast %add3A_296 : i32 to vector<16xi32>
          %add3A_298 = arith.addi %add3A_266, %add3A_297 : vector<16xi32>
          %mul3A_299 = arith.mulf %gather3A_295, %mul3A_226 : vector<16xf32>
          tpu.vector_store_idx %arg11[%add3A_160, %add3A_298], %mul3A_299 : memref<64x128xf32, #tpu.memory_space<vmem>>[vector<16xi32>, vector<16xi32>], vector<16xf32>,
          %add3A_300 = arith.constant 3 : i32
          %add3A_301 = vector.broadcast %add3A_300 : i32 to vector<16xi32>
          %add3A_302 = arith.addi %add3A_266, %add3A_301 : vector<16xi32>
          %add3A_303 = arith.constant 128 : i32
          %add3A_304 = vector.broadcast %add3A_303 : i32 to vector<16xi32>
          %add3A_305 = arith.addi %add3A_302, %add3A_304 : vector<16xi32>
          %gather3A_306 = tpu.vector_load_idx %arg12[%add3A_160, %add3A_305] : memref<64x256xf32, #tpu.memory_space<vmem>>[vector<16xi32>, vector<16xi32>], vector<16xf32>,
          %add3A_307 = arith.constant 3 : i32
          %add3A_308 = vector.broadcast %add3A_307 : i32 to vector<16xi32>
          %add3A_309 = arith.addi %add3A_266, %add3A_308 : vector<16xi32>
          %mul3A_310 = arith.mulf %gather3A_306, %mul3A_226 : vector<16xf32>
          tpu.vector_store_idx %arg11[%add3A_160, %add3A_309], %mul3A_310 : memref<64x128xf32, #tpu.memory_space<vmem>>[vector<16xi32>, vector<16xi32>], vector<16xf32>,
          %scan3A_311 = arith.constant 0 : i32
          scf.yield %scan3A_311 : i32
        }
        %scan3A_257 = arith.constant 8 : i32
        %scan3A_258 = arith.constant 0 : i32
        scf.yield %scan3A_258 : i32
      }
      %scan3A_118 = arith.constant 4 : i32
      %dma_start3A_119 = arith.constant 2 : i32
      %dma_start3A_120 = arith.constant 0 : i32
      %dma_start3A_121 = tpu.memref_slice %arg9[%dma_start3A_119, %dma_start3A_120] : memref<6x64xi32, #tpu.memory_space<vmem>> -> memref<1x64xi32, #tpu.memory_space<vmem>>
      %dma_start3A_122 = tpu.memref_squeeze %dma_start3A_121 : memref<1x64xi32, #tpu.memory_space<vmem>> -> memref<64xi32, #tpu.memory_space<vmem>>
      %dma_start3A_123 = arith.constant 0 : i32
      %dma_start3A_124 = arith.constant 0 : i32
      %dma_start3A_125 = tpu.memref_slice %arg14[%dma_start3A_123, %dma_start3A_124] : memref<5120x128xf32, #tpu.memory_space<vmem_shared>> -> memref<5120x128xf32, #tpu.memory_space<vmem_shared>>
      tpu.enqueue_indirect_dma source(%arg11 : memref<64x128xf32, #tpu.memory_space<vmem>>) target(%dma_start3A_125 : memref<5120x128xf32, #tpu.memory_space<vmem_shared>>) offsets(%dma_start3A_122 : memref<64xi32, #tpu.memory_space<vmem>>) semaphore(%arg20 : memref<!tpu.dma_semaphore, #tpu.memory_space<semaphore_mem>>) {add = true}
      %dma_start3A_126 = arith.constant 4 : i32
      %dma_start3A_127 = arith.constant 0 : i32
      %dma_start3A_128 = tpu.memref_slice %arg9[%dma_start3A_126, %dma_start3A_127] : memref<6x64xi32, #tpu.memory_space<vmem>> -> memref<1x64xi32, #tpu.memory_space<vmem>>
      %dma_start3A_129 = tpu.memref_squeeze %dma_start3A_128 : memref<1x64xi32, #tpu.memory_space<vmem>> -> memref<64xi32, #tpu.memory_space<vmem>>
      %dma_start3A_130 = arith.constant 0 : i32
      %dma_start3A_131 = arith.constant 0 : i32
      %dma_start3A_132 = tpu.memref_slice %arg15[%dma_start3A_130, %dma_start3A_131] : memref<640x128xf32, #tpu.memory_space<vmem_shared>> -> memref<640x128xf32, #tpu.memory_space<vmem_shared>>
      tpu.enqueue_indirect_dma source(%arg13 : memref<64x128xf32, #tpu.memory_space<vmem>>) target(%dma_start3A_132 : memref<640x128xf32, #tpu.memory_space<vmem_shared>>) offsets(%dma_start3A_129 : memref<64xi32, #tpu.memory_space<vmem>>) semaphore(%arg21 : memref<!tpu.dma_semaphore, #tpu.memory_space<semaphore_mem>>) {add = true}
      %dma_wait3A_133 = arith.constant 2 : i32
      %dma_wait3A_134 = arith.constant 0 : i32
      %dma_wait3A_135 = tpu.memref_slice %arg9[%dma_wait3A_133, %dma_wait3A_134] : memref<6x64xi32, #tpu.memory_space<vmem>> -> memref<1x64xi32, #tpu.memory_space<vmem>>
      %dma_wait3A_136 = tpu.memref_squeeze %dma_wait3A_135 : memref<1x64xi32, #tpu.memory_space<vmem>> -> memref<64xi32, #tpu.memory_space<vmem>>
      %dma_wait3A_137 = arith.constant 0 : i32
      %dma_wait3A_138 = arith.constant 0 : i32
      %dma_wait3A_139 = tpu.memref_slice %arg14[%dma_wait3A_137, %dma_wait3A_138] : memref<5120x128xf32, #tpu.memory_space<vmem_shared>> -> memref<5120x128xf32, #tpu.memory_space<vmem_shared>>
      tpu.wait_indirect_dma semaphore(%arg20 : memref<!tpu.dma_semaphore, #tpu.memory_space<semaphore_mem>>) src(%arg11 : memref<64x128xf32, #tpu.memory_space<vmem>>) dst(%dma_wait3A_139 : memref<5120x128xf32, #tpu.memory_space<vmem_shared>>)
      %dma_wait3A_140 = arith.constant 4 : i32
      %dma_wait3A_141 = arith.constant 0 : i32
      %dma_wait3A_142 = tpu.memref_slice %arg9[%dma_wait3A_140, %dma_wait3A_141] : memref<6x64xi32, #tpu.memory_space<vmem>> -> memref<1x64xi32, #tpu.memory_space<vmem>>
      %dma_wait3A_143 = tpu.memref_squeeze %dma_wait3A_142 : memref<1x64xi32, #tpu.memory_space<vmem>> -> memref<64xi32, #tpu.memory_space<vmem>>
      %dma_wait3A_144 = arith.constant 0 : i32
      %dma_wait3A_145 = arith.constant 0 : i32
      %dma_wait3A_146 = tpu.memref_slice %arg15[%dma_wait3A_144, %dma_wait3A_145] : memref<640x128xf32, #tpu.memory_space<vmem_shared>> -> memref<640x128xf32, #tpu.memory_space<vmem_shared>>
      tpu.wait_indirect_dma semaphore(%arg21 : memref<!tpu.dma_semaphore, #tpu.memory_space<semaphore_mem>>) src(%arg13 : memref<64x128xf32, #tpu.memory_space<vmem>>) dst(%dma_wait3A_146 : memref<640x128xf32, #tpu.memory_space<vmem_shared>>)
      %scan3A_147 = arith.constant 0 : i32
      %scan3A_148 = arith.constant 0 : i32
      %scan3A_149 = arith.constant 4 : i32
      %scan3A_150 = arith.addi %scan3A_148, %scan3A_149 : i32
      %scan3A_151 = arith.constant 1 : i32
      %scan3A_152 = scf.for %scan3A_155 = %scan3A_148 to %scan3A_150 step %scan3A_151 iter_args(%scan3A_156 = %scan3A_147) -> (i32)  : i32 {
        %mul3A_157 = arith.constant 16 : i32
        %mul3A_158 = arith.muli %scan3A_155, %mul3A_157 : i32
        %add3A_159 = vector.broadcast %mul3A_158 : i32 to vector<16xi32>
        %add3A_160 = arith.addi %iota3A, %add3A_159 : vector<16xi32>
        %broadcast_in_dim3A = arith.constant 1 : i32
        %broadcast_in_dim3A_161 = vector.broadcast %broadcast_in_dim3A : i32 to vector<16xi32>
        %gather3A = tpu.vector_load_idx %arg10[%broadcast_in_dim3A_161, %add3A_160] : memref<3x64xf32, #tpu.memory_space<vmem>>[vector<16xi32>, vector<16xi32>], vector<16xf32>,
        %convert_element_type3A = arith.fptosi %gather3A : vector<16xf32> to vector<16xi32>
        %broadcast_in_dim3A_162 = arith.constant 0.000000e+00 : f32
        %broadcast_in_dim3A_163 = vector.broadcast %broadcast_in_dim3A_162 : f32 to vector<16xf32>
        %add3A_164 = arith.constant 0 : i32
        %add3A_165 = vector.broadcast %add3A_164 : i32 to vector<16xi32>
        %add3A_166 = arith.addi %convert_element_type3A, %add3A_165 : vector<16xi32>
        tpu.vector_store_idx %arg13[%add3A_160, %add3A_166], %broadcast_in_dim3A_163 : memref<64x128xf32, #tpu.memory_space<vmem>>[vector<16xi32>, vector<16xi32>], vector<16xf32>,
        %add3A_167 = arith.constant 1 : i32
        %add3A_168 = vector.broadcast %add3A_167 : i32 to vector<16xi32>
        %add3A_169 = arith.addi %convert_element_type3A, %add3A_168 : vector<16xi32>
        tpu.vector_store_idx %arg13[%add3A_160, %add3A_169], %broadcast_in_dim3A_163 : memref<64x128xf32, #tpu.memory_space<vmem>>[vector<16xi32>, vector<16xi32>], vector<16xf32>,
        %add3A_170 = arith.constant 2 : i32
        %add3A_171 = vector.broadcast %add3A_170 : i32 to vector<16xi32>
        %add3A_172 = arith.addi %convert_element_type3A, %add3A_171 : vector<16xi32>
        tpu.vector_store_idx %arg13[%add3A_160, %add3A_172], %broadcast_in_dim3A_163 : memref<64x128xf32, #tpu.memory_space<vmem>>[vector<16xi32>, vector<16xi32>], vector<16xf32>,
        %add3A_173 = arith.constant 3 : i32
        %add3A_174 = vector.broadcast %add3A_173 : i32 to vector<16xi32>
        %add3A_175 = arith.addi %convert_element_type3A, %add3A_174 : vector<16xi32>
        tpu.vector_store_idx %arg13[%add3A_160, %add3A_175], %broadcast_in_dim3A_163 : memref<64x128xf32, #tpu.memory_space<vmem>>[vector<16xi32>, vector<16xi32>], vector<16xf32>,
        %scan3A_176 = arith.constant 0 : i32
        scf.yield %scan3A_176 : i32
      }
      %scan3A_153 = arith.constant 4 : i32
      %scan3A_154 = arith.constant 0 : i32
      scf.yield %scan3A_154 : i32
    }
    %scan3A_12 = arith.constant 313 : i32
    %barrier3A_13 = arith.constant 0 : index
    tpu.barrier barrier_id(%barrier3A_13)
    %mul3A_14 = arith.constant 320 : i32
    %mul3A_15 = arith.muli %arg1, %mul3A_14 : i32
    %mul3A_16 = arith.constant 320 : i32
    %mul3A_17 = arith.muli %arg1, %mul3A_16 : i32
    %run_scoped3A = arith.constant 0 : i32
    "tpu.region"() ({
      %run_scoped3A_50 = tpu.sem_alloc : memref<!tpu.dma_semaphore, #tpu.memory_space<semaphore_mem>>
      %dma_start3A = arith.constant 0 : i32
      %dma_start3A_51 = tpu.memref_slice %arg7[%arg0, %run_scoped3A, %mul3A_17, %dma_start3A] : memref<2x2x5120x128xf32, #tpu.memory_space<hbm>> -> memref<1x1x320x128xf32, #tpu.memory_space<hbm>>
      %dma_start3A_52 = tpu.memref_squeeze %dma_start3A_51 : memref<1x1x320x128xf32, #tpu.memory_space<hbm>> -> memref<320x128xf32, #tpu.memory_space<hbm>>
      %dma_start3A_53 = arith.constant 0 : i32
      %dma_start3A_54 = tpu.memref_slice %arg14[%mul3A_15, %dma_start3A_53] : memref<5120x128xf32, #tpu.memory_space<vmem_shared>> -> memref<320x128xf32, #tpu.memory_space<vmem_shared>>
      tpu.enqueue_dma source(%dma_start3A_54 : memref<320x128xf32, #tpu.memory_space<vmem_shared>>) target(%dma_start3A_52 : memref<320x128xf32, #tpu.memory_space<hbm>>) target_semaphore(%run_scoped3A_50 : memref<!tpu.dma_semaphore, #tpu.memory_space<semaphore_mem>>)
      %dma_wait3A = arith.constant 0 : i32
      %dma_wait3A_55 = tpu.memref_slice %arg7[%arg0, %run_scoped3A, %mul3A_17, %dma_wait3A] : memref<2x2x5120x128xf32, #tpu.memory_space<hbm>> -> memref<1x1x320x128xf32, #tpu.memory_space<hbm>>
      %dma_wait3A_56 = tpu.memref_squeeze %dma_wait3A_55 : memref<1x1x320x128xf32, #tpu.memory_space<hbm>> -> memref<320x128xf32, #tpu.memory_space<hbm>>
      %dma_wait3A_57 = arith.constant 0 : i32
      %dma_wait3A_58 = tpu.memref_slice %arg14[%mul3A_15, %dma_wait3A_57] : memref<5120x128xf32, #tpu.memory_space<vmem_shared>> -> memref<320x128xf32, #tpu.memory_space<vmem_shared>>
      tpu.wait_dma2 semaphore(%run_scoped3A_50 : memref<!tpu.dma_semaphore, #tpu.memory_space<semaphore_mem>>) src(%dma_wait3A_58 : memref<320x128xf32, #tpu.memory_space<vmem_shared>>) dst(%dma_wait3A_56 : memref<320x128xf32, #tpu.memory_space<hbm>>)
      tpu.yield
    }) : () -> ()
    %mul3A_18 = arith.constant 40 : i32
    %mul3A_19 = arith.muli %arg1, %mul3A_18 : i32
    %mul3A_20 = arith.constant 40 : i32
    %mul3A_21 = arith.muli %arg1, %mul3A_20 : i32
    %run_scoped3A_22 = arith.constant 0 : i32
    "tpu.region"() ({
      %run_scoped3A_50 = tpu.sem_alloc : memref<!tpu.dma_semaphore, #tpu.memory_space<semaphore_mem>>
      %dma_start3A = arith.constant 0 : i32
      %dma_start3A_51 = tpu.memref_slice %arg8[%arg0, %run_scoped3A_22, %mul3A_21, %dma_start3A] : memref<2x2x640x128xf32, #tpu.memory_space<hbm>> -> memref<1x1x40x128xf32, #tpu.memory_space<hbm>>
      %dma_start3A_52 = tpu.memref_squeeze %dma_start3A_51 : memref<1x1x40x128xf32, #tpu.memory_space<hbm>> -> memref<40x128xf32, #tpu.memory_space<hbm>>
      %dma_start3A_53 = arith.constant 0 : i32
      %dma_start3A_54 = tpu.memref_slice %arg15[%mul3A_19, %dma_start3A_53] : memref<640x128xf32, #tpu.memory_space<vmem_shared>> -> memref<40x128xf32, #tpu.memory_space<vmem_shared>>
      tpu.enqueue_dma source(%dma_start3A_54 : memref<40x128xf32, #tpu.memory_space<vmem_shared>>) target(%dma_start3A_52 : memref<40x128xf32, #tpu.memory_space<hbm>>) target_semaphore(%run_scoped3A_50 : memref<!tpu.dma_semaphore, #tpu.memory_space<semaphore_mem>>)
      %dma_wait3A = arith.constant 0 : i32
      %dma_wait3A_55 = tpu.memref_slice %arg8[%arg0, %run_scoped3A_22, %mul3A_21, %dma_wait3A] : memref<2x2x640x128xf32, #tpu.memory_space<hbm>> -> memref<1x1x40x128xf32, #tpu.memory_space<hbm>>
      %dma_wait3A_56 = tpu.memref_squeeze %dma_wait3A_55 : memref<1x1x40x128xf32, #tpu.memory_space<hbm>> -> memref<40x128xf32, #tpu.memory_space<hbm>>
      %dma_wait3A_57 = arith.constant 0 : i32
      %dma_wait3A_58 = tpu.memref_slice %arg15[%mul3A_19, %dma_wait3A_57] : memref<640x128xf32, #tpu.memory_space<vmem_shared>> -> memref<40x128xf32, #tpu.memory_space<vmem_shared>>
      tpu.wait_dma2 semaphore(%run_scoped3A_50 : memref<!tpu.dma_semaphore, #tpu.memory_space<semaphore_mem>>) src(%dma_wait3A_58 : memref<40x128xf32, #tpu.memory_space<vmem_shared>>) dst(%dma_wait3A_56 : memref<40x128xf32, #tpu.memory_space<hbm>>)
      tpu.yield
    }) : () -> ()
    %mul3A_23 = arith.constant 320 : i32
    %mul3A_24 = arith.muli %arg1, %mul3A_23 : i32
    %mul3A_25 = arith.constant 320 : i32
    %mul3A_26 = arith.muli %arg1, %mul3A_25 : i32
    "tpu.region"() ({
      %run_scoped3A_50 = tpu.sem_alloc : memref<!tpu.dma_semaphore, #tpu.memory_space<semaphore_mem>>
      %dma_start3A = arith.constant 0 : i32
      %dma_start3A_51 = tpu.memref_slice %arg14[%mul3A_26, %dma_start3A] : memref<5120x128xf32, #tpu.memory_space<vmem_shared>> -> memref<320x128xf32, #tpu.memory_space<vmem_shared>>
      %dma_start3A_52 = arith.constant 0 : i32
      %dma_start3A_53 = tpu.memref_slice %arg6[%mul3A_24, %dma_start3A_52] : memref<5120x128xf32, #tpu.memory_space<hbm>> -> memref<320x128xf32, #tpu.memory_space<hbm>>
      tpu.enqueue_dma source(%dma_start3A_53 : memref<320x128xf32, #tpu.memory_space<hbm>>) target(%dma_start3A_51 : memref<320x128xf32, #tpu.memory_space<vmem_shared>>) target_semaphore(%run_scoped3A_50 : memref<!tpu.dma_semaphore, #tpu.memory_space<semaphore_mem>>)
      %dma_wait3A = arith.constant 0 : i32
      %dma_wait3A_54 = tpu.memref_slice %arg14[%mul3A_26, %dma_wait3A] : memref<5120x128xf32, #tpu.memory_space<vmem_shared>> -> memref<320x128xf32, #tpu.memory_space<vmem_shared>>
      %dma_wait3A_55 = arith.constant 0 : i32
      %dma_wait3A_56 = tpu.memref_slice %arg6[%mul3A_24, %dma_wait3A_55] : memref<5120x128xf32, #tpu.memory_space<hbm>> -> memref<320x128xf32, #tpu.memory_space<hbm>>
      tpu.wait_dma2 semaphore(%run_scoped3A_50 : memref<!tpu.dma_semaphore, #tpu.memory_space<semaphore_mem>>) src(%dma_wait3A_56 : memref<320x128xf32, #tpu.memory_space<hbm>>) dst(%dma_wait3A_54 : memref<320x128xf32, #tpu.memory_space<vmem_shared>>)
      tpu.yield
    }) : () -> ()
    %mul3A_27 = arith.constant 40 : i32
    %mul3A_28 = arith.muli %arg1, %mul3A_27 : i32
    %mul3A_29 = arith.constant 40 : i32
    %mul3A_30 = arith.muli %arg1, %mul3A_29 : i32
    "tpu.region"() ({
      %run_scoped3A_50 = tpu.sem_alloc : memref<!tpu.dma_semaphore, #tpu.memory_space<semaphore_mem>>
      %dma_start3A = arith.constant 0 : i32
      %dma_start3A_51 = tpu.memref_slice %arg15[%mul3A_30, %dma_start3A] : memref<640x128xf32, #tpu.memory_space<vmem_shared>> -> memref<40x128xf32, #tpu.memory_space<vmem_shared>>
      %dma_start3A_52 = arith.constant 0 : i32
      %dma_start3A_53 = tpu.memref_slice %arg6[%mul3A_28, %dma_start3A_52] : memref<5120x128xf32, #tpu.memory_space<hbm>> -> memref<40x128xf32, #tpu.memory_space<hbm>>
      tpu.enqueue_dma source(%dma_start3A_53 : memref<40x128xf32, #tpu.memory_space<hbm>>) target(%dma_start3A_51 : memref<40x128xf32, #tpu.memory_space<vmem_shared>>) target_semaphore(%run_scoped3A_50 : memref<!tpu.dma_semaphore, #tpu.memory_space<semaphore_mem>>)
      %dma_wait3A = arith.constant 0 : i32
      %dma_wait3A_54 = tpu.memref_slice %arg15[%mul3A_30, %dma_wait3A] : memref<640x128xf32, #tpu.memory_space<vmem_shared>> -> memref<40x128xf32, #tpu.memory_space<vmem_shared>>
      %dma_wait3A_55 = arith.constant 0 : i32
      %dma_wait3A_56 = tpu.memref_slice %arg6[%mul3A_28, %dma_wait3A_55] : memref<5120x128xf32, #tpu.memory_space<hbm>> -> memref<40x128xf32, #tpu.memory_space<hbm>>
      tpu.wait_dma2 semaphore(%run_scoped3A_50 : memref<!tpu.dma_semaphore, #tpu.memory_space<semaphore_mem>>) src(%dma_wait3A_56 : memref<40x128xf32, #tpu.memory_space<hbm>>) dst(%dma_wait3A_54 : memref<40x128xf32, #tpu.memory_space<vmem_shared>>)
      tpu.yield
    }) : () -> ()
    %barrier3A_31 = arith.constant 0 : index
    tpu.barrier barrier_id(%barrier3A_31)
    %scan3A_32 = arith.constant 0 : i32
    %scan3A_33 = arith.constant 0 : i32
    %scan3A_34 = arith.constant 313 : i32
    %scan3A_35 = arith.addi %scan3A_33, %scan3A_34 : i32
    %scan3A_36 = arith.constant 1 : i32
    %scan3A_37 = scf.for %scan3A_50 = %scan3A_33 to %scan3A_35 step %scan3A_36 iter_args(%scan3A_51 = %scan3A_32) -> (i32)  : i32 {
      %mul3A_52 = arith.constant 313 : i32
      %mul3A_53 = arith.muli %arg1, %mul3A_52 : i32
      %add3A = arith.addi %mul3A_53, %scan3A_50 : i32
      %dma_start3A = arith.constant 0 : i32
      %dma_start3A_54 = arith.constant 0 : i32
      %dma_start3A_55 = tpu.memref_slice %arg4[%arg0, %add3A, %dma_start3A, %dma_start3A_54] : memref<2x5008x6x64xi32, #tpu.memory_space<hbm>> -> memref<1x1x6x64xi32, #tpu.memory_space<hbm>>
      %dma_start3A_56 = tpu.memref_squeeze %dma_start3A_55 : memref<1x1x6x64xi32, #tpu.memory_space<hbm>> -> memref<6x64xi32, #tpu.memory_space<hbm>>
      %dma_start3A_57 = arith.constant 0 : i32
      %dma_start3A_58 = arith.constant 0 : i32
      %dma_start3A_59 = tpu.memref_slice %arg4[%arg0, %add3A, %dma_start3A_57, %dma_start3A_58] : memref<2x5008x6x64xi32, #tpu.memory_space<hbm>> -> memref<1x1x6x64xi32, #tpu.memory_space<hbm>>
      %dma_start3A_60 = tpu.memref_squeeze %dma_start3A_59 : memref<1x1x6x64xi32, #tpu.memory_space<hbm>> -> memref<6x64xi32, #tpu.memory_space<hbm>>
      tpu.enqueue_dma source(%dma_start3A_60 : memref<6x64xi32, #tpu.memory_space<hbm>>) target(%arg9 : memref<6x64xi32, #tpu.memory_space<vmem>>) target_semaphore(%arg18 : memref<!tpu.dma_semaphore, #tpu.memory_space<semaphore_mem>>)
      %dma_start3A_61 = arith.constant 0 : i32
      %dma_start3A_62 = arith.constant 0 : i32
      %dma_start3A_63 = tpu.memref_slice %arg5[%arg0, %add3A, %dma_start3A_61, %dma_start3A_62] : memref<2x5008x3x64xf32, #tpu.memory_space<hbm>> -> memref<1x1x3x64xf32, #tpu.memory_space<hbm>>
      %dma_start3A_64 = tpu.memref_squeeze %dma_start3A_63 : memref<1x1x3x64xf32, #tpu.memory_space<hbm>> -> memref<3x64xf32, #tpu.memory_space<hbm>>
      %dma_start3A_65 = arith.constant 0 : i32
      %dma_start3A_66 = arith.constant 0 : i32
      %dma_start3A_67 = tpu.memref_slice %arg5[%arg0, %add3A, %dma_start3A_65, %dma_start3A_66] : memref<2x5008x3x64xf32, #tpu.memory_space<hbm>> -> memref<1x1x3x64xf32, #tpu.memory_space<hbm>>
      %dma_start3A_68 = tpu.memref_squeeze %dma_start3A_67 : memref<1x1x3x64xf32, #tpu.memory_space<hbm>> -> memref<3x64xf32, #tpu.memory_space<hbm>>
      tpu.enqueue_dma source(%dma_start3A_68 : memref<3x64xf32, #tpu.memory_space<hbm>>) target(%arg10 : memref<3x64xf32, #tpu.memory_space<vmem>>) target_semaphore(%arg19 : memref<!tpu.dma_semaphore, #tpu.memory_space<semaphore_mem>>)
      %dma_wait3A = arith.constant 0 : i32
      %dma_wait3A_69 = arith.constant 0 : i32
      %dma_wait3A_70 = tpu.memref_slice %arg4[%arg0, %add3A, %dma_wait3A, %dma_wait3A_69] : memref<2x5008x6x64xi32, #tpu.memory_space<hbm>> -> memref<1x1x6x64xi32, #tpu.memory_space<hbm>>
      %dma_wait3A_71 = tpu.memref_squeeze %dma_wait3A_70 : memref<1x1x6x64xi32, #tpu.memory_space<hbm>> -> memref<6x64xi32, #tpu.memory_space<hbm>>
      %dma_wait3A_72 = arith.constant 0 : i32
      %dma_wait3A_73 = arith.constant 0 : i32
      %dma_wait3A_74 = tpu.memref_slice %arg4[%arg0, %add3A, %dma_wait3A_72, %dma_wait3A_73] : memref<2x5008x6x64xi32, #tpu.memory_space<hbm>> -> memref<1x1x6x64xi32, #tpu.memory_space<hbm>>
      %dma_wait3A_75 = tpu.memref_squeeze %dma_wait3A_74 : memref<1x1x6x64xi32, #tpu.memory_space<hbm>> -> memref<6x64xi32, #tpu.memory_space<hbm>>
      tpu.wait_dma2 semaphore(%arg18 : memref<!tpu.dma_semaphore, #tpu.memory_space<semaphore_mem>>) src(%dma_wait3A_75 : memref<6x64xi32, #tpu.memory_space<hbm>>) dst(%arg9 : memref<6x64xi32, #tpu.memory_space<vmem>>)
      %dma_wait3A_76 = arith.constant 0 : i32
      %dma_wait3A_77 = arith.constant 0 : i32
      %dma_wait3A_78 = tpu.memref_slice %arg5[%arg0, %add3A, %dma_wait3A_76, %dma_wait3A_77] : memref<2x5008x3x64xf32, #tpu.memory_space<hbm>> -> memref<1x1x3x64xf32, #tpu.memory_space<hbm>>
      %dma_wait3A_79 = tpu.memref_squeeze %dma_wait3A_78 : memref<1x1x3x64xf32, #tpu.memory_space<hbm>> -> memref<3x64xf32, #tpu.memory_space<hbm>>
      %dma_wait3A_80 = arith.constant 0 : i32
      %dma_wait3A_81 = arith.constant 0 : i32
      %dma_wait3A_82 = tpu.memref_slice %arg5[%arg0, %add3A, %dma_wait3A_80, %dma_wait3A_81] : memref<2x5008x3x64xf32, #tpu.memory_space<hbm>> -> memref<1x1x3x64xf32, #tpu.memory_space<hbm>>
      %dma_wait3A_83 = tpu.memref_squeeze %dma_wait3A_82 : memref<1x1x3x64xf32, #tpu.memory_space<hbm>> -> memref<3x64xf32, #tpu.memory_space<hbm>>
      tpu.wait_dma2 semaphore(%arg19 : memref<!tpu.dma_semaphore, #tpu.memory_space<semaphore_mem>>) src(%dma_wait3A_83 : memref<3x64xf32, #tpu.memory_space<hbm>>) dst(%arg10 : memref<3x64xf32, #tpu.memory_space<vmem>>)
      %dma_start3A_84 = arith.constant 0 : i32
      %dma_start3A_85 = arith.constant 0 : i32
      %dma_start3A_86 = tpu.memref_slice %arg9[%dma_start3A_84, %dma_start3A_85] : memref<6x64xi32, #tpu.memory_space<vmem>> -> memref<1x64xi32, #tpu.memory_space<vmem>>
      %dma_start3A_87 = tpu.memref_squeeze %dma_start3A_86 : memref<1x64xi32, #tpu.memory_space<vmem>> -> memref<64xi32, #tpu.memory_space<vmem>>
      %dma_start3A_88 = arith.constant 0 : i32
      %dma_start3A_89 = arith.constant 0 : i32
      %dma_start3A_90 = tpu.memref_slice %arg2[%dma_start3A_88, %dma_start3A_89] : memref<20480x128xf32, #tpu.memory_space<hbm>> -> memref<20480x128xf32, #tpu.memory_space<hbm>>
      tpu.enqueue_indirect_dma source(%dma_start3A_90 : memref<20480x128xf32, #tpu.memory_space<hbm>>) target(%arg11 : memref<64x128xf32, #tpu.memory_space<vmem>>) offsets(%dma_start3A_87 : memref<64xi32, #tpu.memory_space<vmem>>) semaphore(%arg16 : memref<!tpu.dma_semaphore, #tpu.memory_space<semaphore_mem>>)
      %dma_start3A_91 = arith.constant 1 : i32
      %dma_start3A_92 = arith.constant 0 : i32
      %dma_start3A_93 = tpu.memref_slice %arg9[%dma_start3A_91, %dma_start3A_92] : memref<6x64xi32, #tpu.memory_space<vmem>> -> memref<1x64xi32, #tpu.memory_space<vmem>>
      %dma_start3A_94 = tpu.memref_squeeze %dma_start3A_93 : memref<1x64xi32, #tpu.memory_space<vmem>> -> memref<64xi32, #tpu.memory_space<vmem>>
      %dma_start3A_95 = arith.constant 0 : i32
      %dma_start3A_96 = arith.constant 0 : i32
      %dma_start3A_97 = tpu.memref_slice %arg3[%dma_start3A_95, %dma_start3A_96] : memref<20480x256xf32, #tpu.memory_space<hbm>> -> memref<20480x256xf32, #tpu.memory_space<hbm>>
      tpu.enqueue_indirect_dma source(%dma_start3A_97 : memref<20480x256xf32, #tpu.memory_space<hbm>>) target(%arg12 : memref<64x256xf32, #tpu.memory_space<vmem>>) offsets(%dma_start3A_94 : memref<64xi32, #tpu.memory_space<vmem>>) semaphore(%arg17 : memref<!tpu.dma_semaphore, #tpu.memory_space<semaphore_mem>>)
      %dma_wait3A_98 = arith.constant 0 : i32
      %dma_wait3A_99 = arith.constant 0 : i32
      %dma_wait3A_100 = tpu.memref_slice %arg9[%dma_wait3A_98, %dma_wait3A_99] : memref<6x64xi32, #tpu.memory_space<vmem>> -> memref<1x64xi32, #tpu.memory_space<vmem>>
      %dma_wait3A_101 = tpu.memref_squeeze %dma_wait3A_100 : memref<1x64xi32, #tpu.memory_space<vmem>> -> memref<64xi32, #tpu.memory_space<vmem>>
      %dma_wait3A_102 = arith.constant 0 : i32
      %dma_wait3A_103 = arith.constant 0 : i32
      %dma_wait3A_104 = tpu.memref_slice %arg2[%dma_wait3A_102, %dma_wait3A_103] : memref<20480x128xf32, #tpu.memory_space<hbm>> -> memref<20480x128xf32, #tpu.memory_space<hbm>>
      tpu.wait_indirect_dma semaphore(%arg16 : memref<!tpu.dma_semaphore, #tpu.memory_space<semaphore_mem>>) src(%dma_wait3A_104 : memref<20480x128xf32, #tpu.memory_space<hbm>>) dst(%arg11 : memref<64x128xf32, #tpu.memory_space<vmem>>)
      %dma_wait3A_105 = arith.constant 1 : i32
      %dma_wait3A_106 = arith.constant 0 : i32
      %dma_wait3A_107 = tpu.memref_slice %arg9[%dma_wait3A_105, %dma_wait3A_106] : memref<6x64xi32, #tpu.memory_space<vmem>> -> memref<1x64xi32, #tpu.memory_space<vmem>>
      %dma_wait3A_108 = tpu.memref_squeeze %dma_wait3A_107 : memref<1x64xi32, #tpu.memory_space<vmem>> -> memref<64xi32, #tpu.memory_space<vmem>>
      %dma_wait3A_109 = arith.constant 0 : i32
      %dma_wait3A_110 = arith.constant 0 : i32
      %dma_wait3A_111 = tpu.memref_slice %arg3[%dma_wait3A_109, %dma_wait3A_110] : memref<20480x256xf32, #tpu.memory_space<hbm>> -> memref<20480x256xf32, #tpu.memory_space<hbm>>
      tpu.wait_indirect_dma semaphore(%arg17 : memref<!tpu.dma_semaphore, #tpu.memory_space<semaphore_mem>>) src(%dma_wait3A_111 : memref<20480x256xf32, #tpu.memory_space<hbm>>) dst(%arg12 : memref<64x256xf32, #tpu.memory_space<vmem>>)
      %scan3A_112 = arith.constant 0 : i32
      %scan3A_113 = arith.constant 0 : i32
      %scan3A_114 = arith.constant 4 : i32
      %scan3A_115 = arith.addi %scan3A_113, %scan3A_114 : i32
      %scan3A_116 = arith.constant 1 : i32
      %scan3A_117 = scf.for %scan3A_155 = %scan3A_113 to %scan3A_115 step %scan3A_116 iter_args(%scan3A_156 = %scan3A_112) -> (i32)  : i32 {
        %mul3A_157 = arith.constant 16 : i32
        %mul3A_158 = arith.muli %scan3A_155, %mul3A_157 : i32
        %add3A_159 = vector.broadcast %mul3A_158 : i32 to vector<16xi32>
        %add3A_160 = arith.addi %iota3A, %add3A_159 : vector<16xi32>
        %broadcast_in_dim3A = arith.constant 0 : i32
        %broadcast_in_dim3A_161 = vector.broadcast %broadcast_in_dim3A : i32 to vector<16xi32>
        %gather3A = tpu.vector_load_idx %arg10[%broadcast_in_dim3A_161, %add3A_160] : memref<3x64xf32, #tpu.memory_space<vmem>>[vector<16xi32>, vector<16xi32>], vector<16xf32>,
        %broadcast_in_dim3A_162 = arith.constant 2 : i32
        %broadcast_in_dim3A_163 = vector.broadcast %broadcast_in_dim3A_162 : i32 to vector<16xi32>
        %gather3A_164 = tpu.vector_load_idx %arg10[%broadcast_in_dim3A_163, %add3A_160] : memref<3x64xf32, #tpu.memory_space<vmem>>[vector<16xi32>, vector<16xi32>], vector<16xf32>,
        %convert_element_type3A = arith.fptosi %gather3A_164 : vector<16xf32> to vector<16xi32>
        %max3A = arith.constant 1.000000e-10 : f32
        %max3A_165 = vector.broadcast %max3A : f32 to vector<16xf32>
        %max3A_166 = arith.maximumf %gather3A, %max3A_165 : vector<16xf32>
        %broadcast_in_dim3A_167 = arith.constant 0.000000e+00 : f32
        %broadcast_in_dim3A_168 = vector.broadcast %broadcast_in_dim3A_167 : f32 to vector<16xf32>
        %scan3A_169 = arith.constant 0 : i32
        %scan3A_170 = arith.constant 8 : i32
        %scan3A_171 = arith.addi %scan3A_169, %scan3A_170 : i32
        %scan3A_172 = arith.constant 1 : i32
        %scan3A_173 = scf.for %scan3A_259 = %scan3A_169 to %scan3A_171 step %scan3A_172 iter_args(%scan3A_260 = %broadcast_in_dim3A_168) -> (vector<16xf32>)  : i32 {
          %mul3A_261 = arith.constant 4 : i32
          %mul3A_262 = arith.muli %scan3A_259, %mul3A_261 : i32
          %broadcast_in_dim3A_263 = arith.constant 0 : i32
          %broadcast_in_dim3A_264 = vector.broadcast %broadcast_in_dim3A_263 : i32 to vector<16xi32>
          %add3A_265 = vector.broadcast %mul3A_262 : i32 to vector<16xi32>
          %add3A_266 = arith.addi %broadcast_in_dim3A_264, %add3A_265 : vector<16xi32>
          %add3A_267 = arith.constant 0 : i32
          %add3A_268 = vector.broadcast %add3A_267 : i32 to vector<16xi32>
          %add3A_269 = arith.addi %add3A_266, %add3A_268 : vector<16xi32>
          %gather3A_270 = tpu.vector_load_idx %arg11[%add3A_160, %add3A_269] : memref<64x128xf32, #tpu.memory_space<vmem>>[vector<16xi32>, vector<16xi32>], vector<16xf32>,
          %add3A_271 = arith.constant 0 : i32
          %add3A_272 = vector.broadcast %add3A_271 : i32 to vector<16xi32>
          %add3A_273 = arith.addi %add3A_266, %add3A_272 : vector<16xi32>
          %gather3A_274 = tpu.vector_load_idx %arg12[%add3A_160, %add3A_273] : memref<64x256xf32, #tpu.memory_space<vmem>>[vector<16xi32>, vector<16xi32>], vector<16xf32>,
          %mul3A_275 = arith.mulf %gather3A_270, %gather3A_274 : vector<16xf32>
          %add3A_276 = arith.addf %scan3A_260, %mul3A_275 : vector<16xf32>
          %add3A_277 = arith.constant 1 : i32
          %add3A_278 = vector.broadcast %add3A_277 : i32 to vector<16xi32>
          %add3A_279 = arith.addi %add3A_266, %add3A_278 : vector<16xi32>
          %gather3A_280 = tpu.vector_load_idx %arg11[%add3A_160, %add3A_279] : memref<64x128xf32, #tpu.memory_space<vmem>>[vector<16xi32>, vector<16xi32>], vector<16xf32>,
          %add3A_281 = arith.constant 1 : i32
          %add3A_282 = vector.broadcast %add3A_281 : i32 to vector<16xi32>
          %add3A_283 = arith.addi %add3A_266, %add3A_282 : vector<16xi32>
          %gather3A_284 = tpu.vector_load_idx %arg12[%add3A_160, %add3A_283] : memref<64x256xf32, #tpu.memory_space<vmem>>[vector<16xi32>, vector<16xi32>], vector<16xf32>,
          %mul3A_285 = arith.mulf %gather3A_280, %gather3A_284 : vector<16xf32>
          %add3A_286 = arith.addf %add3A_276, %mul3A_285 : vector<16xf32>
          %add3A_287 = arith.constant 2 : i32
          %add3A_288 = vector.broadcast %add3A_287 : i32 to vector<16xi32>
          %add3A_289 = arith.addi %add3A_266, %add3A_288 : vector<16xi32>
          %gather3A_290 = tpu.vector_load_idx %arg11[%add3A_160, %add3A_289] : memref<64x128xf32, #tpu.memory_space<vmem>>[vector<16xi32>, vector<16xi32>], vector<16xf32>,
          %add3A_291 = arith.constant 2 : i32
          %add3A_292 = vector.broadcast %add3A_291 : i32 to vector<16xi32>
          %add3A_293 = arith.addi %add3A_266, %add3A_292 : vector<16xi32>
          %gather3A_294 = tpu.vector_load_idx %arg12[%add3A_160, %add3A_293] : memref<64x256xf32, #tpu.memory_space<vmem>>[vector<16xi32>, vector<16xi32>], vector<16xf32>,
          %mul3A_295 = arith.mulf %gather3A_290, %gather3A_294 : vector<16xf32>
          %add3A_296 = arith.addf %add3A_286, %mul3A_295 : vector<16xf32>
          %add3A_297 = arith.constant 3 : i32
          %add3A_298 = vector.broadcast %add3A_297 : i32 to vector<16xi32>
          %add3A_299 = arith.addi %add3A_266, %add3A_298 : vector<16xi32>
          %gather3A_300 = tpu.vector_load_idx %arg11[%add3A_160, %add3A_299] : memref<64x128xf32, #tpu.memory_space<vmem>>[vector<16xi32>, vector<16xi32>], vector<16xf32>,
          %add3A_301 = arith.constant 3 : i32
          %add3A_302 = vector.broadcast %add3A_301 : i32 to vector<16xi32>
          %add3A_303 = arith.addi %add3A_266, %add3A_302 : vector<16xi32>
          %gather3A_304 = tpu.vector_load_idx %arg12[%add3A_160, %add3A_303] : memref<64x256xf32, #tpu.memory_space<vmem>>[vector<16xi32>, vector<16xi32>], vector<16xf32>,
          %mul3A_305 = arith.mulf %gather3A_300, %gather3A_304 : vector<16xf32>
          %add3A_306 = arith.addf %add3A_296, %mul3A_305 : vector<16xf32>
          scf.yield %add3A_306 : vector<16xf32>
        }
        %scan3A_174 = arith.constant 8 : i32
        %mul3A_175 = arith.constant 0.176776692 : f32
        %mul3A_176 = vector.broadcast %mul3A_175 : f32 to vector<16xf32>
        %mul3A_177 = arith.mulf %scan3A_173, %mul3A_176 : vector<16xf32>
        %exp3A = math.exp %mul3A_177 : vector<16xf32>
        %mul3A_178 = arith.mulf %max3A_166, %exp3A : vector<16xf32>
        %add3A_179 = arith.constant 0 : i32
        %add3A_180 = vector.broadcast %add3A_179 : i32 to vector<16xi32>
        %add3A_181 = arith.addi %convert_element_type3A, %add3A_180 : vector<16xi32>
        tpu.vector_store_idx %arg13[%add3A_160, %add3A_181], %mul3A_178 : memref<64x128xf32, #tpu.memory_space<vmem>>[vector<16xi32>, vector<16xi32>], vector<16xf32>,
        %broadcast_in_dim3A_182 = arith.constant 0.000000e+00 : f32
        %broadcast_in_dim3A_183 = vector.broadcast %broadcast_in_dim3A_182 : f32 to vector<16xf32>
        %scan3A_184 = arith.constant 0 : i32
        %scan3A_185 = arith.constant 8 : i32
        %scan3A_186 = arith.addi %scan3A_184, %scan3A_185 : i32
        %scan3A_187 = arith.constant 1 : i32
        %scan3A_188 = scf.for %scan3A_259 = %scan3A_184 to %scan3A_186 step %scan3A_187 iter_args(%scan3A_260 = %broadcast_in_dim3A_183) -> (vector<16xf32>)  : i32 {
          %mul3A_261 = arith.constant 4 : i32
          %mul3A_262 = arith.muli %scan3A_259, %mul3A_261 : i32
          %broadcast_in_dim3A_263 = arith.constant 32 : i32
          %broadcast_in_dim3A_264 = vector.broadcast %broadcast_in_dim3A_263 : i32 to vector<16xi32>
          %add3A_265 = vector.broadcast %mul3A_262 : i32 to vector<16xi32>
          %add3A_266 = arith.addi %broadcast_in_dim3A_264, %add3A_265 : vector<16xi32>
          %add3A_267 = arith.constant 0 : i32
          %add3A_268 = vector.broadcast %add3A_267 : i32 to vector<16xi32>
          %add3A_269 = arith.addi %add3A_266, %add3A_268 : vector<16xi32>
          %gather3A_270 = tpu.vector_load_idx %arg11[%add3A_160, %add3A_269] : memref<64x128xf32, #tpu.memory_space<vmem>>[vector<16xi32>, vector<16xi32>], vector<16xf32>,
          %add3A_271 = arith.constant 0 : i32
          %add3A_272 = vector.broadcast %add3A_271 : i32 to vector<16xi32>
          %add3A_273 = arith.addi %add3A_266, %add3A_272 : vector<16xi32>
          %gather3A_274 = tpu.vector_load_idx %arg12[%add3A_160, %add3A_273] : memref<64x256xf32, #tpu.memory_space<vmem>>[vector<16xi32>, vector<16xi32>], vector<16xf32>,
          %mul3A_275 = arith.mulf %gather3A_270, %gather3A_274 : vector<16xf32>
          %add3A_276 = arith.addf %scan3A_260, %mul3A_275 : vector<16xf32>
          %add3A_277 = arith.constant 1 : i32
          %add3A_278 = vector.broadcast %add3A_277 : i32 to vector<16xi32>
          %add3A_279 = arith.addi %add3A_266, %add3A_278 : vector<16xi32>
          %gather3A_280 = tpu.vector_load_idx %arg11[%add3A_160, %add3A_279] : memref<64x128xf32, #tpu.memory_space<vmem>>[vector<16xi32>, vector<16xi32>], vector<16xf32>,
          %add3A_281 = arith.constant 1 : i32
          %add3A_282 = vector.broadcast %add3A_281 : i32 to vector<16xi32>
          %add3A_283 = arith.addi %add3A_266, %add3A_282 : vector<16xi32>
          %gather3A_284 = tpu.vector_load_idx %arg12[%add3A_160, %add3A_283] : memref<64x256xf32, #tpu.memory_space<vmem>>[vector<16xi32>, vector<16xi32>], vector<16xf32>,
          %mul3A_285 = arith.mulf %gather3A_280, %gather3A_284 : vector<16xf32>
          %add3A_286 = arith.addf %add3A_276, %mul3A_285 : vector<16xf32>
          %add3A_287 = arith.constant 2 : i32
          %add3A_288 = vector.broadcast %add3A_287 : i32 to vector<16xi32>
          %add3A_289 = arith.addi %add3A_266, %add3A_288 : vector<16xi32>
          %gather3A_290 = tpu.vector_load_idx %arg11[%add3A_160, %add3A_289] : memref<64x128xf32, #tpu.memory_space<vmem>>[vector<16xi32>, vector<16xi32>], vector<16xf32>,
          %add3A_291 = arith.constant 2 : i32
          %add3A_292 = vector.broadcast %add3A_291 : i32 to vector<16xi32>
          %add3A_293 = arith.addi %add3A_266, %add3A_292 : vector<16xi32>
          %gather3A_294 = tpu.vector_load_idx %arg12[%add3A_160, %add3A_293] : memref<64x256xf32, #tpu.memory_space<vmem>>[vector<16xi32>, vector<16xi32>], vector<16xf32>,
          %mul3A_295 = arith.mulf %gather3A_290, %gather3A_294 : vector<16xf32>
          %add3A_296 = arith.addf %add3A_286, %mul3A_295 : vector<16xf32>
          %add3A_297 = arith.constant 3 : i32
          %add3A_298 = vector.broadcast %add3A_297 : i32 to vector<16xi32>
          %add3A_299 = arith.addi %add3A_266, %add3A_298 : vector<16xi32>
          %gather3A_300 = tpu.vector_load_idx %arg11[%add3A_160, %add3A_299] : memref<64x128xf32, #tpu.memory_space<vmem>>[vector<16xi32>, vector<16xi32>], vector<16xf32>,
          %add3A_301 = arith.constant 3 : i32
          %add3A_302 = vector.broadcast %add3A_301 : i32 to vector<16xi32>
          %add3A_303 = arith.addi %add3A_266, %add3A_302 : vector<16xi32>
          %gather3A_304 = tpu.vector_load_idx %arg12[%add3A_160, %add3A_303] : memref<64x256xf32, #tpu.memory_space<vmem>>[vector<16xi32>, vector<16xi32>], vector<16xf32>,
          %mul3A_305 = arith.mulf %gather3A_300, %gather3A_304 : vector<16xf32>
          %add3A_306 = arith.addf %add3A_296, %mul3A_305 : vector<16xf32>
          scf.yield %add3A_306 : vector<16xf32>
        }
        %scan3A_189 = arith.constant 8 : i32
        %mul3A_190 = arith.constant 0.176776692 : f32
        %mul3A_191 = vector.broadcast %mul3A_190 : f32 to vector<16xf32>
        %mul3A_192 = arith.mulf %scan3A_188, %mul3A_191 : vector<16xf32>
        %exp3A_193 = math.exp %mul3A_192 : vector<16xf32>
        %mul3A_194 = arith.mulf %max3A_166, %exp3A_193 : vector<16xf32>
        %add3A_195 = arith.constant 1 : i32
        %add3A_196 = vector.broadcast %add3A_195 : i32 to vector<16xi32>
        %add3A_197 = arith.addi %convert_element_type3A, %add3A_196 : vector<16xi32>
        tpu.vector_store_idx %arg13[%add3A_160, %add3A_197], %mul3A_194 : memref<64x128xf32, #tpu.memory_space<vmem>>[vector<16xi32>, vector<16xi32>], vector<16xf32>,
        %broadcast_in_dim3A_198 = arith.constant 0.000000e+00 : f32
        %broadcast_in_dim3A_199 = vector.broadcast %broadcast_in_dim3A_198 : f32 to vector<16xf32>
        %scan3A_200 = arith.constant 0 : i32
        %scan3A_201 = arith.constant 8 : i32
        %scan3A_202 = arith.addi %scan3A_200, %scan3A_201 : i32
        %scan3A_203 = arith.constant 1 : i32
        %scan3A_204 = scf.for %scan3A_259 = %scan3A_200 to %scan3A_202 step %scan3A_203 iter_args(%scan3A_260 = %broadcast_in_dim3A_199) -> (vector<16xf32>)  : i32 {
          %mul3A_261 = arith.constant 4 : i32
          %mul3A_262 = arith.muli %scan3A_259, %mul3A_261 : i32
          %broadcast_in_dim3A_263 = arith.constant 64 : i32
          %broadcast_in_dim3A_264 = vector.broadcast %broadcast_in_dim3A_263 : i32 to vector<16xi32>
          %add3A_265 = vector.broadcast %mul3A_262 : i32 to vector<16xi32>
          %add3A_266 = arith.addi %broadcast_in_dim3A_264, %add3A_265 : vector<16xi32>
          %add3A_267 = arith.constant 0 : i32
          %add3A_268 = vector.broadcast %add3A_267 : i32 to vector<16xi32>
          %add3A_269 = arith.addi %add3A_266, %add3A_268 : vector<16xi32>
          %gather3A_270 = tpu.vector_load_idx %arg11[%add3A_160, %add3A_269] : memref<64x128xf32, #tpu.memory_space<vmem>>[vector<16xi32>, vector<16xi32>], vector<16xf32>,
          %add3A_271 = arith.constant 0 : i32
          %add3A_272 = vector.broadcast %add3A_271 : i32 to vector<16xi32>
          %add3A_273 = arith.addi %add3A_266, %add3A_272 : vector<16xi32>
          %gather3A_274 = tpu.vector_load_idx %arg12[%add3A_160, %add3A_273] : memref<64x256xf32, #tpu.memory_space<vmem>>[vector<16xi32>, vector<16xi32>], vector<16xf32>,
          %mul3A_275 = arith.mulf %gather3A_270, %gather3A_274 : vector<16xf32>
          %add3A_276 = arith.addf %scan3A_260, %mul3A_275 : vector<16xf32>
          %add3A_277 = arith.constant 1 : i32
          %add3A_278 = vector.broadcast %add3A_277 : i32 to vector<16xi32>
          %add3A_279 = arith.addi %add3A_266, %add3A_278 : vector<16xi32>
          %gather3A_280 = tpu.vector_load_idx %arg11[%add3A_160, %add3A_279] : memref<64x128xf32, #tpu.memory_space<vmem>>[vector<16xi32>, vector<16xi32>], vector<16xf32>,
          %add3A_281 = arith.constant 1 : i32
          %add3A_282 = vector.broadcast %add3A_281 : i32 to vector<16xi32>
          %add3A_283 = arith.addi %add3A_266, %add3A_282 : vector<16xi32>
          %gather3A_284 = tpu.vector_load_idx %arg12[%add3A_160, %add3A_283] : memref<64x256xf32, #tpu.memory_space<vmem>>[vector<16xi32>, vector<16xi32>], vector<16xf32>,
          %mul3A_285 = arith.mulf %gather3A_280, %gather3A_284 : vector<16xf32>
          %add3A_286 = arith.addf %add3A_276, %mul3A_285 : vector<16xf32>
          %add3A_287 = arith.constant 2 : i32
          %add3A_288 = vector.broadcast %add3A_287 : i32 to vector<16xi32>
          %add3A_289 = arith.addi %add3A_266, %add3A_288 : vector<16xi32>
          %gather3A_290 = tpu.vector_load_idx %arg11[%add3A_160, %add3A_289] : memref<64x128xf32, #tpu.memory_space<vmem>>[vector<16xi32>, vector<16xi32>], vector<16xf32>,
          %add3A_291 = arith.constant 2 : i32
          %add3A_292 = vector.broadcast %add3A_291 : i32 to vector<16xi32>
          %add3A_293 = arith.addi %add3A_266, %add3A_292 : vector<16xi32>
          %gather3A_294 = tpu.vector_load_idx %arg12[%add3A_160, %add3A_293] : memref<64x256xf32, #tpu.memory_space<vmem>>[vector<16xi32>, vector<16xi32>], vector<16xf32>,
          %mul3A_295 = arith.mulf %gather3A_290, %gather3A_294 : vector<16xf32>
          %add3A_296 = arith.addf %add3A_286, %mul3A_295 : vector<16xf32>
          %add3A_297 = arith.constant 3 : i32
          %add3A_298 = vector.broadcast %add3A_297 : i32 to vector<16xi32>
          %add3A_299 = arith.addi %add3A_266, %add3A_298 : vector<16xi32>
          %gather3A_300 = tpu.vector_load_idx %arg11[%add3A_160, %add3A_299] : memref<64x128xf32, #tpu.memory_space<vmem>>[vector<16xi32>, vector<16xi32>], vector<16xf32>,
          %add3A_301 = arith.constant 3 : i32
          %add3A_302 = vector.broadcast %add3A_301 : i32 to vector<16xi32>
          %add3A_303 = arith.addi %add3A_266, %add3A_302 : vector<16xi32>
          %gather3A_304 = tpu.vector_load_idx %arg12[%add3A_160, %add3A_303] : memref<64x256xf32, #tpu.memory_space<vmem>>[vector<16xi32>, vector<16xi32>], vector<16xf32>,
          %mul3A_305 = arith.mulf %gather3A_300, %gather3A_304 : vector<16xf32>
          %add3A_306 = arith.addf %add3A_296, %mul3A_305 : vector<16xf32>
          scf.yield %add3A_306 : vector<16xf32>
        }
        %scan3A_205 = arith.constant 8 : i32
        %mul3A_206 = arith.constant 0.176776692 : f32
        %mul3A_207 = vector.broadcast %mul3A_206 : f32 to vector<16xf32>
        %mul3A_208 = arith.mulf %scan3A_204, %mul3A_207 : vector<16xf32>
        %exp3A_209 = math.exp %mul3A_208 : vector<16xf32>
        %mul3A_210 = arith.mulf %max3A_166, %exp3A_209 : vector<16xf32>
        %add3A_211 = arith.constant 2 : i32
        %add3A_212 = vector.broadcast %add3A_211 : i32 to vector<16xi32>
        %add3A_213 = arith.addi %convert_element_type3A, %add3A_212 : vector<16xi32>
        tpu.vector_store_idx %arg13[%add3A_160, %add3A_213], %mul3A_210 : memref<64x128xf32, #tpu.memory_space<vmem>>[vector<16xi32>, vector<16xi32>], vector<16xf32>,
        %broadcast_in_dim3A_214 = arith.constant 0.000000e+00 : f32
        %broadcast_in_dim3A_215 = vector.broadcast %broadcast_in_dim3A_214 : f32 to vector<16xf32>
        %scan3A_216 = arith.constant 0 : i32
        %scan3A_217 = arith.constant 8 : i32
        %scan3A_218 = arith.addi %scan3A_216, %scan3A_217 : i32
        %scan3A_219 = arith.constant 1 : i32
        %scan3A_220 = scf.for %scan3A_259 = %scan3A_216 to %scan3A_218 step %scan3A_219 iter_args(%scan3A_260 = %broadcast_in_dim3A_215) -> (vector<16xf32>)  : i32 {
          %mul3A_261 = arith.constant 4 : i32
          %mul3A_262 = arith.muli %scan3A_259, %mul3A_261 : i32
          %broadcast_in_dim3A_263 = arith.constant 96 : i32
          %broadcast_in_dim3A_264 = vector.broadcast %broadcast_in_dim3A_263 : i32 to vector<16xi32>
          %add3A_265 = vector.broadcast %mul3A_262 : i32 to vector<16xi32>
          %add3A_266 = arith.addi %broadcast_in_dim3A_264, %add3A_265 : vector<16xi32>
          %add3A_267 = arith.constant 0 : i32
          %add3A_268 = vector.broadcast %add3A_267 : i32 to vector<16xi32>
          %add3A_269 = arith.addi %add3A_266, %add3A_268 : vector<16xi32>
          %gather3A_270 = tpu.vector_load_idx %arg11[%add3A_160, %add3A_269] : memref<64x128xf32, #tpu.memory_space<vmem>>[vector<16xi32>, vector<16xi32>], vector<16xf32>,
          %add3A_271 = arith.constant 0 : i32
          %add3A_272 = vector.broadcast %add3A_271 : i32 to vector<16xi32>
          %add3A_273 = arith.addi %add3A_266, %add3A_272 : vector<16xi32>
          %gather3A_274 = tpu.vector_load_idx %arg12[%add3A_160, %add3A_273] : memref<64x256xf32, #tpu.memory_space<vmem>>[vector<16xi32>, vector<16xi32>], vector<16xf32>,
          %mul3A_275 = arith.mulf %gather3A_270, %gather3A_274 : vector<16xf32>
          %add3A_276 = arith.addf %scan3A_260, %mul3A_275 : vector<16xf32>
          %add3A_277 = arith.constant 1 : i32
          %add3A_278 = vector.broadcast %add3A_277 : i32 to vector<16xi32>
          %add3A_279 = arith.addi %add3A_266, %add3A_278 : vector<16xi32>
          %gather3A_280 = tpu.vector_load_idx %arg11[%add3A_160, %add3A_279] : memref<64x128xf32, #tpu.memory_space<vmem>>[vector<16xi32>, vector<16xi32>], vector<16xf32>,
          %add3A_281 = arith.constant 1 : i32
          %add3A_282 = vector.broadcast %add3A_281 : i32 to vector<16xi32>
          %add3A_283 = arith.addi %add3A_266, %add3A_282 : vector<16xi32>
          %gather3A_284 = tpu.vector_load_idx %arg12[%add3A_160, %add3A_283] : memref<64x256xf32, #tpu.memory_space<vmem>>[vector<16xi32>, vector<16xi32>], vector<16xf32>,
          %mul3A_285 = arith.mulf %gather3A_280, %gather3A_284 : vector<16xf32>
          %add3A_286 = arith.addf %add3A_276, %mul3A_285 : vector<16xf32>
          %add3A_287 = arith.constant 2 : i32
          %add3A_288 = vector.broadcast %add3A_287 : i32 to vector<16xi32>
          %add3A_289 = arith.addi %add3A_266, %add3A_288 : vector<16xi32>
          %gather3A_290 = tpu.vector_load_idx %arg11[%add3A_160, %add3A_289] : memref<64x128xf32, #tpu.memory_space<vmem>>[vector<16xi32>, vector<16xi32>], vector<16xf32>,
          %add3A_291 = arith.constant 2 : i32
          %add3A_292 = vector.broadcast %add3A_291 : i32 to vector<16xi32>
          %add3A_293 = arith.addi %add3A_266, %add3A_292 : vector<16xi32>
          %gather3A_294 = tpu.vector_load_idx %arg12[%add3A_160, %add3A_293] : memref<64x256xf32, #tpu.memory_space<vmem>>[vector<16xi32>, vector<16xi32>], vector<16xf32>,
          %mul3A_295 = arith.mulf %gather3A_290, %gather3A_294 : vector<16xf32>
          %add3A_296 = arith.addf %add3A_286, %mul3A_295 : vector<16xf32>
          %add3A_297 = arith.constant 3 : i32
          %add3A_298 = vector.broadcast %add3A_297 : i32 to vector<16xi32>
          %add3A_299 = arith.addi %add3A_266, %add3A_298 : vector<16xi32>
          %gather3A_300 = tpu.vector_load_idx %arg11[%add3A_160, %add3A_299] : memref<64x128xf32, #tpu.memory_space<vmem>>[vector<16xi32>, vector<16xi32>], vector<16xf32>,
          %add3A_301 = arith.constant 3 : i32
          %add3A_302 = vector.broadcast %add3A_301 : i32 to vector<16xi32>
          %add3A_303 = arith.addi %add3A_266, %add3A_302 : vector<16xi32>
          %gather3A_304 = tpu.vector_load_idx %arg12[%add3A_160, %add3A_303] : memref<64x256xf32, #tpu.memory_space<vmem>>[vector<16xi32>, vector<16xi32>], vector<16xf32>,
          %mul3A_305 = arith.mulf %gather3A_300, %gather3A_304 : vector<16xf32>
          %add3A_306 = arith.addf %add3A_296, %mul3A_305 : vector<16xf32>
          scf.yield %add3A_306 : vector<16xf32>
        }
        %scan3A_221 = arith.constant 8 : i32
        %mul3A_222 = arith.constant 0.176776692 : f32
        %mul3A_223 = vector.broadcast %mul3A_222 : f32 to vector<16xf32>
        %mul3A_224 = arith.mulf %scan3A_220, %mul3A_223 : vector<16xf32>
        %exp3A_225 = math.exp %mul3A_224 : vector<16xf32>
        %mul3A_226 = arith.mulf %max3A_166, %exp3A_225 : vector<16xf32>
        %add3A_227 = arith.constant 3 : i32
        %add3A_228 = vector.broadcast %add3A_227 : i32 to vector<16xi32>
        %add3A_229 = arith.addi %convert_element_type3A, %add3A_228 : vector<16xi32>
        tpu.vector_store_idx %arg13[%add3A_160, %add3A_229], %mul3A_226 : memref<64x128xf32, #tpu.memory_space<vmem>>[vector<16xi32>, vector<16xi32>], vector<16xf32>,
        %scan3A_230 = arith.constant 0 : i32
        %scan3A_231 = arith.constant 0 : i32
        %scan3A_232 = arith.constant 8 : i32
        %scan3A_233 = arith.addi %scan3A_231, %scan3A_232 : i32
        %scan3A_234 = arith.constant 1 : i32
        %scan3A_235 = scf.for %scan3A_259 = %scan3A_231 to %scan3A_233 step %scan3A_234 iter_args(%scan3A_260 = %scan3A_230) -> (i32)  : i32 {
          %mul3A_261 = arith.constant 4 : i32
          %mul3A_262 = arith.muli %scan3A_259, %mul3A_261 : i32
          %broadcast_in_dim3A_263 = arith.constant 0 : i32
          %broadcast_in_dim3A_264 = vector.broadcast %broadcast_in_dim3A_263 : i32 to vector<16xi32>
          %add3A_265 = vector.broadcast %mul3A_262 : i32 to vector<16xi32>
          %add3A_266 = arith.addi %broadcast_in_dim3A_264, %add3A_265 : vector<16xi32>
          %add3A_267 = arith.constant 0 : i32
          %add3A_268 = vector.broadcast %add3A_267 : i32 to vector<16xi32>
          %add3A_269 = arith.addi %add3A_266, %add3A_268 : vector<16xi32>
          %add3A_270 = arith.constant 128 : i32
          %add3A_271 = vector.broadcast %add3A_270 : i32 to vector<16xi32>
          %add3A_272 = arith.addi %add3A_269, %add3A_271 : vector<16xi32>
          %gather3A_273 = tpu.vector_load_idx %arg12[%add3A_160, %add3A_272] : memref<64x256xf32, #tpu.memory_space<vmem>>[vector<16xi32>, vector<16xi32>], vector<16xf32>,
          %add3A_274 = arith.constant 0 : i32
          %add3A_275 = vector.broadcast %add3A_274 : i32 to vector<16xi32>
          %add3A_276 = arith.addi %add3A_266, %add3A_275 : vector<16xi32>
          %mul3A_277 = arith.mulf %gather3A_273, %mul3A_178 : vector<16xf32>
          tpu.vector_store_idx %arg11[%add3A_160, %add3A_276], %mul3A_277 : memref<64x128xf32, #tpu.memory_space<vmem>>[vector<16xi32>, vector<16xi32>], vector<16xf32>,
          %add3A_278 = arith.constant 1 : i32
          %add3A_279 = vector.broadcast %add3A_278 : i32 to vector<16xi32>
          %add3A_280 = arith.addi %add3A_266, %add3A_279 : vector<16xi32>
          %add3A_281 = arith.constant 128 : i32
          %add3A_282 = vector.broadcast %add3A_281 : i32 to vector<16xi32>
          %add3A_283 = arith.addi %add3A_280, %add3A_282 : vector<16xi32>
          %gather3A_284 = tpu.vector_load_idx %arg12[%add3A_160, %add3A_283] : memref<64x256xf32, #tpu.memory_space<vmem>>[vector<16xi32>, vector<16xi32>], vector<16xf32>,
          %add3A_285 = arith.constant 1 : i32
          %add3A_286 = vector.broadcast %add3A_285 : i32 to vector<16xi32>
          %add3A_287 = arith.addi %add3A_266, %add3A_286 : vector<16xi32>
          %mul3A_288 = arith.mulf %gather3A_284, %mul3A_178 : vector<16xf32>
          tpu.vector_store_idx %arg11[%add3A_160, %add3A_287], %mul3A_288 : memref<64x128xf32, #tpu.memory_space<vmem>>[vector<16xi32>, vector<16xi32>], vector<16xf32>,
          %add3A_289 = arith.constant 2 : i32
          %add3A_290 = vector.broadcast %add3A_289 : i32 to vector<16xi32>
          %add3A_291 = arith.addi %add3A_266, %add3A_290 : vector<16xi32>
          %add3A_292 = arith.constant 128 : i32
          %add3A_293 = vector.broadcast %add3A_292 : i32 to vector<16xi32>
          %add3A_294 = arith.addi %add3A_291, %add3A_293 : vector<16xi32>
          %gather3A_295 = tpu.vector_load_idx %arg12[%add3A_160, %add3A_294] : memref<64x256xf32, #tpu.memory_space<vmem>>[vector<16xi32>, vector<16xi32>], vector<16xf32>,
          %add3A_296 = arith.constant 2 : i32
          %add3A_297 = vector.broadcast %add3A_296 : i32 to vector<16xi32>
          %add3A_298 = arith.addi %add3A_266, %add3A_297 : vector<16xi32>
          %mul3A_299 = arith.mulf %gather3A_295, %mul3A_178 : vector<16xf32>
          tpu.vector_store_idx %arg11[%add3A_160, %add3A_298], %mul3A_299 : memref<64x128xf32, #tpu.memory_space<vmem>>[vector<16xi32>, vector<16xi32>], vector<16xf32>,
          %add3A_300 = arith.constant 3 : i32
          %add3A_301 = vector.broadcast %add3A_300 : i32 to vector<16xi32>
          %add3A_302 = arith.addi %add3A_266, %add3A_301 : vector<16xi32>
          %add3A_303 = arith.constant 128 : i32
          %add3A_304 = vector.broadcast %add3A_303 : i32 to vector<16xi32>
          %add3A_305 = arith.addi %add3A_302, %add3A_304 : vector<16xi32>
          %gather3A_306 = tpu.vector_load_idx %arg12[%add3A_160, %add3A_305] : memref<64x256xf32, #tpu.memory_space<vmem>>[vector<16xi32>, vector<16xi32>], vector<16xf32>,
          %add3A_307 = arith.constant 3 : i32
          %add3A_308 = vector.broadcast %add3A_307 : i32 to vector<16xi32>
          %add3A_309 = arith.addi %add3A_266, %add3A_308 : vector<16xi32>
          %mul3A_310 = arith.mulf %gather3A_306, %mul3A_178 : vector<16xf32>
          tpu.vector_store_idx %arg11[%add3A_160, %add3A_309], %mul3A_310 : memref<64x128xf32, #tpu.memory_space<vmem>>[vector<16xi32>, vector<16xi32>], vector<16xf32>,
          %scan3A_311 = arith.constant 0 : i32
          scf.yield %scan3A_311 : i32
        }
        %scan3A_236 = arith.constant 8 : i32
        %scan3A_237 = arith.constant 0 : i32
        %scan3A_238 = arith.constant 0 : i32
        %scan3A_239 = arith.constant 8 : i32
        %scan3A_240 = arith.addi %scan3A_238, %scan3A_239 : i32
        %scan3A_241 = arith.constant 1 : i32
        %scan3A_242 = scf.for %scan3A_259 = %scan3A_238 to %scan3A_240 step %scan3A_241 iter_args(%scan3A_260 = %scan3A_237) -> (i32)  : i32 {
          %mul3A_261 = arith.constant 4 : i32
          %mul3A_262 = arith.muli %scan3A_259, %mul3A_261 : i32
          %broadcast_in_dim3A_263 = arith.constant 32 : i32
          %broadcast_in_dim3A_264 = vector.broadcast %broadcast_in_dim3A_263 : i32 to vector<16xi32>
          %add3A_265 = vector.broadcast %mul3A_262 : i32 to vector<16xi32>
          %add3A_266 = arith.addi %broadcast_in_dim3A_264, %add3A_265 : vector<16xi32>
          %add3A_267 = arith.constant 0 : i32
          %add3A_268 = vector.broadcast %add3A_267 : i32 to vector<16xi32>
          %add3A_269 = arith.addi %add3A_266, %add3A_268 : vector<16xi32>
          %add3A_270 = arith.constant 128 : i32
          %add3A_271 = vector.broadcast %add3A_270 : i32 to vector<16xi32>
          %add3A_272 = arith.addi %add3A_269, %add3A_271 : vector<16xi32>
          %gather3A_273 = tpu.vector_load_idx %arg12[%add3A_160, %add3A_272] : memref<64x256xf32, #tpu.memory_space<vmem>>[vector<16xi32>, vector<16xi32>], vector<16xf32>,
          %add3A_274 = arith.constant 0 : i32
          %add3A_275 = vector.broadcast %add3A_274 : i32 to vector<16xi32>
          %add3A_276 = arith.addi %add3A_266, %add3A_275 : vector<16xi32>
          %mul3A_277 = arith.mulf %gather3A_273, %mul3A_194 : vector<16xf32>
          tpu.vector_store_idx %arg11[%add3A_160, %add3A_276], %mul3A_277 : memref<64x128xf32, #tpu.memory_space<vmem>>[vector<16xi32>, vector<16xi32>], vector<16xf32>,
          %add3A_278 = arith.constant 1 : i32
          %add3A_279 = vector.broadcast %add3A_278 : i32 to vector<16xi32>
          %add3A_280 = arith.addi %add3A_266, %add3A_279 : vector<16xi32>
          %add3A_281 = arith.constant 128 : i32
          %add3A_282 = vector.broadcast %add3A_281 : i32 to vector<16xi32>
          %add3A_283 = arith.addi %add3A_280, %add3A_282 : vector<16xi32>
          %gather3A_284 = tpu.vector_load_idx %arg12[%add3A_160, %add3A_283] : memref<64x256xf32, #tpu.memory_space<vmem>>[vector<16xi32>, vector<16xi32>], vector<16xf32>,
          %add3A_285 = arith.constant 1 : i32
          %add3A_286 = vector.broadcast %add3A_285 : i32 to vector<16xi32>
          %add3A_287 = arith.addi %add3A_266, %add3A_286 : vector<16xi32>
          %mul3A_288 = arith.mulf %gather3A_284, %mul3A_194 : vector<16xf32>
          tpu.vector_store_idx %arg11[%add3A_160, %add3A_287], %mul3A_288 : memref<64x128xf32, #tpu.memory_space<vmem>>[vector<16xi32>, vector<16xi32>], vector<16xf32>,
          %add3A_289 = arith.constant 2 : i32
          %add3A_290 = vector.broadcast %add3A_289 : i32 to vector<16xi32>
          %add3A_291 = arith.addi %add3A_266, %add3A_290 : vector<16xi32>
          %add3A_292 = arith.constant 128 : i32
          %add3A_293 = vector.broadcast %add3A_292 : i32 to vector<16xi32>
          %add3A_294 = arith.addi %add3A_291, %add3A_293 : vector<16xi32>
          %gather3A_295 = tpu.vector_load_idx %arg12[%add3A_160, %add3A_294] : memref<64x256xf32, #tpu.memory_space<vmem>>[vector<16xi32>, vector<16xi32>], vector<16xf32>,
          %add3A_296 = arith.constant 2 : i32
          %add3A_297 = vector.broadcast %add3A_296 : i32 to vector<16xi32>
          %add3A_298 = arith.addi %add3A_266, %add3A_297 : vector<16xi32>
          %mul3A_299 = arith.mulf %gather3A_295, %mul3A_194 : vector<16xf32>
          tpu.vector_store_idx %arg11[%add3A_160, %add3A_298], %mul3A_299 : memref<64x128xf32, #tpu.memory_space<vmem>>[vector<16xi32>, vector<16xi32>], vector<16xf32>,
          %add3A_300 = arith.constant 3 : i32
          %add3A_301 = vector.broadcast %add3A_300 : i32 to vector<16xi32>
          %add3A_302 = arith.addi %add3A_266, %add3A_301 : vector<16xi32>
          %add3A_303 = arith.constant 128 : i32
          %add3A_304 = vector.broadcast %add3A_303 : i32 to vector<16xi32>
          %add3A_305 = arith.addi %add3A_302, %add3A_304 : vector<16xi32>
          %gather3A_306 = tpu.vector_load_idx %arg12[%add3A_160, %add3A_305] : memref<64x256xf32, #tpu.memory_space<vmem>>[vector<16xi32>, vector<16xi32>], vector<16xf32>,
          %add3A_307 = arith.constant 3 : i32
          %add3A_308 = vector.broadcast %add3A_307 : i32 to vector<16xi32>
          %add3A_309 = arith.addi %add3A_266, %add3A_308 : vector<16xi32>
          %mul3A_310 = arith.mulf %gather3A_306, %mul3A_194 : vector<16xf32>
          tpu.vector_store_idx %arg11[%add3A_160, %add3A_309], %mul3A_310 : memref<64x128xf32, #tpu.memory_space<vmem>>[vector<16xi32>, vector<16xi32>], vector<16xf32>,
          %scan3A_311 = arith.constant 0 : i32
          scf.yield %scan3A_311 : i32
        }
        %scan3A_243 = arith.constant 8 : i32
        %scan3A_244 = arith.constant 0 : i32
        %scan3A_245 = arith.constant 0 : i32
        %scan3A_246 = arith.constant 8 : i32
        %scan3A_247 = arith.addi %scan3A_245, %scan3A_246 : i32
        %scan3A_248 = arith.constant 1 : i32
        %scan3A_249 = scf.for %scan3A_259 = %scan3A_245 to %scan3A_247 step %scan3A_248 iter_args(%scan3A_260 = %scan3A_244) -> (i32)  : i32 {
          %mul3A_261 = arith.constant 4 : i32
          %mul3A_262 = arith.muli %scan3A_259, %mul3A_261 : i32
          %broadcast_in_dim3A_263 = arith.constant 64 : i32
          %broadcast_in_dim3A_264 = vector.broadcast %broadcast_in_dim3A_263 : i32 to vector<16xi32>
          %add3A_265 = vector.broadcast %mul3A_262 : i32 to vector<16xi32>
          %add3A_266 = arith.addi %broadcast_in_dim3A_264, %add3A_265 : vector<16xi32>
          %add3A_267 = arith.constant 0 : i32
          %add3A_268 = vector.broadcast %add3A_267 : i32 to vector<16xi32>
          %add3A_269 = arith.addi %add3A_266, %add3A_268 : vector<16xi32>
          %add3A_270 = arith.constant 128 : i32
          %add3A_271 = vector.broadcast %add3A_270 : i32 to vector<16xi32>
          %add3A_272 = arith.addi %add3A_269, %add3A_271 : vector<16xi32>
          %gather3A_273 = tpu.vector_load_idx %arg12[%add3A_160, %add3A_272] : memref<64x256xf32, #tpu.memory_space<vmem>>[vector<16xi32>, vector<16xi32>], vector<16xf32>,
          %add3A_274 = arith.constant 0 : i32
          %add3A_275 = vector.broadcast %add3A_274 : i32 to vector<16xi32>
          %add3A_276 = arith.addi %add3A_266, %add3A_275 : vector<16xi32>
          %mul3A_277 = arith.mulf %gather3A_273, %mul3A_210 : vector<16xf32>
          tpu.vector_store_idx %arg11[%add3A_160, %add3A_276], %mul3A_277 : memref<64x128xf32, #tpu.memory_space<vmem>>[vector<16xi32>, vector<16xi32>], vector<16xf32>,
          %add3A_278 = arith.constant 1 : i32
          %add3A_279 = vector.broadcast %add3A_278 : i32 to vector<16xi32>
          %add3A_280 = arith.addi %add3A_266, %add3A_279 : vector<16xi32>
          %add3A_281 = arith.constant 128 : i32
          %add3A_282 = vector.broadcast %add3A_281 : i32 to vector<16xi32>
          %add3A_283 = arith.addi %add3A_280, %add3A_282 : vector<16xi32>
          %gather3A_284 = tpu.vector_load_idx %arg12[%add3A_160, %add3A_283] : memref<64x256xf32, #tpu.memory_space<vmem>>[vector<16xi32>, vector<16xi32>], vector<16xf32>,
          %add3A_285 = arith.constant 1 : i32
          %add3A_286 = vector.broadcast %add3A_285 : i32 to vector<16xi32>
          %add3A_287 = arith.addi %add3A_266, %add3A_286 : vector<16xi32>
          %mul3A_288 = arith.mulf %gather3A_284, %mul3A_210 : vector<16xf32>
          tpu.vector_store_idx %arg11[%add3A_160, %add3A_287], %mul3A_288 : memref<64x128xf32, #tpu.memory_space<vmem>>[vector<16xi32>, vector<16xi32>], vector<16xf32>,
          %add3A_289 = arith.constant 2 : i32
          %add3A_290 = vector.broadcast %add3A_289 : i32 to vector<16xi32>
          %add3A_291 = arith.addi %add3A_266, %add3A_290 : vector<16xi32>
          %add3A_292 = arith.constant 128 : i32
          %add3A_293 = vector.broadcast %add3A_292 : i32 to vector<16xi32>
          %add3A_294 = arith.addi %add3A_291, %add3A_293 : vector<16xi32>
          %gather3A_295 = tpu.vector_load_idx %arg12[%add3A_160, %add3A_294] : memref<64x256xf32, #tpu.memory_space<vmem>>[vector<16xi32>, vector<16xi32>], vector<16xf32>,
          %add3A_296 = arith.constant 2 : i32
          %add3A_297 = vector.broadcast %add3A_296 : i32 to vector<16xi32>
          %add3A_298 = arith.addi %add3A_266, %add3A_297 : vector<16xi32>
          %mul3A_299 = arith.mulf %gather3A_295, %mul3A_210 : vector<16xf32>
          tpu.vector_store_idx %arg11[%add3A_160, %add3A_298], %mul3A_299 : memref<64x128xf32, #tpu.memory_space<vmem>>[vector<16xi32>, vector<16xi32>], vector<16xf32>,
          %add3A_300 = arith.constant 3 : i32
          %add3A_301 = vector.broadcast %add3A_300 : i32 to vector<16xi32>
          %add3A_302 = arith.addi %add3A_266, %add3A_301 : vector<16xi32>
          %add3A_303 = arith.constant 128 : i32
          %add3A_304 = vector.broadcast %add3A_303 : i32 to vector<16xi32>
          %add3A_305 = arith.addi %add3A_302, %add3A_304 : vector<16xi32>
          %gather3A_306 = tpu.vector_load_idx %arg12[%add3A_160, %add3A_305] : memref<64x256xf32, #tpu.memory_space<vmem>>[vector<16xi32>, vector<16xi32>], vector<16xf32>,
          %add3A_307 = arith.constant 3 : i32
          %add3A_308 = vector.broadcast %add3A_307 : i32 to vector<16xi32>
          %add3A_309 = arith.addi %add3A_266, %add3A_308 : vector<16xi32>
          %mul3A_310 = arith.mulf %gather3A_306, %mul3A_210 : vector<16xf32>
          tpu.vector_store_idx %arg11[%add3A_160, %add3A_309], %mul3A_310 : memref<64x128xf32, #tpu.memory_space<vmem>>[vector<16xi32>, vector<16xi32>], vector<16xf32>,
          %scan3A_311 = arith.constant 0 : i32
          scf.yield %scan3A_311 : i32
        }
        %scan3A_250 = arith.constant 8 : i32
        %scan3A_251 = arith.constant 0 : i32
        %scan3A_252 = arith.constant 0 : i32
        %scan3A_253 = arith.constant 8 : i32
        %scan3A_254 = arith.addi %scan3A_252, %scan3A_253 : i32
        %scan3A_255 = arith.constant 1 : i32
        %scan3A_256 = scf.for %scan3A_259 = %scan3A_252 to %scan3A_254 step %scan3A_255 iter_args(%scan3A_260 = %scan3A_251) -> (i32)  : i32 {
          %mul3A_261 = arith.constant 4 : i32
          %mul3A_262 = arith.muli %scan3A_259, %mul3A_261 : i32
          %broadcast_in_dim3A_263 = arith.constant 96 : i32
          %broadcast_in_dim3A_264 = vector.broadcast %broadcast_in_dim3A_263 : i32 to vector<16xi32>
          %add3A_265 = vector.broadcast %mul3A_262 : i32 to vector<16xi32>
          %add3A_266 = arith.addi %broadcast_in_dim3A_264, %add3A_265 : vector<16xi32>
          %add3A_267 = arith.constant 0 : i32
          %add3A_268 = vector.broadcast %add3A_267 : i32 to vector<16xi32>
          %add3A_269 = arith.addi %add3A_266, %add3A_268 : vector<16xi32>
          %add3A_270 = arith.constant 128 : i32
          %add3A_271 = vector.broadcast %add3A_270 : i32 to vector<16xi32>
          %add3A_272 = arith.addi %add3A_269, %add3A_271 : vector<16xi32>
          %gather3A_273 = tpu.vector_load_idx %arg12[%add3A_160, %add3A_272] : memref<64x256xf32, #tpu.memory_space<vmem>>[vector<16xi32>, vector<16xi32>], vector<16xf32>,
          %add3A_274 = arith.constant 0 : i32
          %add3A_275 = vector.broadcast %add3A_274 : i32 to vector<16xi32>
          %add3A_276 = arith.addi %add3A_266, %add3A_275 : vector<16xi32>
          %mul3A_277 = arith.mulf %gather3A_273, %mul3A_226 : vector<16xf32>
          tpu.vector_store_idx %arg11[%add3A_160, %add3A_276], %mul3A_277 : memref<64x128xf32, #tpu.memory_space<vmem>>[vector<16xi32>, vector<16xi32>], vector<16xf32>,
          %add3A_278 = arith.constant 1 : i32
          %add3A_279 = vector.broadcast %add3A_278 : i32 to vector<16xi32>
          %add3A_280 = arith.addi %add3A_266, %add3A_279 : vector<16xi32>
          %add3A_281 = arith.constant 128 : i32
          %add3A_282 = vector.broadcast %add3A_281 : i32 to vector<16xi32>
          %add3A_283 = arith.addi %add3A_280, %add3A_282 : vector<16xi32>
          %gather3A_284 = tpu.vector_load_idx %arg12[%add3A_160, %add3A_283] : memref<64x256xf32, #tpu.memory_space<vmem>>[vector<16xi32>, vector<16xi32>], vector<16xf32>,
          %add3A_285 = arith.constant 1 : i32
          %add3A_286 = vector.broadcast %add3A_285 : i32 to vector<16xi32>
          %add3A_287 = arith.addi %add3A_266, %add3A_286 : vector<16xi32>
          %mul3A_288 = arith.mulf %gather3A_284, %mul3A_226 : vector<16xf32>
          tpu.vector_store_idx %arg11[%add3A_160, %add3A_287], %mul3A_288 : memref<64x128xf32, #tpu.memory_space<vmem>>[vector<16xi32>, vector<16xi32>], vector<16xf32>,
          %add3A_289 = arith.constant 2 : i32
          %add3A_290 = vector.broadcast %add3A_289 : i32 to vector<16xi32>
          %add3A_291 = arith.addi %add3A_266, %add3A_290 : vector<16xi32>
          %add3A_292 = arith.constant 128 : i32
          %add3A_293 = vector.broadcast %add3A_292 : i32 to vector<16xi32>
          %add3A_294 = arith.addi %add3A_291, %add3A_293 : vector<16xi32>
          %gather3A_295 = tpu.vector_load_idx %arg12[%add3A_160, %add3A_294] : memref<64x256xf32, #tpu.memory_space<vmem>>[vector<16xi32>, vector<16xi32>], vector<16xf32>,
          %add3A_296 = arith.constant 2 : i32
          %add3A_297 = vector.broadcast %add3A_296 : i32 to vector<16xi32>
          %add3A_298 = arith.addi %add3A_266, %add3A_297 : vector<16xi32>
          %mul3A_299 = arith.mulf %gather3A_295, %mul3A_226 : vector<16xf32>
          tpu.vector_store_idx %arg11[%add3A_160, %add3A_298], %mul3A_299 : memref<64x128xf32, #tpu.memory_space<vmem>>[vector<16xi32>, vector<16xi32>], vector<16xf32>,
          %add3A_300 = arith.constant 3 : i32
          %add3A_301 = vector.broadcast %add3A_300 : i32 to vector<16xi32>
          %add3A_302 = arith.addi %add3A_266, %add3A_301 : vector<16xi32>
          %add3A_303 = arith.constant 128 : i32
          %add3A_304 = vector.broadcast %add3A_303 : i32 to vector<16xi32>
          %add3A_305 = arith.addi %add3A_302, %add3A_304 : vector<16xi32>
          %gather3A_306 = tpu.vector_load_idx %arg12[%add3A_160, %add3A_305] : memref<64x256xf32, #tpu.memory_space<vmem>>[vector<16xi32>, vector<16xi32>], vector<16xf32>,
          %add3A_307 = arith.constant 3 : i32
          %add3A_308 = vector.broadcast %add3A_307 : i32 to vector<16xi32>
          %add3A_309 = arith.addi %add3A_266, %add3A_308 : vector<16xi32>
          %mul3A_310 = arith.mulf %gather3A_306, %mul3A_226 : vector<16xf32>
          tpu.vector_store_idx %arg11[%add3A_160, %add3A_309], %mul3A_310 : memref<64x128xf32, #tpu.memory_space<vmem>>[vector<16xi32>, vector<16xi32>], vector<16xf32>,
          %scan3A_311 = arith.constant 0 : i32
          scf.yield %scan3A_311 : i32
        }
        %scan3A_257 = arith.constant 8 : i32
        %scan3A_258 = arith.constant 0 : i32
        scf.yield %scan3A_258 : i32
      }
      %scan3A_118 = arith.constant 4 : i32
      %dma_start3A_119 = arith.constant 3 : i32
      %dma_start3A_120 = arith.constant 0 : i32
      %dma_start3A_121 = tpu.memref_slice %arg9[%dma_start3A_119, %dma_start3A_120] : memref<6x64xi32, #tpu.memory_space<vmem>> -> memref<1x64xi32, #tpu.memory_space<vmem>>
      %dma_start3A_122 = tpu.memref_squeeze %dma_start3A_121 : memref<1x64xi32, #tpu.memory_space<vmem>> -> memref<64xi32, #tpu.memory_space<vmem>>
      %dma_start3A_123 = arith.constant 0 : i32
      %dma_start3A_124 = arith.constant 0 : i32
      %dma_start3A_125 = tpu.memref_slice %arg14[%dma_start3A_123, %dma_start3A_124] : memref<5120x128xf32, #tpu.memory_space<vmem_shared>> -> memref<5120x128xf32, #tpu.memory_space<vmem_shared>>
      tpu.enqueue_indirect_dma source(%arg11 : memref<64x128xf32, #tpu.memory_space<vmem>>) target(%dma_start3A_125 : memref<5120x128xf32, #tpu.memory_space<vmem_shared>>) offsets(%dma_start3A_122 : memref<64xi32, #tpu.memory_space<vmem>>) semaphore(%arg20 : memref<!tpu.dma_semaphore, #tpu.memory_space<semaphore_mem>>) {add = true}
      %dma_start3A_126 = arith.constant 5 : i32
      %dma_start3A_127 = arith.constant 0 : i32
      %dma_start3A_128 = tpu.memref_slice %arg9[%dma_start3A_126, %dma_start3A_127] : memref<6x64xi32, #tpu.memory_space<vmem>> -> memref<1x64xi32, #tpu.memory_space<vmem>>
      %dma_start3A_129 = tpu.memref_squeeze %dma_start3A_128 : memref<1x64xi32, #tpu.memory_space<vmem>> -> memref<64xi32, #tpu.memory_space<vmem>>
      %dma_start3A_130 = arith.constant 0 : i32
      %dma_start3A_131 = arith.constant 0 : i32
      %dma_start3A_132 = tpu.memref_slice %arg15[%dma_start3A_130, %dma_start3A_131] : memref<640x128xf32, #tpu.memory_space<vmem_shared>> -> memref<640x128xf32, #tpu.memory_space<vmem_shared>>
      tpu.enqueue_indirect_dma source(%arg13 : memref<64x128xf32, #tpu.memory_space<vmem>>) target(%dma_start3A_132 : memref<640x128xf32, #tpu.memory_space<vmem_shared>>) offsets(%dma_start3A_129 : memref<64xi32, #tpu.memory_space<vmem>>) semaphore(%arg21 : memref<!tpu.dma_semaphore, #tpu.memory_space<semaphore_mem>>) {add = true}
      %dma_wait3A_133 = arith.constant 3 : i32
      %dma_wait3A_134 = arith.constant 0 : i32
      %dma_wait3A_135 = tpu.memref_slice %arg9[%dma_wait3A_133, %dma_wait3A_134] : memref<6x64xi32, #tpu.memory_space<vmem>> -> memref<1x64xi32, #tpu.memory_space<vmem>>
      %dma_wait3A_136 = tpu.memref_squeeze %dma_wait3A_135 : memref<1x64xi32, #tpu.memory_space<vmem>> -> memref<64xi32, #tpu.memory_space<vmem>>
      %dma_wait3A_137 = arith.constant 0 : i32
      %dma_wait3A_138 = arith.constant 0 : i32
      %dma_wait3A_139 = tpu.memref_slice %arg14[%dma_wait3A_137, %dma_wait3A_138] : memref<5120x128xf32, #tpu.memory_space<vmem_shared>> -> memref<5120x128xf32, #tpu.memory_space<vmem_shared>>
      tpu.wait_indirect_dma semaphore(%arg20 : memref<!tpu.dma_semaphore, #tpu.memory_space<semaphore_mem>>) src(%arg11 : memref<64x128xf32, #tpu.memory_space<vmem>>) dst(%dma_wait3A_139 : memref<5120x128xf32, #tpu.memory_space<vmem_shared>>)
      %dma_wait3A_140 = arith.constant 5 : i32
      %dma_wait3A_141 = arith.constant 0 : i32
      %dma_wait3A_142 = tpu.memref_slice %arg9[%dma_wait3A_140, %dma_wait3A_141] : memref<6x64xi32, #tpu.memory_space<vmem>> -> memref<1x64xi32, #tpu.memory_space<vmem>>
      %dma_wait3A_143 = tpu.memref_squeeze %dma_wait3A_142 : memref<1x64xi32, #tpu.memory_space<vmem>> -> memref<64xi32, #tpu.memory_space<vmem>>
      %dma_wait3A_144 = arith.constant 0 : i32
      %dma_wait3A_145 = arith.constant 0 : i32
      %dma_wait3A_146 = tpu.memref_slice %arg15[%dma_wait3A_144, %dma_wait3A_145] : memref<640x128xf32, #tpu.memory_space<vmem_shared>> -> memref<640x128xf32, #tpu.memory_space<vmem_shared>>
      tpu.wait_indirect_dma semaphore(%arg21 : memref<!tpu.dma_semaphore, #tpu.memory_space<semaphore_mem>>) src(%arg13 : memref<64x128xf32, #tpu.memory_space<vmem>>) dst(%dma_wait3A_146 : memref<640x128xf32, #tpu.memory_space<vmem_shared>>)
      %scan3A_147 = arith.constant 0 : i32
      %scan3A_148 = arith.constant 0 : i32
      %scan3A_149 = arith.constant 4 : i32
      %scan3A_150 = arith.addi %scan3A_148, %scan3A_149 : i32
      %scan3A_151 = arith.constant 1 : i32
      %scan3A_152 = scf.for %scan3A_155 = %scan3A_148 to %scan3A_150 step %scan3A_151 iter_args(%scan3A_156 = %scan3A_147) -> (i32)  : i32 {
        %mul3A_157 = arith.constant 16 : i32
        %mul3A_158 = arith.muli %scan3A_155, %mul3A_157 : i32
        %add3A_159 = vector.broadcast %mul3A_158 : i32 to vector<16xi32>
        %add3A_160 = arith.addi %iota3A, %add3A_159 : vector<16xi32>
        %broadcast_in_dim3A = arith.constant 2 : i32
        %broadcast_in_dim3A_161 = vector.broadcast %broadcast_in_dim3A : i32 to vector<16xi32>
        %gather3A = tpu.vector_load_idx %arg10[%broadcast_in_dim3A_161, %add3A_160] : memref<3x64xf32, #tpu.memory_space<vmem>>[vector<16xi32>, vector<16xi32>], vector<16xf32>,
        %convert_element_type3A = arith.fptosi %gather3A : vector<16xf32> to vector<16xi32>
        %broadcast_in_dim3A_162 = arith.constant 0.000000e+00 : f32
        %broadcast_in_dim3A_163 = vector.broadcast %broadcast_in_dim3A_162 : f32 to vector<16xf32>
        %add3A_164 = arith.constant 0 : i32
        %add3A_165 = vector.broadcast %add3A_164 : i32 to vector<16xi32>
        %add3A_166 = arith.addi %convert_element_type3A, %add3A_165 : vector<16xi32>
        tpu.vector_store_idx %arg13[%add3A_160, %add3A_166], %broadcast_in_dim3A_163 : memref<64x128xf32, #tpu.memory_space<vmem>>[vector<16xi32>, vector<16xi32>], vector<16xf32>,
        %add3A_167 = arith.constant 1 : i32
        %add3A_168 = vector.broadcast %add3A_167 : i32 to vector<16xi32>
        %add3A_169 = arith.addi %convert_element_type3A, %add3A_168 : vector<16xi32>
        tpu.vector_store_idx %arg13[%add3A_160, %add3A_169], %broadcast_in_dim3A_163 : memref<64x128xf32, #tpu.memory_space<vmem>>[vector<16xi32>, vector<16xi32>], vector<16xf32>,
        %add3A_170 = arith.constant 2 : i32
        %add3A_171 = vector.broadcast %add3A_170 : i32 to vector<16xi32>
        %add3A_172 = arith.addi %convert_element_type3A, %add3A_171 : vector<16xi32>
        tpu.vector_store_idx %arg13[%add3A_160, %add3A_172], %broadcast_in_dim3A_163 : memref<64x128xf32, #tpu.memory_space<vmem>>[vector<16xi32>, vector<16xi32>], vector<16xf32>,
        %add3A_173 = arith.constant 3 : i32
        %add3A_174 = vector.broadcast %add3A_173 : i32 to vector<16xi32>
        %add3A_175 = arith.addi %convert_element_type3A, %add3A_174 : vector<16xi32>
        tpu.vector_store_idx %arg13[%add3A_160, %add3A_175], %broadcast_in_dim3A_163 : memref<64x128xf32, #tpu.memory_space<vmem>>[vector<16xi32>, vector<16xi32>], vector<16xf32>,
        %scan3A_176 = arith.constant 0 : i32
        scf.yield %scan3A_176 : i32
      }
      %scan3A_153 = arith.constant 4 : i32
      %scan3A_154 = arith.constant 0 : i32
      scf.yield %scan3A_154 : i32
    }
    %scan3A_38 = arith.constant 313 : i32
    %barrier3A_39 = arith.constant 0 : index
    tpu.barrier barrier_id(%barrier3A_39)
    %mul3A_40 = arith.constant 320 : i32
    %mul3A_41 = arith.muli %arg1, %mul3A_40 : i32
    %mul3A_42 = arith.constant 320 : i32
    %mul3A_43 = arith.muli %arg1, %mul3A_42 : i32
    %run_scoped3A_44 = arith.constant 1 : i32
    "tpu.region"() ({
      %run_scoped3A_50 = tpu.sem_alloc : memref<!tpu.dma_semaphore, #tpu.memory_space<semaphore_mem>>
      %dma_start3A = arith.constant 0 : i32
      %dma_start3A_51 = tpu.memref_slice %arg7[%arg0, %run_scoped3A_44, %mul3A_43, %dma_start3A] : memref<2x2x5120x128xf32, #tpu.memory_space<hbm>> -> memref<1x1x320x128xf32, #tpu.memory_space<hbm>>
      %dma_start3A_52 = tpu.memref_squeeze %dma_start3A_51 : memref<1x1x320x128xf32, #tpu.memory_space<hbm>> -> memref<320x128xf32, #tpu.memory_space<hbm>>
      %dma_start3A_53 = arith.constant 0 : i32
      %dma_start3A_54 = tpu.memref_slice %arg14[%mul3A_41, %dma_start3A_53] : memref<5120x128xf32, #tpu.memory_space<vmem_shared>> -> memref<320x128xf32, #tpu.memory_space<vmem_shared>>
      tpu.enqueue_dma source(%dma_start3A_54 : memref<320x128xf32, #tpu.memory_space<vmem_shared>>) target(%dma_start3A_52 : memref<320x128xf32, #tpu.memory_space<hbm>>) target_semaphore(%run_scoped3A_50 : memref<!tpu.dma_semaphore, #tpu.memory_space<semaphore_mem>>)
      %dma_wait3A = arith.constant 0 : i32
      %dma_wait3A_55 = tpu.memref_slice %arg7[%arg0, %run_scoped3A_44, %mul3A_43, %dma_wait3A] : memref<2x2x5120x128xf32, #tpu.memory_space<hbm>> -> memref<1x1x320x128xf32, #tpu.memory_space<hbm>>
      %dma_wait3A_56 = tpu.memref_squeeze %dma_wait3A_55 : memref<1x1x320x128xf32, #tpu.memory_space<hbm>> -> memref<320x128xf32, #tpu.memory_space<hbm>>
      %dma_wait3A_57 = arith.constant 0 : i32
      %dma_wait3A_58 = tpu.memref_slice %arg14[%mul3A_41, %dma_wait3A_57] : memref<5120x128xf32, #tpu.memory_space<vmem_shared>> -> memref<320x128xf32, #tpu.memory_space<vmem_shared>>
      tpu.wait_dma2 semaphore(%run_scoped3A_50 : memref<!tpu.dma_semaphore, #tpu.memory_space<semaphore_mem>>) src(%dma_wait3A_58 : memref<320x128xf32, #tpu.memory_space<vmem_shared>>) dst(%dma_wait3A_56 : memref<320x128xf32, #tpu.memory_space<hbm>>)
      tpu.yield
    }) : () -> ()
    %mul3A_45 = arith.constant 40 : i32
    %mul3A_46 = arith.muli %arg1, %mul3A_45 : i32
    %mul3A_47 = arith.constant 40 : i32
    %mul3A_48 = arith.muli %arg1, %mul3A_47 : i32
    %run_scoped3A_49 = arith.constant 1 : i32
    "tpu.region"() ({
      %run_scoped3A_50 = tpu.sem_alloc : memref<!tpu.dma_semaphore, #tpu.memory_space<semaphore_mem>>
      %dma_start3A = arith.constant 0 : i32
      %dma_start3A_51 = tpu.memref_slice %arg8[%arg0, %run_scoped3A_49, %mul3A_48, %dma_start3A] : memref<2x2x640x128xf32, #tpu.memory_space<hbm>> -> memref<1x1x40x128xf32, #tpu.memory_space<hbm>>
      %dma_start3A_52 = tpu.memref_squeeze %dma_start3A_51 : memref<1x1x40x128xf32, #tpu.memory_space<hbm>> -> memref<40x128xf32, #tpu.memory_space<hbm>>
      %dma_start3A_53 = arith.constant 0 : i32
      %dma_start3A_54 = tpu.memref_slice %arg15[%mul3A_46, %dma_start3A_53] : memref<640x128xf32, #tpu.memory_space<vmem_shared>> -> memref<40x128xf32, #tpu.memory_space<vmem_shared>>
      tpu.enqueue_dma source(%dma_start3A_54 : memref<40x128xf32, #tpu.memory_space<vmem_shared>>) target(%dma_start3A_52 : memref<40x128xf32, #tpu.memory_space<hbm>>) target_semaphore(%run_scoped3A_50 : memref<!tpu.dma_semaphore, #tpu.memory_space<semaphore_mem>>)
      %dma_wait3A = arith.constant 0 : i32
      %dma_wait3A_55 = tpu.memref_slice %arg8[%arg0, %run_scoped3A_49, %mul3A_48, %dma_wait3A] : memref<2x2x640x128xf32, #tpu.memory_space<hbm>> -> memref<1x1x40x128xf32, #tpu.memory_space<hbm>>
      %dma_wait3A_56 = tpu.memref_squeeze %dma_wait3A_55 : memref<1x1x40x128xf32, #tpu.memory_space<hbm>> -> memref<40x128xf32, #tpu.memory_space<hbm>>
      %dma_wait3A_57 = arith.constant 0 : i32
      %dma_wait3A_58 = tpu.memref_slice %arg15[%mul3A_46, %dma_wait3A_57] : memref<640x128xf32, #tpu.memory_space<vmem_shared>> -> memref<40x128xf32, #tpu.memory_space<vmem_shared>>
      tpu.wait_dma2 semaphore(%run_scoped3A_50 : memref<!tpu.dma_semaphore, #tpu.memory_space<semaphore_mem>>) src(%dma_wait3A_58 : memref<40x128xf32, #tpu.memory_space<vmem_shared>>) dst(%dma_wait3A_56 : memref<40x128xf32, #tpu.memory_space<hbm>>)
      tpu.yield
    }) : () -> ()
    return
  }
}

module attributes {stable_mosaic.version = 14 : i64} {
  func.func @_qkv_body(%arg0: i32, %arg1: memref<1024x128xf32, #tpu.memory_space<vmem>>, %arg2: memref<128x128xf32, #tpu.memory_space<vmem>>, %arg3: memref<1x128xf32, #tpu.memory_space<vmem>>, %arg4: memref<128x128xf32, #tpu.memory_space<vmem>>, %arg5: memref<1x128xf32, #tpu.memory_space<vmem>>, %arg6: memref<128x128xf32, #tpu.memory_space<vmem>>, %arg7: memref<128x128xf32, #tpu.memory_space<vmem>>, %arg8: memref<128x128xf32, #tpu.memory_space<vmem>>, %arg9: memref<1024x128xf32, #tpu.memory_space<vmem>>, %arg10: memref<1024x128xf32, #tpu.memory_space<vmem>>, %arg11: memref<1024x128xf32, #tpu.memory_space<vmem>>) attributes {dimension_semantics = [#tpu.dimension_semantics<arbitrary>], iteration_bounds = array<i64: 20>, scalar_prefetch = 0 : i64, scratch_operands = 0 : i64, tpu.core_type = #tpu.core_type<tc>, window_params = [{transform_indices = @transform_0, window_bounds = array<i64: 1024, 128>}, {pipeline_mode = #tpu.pipeline_mode<synchronous>, transform_indices = @transform_1, window_bounds = array<i64: 128, 128>}, {pipeline_mode = #tpu.pipeline_mode<synchronous>, transform_indices = @transform_2, window_bounds = array<i64: 1, 128>}, {pipeline_mode = #tpu.pipeline_mode<synchronous>, transform_indices = @transform_3, window_bounds = array<i64: 128, 128>}, {pipeline_mode = #tpu.pipeline_mode<synchronous>, transform_indices = @transform_4, window_bounds = array<i64: 1, 128>}, {pipeline_mode = #tpu.pipeline_mode<synchronous>, transform_indices = @transform_5, window_bounds = array<i64: 128, 128>}, {pipeline_mode = #tpu.pipeline_mode<synchronous>, transform_indices = @transform_6, window_bounds = array<i64: 128, 128>}, {pipeline_mode = #tpu.pipeline_mode<synchronous>, transform_indices = @transform_7, window_bounds = array<i64: 128, 128>}, {transform_indices = @transform_8, window_bounds = array<i64: 1024, 128>}, {transform_indices = @transform_9, window_bounds = array<i64: 1024, 128>}, {transform_indices = @transform_10, window_bounds = array<i64: 1024, 128>}]} {
    %get3A = arith.constant 0 : index
    %get3A_0 = arith.constant 0 : index
    %get3A_1 = vector.load %arg1[%get3A, %get3A_0] : memref<1024x128xf32, #tpu.memory_space<vmem>>, vector<1024x128xf32>
    %get3A_2 = arith.constant 0 : index
    %get3A_3 = arith.constant 0 : index
    %get3A_4 = vector.load %arg2[%get3A_2, %get3A_3] : memref<128x128xf32, #tpu.memory_space<vmem>>, vector<128x128xf32>
    %dot_general3A = arith.constant dense<0.000000e+00> : vector<1024x128xf32>
    %dot_general3A_5 = tpu.matmul %get3A_1, %get3A_4, %dot_general3A {dimension_numbers = #tpu.dot_dimension_numbers<[1], [0], [0], [1], [0, 0, 1, 1], [], []>, transpose_lhs_hint = false} : vector<1024x128xf32>, vector<128x128xf32>, vector<1024x128xf32> -> vector<1024x128xf32>
    %get3A_6 = arith.constant 0 : index
    %get3A_7 = arith.constant 0 : index
    %get3A_8 = vector.load %arg3[%get3A_6, %get3A_7] : memref<1x128xf32, #tpu.memory_space<vmem>>, vector<1x128xf32>
    %add3A = vector.broadcast %get3A_8 : vector<1x128xf32> to vector<1024x128xf32>
    %add3A_9 = arith.addf %dot_general3A_5, %add3A : vector<1024x128xf32>
    %mul3A = arith.constant 5.000000e-01 : f32
    %mul3A_10 = vector.broadcast %mul3A : f32 to vector<1024x128xf32>
    %mul3A_11 = arith.mulf %mul3A_10, %add3A_9 : vector<1024x128xf32>
    %mul3A_12 = arith.constant 0.707106769 : f32
    %mul3A_13 = vector.broadcast %mul3A_12 : f32 to vector<1024x128xf32>
    %mul3A_14 = arith.mulf %add3A_9, %mul3A_13 : vector<1024x128xf32>
    %erf3A = math.erf %mul3A_14 : vector<1024x128xf32>
    %add3A_15 = arith.constant 1.000000e+00 : f32
    %add3A_16 = vector.broadcast %add3A_15 : f32 to vector<1024x128xf32>
    %add3A_17 = arith.addf %add3A_16, %erf3A : vector<1024x128xf32>
    %mul3A_18 = arith.mulf %mul3A_11, %add3A_17 : vector<1024x128xf32>
    %get3A_19 = arith.constant 0 : index
    %get3A_20 = arith.constant 0 : index
    %get3A_21 = vector.load %arg4[%get3A_19, %get3A_20] : memref<128x128xf32, #tpu.memory_space<vmem>>, vector<128x128xf32>
    %dot_general3A_22 = arith.constant dense<0.000000e+00> : vector<1024x128xf32>
    %dot_general3A_23 = tpu.matmul %mul3A_18, %get3A_21, %dot_general3A_22 {dimension_numbers = #tpu.dot_dimension_numbers<[1], [0], [0], [1], [0, 0, 1, 1], [], []>, transpose_lhs_hint = false} : vector<1024x128xf32>, vector<128x128xf32>, vector<1024x128xf32> -> vector<1024x128xf32>
    %get3A_24 = arith.constant 0 : index
    %get3A_25 = arith.constant 0 : index
    %get3A_26 = vector.load %arg5[%get3A_24, %get3A_25] : memref<1x128xf32, #tpu.memory_space<vmem>>, vector<1x128xf32>
    %add3A_27 = vector.broadcast %get3A_26 : vector<1x128xf32> to vector<1024x128xf32>
    %add3A_28 = arith.addf %dot_general3A_23, %add3A_27 : vector<1024x128xf32>
    %mul3A_29 = arith.constant 5.000000e-01 : f32
    %mul3A_30 = vector.broadcast %mul3A_29 : f32 to vector<1024x128xf32>
    %mul3A_31 = arith.mulf %mul3A_30, %add3A_28 : vector<1024x128xf32>
    %mul3A_32 = arith.constant 0.707106769 : f32
    %mul3A_33 = vector.broadcast %mul3A_32 : f32 to vector<1024x128xf32>
    %mul3A_34 = arith.mulf %add3A_28, %mul3A_33 : vector<1024x128xf32>
    %erf3A_35 = math.erf %mul3A_34 : vector<1024x128xf32>
    %add3A_36 = arith.constant 1.000000e+00 : f32
    %add3A_37 = vector.broadcast %add3A_36 : f32 to vector<1024x128xf32>
    %add3A_38 = arith.addf %add3A_37, %erf3A_35 : vector<1024x128xf32>
    %mul3A_39 = arith.mulf %mul3A_31, %add3A_38 : vector<1024x128xf32>
    %get3A_40 = arith.constant 0 : index
    %get3A_41 = arith.constant 0 : index
    %get3A_42 = vector.load %arg6[%get3A_40, %get3A_41] : memref<128x128xf32, #tpu.memory_space<vmem>>, vector<128x128xf32>
    %dot_general3A_43 = arith.constant dense<0.000000e+00> : vector<1024x128xf32>
    %dot_general3A_44 = tpu.matmul %get3A_1, %get3A_42, %dot_general3A_43 {dimension_numbers = #tpu.dot_dimension_numbers<[1], [0], [0], [1], [0, 0, 1, 1], [], []>, transpose_lhs_hint = false} : vector<1024x128xf32>, vector<128x128xf32>, vector<1024x128xf32> -> vector<1024x128xf32>
    %swap3A = arith.constant 0 : index
    %swap3A_45 = arith.constant 0 : index
    %swap3A_46 = vector.load %arg9[%swap3A, %swap3A_45] : memref<1024x128xf32, #tpu.memory_space<vmem>>, vector<1024x128xf32>
    tpu.vector_store %arg9[%swap3A, %swap3A_45], %dot_general3A_44 {strides = array<i32>} : memref<1024x128xf32, #tpu.memory_space<vmem>>, vector<1024x128xf32>,
    %get3A_47 = arith.constant 0 : index
    %get3A_48 = arith.constant 0 : index
    %get3A_49 = vector.load %arg7[%get3A_47, %get3A_48] : memref<128x128xf32, #tpu.memory_space<vmem>>, vector<128x128xf32>
    %dot_general3A_50 = arith.constant dense<0.000000e+00> : vector<1024x128xf32>
    %dot_general3A_51 = tpu.matmul %get3A_1, %get3A_49, %dot_general3A_50 {dimension_numbers = #tpu.dot_dimension_numbers<[1], [0], [0], [1], [0, 0, 1, 1], [], []>, transpose_lhs_hint = false} : vector<1024x128xf32>, vector<128x128xf32>, vector<1024x128xf32> -> vector<1024x128xf32>
    %swap3A_52 = arith.constant 0 : index
    %swap3A_53 = arith.constant 0 : index
    %swap3A_54 = vector.load %arg10[%swap3A_52, %swap3A_53] : memref<1024x128xf32, #tpu.memory_space<vmem>>, vector<1024x128xf32>
    tpu.vector_store %arg10[%swap3A_52, %swap3A_53], %dot_general3A_51 {strides = array<i32>} : memref<1024x128xf32, #tpu.memory_space<vmem>>, vector<1024x128xf32>,
    %get3A_55 = arith.constant 0 : index
    %get3A_56 = arith.constant 0 : index
    %get3A_57 = vector.load %arg8[%get3A_55, %get3A_56] : memref<128x128xf32, #tpu.memory_space<vmem>>, vector<128x128xf32>
    %dot_general3A_58 = arith.constant dense<0.000000e+00> : vector<1024x128xf32>
    %dot_general3A_59 = tpu.matmul %mul3A_39, %get3A_57, %dot_general3A_58 {dimension_numbers = #tpu.dot_dimension_numbers<[1], [0], [0], [1], [0, 0, 1, 1], [], []>, transpose_lhs_hint = false} : vector<1024x128xf32>, vector<128x128xf32>, vector<1024x128xf32> -> vector<1024x128xf32>
    %swap3A_60 = arith.constant 0 : index
    %swap3A_61 = arith.constant 0 : index
    %swap3A_62 = vector.load %arg11[%swap3A_60, %swap3A_61] : memref<1024x128xf32, #tpu.memory_space<vmem>>, vector<1024x128xf32>
    tpu.vector_store %arg11[%swap3A_60, %swap3A_61], %dot_general3A_59 {strides = array<i32>} : memref<1024x128xf32, #tpu.memory_space<vmem>>, vector<1024x128xf32>,
    return
  }
  func.func @transform_0(%arg0: i32) -> (i32, i32) {
    %c0_i32 = arith.constant 0 : i32
    %c0_i32_0 = arith.constant 0 : i32
    return %arg0, %c0_i32 : i32, i32
  }
  func.func @transform_1(%arg0: i32) -> (i32, i32) {
    %c0_i32 = arith.constant 0 : i32
    %c0_i32_0 = arith.constant 0 : i32
    %c0_i32_1 = arith.constant 0 : i32
    return %c0_i32, %c0_i32_0 : i32, i32
  }
  func.func @transform_2(%arg0: i32) -> (i32, i32) {
    %c0_i32 = arith.constant 0 : i32
    %c0_i32_0 = arith.constant 0 : i32
    %c0_i32_1 = arith.constant 0 : i32
    return %c0_i32, %c0_i32_0 : i32, i32
  }
  func.func @transform_3(%arg0: i32) -> (i32, i32) {
    %c0_i32 = arith.constant 0 : i32
    %c0_i32_0 = arith.constant 0 : i32
    %c0_i32_1 = arith.constant 0 : i32
    return %c0_i32, %c0_i32_0 : i32, i32
  }
  func.func @transform_4(%arg0: i32) -> (i32, i32) {
    %c0_i32 = arith.constant 0 : i32
    %c0_i32_0 = arith.constant 0 : i32
    %c0_i32_1 = arith.constant 0 : i32
    return %c0_i32, %c0_i32_0 : i32, i32
  }
  func.func @transform_5(%arg0: i32) -> (i32, i32) {
    %c0_i32 = arith.constant 0 : i32
    %c0_i32_0 = arith.constant 0 : i32
    %c0_i32_1 = arith.constant 0 : i32
    return %c0_i32, %c0_i32_0 : i32, i32
  }
  func.func @transform_6(%arg0: i32) -> (i32, i32) {
    %c0_i32 = arith.constant 0 : i32
    %c0_i32_0 = arith.constant 0 : i32
    %c0_i32_1 = arith.constant 0 : i32
    return %c0_i32, %c0_i32_0 : i32, i32
  }
  func.func @transform_7(%arg0: i32) -> (i32, i32) {
    %c0_i32 = arith.constant 0 : i32
    %c0_i32_0 = arith.constant 0 : i32
    %c0_i32_1 = arith.constant 0 : i32
    return %c0_i32, %c0_i32_0 : i32, i32
  }
  func.func @transform_8(%arg0: i32) -> (i32, i32) {
    %c0_i32 = arith.constant 0 : i32
    %c0_i32_0 = arith.constant 0 : i32
    return %arg0, %c0_i32 : i32, i32
  }
  func.func @transform_9(%arg0: i32) -> (i32, i32) {
    %c0_i32 = arith.constant 0 : i32
    %c0_i32_0 = arith.constant 0 : i32
    return %arg0, %c0_i32 : i32, i32
  }
  func.func @transform_10(%arg0: i32) -> (i32, i32) {
    %c0_i32 = arith.constant 0 : i32
    %c0_i32_0 = arith.constant 0 : i32
    return %arg0, %c0_i32 : i32, i32
  }
}

module attributes {stable_mosaic.version = 14 : i64} {
  func.func @_upd_body(%arg0: i32, %arg1: memref<1024x128xf32, #tpu.memory_space<vmem>>, %arg2: memref<1024x128xf32, #tpu.memory_space<vmem>>, %arg3: memref<1024x16xf32, #tpu.memory_space<vmem>>, %arg4: memref<128x128xf32, #tpu.memory_space<vmem>>, %arg5: memref<128x128xf32, #tpu.memory_space<vmem>>, %arg6: memref<1x128xf32, #tpu.memory_space<vmem>>, %arg7: memref<128x128xf32, #tpu.memory_space<vmem>>, %arg8: memref<1x128xf32, #tpu.memory_space<vmem>>, %arg9: memref<1024x128xf32, #tpu.memory_space<vmem>>) attributes {dimension_semantics = [#tpu.dimension_semantics<arbitrary>], iteration_bounds = array<i64: 20>, scalar_prefetch = 0 : i64, scratch_operands = 0 : i64, tpu.core_type = #tpu.core_type<tc>, window_params = [{transform_indices = @transform_0, window_bounds = array<i64: 1024, 128>}, {transform_indices = @transform_1, window_bounds = array<i64: 1024, 128>}, {transform_indices = @transform_2, window_bounds = array<i64: 1024, 16>}, {pipeline_mode = #tpu.pipeline_mode<synchronous>, transform_indices = @transform_3, window_bounds = array<i64: 128, 128>}, {pipeline_mode = #tpu.pipeline_mode<synchronous>, transform_indices = @transform_4, window_bounds = array<i64: 128, 128>}, {pipeline_mode = #tpu.pipeline_mode<synchronous>, transform_indices = @transform_5, window_bounds = array<i64: 1, 128>}, {pipeline_mode = #tpu.pipeline_mode<synchronous>, transform_indices = @transform_6, window_bounds = array<i64: 128, 128>}, {pipeline_mode = #tpu.pipeline_mode<synchronous>, transform_indices = @transform_7, window_bounds = array<i64: 1, 128>}, {transform_indices = @transform_8, window_bounds = array<i64: 1024, 128>}]} {
    %get3A = arith.constant 0 : index
    %get3A_0 = arith.constant 0 : index
    %get3A_1 = vector.load %arg3[%get3A, %get3A_0] : memref<1024x16xf32, #tpu.memory_space<vmem>>, vector<1024x16xf32>
    %iota3A = tpu.iota {dimensions = array<i32: 0>} : vector<16x128xi32>
    %iota3A_2 = tpu.iota {dimensions = array<i32: 1>} : vector<16x128xi32>
    %jit3A = arith.constant 32 : i32
    %div3A = vector.broadcast %jit3A : i32 to vector<16x128xi32>
    %div3A_3 = arith.divsi %iota3A_2, %div3A : vector<16x128xi32>
    %sign3A = arith.constant 0 : i32
    %sign3A_4 = vector.broadcast %sign3A : i32 to vector<16x128xi32>
    %sign3A_5 = arith.cmpi sgt, %iota3A_2, %sign3A_4 : vector<16x128xi32>
    %sign3A_6 = arith.extui %sign3A_5 : vector<16x128xi1> to vector<16x128xi32>
    %sign3A_7 = arith.constant 0 : i32
    %sign3A_8 = vector.broadcast %sign3A_7 : i32 to vector<16x128xi32>
    %sign3A_9 = arith.cmpi slt, %iota3A_2, %sign3A_8 : vector<16x128xi32>
    %sign3A_10 = arith.extui %sign3A_9 : vector<16x128xi1> to vector<16x128xi32>
    %sign3A_11 = arith.subi %sign3A_6, %sign3A_10 : vector<16x128xi32>
    %sign3A_12 = arith.constant 0 : i32
    %sign3A_13 = arith.cmpi sgt, %jit3A, %sign3A_12 : i32
    %sign3A_14 = arith.extui %sign3A_13 : i1 to i32
    %sign3A_15 = arith.constant 0 : i32
    %sign3A_16 = arith.cmpi slt, %jit3A, %sign3A_15 : i32
    %sign3A_17 = arith.extui %sign3A_16 : i1 to i32
    %sign3A_18 = arith.subi %sign3A_14, %sign3A_17 : i32
    %ne3A = vector.broadcast %sign3A_18 : i32 to vector<16x128xi32>
    %ne3A_19 = arith.cmpi ne, %sign3A_11, %ne3A : vector<16x128xi32>
    %rem3A = vector.broadcast %jit3A : i32 to vector<16x128xi32>
    %rem3A_20 = arith.remsi %iota3A_2, %rem3A : vector<16x128xi32>
    %ne3A_21 = arith.constant 0 : i32
    %ne3A_22 = vector.broadcast %ne3A_21 : i32 to vector<16x128xi32>
    %ne3A_23 = arith.cmpi ne, %rem3A_20, %ne3A_22 : vector<16x128xi32>
    %and3A = arith.andi %ne3A_19, %ne3A_23 : vector<16x128xi1>
    %sub3A = arith.constant 1 : i32
    %sub3A_24 = vector.broadcast %sub3A : i32 to vector<16x128xi32>
    %sub3A_25 = arith.subi %div3A_3, %sub3A_24 : vector<16x128xi32>
    %select_n3A = arith.select %and3A, %sub3A_25, %div3A_3 : vector<16x128xi1>, vector<16x128xi32>
    %eq3A = arith.cmpi eq, %iota3A, %select_n3A : vector<16x128xi32>
    %convert_element_type3A = arith.extui %eq3A : vector<16x128xi1> to vector<16x128xi32>
    %convert_element_type3A_26 = arith.sitofp %convert_element_type3A : vector<16x128xi32> to vector<16x128xf32>
    %dot_general3A = arith.constant dense<0.000000e+00> : vector<1024x128xf32>
    %dot_general3A_27 = tpu.matmul %get3A_1, %convert_element_type3A_26, %dot_general3A {dimension_numbers = #tpu.dot_dimension_numbers<[1], [0], [0], [1], [0, 0, 1, 1], [], []>, transpose_lhs_hint = false} : vector<1024x16xf32>, vector<16x128xf32>, vector<1024x128xf32> -> vector<1024x128xf32>
    %get3A_28 = arith.constant 0 : index
    %get3A_29 = arith.constant 0 : index
    %get3A_30 = vector.load %arg2[%get3A_28, %get3A_29] : memref<1024x128xf32, #tpu.memory_space<vmem>>, vector<1024x128xf32>
    %add3A = arith.constant 1.000000e-10 : f32
    %add3A_31 = vector.broadcast %add3A : f32 to vector<1024x128xf32>
    %add3A_32 = arith.addf %dot_general3A_27, %add3A_31 : vector<1024x128xf32>
    %div3A_33 = arith.divf %get3A_30, %add3A_32 : vector<1024x128xf32>
    %get3A_34 = arith.constant 0 : index
    %get3A_35 = arith.constant 0 : index
    %get3A_36 = vector.load %arg1[%get3A_34, %get3A_35] : memref<1024x128xf32, #tpu.memory_space<vmem>>, vector<1024x128xf32>
    %get3A_37 = arith.constant 0 : index
    %get3A_38 = arith.constant 0 : index
    %get3A_39 = vector.load %arg4[%get3A_37, %get3A_38] : memref<128x128xf32, #tpu.memory_space<vmem>>, vector<128x128xf32>
    %dot_general3A_40 = arith.constant dense<0.000000e+00> : vector<1024x128xf32>
    %dot_general3A_41 = tpu.matmul %get3A_36, %get3A_39, %dot_general3A_40 {dimension_numbers = #tpu.dot_dimension_numbers<[1], [0], [0], [1], [0, 0, 1, 1], [], []>, transpose_lhs_hint = false} : vector<1024x128xf32>, vector<128x128xf32>, vector<1024x128xf32> -> vector<1024x128xf32>
    %get3A_42 = arith.constant 0 : index
    %get3A_43 = arith.constant 0 : index
    %get3A_44 = vector.load %arg5[%get3A_42, %get3A_43] : memref<128x128xf32, #tpu.memory_space<vmem>>, vector<128x128xf32>
    %dot_general3A_45 = arith.constant dense<0.000000e+00> : vector<1024x128xf32>
    %dot_general3A_46 = tpu.matmul %div3A_33, %get3A_44, %dot_general3A_45 {dimension_numbers = #tpu.dot_dimension_numbers<[1], [0], [0], [1], [0, 0, 1, 1], [], []>, transpose_lhs_hint = false} : vector<1024x128xf32>, vector<128x128xf32>, vector<1024x128xf32> -> vector<1024x128xf32>
    %add3A_47 = arith.addf %dot_general3A_41, %dot_general3A_46 : vector<1024x128xf32>
    %get3A_48 = arith.constant 0 : index
    %get3A_49 = arith.constant 0 : index
    %get3A_50 = vector.load %arg6[%get3A_48, %get3A_49] : memref<1x128xf32, #tpu.memory_space<vmem>>, vector<1x128xf32>
    %add3A_51 = vector.broadcast %get3A_50 : vector<1x128xf32> to vector<1024x128xf32>
    %add3A_52 = arith.addf %add3A_47, %add3A_51 : vector<1024x128xf32>
    %mul3A = arith.constant 5.000000e-01 : f32
    %mul3A_53 = vector.broadcast %mul3A : f32 to vector<1024x128xf32>
    %mul3A_54 = arith.mulf %mul3A_53, %add3A_52 : vector<1024x128xf32>
    %mul3A_55 = arith.constant 0.707106769 : f32
    %mul3A_56 = vector.broadcast %mul3A_55 : f32 to vector<1024x128xf32>
    %mul3A_57 = arith.mulf %add3A_52, %mul3A_56 : vector<1024x128xf32>
    %erf3A = math.erf %mul3A_57 : vector<1024x128xf32>
    %add3A_58 = arith.constant 1.000000e+00 : f32
    %add3A_59 = vector.broadcast %add3A_58 : f32 to vector<1024x128xf32>
    %add3A_60 = arith.addf %add3A_59, %erf3A : vector<1024x128xf32>
    %mul3A_61 = arith.mulf %mul3A_54, %add3A_60 : vector<1024x128xf32>
    %get3A_62 = arith.constant 0 : index
    %get3A_63 = arith.constant 0 : index
    %get3A_64 = vector.load %arg7[%get3A_62, %get3A_63] : memref<128x128xf32, #tpu.memory_space<vmem>>, vector<128x128xf32>
    %dot_general3A_65 = arith.constant dense<0.000000e+00> : vector<1024x128xf32>
    %dot_general3A_66 = tpu.matmul %mul3A_61, %get3A_64, %dot_general3A_65 {dimension_numbers = #tpu.dot_dimension_numbers<[1], [0], [0], [1], [0, 0, 1, 1], [], []>, transpose_lhs_hint = false} : vector<1024x128xf32>, vector<128x128xf32>, vector<1024x128xf32> -> vector<1024x128xf32>
    %get3A_67 = arith.constant 0 : index
    %get3A_68 = arith.constant 0 : index
    %get3A_69 = vector.load %arg8[%get3A_67, %get3A_68] : memref<1x128xf32, #tpu.memory_space<vmem>>, vector<1x128xf32>
    %add3A_70 = vector.broadcast %get3A_69 : vector<1x128xf32> to vector<1024x128xf32>
    %add3A_71 = arith.addf %dot_general3A_66, %add3A_70 : vector<1024x128xf32>
    %mul3A_72 = arith.constant 5.000000e-01 : f32
    %mul3A_73 = vector.broadcast %mul3A_72 : f32 to vector<1024x128xf32>
    %mul3A_74 = arith.mulf %mul3A_73, %add3A_71 : vector<1024x128xf32>
    %mul3A_75 = arith.constant 0.707106769 : f32
    %mul3A_76 = vector.broadcast %mul3A_75 : f32 to vector<1024x128xf32>
    %mul3A_77 = arith.mulf %add3A_71, %mul3A_76 : vector<1024x128xf32>
    %erf3A_78 = math.erf %mul3A_77 : vector<1024x128xf32>
    %add3A_79 = arith.constant 1.000000e+00 : f32
    %add3A_80 = vector.broadcast %add3A_79 : f32 to vector<1024x128xf32>
    %add3A_81 = arith.addf %add3A_80, %erf3A_78 : vector<1024x128xf32>
    %mul3A_82 = arith.mulf %mul3A_74, %add3A_81 : vector<1024x128xf32>
    %swap3A = arith.constant 0 : index
    %swap3A_83 = arith.constant 0 : index
    %swap3A_84 = vector.load %arg9[%swap3A, %swap3A_83] : memref<1024x128xf32, #tpu.memory_space<vmem>>, vector<1024x128xf32>
    tpu.vector_store %arg9[%swap3A, %swap3A_83], %mul3A_82 {strides = array<i32>} : memref<1024x128xf32, #tpu.memory_space<vmem>>, vector<1024x128xf32>,
    return
  }
  func.func @transform_0(%arg0: i32) -> (i32, i32) {
    %c0_i32 = arith.constant 0 : i32
    %c0_i32_0 = arith.constant 0 : i32
    return %arg0, %c0_i32 : i32, i32
  }
  func.func @transform_1(%arg0: i32) -> (i32, i32) {
    %c0_i32 = arith.constant 0 : i32
    %c0_i32_0 = arith.constant 0 : i32
    return %arg0, %c0_i32 : i32, i32
  }
  func.func @transform_2(%arg0: i32) -> (i32, i32) {
    %c0_i32 = arith.constant 0 : i32
    %c0_i32_0 = arith.constant 0 : i32
    return %arg0, %c0_i32 : i32, i32
  }
  func.func @transform_3(%arg0: i32) -> (i32, i32) {
    %c0_i32 = arith.constant 0 : i32
    %c0_i32_0 = arith.constant 0 : i32
    %c0_i32_1 = arith.constant 0 : i32
    return %c0_i32, %c0_i32_0 : i32, i32
  }
  func.func @transform_4(%arg0: i32) -> (i32, i32) {
    %c0_i32 = arith.constant 0 : i32
    %c0_i32_0 = arith.constant 0 : i32
    %c0_i32_1 = arith.constant 0 : i32
    return %c0_i32, %c0_i32_0 : i32, i32
  }
  func.func @transform_5(%arg0: i32) -> (i32, i32) {
    %c0_i32 = arith.constant 0 : i32
    %c0_i32_0 = arith.constant 0 : i32
    %c0_i32_1 = arith.constant 0 : i32
    return %c0_i32, %c0_i32_0 : i32, i32
  }
  func.func @transform_6(%arg0: i32) -> (i32, i32) {
    %c0_i32 = arith.constant 0 : i32
    %c0_i32_0 = arith.constant 0 : i32
    %c0_i32_1 = arith.constant 0 : i32
    return %c0_i32, %c0_i32_0 : i32, i32
  }
  func.func @transform_7(%arg0: i32) -> (i32, i32) {
    %c0_i32 = arith.constant 0 : i32
    %c0_i32_0 = arith.constant 0 : i32
    %c0_i32_1 = arith.constant 0 : i32
    return %c0_i32, %c0_i32_0 : i32, i32
  }
  func.func @transform_8(%arg0: i32) -> (i32, i32) {
    %c0_i32 = arith.constant 0 : i32
    %c0_i32_0 = arith.constant 0 : i32
    return %arg0, %c0_i32 : i32, i32
  }
}

</mosaic_0001>

<sc_bundles>
// kernel: kernel.5.cloned.1.call-start
scs
__scs_entry_jumppad:
0x0: {  	(pc) =	sbr.rel $0x88, $3  }
0x1: {  	(tag) =	ssettag $0x0;
	lr =	simm.s32 $0x1  }
0x2: {  	[smem:$0x3F91] =	sst lr;
	_ =	strace $0xD0000000  }
0x3: {  	_ = 	snop  }
0x4: {  	_ = 	snop  }
0x5: {  	_ = 	snop  }
0x6: {  	_ = 	snop  }
0x7: {  	_ = 	snop  }
__scs_overlays_trampoline_lowered:
0x8: {  	[smem:$0x3FA0] =	sst s0  }
0x9: {  	[smem:$0x3FA1] =	sst s1  }
0xa: {  	[smem:$0x3FA2] =	sst s2  }
0xb: {  	[smem:$0x3FA3] =	sst s3  }
0xc: {  	[smem:$0x3FA4] =	sst s4  }
0xd: {  	[smem:$0x3FA5] =	sst s5  }
0xe: {  	[smem:$0x3FA6] =	sst s6  }
0xf: {  	[smem:$0x3FA7] =	sst s7  }
0x10: {  	[smem:$0x3FA8] =	sst s8  }
0x11: {  	[smem:$0x3FA9] =	sst s9;
	s0 =	simm.s32 @!p0 $0x0  }
0x12: {  	s1 =	sld [smem:$0x3F8F];
	s0 =	simm.s32 @p0 $0x1  }
0x13: {  	[smem:$0x3FAA] =	sst s0;
	s0 =	simm.s32 @!p1 $0x0  }
0x14: {  	s2 =	sld [smem:$0x3F8E];
	s0 =	simm.s32 @p1 $0x1  }
0x15: {  	[smem:$0x3FAB] =	sst s0;
	s0 =	simm.s32 @!p2 $0x0  }
0x16: {  	s3 =	sld [smem:$0x3FDB];
	s0 =	simm.s32 @p2 $0x1  }
0x17: {  	s4 =	simm.s32 $0x1BF5;
	[smem:$0x3FAD] =	sst s0  }
0x18: {  	s0 =	sld [smem:$0x3F90];
	_ =	swait.ge [sflag:s4], $0x0  }
0x19: {  	s7 =	sld [smem:$0x3F91]  }
0x1a: {  	s8 =	sadd.s32 $0xFFFFE003, lr  }
0x1b: {  	s9 =	sadd.s32 $0xFFFFFEF7, lr;
	s5 =	simm.s32 $0xFFFFFFFF;
	p2 =	slt.u32 s8, $0xFFFFF086  }
0x1c: {  	p1 =	slt.u32 s9, $0xF7A;
	s5 =	simm.s32 @!p2 $0x0  }
0x1d: {  	s5 =	simm.s32 @p1 $0x1;
	p0 =	seq.s32 s7, s2  }
0x1e: {  	s7 =	smul.u32 @!p0 $0xF7A, s2;
	p2 =	seq.s32 @!p0 s5, $0x0  }
0x1f: {  	s9 =	smul.u32 $0xF7A, s1;
	s8 =	simm.s32 @!p0 $0x1BF5;
	p2 =	por !p2, p0  }
0x20: {  	[sflag:s8] =	ssyncset.s32 @!p0 $0xFFFFF086;
	s6 =	sadd.s32 @!p0 s3, s7;
	s7 =	simm.s32 @!p0 $0x108  }
0x21: {  	s3 =	sadd.s32 s3, s9;
	s6 =	sadd.s32 @!p0 $0x88, s6;
	s7 =	simm.s32 @p2 $0x1082  }
0x22: {  	[simem:s7], [sflag:s8] =	dma.local @!p0 [hbm:s6], $0xF7A  }
0x23: {  	s9 =	sor.u32 $0xD0000000, s2;
	s6 =	simm.s32 $0x108;
	_ =	swait.ge @!p0 [sflag:s8], $0x0  }
0x24: {  	s3 =	sadd.s32 $0x88, s3;
	s6 =	simm.s32 @!p1 $0x1082;
	[sflag:s4] =	ssyncset.s32 $0xFFFFF086  }
0x25: {  	[simem:s6], [sflag:s4] =	dma.local [hbm:s3], $0xF7A  }
0x26: {  	[smem:$0x3F91] =	sst s1;
	(tag) =	ssettag s2;
	_ =	strace s9  }
0x27: {  	s1 =	sld [smem:$0x3FA1]  }
0x28: {  	s2 =	sld [smem:$0x3FA2]  }
0x29: {  	s4 =	sld [smem:$0x3FA4]  }
0x2a: {  	p0 =	seq.s32 s5, $0x0;
	s5 =	sld [smem:$0x3FA5]  }
0x2b: {  	s6 =	sld [smem:$0x3FA6]  }
0x2c: {  	s7 =	sld [smem:$0x3FA7]  }
0x2d: {  	s3 =	simm.s32 $0x108;
	s8 =	sld [smem:$0x3FA8]  }
0x2e: {  	s3 =	simm.s32 @!p0 $0x1082;
	s9 =	sld [smem:$0x3FA9]  }
0x2f: {  	lr =	sadd.s32 s0, s3;
	s0 =	sld [smem:$0x3FA0]  }
0x30: {  	s3 =	sld [smem:$0x3FA3]  }
0x31: {  	[smem:$0x3FAC] =	sst s10  }
0x32: {  	s10 =	sld [smem:$0x3FAA];
	_ =	sdelay $0x3  }
0x33: {  	p0 =	seq.s32 s10, $0x1;
	s10 =	sld [smem:$0x3FAC];
	_ =	sdelay $0x3  }
0x34: {  	[smem:$0x3FAC] =	sst s10  }
0x35: {  	s10 =	sld [smem:$0x3FAB];
	_ =	sdelay $0x3  }
0x36: {  	p1 =	seq.s32 s10, $0x1;
	s10 =	sld [smem:$0x3FAC];
	_ =	sdelay $0x3  }
0x37: {  	[smem:$0x3FAC] =	sst s10  }
0x38: {  	s10 =	sld [smem:$0x3FAD]  }
0x39: {  	_ = 	snop;
	(pc) =	sbr.ind lr, $3  }
0x3a: {  	_ = 	snop  }
0x3b: {  	_ = 	snop  }
0x3c: {  	p2 =	seq.s32 s10, $0x1;
	s10 =	sld [smem:$0x3FAC]  }
0x3d: {  	_ =	shalt  }
0x3e: {  	_ =	shalt  }
0x3f: {  	_ =	shalt  }
0x40: {  	_ =	shalt  }
0x41: {  	_ =	shalt  }
0x42: {  	_ =	shalt  }
0x43: {  	_ =	shalt  }
0x44: {  	_ =	shalt  }
0x45: {  	_ =	shalt  }
0x46: {  	_ =	shalt  }
0x47: {  	_ =	shalt  }
0x48: {  	_ =	shalt  }
0x49: {  	_ =	shalt  }
0x4a: {  	_ =	shalt  }
0x4b: {  	_ =	shalt  }
0x4c: {  	_ =	shalt  }
0x4d: {  	_ =	shalt  }
0x4e: {  	_ =	shalt  }
0x4f: {  	_ =	shalt  }
0x50: {  	_ =	shalt  }
0x51: {  	_ =	shalt  }
0x52: {  	_ =	shalt  }
0x53: {  	_ =	shalt  }
0x54: {  	_ =	shalt  }
0x55: {  	_ =	shalt  }
0x56: {  	_ =	shalt  }
0x57: {  	_ =	shalt  }
0x58: {  	_ =	shalt  }
0x59: {  	_ =	shalt  }
0x5a: {  	_ =	shalt  }
0x5b: {  	_ =	shalt  }
0x5c: {  	_ =	shalt  }
0x5d: {  	_ =	shalt  }
0x5e: {  	_ =	shalt  }
0x5f: {  	_ =	shalt  }
0x60: {  	_ =	shalt  }
0x61: {  	_ =	shalt  }
0x62: {  	_ =	shalt  }
0x63: {  	_ =	shalt  }
0x64: {  	_ =	shalt  }
0x65: {  	_ =	shalt  }
0x66: {  	_ =	shalt  }
0x67: {  	_ =	shalt  }
0x68: {  	_ =	shalt  }
0x69: {  	_ =	shalt  }
0x6a: {  	_ =	shalt  }
0x6b: {  	_ =	shalt  }
0x6c: {  	_ =	shalt  }
0x6d: {  	_ =	shalt  }
0x6e: {  	_ =	shalt  }
0x6f: {  	_ =	shalt  }
0x70: {  	_ =	shalt  }
0x71: {  	_ =	shalt  }
0x72: {  	_ =	shalt  }
0x73: {  	_ =	shalt  }
0x74: {  	_ =	shalt  }
0x75: {  	_ =	shalt  }
0x76: {  	_ =	shalt  }
0x77: {  	_ =	shalt  }
0x78: {  	_ =	shalt  }
0x79: {  	_ =	shalt  }
0x7a: {  	_ =	shalt  }
0x7b: {  	_ =	shalt  }
0x7c: {  	_ =	shalt  }
0x7d: {  	_ =	shalt  }
0x7e: {  	_ =	shalt  }
0x7f: {  	_ =	shalt  }
0x80: {  	_ =	shalt  }
0x81: {  	_ =	shalt  }
0x82: {  	_ =	shalt  }
0x83: {  	_ =	shalt  }
0x84: {  	_ =	shalt  }
0x85: {  	_ =	shalt  }
0x86: {  	_ =	shalt  }
0x87: {  	_ =	shalt  }
.Lfunc_end0:
.L_simem_size_0:
called_computation_lowered:
.L_overlay_start_0:
0x88: {  	s2 =	sld [smem:$0x3FD9]  }
0x89: {  	s3 =	sld [smem:$0x3FFE];
	_ =	sdelay $0x1  }
0x8a: {  	s1 =	srdreg.scid  }
0x8b: {  	s0 =	sand.u32 $0x1, s1  }
0x8c: {  	s14 =	sshll.u32 s0, $0xA;
	s2 =	sadd.s32 s3, s2  }
0x8d: {  	s2 =	sadd.s32 s2, s14  }
0x8e: {  	[smem:$0x3FB8] =	sst s2  }
0x8f: {  	_ = 	snop  }
0x90: {  	s2 =	sld [smem:$0x3FD0];
	_ =	sdelay $0x2  }
0x91: {  	s15 =	simm.s32 $0xA;
	s4 =	simm.s32 $0x10  }
0x92: {  	[smem:s4], [sflag:s15] =	dma.local [hbm:s2], $0x1  }
0x93: {  	_ =	swait.eq [sflag:s15], $0x1  }
0x94: {  	[sflag:s15] =	ssyncset.done $0x0  }
0x95: {  	s16 =	sld [smem:$0x10];
	[sflag:s15] =	ssyncadd.s32 $0xFFFFFFFF  }
0x96: {  	s17 =	sld [smem:$0x11];
	(tm) =	ssettm $0x1  }
0x97: {  	s18 =	sld [smem:$0x3FFB];
	_ =	sdelay $0x3  }
0x98: {  	_ =	strace s18  }
0x99: {  	s4 =	sld [smem:$0x3FFC];
	_ =	sdelay $0x3  }
0x9a: {  	_ =	strace s4  }
0x9b: {  	s4 =	sld [smem:$0x3FFD];
	_ =	sdelay $0x3  }
0x9c: {  	_ =	strace s4  }
0x9d: {  	_ =	strace $0x8FFFFFFF  }
0x9e: {  	s19 =	sld [smem:$0x3FDB];
	_ =	sdelay $0x1  }
0x9f: {  	s5 =	simm.s32 $_scs_section_size  }
0xa0: {  	s6 =	simm.s32 $_size__tile_overlayer_lowered;
	s7 =	simm.s32 $_tile_overlayer_lowered  }
0xa1: {  	s22 =	simm.s32 $0x1BFF;
	s21 =	sshll.u32 s7, $0x1;
	s4 =	sadd.s32 s5, s19  }
0xa2: {  	s8 =	simm.s32 $0x0;
	s20 =	sshll.u32 s6, $0x1;
	s6 =	sadd.s32 s21, s4  }
0xa3: {  	[timem:s8], [sflag:s22] =	dma.local [hbm:s6], s20  }
0xa4: {  	_ =	swait.ge [sflag:s22], s20  }
0xa5: {  	s5 =	ssub.s32 $0x0, s20;
	[sflag:s22] =	ssyncset.done $0x0  }
0xa6: {  	[sflag:s22] =	ssyncadd.s32 s5;
	_ =	sdelay $0x1  }
0xa7: {  	s23 =	simm.s32 $0x1B8B  }
0xa8: {  	_ =	swait.ge [sflag:s23], $0x1  }
0xa9: {  	[sflag:s23] =	ssyncset.done $0x0  }
0xaa: {  	s25 =	simm.s32 $0x1B8E;
	s24 =	sld [smem:$0x3FFE];
	[sflag:s23] =	ssyncadd.s32 $0xFFFFFFFF  }
0xab: {  	s26 =	simm.s32 $execute0_lowered;
	[smem:$0x3FD2] =	sst s25  }
0xac: {  	s6 =	sshll.u32 s26, $0x1;
	_ =	strace $0x80000046;
	[dreg:$0x1] =	wrdreg $0xFFFFFFFF  }
0xad: {  	s28 =	simm.s32 $_size_execute0_lowered;
	s4 =	sadd.s32 s4, s6;
	[dreg:$0x0] =	wrdreg $0x0  }
0xae: {  	s6 =	sshll.u32 s28, $0x1;
	[dreg:$0x2] =	wrdreg s4  }
0xaf: {  	[dreg:$0x3] =	wrdreg s6  }
0xb0: {  	[dreg:$0x4] =	wrdreg $0xC0  }
0xb1: {  	_ =	task [dreg:s8], $0x5FFFF  }
0xb2: {  	[dreg:$0x1] =	wrdreg $0xFFFFFFFF  }
0xb3: {  	[dreg:$0x0] =	wrdreg $0x60  }
0xb4: {  	[dreg:$0x2] =	wrdreg s24  }
0xb5: {  	[dreg:$0x3] =	wrdreg s16  }
0xb6: {  	[dreg:$0x4] =	wrdreg s17  }
0xb7: {  	[dreg:$0x5] =	wrdreg $0x86000  }
0xb8: {  	[dreg:$0x6] =	wrdreg $0x126000  }
0xb9: {  	[dreg:$0x7] =	wrdreg $0x9  }
0xba: {  	_ =	task.clear_ibuf [dreg:s8], $0x8FFFF;
	_ =	strace $0x90000046  }
0xbb: {  	s29 =	simm.s32 $0x9;
	_ =	strace $0x80000048  }
0xbc: {  	_ =	swait.ge [sflag:s29], $0x1  }
0xbd: {  	[sflag:s29] =	ssyncadd.s32 $0xFFFFFFFF  }
0xbe: {  	_ =	strace $0x90000048  }
0xbf: {  	_ =	sfence  }
0xc0: {  	s30 =	sld [smem:$0x0];
	_ =	sdelay $0x2  }
0xc1: {  	s31 =	sshll.u32 s1, $0xD;
	s1 =	sshrl.u32 s1, $0x2  }
0xc2: {  	s3 =	sand.u32 $0x4000, s31;
	s1 =	sadd.s32 s1, s30  }
0xc3: {  	s0 =	sor.u32 s3, s0;
	s1 =	sshll.u32 s1, $0x11  }
0xc4: {  	s0 =	sor.u32 s1, s0  }
0xc5: {  	s0 =	sadd.s32 $0x8F2B, s0  }
0xc6: {  	[sflag:s0] =	ssyncadd.remote.s32 $0x1  }
0xc7: {  	_ =	sfence.sel $0xFFFF  }
0xc8: {  	[dreg:$0x0] =	wrdreg $0xFFFFFFFF;
	(pc) =	sbr.abs _section_cstart, $3  }
0xc9: {  	[dreg:$0x1] =	wrdreg $0xFFFFFFFF  }
0xca: {  	_ =	task.clear_ibuf [dreg:s8], $0x2FFFF;
	_ =	strace $0x9FFFFFFF  }
0xcb: {  	(tm) =	ssettm $0x7FFFFFFF  }
tec
execute0_lowered:
.L_overlay_start_1:
0x0: {  	(tag) =	ssettag $0x1  }
0x1: {  	s0 =	rddreg [dreg:$0x0]  }
0x2: {  	s13 =	rddreg [dreg:$0x1]  }
0x3: {  	s1 =	rddreg [dreg:$0x2]  }
0x4: {  	s14 =	rddreg [dreg:$0x3]  }
0x5: {  	s15 =	rddreg [dreg:$0x4];
	s2 =	simm.s32 $0x0  }
0x6: {  	s24 =	srdreg.scid;
	s17 =	stileid.u32;
	s28 =	simm.s32 $0x4  }
0x7: {  	s29 =	simm.s32 $0x40;
	s30 =	simm.s32 $0x600;
	s3 =	smul.u32 $0xA000, s17  }
0x8: {  	s31 =	simm.s32 $0x2600;
	s6 =	sadd.s32 $0x1DEA00, s0;
	s10 =	smul.u32 $0x28000, s17  }
0x9: {  	[smem:$0x7FF] =	sst s2;
	s7 =	sadd.s32 $0x22EA00, s0;
	s12 =	smul.u32 $0x5000, s17  }
0xa: {  	s2 =	sand.u32 $0x1, s24;
	s8 =	sadd.s32 $0x36B200, s0;
	s16 =	smul.u32 $0x1400, s17  }
0xb: {  	s9 =	sadd.s32 $0x2CEA00, s0;
	s4 =	smul.u32 $0x140000, s2;
	s5 =	ssub.s32 $0x2, s2  }
0xc: {  	_ =	strace $0x80000047;
	s26 =	smul.u32 $0x28000, s2;
	s11 =	sshrl.u32 s5, $0x1  }
0xd: {  	s10 =	sshrl.u32 s10, $0x2;
	s19 =	sshrl.u32 s12, $0x2;
	s20 =	sshrl.u32 s16, $0x3  }
0xe: {  	s12 =	simm.s32 $0x5600;
	s4 =	sadd.s32 s3, s4;
	s25 =	ssub.s32 s5, s11  }
0xf: {  	s3 =	sshrl.u32 s3, $0x3;
	s18 =	sadd.s32 s10, s14;
	s5 =	smov.u32 s15  }
0x10: {  	s21 =	sadd.s32 s16, s26;
	s14 =	smul.u32 $0x4E4000, s2;
	s26 =	sshll.u32 s17, $0x6  }
0x11: {  	s10 =	simm.s32 $0x4E00;
	s16 =	simm.s32 $0x5E00;
	s11 =	simm.s32 $0x5  }
0x12: {  	s4 =	sshrl.u32 s4, $0x3;
	[dreg:$0x6] =	wrdreg s18;
	s3 =	sadd.s32 s13, s3  }
0x13: {  	s22 =	sshrl.u32 s21, $0x3;
	s18 =	smul.u32 $0x272000, s2;
	s25 =	smax.u32 s25, $0x1  }
0x14: {  	s2 =	simm.s32 $0x0;
	s0 =	sadd.s32 s4, s0;
	[dreg:$0x7] =	wrdreg s3  }
0x15: {  	s3 =	sadd.s32 s19, s15;
	s15 =	smul.u32 $0x139, s17;
	[dreg:$0xe] =	wrdreg s25  }
0x16: {  	v0 =	vlaneseq.u32;
	s1 =	sadd.s32 s1, s22;
	s22 =	simm.s32 $0x6600;
	[dreg:$0x8] =	wrdreg s3  }
0x17: {  	v1 =	vand.u32 $0x7, v0;
	s4 =	sor.u32 $0x1C07, s26;
	s25 =	simm.s32 $0x400;
	[dreg:$0xb] =	wrdreg s1  }
0x18: {  	vm0 =	vmmov $0xffff;
	v14 =	vimm.f32 $0.0e+00;
	v3 =	vmul.u32 $0x80, v1;
	s26 =	simm.s32 $0x3;
	s3 =	sadd.s32 s13, s20;
	[dreg:$0xf] =	wrdreg s4  }
0x19: {  	v2 =	vshrl.u32 v0, $0x3;
	v4 =	vor.u32 $0x8, v0;
	v5 =	vor.u32 $0x80, v0;
	s19 =	simm.s32 $0x1;
	s23 =	sadd.s32 $0x18EA00, s0;
	[dreg:$0x9] =	wrdreg s3  }
0x1a: {  	v13 =	vmul.u32 $0x80, v0;
	v2 =	vmul.u32 $0x8, v2;
	v6 =	vor.u32 $0x1, v3;
	s0 =	sadd.s32 $0x1A2A00, s0;
	s24 =	sadd.s32 $0x2800, s1;
	[dreg:$0xa] =	wrdreg s23  }
0x1b: {  	v7 =	vor.u32 $0x2, v3;
	v8 =	vor.u32 $0x3, v3;
	v9 =	vor.u32 $0x400, v3;
	s1 =	simm.s32 $0x4600;
	s20 =	simm.s32 $0x2;
	[dreg:$0xc] =	wrdreg s0  }
0x1c: {  	v10 =	vor.u32 $0x401, v3;
	v11 =	vor.u32 $0x402, v3;
	v12 =	vor.u32 $0x403, v3;
	s13 =	simm.s32 $0x6;
	[dreg:$0xd] =	wrdreg s24;
	s3 =	simm.s32 $0x7  }
.LBB2_1:
0x1d: {  	[dreg:$0x10] =	wrdreg s2  }
0x1e: {  	s0 =	rddreg [dreg:$0x1];
	s23 =	simm.s32 $0x0  }
0x1f: {  	[tilespmem:s22], [sflag:$0x7] =	stream.linear.gather [hbm4b:s0+s23], $0x2000, $0x38;
	[tilespmem:$0x13A00] =	vst v63  }
0x20: {  	_ =	swait.ge [sflag:s3], $0x2000  }
0x21: {  	s24 =	rddreg [dreg:$0x6]  }
0x22: {  	[sflag:s3] =	ssyncset.done $0x0;
	s17 =	rddreg [dreg:$0x7];
	s0 =	sshrl.u32 s24, $0x3  }
0x23: {  	[sflag:s3] =	ssyncadd.s32 $0xFFFFE000;
	[dreg:$0x11] =	wrdreg s0  }
0x24: {  	[spmem:s0], [sflag:s4] =	dma.local [hbm:s17], $0x1400  }
0x25: {  	_ =	swait.ge [sflag:s3], $0x1400  }
0x26: {  	s21 =	rddreg [dreg:$0x8]  }
0x27: {  	[sflag:s3] =	ssyncset.done $0x0;
	s24 =	rddreg [dreg:$0x9];
	s23 =	sshrl.u32 s21, $0x3  }
0x28: {  	[sflag:s3] =	ssyncadd.s32 $0xFFFFEC00;
	[dreg:$0x12] =	wrdreg s23  }
0x29: {  	[spmem:s23], [sflag:s4] =	dma.local [hbm:s24], $0x280  }
0x2a: {  	_ =	swait.ge [sflag:s3], $0x280  }
0x2b: {  	[sflag:s3] =	ssyncset.done $0x0  }
0x2c: {  	[sflag:s3] =	ssyncadd.s32 $0xFFFFFD80  }
0x2d: {  	s17 =	simm.s32 $0x0;
	[bflag:$0x0] =	sbarrier.arrive $0xFFFF  }
.LBB2_2:
0x2e: {  	s0 =	sadd.s32 s15, s17  }
0x2f: {  	s2 =	sshll.u32 s0, $0xA  }
0x30: {  	s0 =	sshll.u32 s0, $0x9;
	s2 =	sadd.s32 s14, s2  }
0x31: {  	s0 =	sadd.s32 s18, s0;
	s2 =	sshrl.u32 s2, $0x3  }
0x32: {  	s21 =	simm.s32 $0x0;
	s0 =	sshrl.u32 s0, $0x3;
	s2 =	sadd.s32 s8, s2  }
0x33: {  	[tilespmem:s21], [sflag:$0x3] =	stream.linear.gather [hbm4b:s2+s21], $0x300, $0x38;
	[tilespmem:$0x13A00] =	vst v63  }
0x34: {  	s0 =	sadd.s32 s9, s0  }
0x35: {  	[tilespmem:s25], [sflag:$0x4] =	stream.linear.gather [hbm4b:s0+s21], $0x180, $0x38;
	[tilespmem:$0x13A00] =	vst v63  }
0x36: {  	_ =	swait.ge [sflag:s26], $0x300  }
0x37: {  	[sflag:s26] =	ssyncset.done $0x0  }
0x38: {  	[sflag:s26] =	ssyncadd.s32 $0xFFFFFD00  }
0x39: {  	_ =	swait.ge [sflag:s28], $0x180  }
0x3a: {  	[sflag:s28] =	ssyncset.done $0x0  }
0x3b: {  	[sflag:s28] =	ssyncadd.s32 $0xFFFFFE80  }
0x3c: {  	[tilespmem:s30], [sflag:$0x1] =	stream.indirect.gather [hbm4b:s6+s29], $0x80, s21, s29, $0xb8;
	[tilespmem:$0x13A00] =	vst v63  }
0x3d: {  	v15 =	vld [tilespmem:$0x80];
	_ =	sdelay $0x4  }
0x3e: {  	v16 =	vshll.u32 v15, $0x1  }
0x3f: {  	v15 =	vand.u32 $0x7, v15;
	v16 =	vand.u32 $0xFFFFFFF0, v16  }
0x40: {  	v15 =	vor.u32 v15, v16  }
0x41: {  	v16 =	vperm.xlane v15, v1;
	_ =	sdelay $0x1  }
0x42: {  	v15 =	vperm.xlane v15, v4;
	v16 =	vadd.s32 v2, v16;
	_ =	sdelay $0x1  }
0x43: {  	v15 =	vadd.s32 v2, v15;
	_ =	sdelay $0x2  }
0x44: {  	[tilespmem:s31], [sflag:$0x2] =	stream.indirect_vreg.gather [hbm4b:s7+s21], $0x80, v16, vm0, $0xb8;
	[tilespmem:$0x13A00] =	vst v63  }
0x45: {  	s4 =	simm.s32 $0x2E00  }
0x46: {  	[tilespmem:s4], [sflag:$0x2] =	stream.indirect_vreg.gather [hbm4b:s7+s21], $0x80, v15, vm0, $0xb8;
	[tilespmem:$0x13A00] =	vst v63  }
0x47: {  	v15 =	vld [tilespmem:$0x90];
	_ =	sdelay $0x4  }
0x48: {  	v61 =	vshll.u32 v15, $0x1  }
0x49: {  	v15 =	vand.u32 $0x7, v15;
	v16 =	vand.u32 $0xFFFFFFF0, v61  }
0x4a: {  	v15 =	vor.u32 v15, v16  }
0x4b: {  	v16 =	vperm.xlane v15, v1;
	_ =	sdelay $0x1  }
0x4c: {  	v15 =	vperm.xlane v15, v4;
	v16 =	vadd.s32 v2, v16;
	_ =	sdelay $0x1  }
0x4d: {  	v15 =	vadd.s32 v2, v15;
	_ =	sdelay $0x1  }
0x4e: {  	s23 =	simm.s32 $0x3600  }
0x4f: {  	[tilespmem:s23], [sflag:$0x2] =	stream.indirect_vreg.gather [hbm4b:s7+s21], $0x80, v16, vm0, $0xb8;
	[tilespmem:$0x13A00] =	vst v63  }
0x50: {  	s24 =	simm.s32 $0x3E00  }
0x51: {  	[tilespmem:s24], [sflag:$0x2] =	stream.indirect_vreg.gather [hbm4b:s7+s21], $0x80, v15, vm0, $0xb8;
	[tilespmem:$0x13A00] =	vst v63  }
0x52: {  	v15 =	vld [tilespmem:$0xA0];
	_ =	sdelay $0x4  }
0x53: {  	v62 =	vshll.u32 v15, $0x1  }
0x54: {  	v15 =	vand.u32 $0x7, v15;
	v16 =	vand.u32 $0xFFFFFFF0, v62  }
0x55: {  	v15 =	vor.u32 v15, v16  }
0x56: {  	v16 =	vperm.xlane v15, v1;
	_ =	sdelay $0x1  }
0x57: {  	v15 =	vperm.xlane v15, v4;
	v16 =	vadd.s32 v2, v16;
	_ =	sdelay $0x1  }
0x58: {  	v15 =	vadd.s32 v2, v15;
	_ =	sdelay $0x2  }
0x59: {  	[tilespmem:s1], [sflag:$0x2] =	stream.indirect_vreg.gather [hbm4b:s7+s21], $0x80, v16, vm0, $0xb8;
	[tilespmem:$0x13A00] =	vst v63  }
0x5a: {  	_ = 	snop  }
0x5b: {  	[tilespmem:s10], [sflag:$0x2] =	stream.indirect_vreg.gather [hbm4b:s7+s21], $0x80, v15, vm0, $0xb8;
	[tilespmem:$0x13A00] =	vst v63  }
0x5c: {  	v15 =	vld [tilespmem:$0xB0];
	_ =	sdelay $0x4  }
0x5d: {  	v63 =	vshll.u32 v15, $0x1  }
0x5e: {  	v15 =	vand.u32 $0x7, v15;
	v16 =	vand.u32 $0xFFFFFFF0, v63  }
0x5f: {  	v15 =	vor.u32 v15, v16  }
0x60: {  	v16 =	vperm.xlane v15, v1;
	_ =	sdelay $0x1  }
0x61: {  	v15 =	vperm.xlane v15, v4;
	v16 =	vadd.s32 v2, v16;
	_ =	sdelay $0x1  }
0x62: {  	v15 =	vadd.s32 v2, v15;
	_ =	sdelay $0x2  }
0x63: {  	[tilespmem:s12], [sflag:$0x2] =	stream.indirect_vreg.gather [hbm4b:s7+s21], $0x80, v16, vm0, $0xb8;
	[tilespmem:$0x13A00] =	vst v63  }
0x64: {  	_ = 	snop  }
0x65: {  	[tilespmem:s16], [sflag:$0x2] =	stream.indirect_vreg.gather [hbm4b:s7+s21], $0x80, v15, vm0, $0xb8;
	[tilespmem:$0x13A00] =	vst v63  }
0x66: {  	_ =	swait.ge [sflag:s19], $0x2000  }
0x67: {  	[sflag:s19] =	ssyncset.done $0x0  }
0x68: {  	[sflag:s19] =	ssyncadd.s32 $0xFFFFE000  }
0x69: {  	_ =	swait.ge [sflag:s20], $0x4000  }
0x6a: {  	[sflag:s20] =	ssyncset.done $0x0  }
0x6b: {  	s24 =	simm.s32 $0x0;
	[sflag:s20] =	ssyncadd.s32 $0xFFFFC000  }
.LBB2_3:
0x6c: {  	s0 =	sshll.u32 s24, $0x4  }
0x6d: {  	v16 =	vor.u32 s0, v0  }
0x6e: {  	v22 =	vor.u32 s0, v5;
	v15 =	vshll.u32 v16, $0x8;
	v19 =	vshll.u32 v16, $0x7  }
0x6f: {  	v20 =	vand.u32 $0x3800, v15;
	v23 =	vor.u32 s21, v19;
	v18 =	vor.u32 $0x1, v19  }
0x70: {  	v15 =	vor.u32 v3, v20;
	v27 =	vor.u32 s21, v18  }
0x71: {  	v17 =	vor.u32 $0x2, v19;
	v26 =	vor.u32 s21, v15  }
0x72: {  	v25 =	vor.u32 v6, v20;
	v29 =	vor.u32 s21, v17;
	v21 =	vld.idx.msk [tilespmem:v16+s25+$0x0], $0xffff  }
0x73: {  	v24 =	vor.u32 v7, v20;
	v28 =	vor.u32 s21, v25;
	v22 =	vld.idx.msk [tilespmem:v22+s25+$0x0], $0xffff  }
0x74: {  	s23 =	simm.s32 $0x4;
	v31 =	vor.u32 s21, v24;
	v30 =	vld.idx.msk [tilespmem:v23+s30+$0x0], $0xffff  }
0x75: {  	v35 =	vor.u32 s23, v19;
	v16 =	vor.u32 $0x3, v19;
	v33 =	vld.idx.msk [tilespmem:v27+s30+$0x0], $0xffff  }
0x76: {  	v32 =	vor.u32 s21, v16;
	v23 =	vor.u32 v8, v20;
	v26 =	vld.idx.msk [tilespmem:v26+s31+$0x0], $0xffff  }
0x77: {  	v34 =	vor.u32 s21, v23;
	v29 =	vld.idx.msk [tilespmem:v29+s30+$0x0], $0xffff  }
0x78: {  	v40 =	vor.u32 s23, v25;
	v36 =	vld.idx.msk [tilespmem:v28+s31+$0x0], $0xffff  }
0x79: {  	v37 =	vor.u32 s23, v15;
	v39 =	vld.idx.msk [tilespmem:v31+s31+$0x0], $0xffff  }
0x7a: {  	v38 =	vor.u32 s23, v18;
	v28 =	vld.idx.msk [tilespmem:v35+s30+$0x0], $0xffff  }
0x7b: {  	v41 =	vor.u32 s23, v17;
	v27 =	vld.idx.msk [tilespmem:v32+s30+$0x0], $0xffff;
	v26 =	vmul.f32 v26, v30  }
0x7c: {  	v62 =	vimm.f32 $0.0e+00;
	v35 =	vor.u32 s23, v24;
	v31 =	vld.idx.msk [tilespmem:v34+s31+$0x0], $0xffff  }
0x7d: {  	v32 =	vld.idx.msk [tilespmem:v40+s31+$0x0], $0xffff;
	v42 =	vmul.f32 v36, v33;
	v36 =	vor.u32 s23, v16;
	v63 =	vadd.f32 v26, v62  }
0x7e: {  	s2 =	simm.s32 $0x8;
	v30 =	vld.idx.msk [tilespmem:v37+s31+$0x0], $0xffff;
	v33 =	vor.u32 s23, v23  }
0x7f: {  	v34 =	vor.u32 s2, v19;
	v39 =	vmul.f32 v39, v29;
	v26 =	vld.idx.msk [tilespmem:v38+s30+$0x0], $0xffff;
	v38 =	vadd.f32 v42, v63  }
0x80: {  	s0 =	simm.s32 $0xC;
	v37 =	vor.u32 s2, v15;
	v29 =	vld.idx.msk [tilespmem:v41+s30+$0x0], $0xffff  }
.LBB2_4:
0x81: {  	p0 =	sne.s32 s0, $0x1C;
	v40 =	vor.u32 s2, v18;
	v41 =	vld.idx.msk [tilespmem:v35+s31+$0x0], $0xffff;
	v35 =	vadd.f32 v39, v38;
	v38 =	vmul.f32 v31, v27  }
0x82: {  	v39 =	vor.u32 s2, v25;
	v27 =	vld.idx.msk [tilespmem:v36+s30+$0x0], $0xffff  }
0x83: {  	v42 =	vor.u32 s2, v17;
	v43 =	vmul.f32 v30, v28;
	v31 =	vld.idx.msk [tilespmem:v33+s31+$0x0], $0xffff;
	v33 =	vadd.f32 v38, v35  }
.Ltmp0:
0x84: {  	v35 =	vor.u32 s2, v24;
	v28 =	vld.idx.msk [tilespmem:v34+s30+$0x0], $0xffff;
	(pc) =	sbr.rel @p0 .LBB2_4-.Ltmp0, $4  }
0x85: {  	v36 =	vor.u32 s2, v16;
	v38 =	vmul.f32 v32, v26;
	v30 =	vld.idx.msk [tilespmem:v37+s31+$0x0], $0xffff;
	v37 =	vadd.f32 v43, v33  }
0x86: {  	v33 =	vor.u32 s2, v23;
	s2 =	smov.u32 s0;
	v26 =	vld.idx.msk [tilespmem:v40+s30+$0x0], $0xffff  }
0x87: {  	v34 =	vor.u32 s0, v19;
	v32 =	vld.idx.msk [tilespmem:v39+s31+$0x0], $0xffff;
	v38 =	vadd.f32 v38, v37;
	v39 =	vmul.f32 v41, v29  }
0x88: {  	s0 =	sadd.s32 $0x4, s0;
	v37 =	vor.u32 s2, v15;
	v29 =	vld.idx.msk [tilespmem:v42+s30+$0x0], $0xffff  }
0x89: {  	_ =	sdelay $0x2  }
0x8a: {  	v38 =	vadd.f32 v39, v38;
	v27 =	vmul.f32 v31, v27  }
0x8b: {  	v31 =	vor.u32 s2, v18;
	v35 =	vld.idx.msk [tilespmem:v35+s31+$0x0], $0xffff  }
0x8c: {  	v25 =	vor.u32 s2, v25;
	v36 =	vld.idx.msk [tilespmem:v36+s30+$0x0], $0xffff;
	v28 =	vmul.f32 v30, v28;
	v27 =	vadd.f32 v27, v38  }
0x8d: {  	v33 =	vld.idx.msk [tilespmem:v33+s31+$0x0], $0xffff;
	v24 =	vor.u32 s2, v24  }
0x8e: {  	v34 =	vld.idx.msk [tilespmem:v34+s30+$0x0], $0xffff;
	v30 =	vor.u32 s2, v17;
	v26 =	vmul.f32 v32, v26;
	v27 =	vadd.f32 v28, v27  }
0x8f: {  	v23 =	vor.u32 s2, v23;
	v28 =	vld.idx.msk [tilespmem:v37+s31+$0x0], $0xffff  }
0x90: {  	v52 =	vor.u32 s2, v16;
	v31 =	vld.idx.msk [tilespmem:v31+s30+$0x0], $0xffff;
	v26 =	vadd.f32 v26, v27;
	v27 =	vmul.f32 v35, v29  }
0x91: {  	v25 =	vld.idx.msk [tilespmem:v25+s31+$0x0], $0xffff  }
0x92: {  	v24 =	vld.idx.msk [tilespmem:v24+s31+$0x0], $0xffff;
	v26 =	vadd.f32 v27, v26;
	v27 =	vmul.f32 v33, v36  }
0x93: {  	v29 =	vld.idx.msk [tilespmem:v30+s30+$0x0], $0xffff  }
0x94: {  	v23 =	vld.idx.msk [tilespmem:v23+s31+$0x0], $0xffff;
	v28 =	vmul.f32 v28, v34;
	v26 =	vadd.f32 v27, v26  }
0x95: {  	v30 =	vld.idx.msk [tilespmem:v52+s30+$0x0], $0xffff  }
0x96: {  	v25 =	vmul.f32 v25, v31;
	v26 =	vadd.f32 v28, v26;
	_ =	sdelay $0x1  }
0x97: {  	v24 =	vmul.f32 v24, v29;
	v25 =	vadd.f32 v25, v26;
	_ =	sdelay $0x1  }
0x98: {  	v23 =	vmul.f32 v23, v30;
	v24 =	vadd.f32 v24, v25;
	_ =	sdelay $0x1  }
0x99: {  	v23 =	vadd.f32 v23, v24;
	_ =	sdelay $0x1  }
0x9a: {  	v23 =	vmul.f32 $1.767766920e-01, v23;
	_ =	sdelay $0x1  }
0x9b: {  	v23 =	vmul.f32 $1.442695020e+00, v23;
	_ =	sdelay $0x1  }
0x9c: {  	(erf) = vpow2.f32 v23  }
0x9d: {  	s0 =	simm.s32 $0x0  }
0x9e: {  	v22 =	vtrunc.f32 v22;
	v23 =	vmov s0  }
0x9f: {  	v24 =	vcvt.f32.s32 v22;
	v22 =	vadd.s32 $0x20, v23  }
0xa0: {  	s3 =	simm.s32 $0x4;
	v22 =	vbroadcast v22, $0x0  }
0xa1: {  	v28 =	vmov s3;
	v23 =	vand.u32 $0xFFFFFF80, v24  }
0xa2: {  	v25 =	vand.u32 $0x7F, v24;
	v23 =	vadd.s32 v19, v23;
	v26 =	vshll.u32 v22, $0x3  }
0xa3: {  	v28 =	vadd.s32 $0x20, v28;
	v23 =	vor.u32 v25, v23;
	v25 =	vand.u32 $0x7FFFFC00, v26  }
0xa4: {  	v28 =	vbroadcast v28, $0x0;
	v27 =	vor.u32 v19, v22;
	v25 =	vadd.s32 v15, v25  }
0xa5: {  	v26 =	vmax.f32 v21, $1.000000010e-10;
	v25 =	vor.u32 v22, v25;
	v21 =	vpop (erf)  }
0xa6: {  	v53 =	vshll.u32 v28, $0x3;
	v29 =	vor.u32 v18, v22;
	v21 =	vmul.f32 v21, v26  }
0xa7: {  	v32 =	vand.u32 $0x7FFFFC00, v53;
	v30 =	vor.u32 $0x1, v25  }
0xa8: {  	v32 =	vadd.s32 v15, v32;
	v31 =	vor.u32 $0x2, v25;
	[tilespmem:v23+s22+$0x0] =	vst.idx.msk $0xffff, v21  }
0xa9: {  	v56 =	vor.u32 v28, v32;
	v27 =	vld.idx.msk [tilespmem:v27+s30+$0x0], $0xffff  }
0xaa: {  	v23 =	vor.u32 v17, v22;
	v54 =	vld.idx.msk [tilespmem:v25+s31+$0x0], $0xffff  }
0xab: {  	v22 =	vor.u32 v16, v22;
	v29 =	vld.idx.msk [tilespmem:v29+s30+$0x0], $0xffff  }
0xac: {  	v25 =	vor.u32 $0x3, v25;
	v30 =	vld.idx.msk [tilespmem:v30+s31+$0x0], $0xffff  }
0xad: {  	v59 =	vor.u32 $0x1, v56;
	v31 =	vld.idx.msk [tilespmem:v31+s31+$0x0], $0xffff  }
0xae: {  	s4 =	simm.s32 $0x8;
	s23 =	simm.s32 $0xC;
	v55 =	vor.u32 v19, v28;
	v32 =	vld.idx.msk [tilespmem:v56+s31+$0x0], $0xffff  }
0xaf: {  	v42 =	vmov s23;
	v58 =	vor.u32 v18, v28;
	v57 =	vld.idx.msk [tilespmem:v23+s30+$0x0], $0xffff;
	v23 =	vmov s4  }
0xb0: {  	v40 =	vor.u32 v17, v28;
	v60 =	vld.idx.msk [tilespmem:v22+s30+$0x0], $0xffff;
	v23 =	vadd.s32 $0x20, v23;
	v27 =	vmul.f32 v54, v27  }
0xb1: {  	v43 =	vor.u32 $0x2, v56;
	v41 =	vld.idx.msk [tilespmem:v25+s31+$0x0], $0xffff;
	v25 =	vimm.f32 $0.0e+00;
	v22 =	vbroadcast v23, $0x0  }
0xb2: {  	v33 =	vor.u32 v16, v28;
	v44 =	vmul.f32 v30, v29;
	v29 =	vld.idx.msk [tilespmem:v59+s31+$0x0], $0xffff;
	v27 =	vadd.f32 v27, v25  }
0xb3: {  	v35 =	vor.u32 $0x3, v56;
	v23 =	vld.idx.msk [tilespmem:v55+s30+$0x0], $0xffff;
	v61 =	vshll.u32 v22, $0x3;
	v30 =	vor.u32 v19, v22  }
0xb4: {  	v25 =	vld.idx.msk [tilespmem:v58+s30+$0x0], $0xffff;
	v28 =	vand.u32 $0x7FFFFC00, v61;
	v62 =	vadd.f32 v44, v27;
	v63 =	vmul.f32 v31, v57  }
0xb5: {  	v36 =	vadd.s32 $0x20, v42;
	v34 =	vor.u32 v18, v22;
	v27 =	vld.idx.msk [tilespmem:v40+s30+$0x0], $0xffff;
	v28 =	vadd.s32 v15, v28  }
0xb6: {  	s0 =	simm.s32 $0x10;
	v31 =	vld.idx.msk [tilespmem:v43+s31+$0x0], $0xffff;
	v38 =	vmul.f32 v41, v60;
	v28 =	vor.u32 v22, v28;
	v37 =	vadd.f32 v63, v62  }
.LBB2_6:
0xb7: {  	p0 =	sne.s32 s0, $0x1C;
	v36 =	vbroadcast v36, $0x0;
	v39 =	vor.u32 $0x1, v28;
	v40 =	vld.idx.msk [tilespmem:v33+s30+$0x0], $0xffff  }
0xb8: {  	v41 =	vor.u32 v17, v22;
	v42 =	vmul.f32 v32, v23;
	v43 =	vld.idx.msk [tilespmem:v35+s31+$0x0], $0xffff;
	v35 =	vadd.f32 v38, v37  }
0xb9: {  	v33 =	vor.u32 v16, v22;
	v37 =	vmov s0;
	v38 =	vor.u32 $0x2, v28;
	v23 =	vld.idx.msk [tilespmem:v30+s30+$0x0], $0xffff;
	v22 =	vmovc v36  }
.Ltmp1:
0xba: {  	v44 =	vmul.f32 v29, v25;
	v36 =	vshll.u32 v22, $0x3;
	v32 =	vld.idx.msk [tilespmem:v28+s31+$0x0], $0xffff;
	v42 =	vadd.f32 v42, v35;
	(pc) =	sbr.rel @p0 .LBB2_6-.Ltmp1, $4  }
0xbb: {  	v30 =	vor.u32 v19, v22;
	v35 =	vor.u32 $0x3, v28;
	v29 =	vand.u32 $0x7FFFFC00, v36;
	v25 =	vld.idx.msk [tilespmem:v34+s30+$0x0], $0xffff  }
0xbc: {  	v28 =	vadd.s32 v15, v29;
	v29 =	vld.idx.msk [tilespmem:v39+s31+$0x0], $0xffff;
	v39 =	vadd.f32 v44, v42;
	v42 =	vmul.f32 v31, v27  }
0xbd: {  	v36 =	vadd.s32 $0x20, v37;
	v28 =	vor.u32 v22, v28;
	v27 =	vld.idx.msk [tilespmem:v41+s30+$0x0], $0xffff  }
0xbe: {  	s0 =	sadd.s32 $0x4, s0;
	v34 =	vor.u32 v18, v22;
	v31 =	vld.idx.msk [tilespmem:v38+s31+$0x0], $0xffff;
	v37 =	vadd.f32 v42, v39;
	v38 =	vmul.f32 v43, v40  }
0xbf: {  	_ =	sdelay $0x3  }
0xc0: {  	v39 =	vor.u32 $0x1, v28;
	v33 =	vld.idx.msk [tilespmem:v33+s30+$0x0], $0xffff;
	v23 =	vmul.f32 v32, v23;
	v61 =	vadd.f32 v38, v37  }
0xc1: {  	v36 =	vbroadcast v36, $0x0;
	v62 =	vor.u32 v17, v22;
	v35 =	vld.idx.msk [tilespmem:v35+s31+$0x0], $0xffff  }
0xc2: {  	v63 =	vor.u32 $0x2, v28;
	v30 =	vld.idx.msk [tilespmem:v30+s30+$0x0], $0xffff;
	v25 =	vmul.f32 v29, v25;
	v23 =	vadd.f32 v23, v61  }
0xc3: {  	v22 =	vor.u32 v16, v22;
	v40 =	vshll.u32 v36, $0x3;
	v29 =	vld.idx.msk [tilespmem:v28+s31+$0x0], $0xffff;
	v28 =	vor.u32 $0x3, v28  }
0xc4: {  	v34 =	vld.idx.msk [tilespmem:v34+s30+$0x0], $0xffff;
	v44 =	vand.u32 $0x7FFFFC00, v40;
	v23 =	vadd.f32 v25, v23;
	v25 =	vmul.f32 v31, v27  }
0xc5: {  	v27 =	vor.u32 v19, v36;
	v31 =	vadd.s32 v15, v44;
	v45 =	vld.idx.msk [tilespmem:v39+s31+$0x0], $0xffff  }
0xc6: {  	v37 =	vld.idx.msk [tilespmem:v62+s30+$0x0], $0xffff;
	v31 =	vor.u32 v36, v31;
	v23 =	vadd.f32 v25, v23;
	v25 =	vmul.f32 v35, v33  }
0xc7: {  	v46 =	vor.u32 v18, v36;
	v47 =	vld.idx.msk [tilespmem:v63+s31+$0x0], $0xffff  }
0xc8: {  	v22 =	vld.idx.msk [tilespmem:v22+s30+$0x0], $0xffff;
	v48 =	vor.u32 $0x1, v31;
	v29 =	vmul.f32 v29, v30;
	v23 =	vadd.f32 v25, v23  }
0xc9: {  	v28 =	vld.idx.msk [tilespmem:v28+s31+$0x0], $0xffff;
	v30 =	vor.u32 $0x2, v31  }
0xca: {  	v25 =	vor.u32 v17, v36;
	v27 =	vld.idx.msk [tilespmem:v27+s30+$0x0], $0xffff;
	v23 =	vadd.f32 v29, v23;
	v29 =	vmul.f32 v45, v34  }
0xcb: {  	v49 =	vor.u32 v16, v36;
	v50 =	vld.idx.msk [tilespmem:v31+s31+$0x0], $0xffff  }
0xcc: {  	v33 =	vld.idx.msk [tilespmem:v46+s30+$0x0], $0xffff;
	v31 =	vor.u32 $0x3, v31;
	v23 =	vadd.f32 v29, v23;
	v29 =	vmul.f32 v47, v37  }
0xcd: {  	v51 =	vld.idx.msk [tilespmem:v48+s31+$0x0], $0xffff  }
0xce: {  	v22 =	vmul.f32 v28, v22;
	v28 =	vld.idx.msk [tilespmem:v30+s31+$0x0], $0xffff;
	v23 =	vadd.f32 v29, v23  }
0xcf: {  	v25 =	vld.idx.msk [tilespmem:v25+s30+$0x0], $0xffff  }
0xd0: {  	v29 =	vld.idx.msk [tilespmem:v49+s30+$0x0], $0xffff;
	v27 =	vmul.f32 v50, v27;
	v22 =	vadd.f32 v22, v23  }
0xd1: {  	v23 =	vld.idx.msk [tilespmem:v31+s31+$0x0], $0xffff  }
0xd2: {  	v22 =	vadd.f32 v27, v22;
	v27 =	vmul.f32 v51, v33;
	_ =	sdelay $0x1  }
0xd3: {  	v25 =	vmul.f32 v28, v25;
	v22 =	vadd.f32 v27, v22;
	_ =	sdelay $0x1  }
0xd4: {  	v23 =	vmul.f32 v23, v29;
	v22 =	vadd.f32 v25, v22;
	_ =	sdelay $0x1  }
0xd5: {  	v22 =	vadd.f32 v23, v22;
	_ =	sdelay $0x1  }
0xd6: {  	v22 =	vmul.f32 $1.767766920e-01, v22;
	_ =	sdelay $0x1  }
0xd7: {  	v22 =	vmul.f32 $1.442695020e+00, v22;
	_ =	sdelay $0x1  }
0xd8: {  	(erf) = vpow2.f32 v22  }
0xd9: {  	s0 =	simm.s32 $0x0  }
0xda: {  	v22 =	vmov s0  }
0xdb: {  	v22 =	vadd.s32 $0x40, v22  }
0xdc: {  	v23 =	vadd.s32 $0x1, v24;
	v25 =	vbroadcast v22, $0x0  }
0xdd: {  	v22 =	vand.u32 $0xFFFFFF80, v23  }
0xde: {  	v23 =	vand.u32 $0x7F, v23;
	v22 =	vadd.s32 v19, v22;
	v27 =	vshll.u32 v25, $0x3  }
0xdf: {  	v23 =	vor.u32 v23, v22;
	v22 =	vand.u32 $0x7FFFFC00, v27  }
0xe0: {  	v27 =	vor.u32 v19, v25;
	v22 =	vadd.s32 v15, v22  }
0xe1: {  	v29 =	vor.u32 v25, v22;
	v28 =	vpop (erf)  }
0xe2: {  	s3 =	simm.s32 $0x4;
	v30 =	vor.u32 v18, v25;
	v22 =	vmul.f32 v28, v26  }
0xe3: {  	v31 =	vor.u32 $0x1, v29;
	v28 =	vmov s3  }
0xe4: {  	v52 =	vor.u32 $0x2, v29;
	v28 =	vadd.s32 $0x40, v28;
	[tilespmem:v23+s22+$0x0] =	vst.idx.msk $0xffff, v22  }
0xe5: {  	v28 =	vbroadcast v28, $0x0;
	v23 =	vor.u32 v17, v25;
	v27 =	vld.idx.msk [tilespmem:v27+s30+$0x0], $0xffff  }
0xe6: {  	v25 =	vor.u32 v16, v25;
	v54 =	vld.idx.msk [tilespmem:v29+s31+$0x0], $0xffff  }
0xe7: {  	v30 =	vld.idx.msk [tilespmem:v30+s30+$0x0], $0xffff;
	v29 =	vor.u32 $0x3, v29;
	v53 =	vshll.u32 v28, $0x3  }
0xe8: {  	v31 =	vld.idx.msk [tilespmem:v31+s31+$0x0], $0xffff;
	v55 =	vor.u32 v19, v28;
	v33 =	vand.u32 $0x7FFFFC00, v53  }
0xe9: {  	v32 =	vld.idx.msk [tilespmem:v52+s31+$0x0], $0xffff;
	v58 =	vor.u32 v18, v28;
	v33 =	vadd.s32 v15, v33  }
0xea: {  	s4 =	simm.s32 $0x8;
	s23 =	simm.s32 $0xC;
	v56 =	vor.u32 v28, v33;
	v57 =	vld.idx.msk [tilespmem:v23+s30+$0x0], $0xffff  }
0xeb: {  	v43 =	vmov s23;
	v23 =	vmov s4;
	v60 =	vld.idx.msk [tilespmem:v25+s30+$0x0], $0xffff;
	v59 =	vor.u32 $0x1, v56  }
0xec: {  	v23 =	vadd.s32 $0x40, v23;
	v27 =	vmul.f32 v54, v27;
	v42 =	vld.idx.msk [tilespmem:v29+s31+$0x0], $0xffff;
	v44 =	vor.u32 $0x2, v56  }
0xed: {  	v41 =	vor.u32 v17, v28;
	v29 =	vimm.f32 $0.0e+00;
	v23 =	vbroadcast v23, $0x0;
	v25 =	vld.idx.msk [tilespmem:v55+s30+$0x0], $0xffff  }
0xee: {  	v34 =	vor.u32 v16, v28;
	v45 =	vmul.f32 v31, v30;
	v29 =	vadd.f32 v27, v29;
	v27 =	vld.idx.msk [tilespmem:v58+s30+$0x0], $0xffff  }
0xef: {  	v36 =	vor.u32 $0x3, v56;
	v61 =	vshll.u32 v23, $0x3;
	v31 =	vor.u32 v19, v23;
	v33 =	vld.idx.msk [tilespmem:v56+s31+$0x0], $0xffff  }
0xf0: {  	v28 =	vand.u32 $0x7FFFFC00, v61;
	v62 =	vadd.f32 v45, v29;
	v63 =	vmul.f32 v32, v57;
	v30 =	vld.idx.msk [tilespmem:v59+s31+$0x0], $0xffff  }
0xf1: {  	v37 =	vadd.s32 $0x40, v43;
	v35 =	vor.u32 v18, v23;
	v28 =	vadd.s32 v15, v28;
	v32 =	vld.idx.msk [tilespmem:v44+s31+$0x0], $0xffff  }
0xf2: {  	s0 =	simm.s32 $0x10;
	v39 =	vmul.f32 v42, v60;
	v29 =	vor.u32 v23, v28;
	v28 =	vld.idx.msk [tilespmem:v41+s30+$0x0], $0xffff;
	v38 =	vadd.f32 v63, v62  }
.LBB2_8:
0xf3: {  	p0 =	sne.s32 s0, $0x1C;
	v37 =	vbroadcast v37, $0x0;
	v40 =	vor.u32 $0x1, v29;
	v41 =	vld.idx.msk [tilespmem:v34+s30+$0x0], $0xffff  }
0xf4: {  	v42 =	vor.u32 v17, v23;
	v43 =	vmul.f32 v33, v25;
	v44 =	vld.idx.msk [tilespmem:v36+s31+$0x0], $0xffff;
	v36 =	vadd.f32 v39, v38  }
0xf5: {  	v34 =	vor.u32 v16, v23;
	v38 =	vmov s0;
	v39 =	vor.u32 $0x2, v29;
	v25 =	vld.idx.msk [tilespmem:v31+s30+$0x0], $0xffff;
	v23 =	vmovc v37  }
.Ltmp2:
0xf6: {  	v45 =	vmul.f32 v30, v27;
	v37 =	vshll.u32 v23, $0x3;
	v33 =	vld.idx.msk [tilespmem:v29+s31+$0x0], $0xffff;
	v43 =	vadd.f32 v43, v36;
	(pc) =	sbr.rel @p0 .LBB2_8-.Ltmp2, $4  }
0xf7: {  	v31 =	vor.u32 v19, v23;
	v36 =	vor.u32 $0x3, v29;
	v30 =	vand.u32 $0x7FFFFC00, v37;
	v27 =	vld.idx.msk [tilespmem:v35+s30+$0x0], $0xffff  }
0xf8: {  	v29 =	vadd.s32 v15, v30;
	v30 =	vld.idx.msk [tilespmem:v40+s31+$0x0], $0xffff;
	v40 =	vadd.f32 v45, v43;
	v43 =	vmul.f32 v32, v28  }
0xf9: {  	v37 =	vadd.s32 $0x40, v38;
	v29 =	vor.u32 v23, v29;
	v28 =	vld.idx.msk [tilespmem:v42+s30+$0x0], $0xffff  }
0xfa: {  	s0 =	sadd.s32 $0x4, s0;
	v35 =	vor.u32 v18, v23;
	v32 =	vld.idx.msk [tilespmem:v39+s31+$0x0], $0xffff;
	v38 =	vadd.f32 v43, v40;
	v39 =	vmul.f32 v44, v41  }
0xfb: {  	_ =	sdelay $0x3  }
0xfc: {  	v40 =	vor.u32 $0x1, v29;
	v34 =	vld.idx.msk [tilespmem:v34+s30+$0x0], $0xffff;
	v25 =	vmul.f32 v33, v25;
	v61 =	vadd.f32 v39, v38  }
0xfd: {  	v37 =	vbroadcast v37, $0x0;
	v62 =	vor.u32 v17, v23;
	v36 =	vld.idx.msk [tilespmem:v36+s31+$0x0], $0xffff  }
0xfe: {  	v63 =	vor.u32 $0x2, v29;
	v31 =	vld.idx.msk [tilespmem:v31+s30+$0x0], $0xffff;
	v27 =	vmul.f32 v30, v27;
	v25 =	vadd.f32 v25, v61  }
0xff: {  	v23 =	vor.u32 v16, v23;
	v41 =	vshll.u32 v37, $0x3;
	v30 =	vld.idx.msk [tilespmem:v29+s31+$0x0], $0xffff;
	v29 =	vor.u32 $0x3, v29  }
0x100: {  	v35 =	vld.idx.msk [tilespmem:v35+s30+$0x0], $0xffff;
	v42 =	vand.u32 $0x7FFFFC00, v41;
	v25 =	vadd.f32 v27, v25;
	v27 =	vmul.f32 v32, v28  }
0x101: {  	v43 =	vadd.s32 v15, v42;
	v28 =	vor.u32 v19, v37;
	v44 =	vld.idx.msk [tilespmem:v40+s31+$0x0], $0xffff  }
0x102: {  	v32 =	vor.u32 v37, v43;
	v38 =	vld.idx.msk [tilespmem:v62+s30+$0x0], $0xffff;
	v25 =	vadd.f32 v27, v25;
	v27 =	vmul.f32 v36, v34  }
0x103: {  	v45 =	vor.u32 v18, v37;
	v46 =	vld.idx.msk [tilespmem:v63+s31+$0x0], $0xffff  }
0x104: {  	v23 =	vld.idx.msk [tilespmem:v23+s30+$0x0], $0xffff;
	v47 =	vor.u32 $0x1, v32;
	v30 =	vmul.f32 v30, v31;
	v25 =	vadd.f32 v27, v25  }
0x105: {  	v29 =	vld.idx.msk [tilespmem:v29+s31+$0x0], $0xffff;
	v31 =	vor.u32 $0x2, v32  }
0x106: {  	v27 =	vor.u32 v17, v37;
	v28 =	vld.idx.msk [tilespmem:v28+s30+$0x0], $0xffff;
	v25 =	vadd.f32 v30, v25;
	v30 =	vmul.f32 v44, v35  }
0x107: {  	v48 =	vor.u32 v16, v37;
	v49 =	vld.idx.msk [tilespmem:v32+s31+$0x0], $0xffff  }
0x108: {  	v34 =	vld.idx.msk [tilespmem:v45+s30+$0x0], $0xffff;
	v32 =	vor.u32 $0x3, v32;
	v25 =	vadd.f32 v30, v25;
	v30 =	vmul.f32 v46, v38  }
0x109: {  	v50 =	vld.idx.msk [tilespmem:v47+s31+$0x0], $0xffff  }
0x10a: {  	v23 =	vmul.f32 v29, v23;
	v29 =	vld.idx.msk [tilespmem:v31+s31+$0x0], $0xffff;
	v25 =	vadd.f32 v30, v25  }
0x10b: {  	v27 =	vld.idx.msk [tilespmem:v27+s30+$0x0], $0xffff  }
0x10c: {  	v30 =	vld.idx.msk [tilespmem:v48+s30+$0x0], $0xffff;
	v28 =	vmul.f32 v49, v28;
	v23 =	vadd.f32 v23, v25  }
0x10d: {  	v25 =	vld.idx.msk [tilespmem:v32+s31+$0x0], $0xffff  }
0x10e: {  	v23 =	vadd.f32 v28, v23;
	v28 =	vmul.f32 v50, v34;
	_ =	sdelay $0x1  }
0x10f: {  	v27 =	vmul.f32 v29, v27;
	v23 =	vadd.f32 v28, v23;
	_ =	sdelay $0x1  }
0x110: {  	v25 =	vmul.f32 v25, v30;
	v23 =	vadd.f32 v27, v23;
	_ =	sdelay $0x1  }
0x111: {  	v23 =	vadd.f32 v25, v23;
	_ =	sdelay $0x1  }
0x112: {  	v23 =	vmul.f32 $1.767766920e-01, v23;
	_ =	sdelay $0x1  }
0x113: {  	v23 =	vmul.f32 $1.442695020e+00, v23;
	_ =	sdelay $0x1  }
0x114: {  	(erf) = vpow2.f32 v23  }
0x115: {  	s0 =	simm.s32 $0x0  }
0x116: {  	v23 =	vmov s0  }
0x117: {  	v23 =	vadd.s32 $0x60, v23  }
0x118: {  	v25 =	vadd.s32 $0x2, v24;
	v27 =	vbroadcast v23, $0x0  }
0x119: {  	v23 =	vand.u32 $0xFFFFFF80, v25  }
0x11a: {  	v25 =	vand.u32 $0x7F, v25;
	v23 =	vadd.s32 v19, v23;
	v28 =	vshll.u32 v27, $0x3  }
0x11b: {  	v25 =	vor.u32 v25, v23;
	v23 =	vand.u32 $0x7FFFFC00, v28  }
0x11c: {  	v28 =	vor.u32 v19, v27;
	v23 =	vadd.s32 v15, v23  }
0x11d: {  	v30 =	vor.u32 v27, v23;
	v29 =	vpop (erf)  }
0x11e: {  	s3 =	simm.s32 $0x4;
	v31 =	vor.u32 v18, v27;
	v23 =	vmul.f32 v29, v26  }
0x11f: {  	v51 =	vor.u32 $0x1, v30;
	v29 =	vmov s3  }
0x120: {  	v52 =	vor.u32 $0x2, v30;
	v29 =	vadd.s32 $0x60, v29;
	[tilespmem:v25+s22+$0x0] =	vst.idx.msk $0xffff, v23  }
0x121: {  	v29 =	vbroadcast v29, $0x0;
	v25 =	vor.u32 v17, v27;
	v28 =	vld.idx.msk [tilespmem:v28+s30+$0x0], $0xffff  }
0x122: {  	v27 =	vor.u32 v16, v27;
	v54 =	vld.idx.msk [tilespmem:v30+s31+$0x0], $0xffff  }
0x123: {  	v31 =	vld.idx.msk [tilespmem:v31+s30+$0x0], $0xffff;
	v30 =	vor.u32 $0x3, v30;
	v53 =	vshll.u32 v29, $0x3  }
0x124: {  	v32 =	vld.idx.msk [tilespmem:v51+s31+$0x0], $0xffff;
	v55 =	vor.u32 v19, v29;
	v34 =	vand.u32 $0x7FFFFC00, v53  }
0x125: {  	v33 =	vld.idx.msk [tilespmem:v52+s31+$0x0], $0xffff;
	v58 =	vor.u32 v18, v29;
	v34 =	vadd.s32 v15, v34  }
0x126: {  	s4 =	simm.s32 $0x8;
	s23 =	simm.s32 $0xC;
	v56 =	vor.u32 v29, v34;
	v57 =	vld.idx.msk [tilespmem:v25+s30+$0x0], $0xffff  }
0x127: {  	v44 =	vmov s23;
	v25 =	vmov s4;
	v60 =	vld.idx.msk [tilespmem:v27+s30+$0x0], $0xffff;
	v59 =	vor.u32 $0x1, v56  }
0x128: {  	v25 =	vadd.s32 $0x60, v25;
	v28 =	vmul.f32 v54, v28;
	v43 =	vld.idx.msk [tilespmem:v30+s31+$0x0], $0xffff;
	v45 =	vor.u32 $0x2, v56  }
0x129: {  	v42 =	vor.u32 v17, v29;
	v30 =	vimm.f32 $0.0e+00;
	v25 =	vbroadcast v25, $0x0;
	v27 =	vld.idx.msk [tilespmem:v55+s30+$0x0], $0xffff  }
0x12a: {  	v35 =	vor.u32 v16, v29;
	v46 =	vmul.f32 v32, v31;
	v30 =	vadd.f32 v28, v30;
	v28 =	vld.idx.msk [tilespmem:v58+s30+$0x0], $0xffff  }
0x12b: {  	v37 =	vor.u32 $0x3, v56;
	v61 =	vshll.u32 v25, $0x3;
	v32 =	vor.u32 v19, v25;
	v34 =	vld.idx.msk [tilespmem:v56+s31+$0x0], $0xffff  }
0x12c: {  	v29 =	vand.u32 $0x7FFFFC00, v61;
	v62 =	vadd.f32 v46, v30;
	v63 =	vmul.f32 v33, v57;
	v31 =	vld.idx.msk [tilespmem:v59+s31+$0x0], $0xffff  }
0x12d: {  	v38 =	vadd.s32 $0x60, v44;
	v36 =	vor.u32 v18, v25;
	v29 =	vadd.s32 v15, v29;
	v33 =	vld.idx.msk [tilespmem:v45+s31+$0x0], $0xffff  }
0x12e: {  	s0 =	simm.s32 $0x10;
	v40 =	vmul.f32 v43, v60;
	v30 =	vor.u32 v25, v29;
	v29 =	vld.idx.msk [tilespmem:v42+s30+$0x0], $0xffff;
	v39 =	vadd.f32 v63, v62  }
.LBB2_10:
0x12f: {  	p0 =	sne.s32 s0, $0x1C;
	v38 =	vbroadcast v38, $0x0;
	v41 =	vor.u32 $0x1, v30;
	v42 =	vld.idx.msk [tilespmem:v35+s30+$0x0], $0xffff  }
0x130: {  	v43 =	vor.u32 v17, v25;
	v44 =	vmul.f32 v34, v27;
	v45 =	vld.idx.msk [tilespmem:v37+s31+$0x0], $0xffff;
	v37 =	vadd.f32 v40, v39  }
0x131: {  	v35 =	vor.u32 v16, v25;
	v39 =	vmov s0;
	v40 =	vor.u32 $0x2, v30;
	v27 =	vld.idx.msk [tilespmem:v32+s30+$0x0], $0xffff;
	v25 =	vmovc v38  }
.Ltmp3:
0x132: {  	v46 =	vmul.f32 v31, v28;
	v38 =	vshll.u32 v25, $0x3;
	v34 =	vld.idx.msk [tilespmem:v30+s31+$0x0], $0xffff;
	v44 =	vadd.f32 v44, v37;
	(pc) =	sbr.rel @p0 .LBB2_10-.Ltmp3, $4  }
0x133: {  	v32 =	vor.u32 v19, v25;
	v37 =	vor.u32 $0x3, v30;
	v31 =	vand.u32 $0x7FFFFC00, v38;
	v28 =	vld.idx.msk [tilespmem:v36+s30+$0x0], $0xffff  }
0x134: {  	v30 =	vadd.s32 v15, v31;
	v31 =	vld.idx.msk [tilespmem:v41+s31+$0x0], $0xffff;
	v41 =	vadd.f32 v46, v44;
	v44 =	vmul.f32 v33, v29  }
0x135: {  	v38 =	vadd.s32 $0x60, v39;
	v30 =	vor.u32 v25, v30;
	v29 =	vld.idx.msk [tilespmem:v43+s30+$0x0], $0xffff  }
0x136: {  	s0 =	sadd.s32 $0x4, s0;
	v36 =	vor.u32 v18, v25;
	v33 =	vld.idx.msk [tilespmem:v40+s31+$0x0], $0xffff;
	v39 =	vadd.f32 v44, v41;
	v40 =	vmul.f32 v45, v42  }
0x137: {  	_ =	sdelay $0x3  }
0x138: {  	v41 =	vor.u32 $0x1, v30;
	v35 =	vld.idx.msk [tilespmem:v35+s30+$0x0], $0xffff;
	v27 =	vmul.f32 v34, v27;
	v51 =	vadd.f32 v40, v39  }
0x139: {  	v38 =	vbroadcast v38, $0x0;
	v52 =	vor.u32 v17, v25;
	v37 =	vld.idx.msk [tilespmem:v37+s31+$0x0], $0xffff  }
0x13a: {  	v53 =	vor.u32 $0x2, v30;
	v32 =	vld.idx.msk [tilespmem:v32+s30+$0x0], $0xffff;
	v28 =	vmul.f32 v31, v28;
	v27 =	vadd.f32 v27, v51  }
0x13b: {  	v25 =	vor.u32 v16, v25;
	v42 =	vshll.u32 v38, $0x3;
	v31 =	vld.idx.msk [tilespmem:v30+s31+$0x0], $0xffff;
	v30 =	vor.u32 $0x3, v30  }
0x13c: {  	v36 =	vld.idx.msk [tilespmem:v36+s30+$0x0], $0xffff;
	v54 =	vand.u32 $0x7FFFFC00, v42;
	v27 =	vadd.f32 v28, v27;
	v28 =	vmul.f32 v33, v29  }
0x13d: {  	v55 =	vadd.s32 v15, v54;
	v29 =	vor.u32 v19, v38;
	v56 =	vld.idx.msk [tilespmem:v41+s31+$0x0], $0xffff  }
0x13e: {  	v33 =	vor.u32 v38, v55;
	v39 =	vld.idx.msk [tilespmem:v52+s30+$0x0], $0xffff;
	v27 =	vadd.f32 v28, v27;
	v28 =	vmul.f32 v37, v35  }
0x13f: {  	v57 =	vor.u32 v18, v38;
	v58 =	vld.idx.msk [tilespmem:v53+s31+$0x0], $0xffff  }
0x140: {  	v25 =	vld.idx.msk [tilespmem:v25+s30+$0x0], $0xffff;
	v59 =	vor.u32 $0x1, v33;
	v31 =	vmul.f32 v31, v32;
	v27 =	vadd.f32 v28, v27  }
0x141: {  	v60 =	vor.u32 $0x2, v33;
	v30 =	vld.idx.msk [tilespmem:v30+s31+$0x0], $0xffff  }
0x142: {  	v28 =	vor.u32 v17, v38;
	v29 =	vld.idx.msk [tilespmem:v29+s30+$0x0], $0xffff;
	v27 =	vadd.f32 v31, v27;
	v31 =	vmul.f32 v56, v36  }
0x143: {  	v61 =	vor.u32 v16, v38;
	v62 =	vld.idx.msk [tilespmem:v33+s31+$0x0], $0xffff  }
0x144: {  	v35 =	vld.idx.msk [tilespmem:v57+s30+$0x0], $0xffff;
	v33 =	vor.u32 $0x3, v33;
	v27 =	vadd.f32 v31, v27;
	v31 =	vmul.f32 v58, v39  }
0x145: {  	v63 =	vld.idx.msk [tilespmem:v59+s31+$0x0], $0xffff  }
0x146: {  	v25 =	vmul.f32 v30, v25;
	v30 =	vld.idx.msk [tilespmem:v60+s31+$0x0], $0xffff;
	v27 =	vadd.f32 v31, v27  }
0x147: {  	v28 =	vld.idx.msk [tilespmem:v28+s30+$0x0], $0xffff  }
0x148: {  	v31 =	vld.idx.msk [tilespmem:v61+s30+$0x0], $0xffff;
	v29 =	vmul.f32 v62, v29;
	v25 =	vadd.f32 v25, v27  }
0x149: {  	v27 =	vld.idx.msk [tilespmem:v33+s31+$0x0], $0xffff  }
0x14a: {  	v25 =	vadd.f32 v29, v25;
	v29 =	vmul.f32 v63, v35;
	_ =	sdelay $0x1  }
0x14b: {  	v28 =	vmul.f32 v30, v28;
	v25 =	vadd.f32 v29, v25;
	_ =	sdelay $0x1  }
0x14c: {  	v27 =	vmul.f32 v27, v31;
	v25 =	vadd.f32 v28, v25;
	_ =	sdelay $0x1  }
0x14d: {  	v25 =	vadd.f32 v27, v25;
	_ =	sdelay $0x1  }
0x14e: {  	v25 =	vmul.f32 $1.767766920e-01, v25;
	_ =	sdelay $0x1  }
0x14f: {  	v25 =	vmul.f32 $1.442695020e+00, v25;
	_ =	sdelay $0x1  }
0x150: {  	(erf) = vpow2.f32 v25;
	_ =	sdelay $0x3  }
0x151: {  	v24 =	vadd.s32 $0x3, v24  }
0x152: {  	v25 =	vand.u32 $0xFFFFFF80, v24  }
0x153: {  	v24 =	vand.u32 $0x7F, v24;
	v25 =	vadd.s32 v19, v25  }
0x154: {  	s2 =	simm.s32 $0x0;
	v27 =	vor.u32 v24, v25;
	v25 =	vor.u32 v9, v20  }
0x155: {  	v28 =	vor.u32 s2, v25  }
0x156: {  	v24 =	vpop (erf)  }
0x157: {  	v24 =	vmul.f32 v24, v26;
	_ =	sdelay $0x1  }
0x158: {  	[tilespmem:v27+s22+$0x0] =	vst.idx.msk $0xffff, v24  }
0x159: {  	v26 =	vld.idx.msk [tilespmem:v28+s31+$0x0], $0xffff;
	_ =	sdelay $0x1  }
0x15a: {  	v27 =	vor.u32 s2, v19;
	v28 =	vor.u32 s2, v20  }
0x15b: {  	v29 =	vor.u32 v10, v28;
	_ =	sdelay $0x1  }
0x15c: {  	v26 =	vmul.f32 v26, v21;
	_ =	sdelay $0x1  }
0x15d: {  	[tilespmem:v27+s30+$0x0] =	vst.idx.msk $0xffff, v26  }
0x15e: {  	v26 =	vld.idx.msk [tilespmem:v29+s31+$0x0], $0xffff;
	_ =	sdelay $0x1  }
0x15f: {  	v27 =	vor.u32 s2, v18  }
0x160: {  	v29 =	vor.u32 v11, v28;
	_ =	sdelay $0x1  }
0x161: {  	v26 =	vmul.f32 v26, v21;
	_ =	sdelay $0x1  }
0x162: {  	[tilespmem:v27+s30+$0x0] =	vst.idx.msk $0xffff, v26  }
0x163: {  	v26 =	vld.idx.msk [tilespmem:v29+s31+$0x0], $0xffff;
	_ =	sdelay $0x1  }
0x164: {  	v27 =	vor.u32 s2, v17  }
0x165: {  	v28 =	vor.u32 v12, v28;
	_ =	sdelay $0x1  }
0x166: {  	v26 =	vmul.f32 v26, v21;
	_ =	sdelay $0x1  }
0x167: {  	[tilespmem:v27+s30+$0x0] =	vst.idx.msk $0xffff, v26  }
0x168: {  	v28 =	vld.idx.msk [tilespmem:v28+s31+$0x0], $0xffff;
	_ =	sdelay $0x1  }
0x169: {  	s23 =	simm.s32 $0x4;
	v27 =	vor.u32 s2, v16  }
0x16a: {  	v26 =	vor.u32 s23, v25;
	_ =	sdelay $0x1  }
0x16b: {  	s0 =	simm.s32 $0x8;
	s3 =	simm.s32 $0x4;
	v28 =	vmul.f32 v28, v21  }
.LBB2_12:
0x16c: {  	_ = 	snop  }
0x16d: {  	p0 =	sne.s32 s0, $0x1C;
	s4 =	smov.u32 s0;
	s0 =	sadd.s32 $0x4, s0;
	[tilespmem:v27+s30+$0x0] =	vst.idx.msk $0xffff, v28  }
0x16e: {  	v26 =	vld.idx.msk [tilespmem:v26+s31+$0x0], $0xffff;
	_ =	sdelay $0x2  }
0x16f: {  	v27 =	vor.u32 s3, v19;
	v28 =	vor.u32 s3, v20  }
0x170: {  	v29 =	vor.u32 v10, v28;
	_ =	sdelay $0x1  }
0x171: {  	v26 =	vmul.f32 v26, v21;
	_ =	sdelay $0x1  }
0x172: {  	[tilespmem:v27+s30+$0x0] =	vst.idx.msk $0xffff, v26  }
0x173: {  	v26 =	vld.idx.msk [tilespmem:v29+s31+$0x0], $0xffff;
	_ =	sdelay $0x2  }
0x174: {  	v27 =	vor.u32 s3, v18  }
0x175: {  	v29 =	vor.u32 v11, v28;
	_ =	sdelay $0x1  }
0x176: {  	v26 =	vmul.f32 v26, v21;
	_ =	sdelay $0x1  }
0x177: {  	[tilespmem:v27+s30+$0x0] =	vst.idx.msk $0xffff, v26  }
0x178: {  	v26 =	vld.idx.msk [tilespmem:v29+s31+$0x0], $0xffff;
	_ =	sdelay $0x2  }
0x179: {  	v27 =	vor.u32 s3, v17  }
0x17a: {  	v28 =	vor.u32 v12, v28;
	_ =	sdelay $0x1  }
0x17b: {  	v26 =	vmul.f32 v26, v21;
	_ =	sdelay $0x1  }
0x17c: {  	[tilespmem:v27+s30+$0x0] =	vst.idx.msk $0xffff, v26  }
0x17d: {  	v28 =	vld.idx.msk [tilespmem:v28+s31+$0x0], $0xffff;
	_ =	sdelay $0x1  }
.Ltmp4:
0x17e: {  	(pc) =	sbr.rel @p0 .LBB2_12-.Ltmp4, $3  }
0x17f: {  	v27 =	vor.u32 s3, v16;
	s3 =	smov.u32 s4  }
0x180: {  	v26 =	vor.u32 s3, v25;
	_ =	sdelay $0x1  }
0x181: {  	v28 =	vmul.f32 v28, v21  }
0x182: {  	_ =	sdelay $0x3  }
0x183: {  	[tilespmem:v27+s30+$0x0] =	vst.idx.msk $0xffff, v28  }
0x184: {  	v26 =	vld.idx.msk [tilespmem:v26+s31+$0x0], $0xffff;
	_ =	sdelay $0x1  }
0x185: {  	v20 =	vor.u32 s3, v20;
	v27 =	vor.u32 s3, v19  }
0x186: {  	v28 =	vor.u32 v10, v20;
	_ =	sdelay $0x1  }
0x187: {  	v26 =	vmul.f32 v26, v21;
	_ =	sdelay $0x1  }
0x188: {  	[tilespmem:v27+s30+$0x0] =	vst.idx.msk $0xffff, v26  }
0x189: {  	v26 =	vld.idx.msk [tilespmem:v28+s31+$0x0], $0xffff;
	_ =	sdelay $0x1  }
0x18a: {  	v27 =	vor.u32 s3, v18  }
0x18b: {  	v28 =	vor.u32 v11, v20;
	_ =	sdelay $0x1  }
0x18c: {  	v26 =	vmul.f32 v26, v21;
	_ =	sdelay $0x1  }
0x18d: {  	[tilespmem:v27+s30+$0x0] =	vst.idx.msk $0xffff, v26  }
0x18e: {  	v26 =	vld.idx.msk [tilespmem:v28+s31+$0x0], $0xffff;
	_ =	sdelay $0x1  }
0x18f: {  	v27 =	vor.u32 s3, v17  }
0x190: {  	v20 =	vor.u32 v12, v20;
	_ =	sdelay $0x1  }
0x191: {  	v28 =	vmov s2;
	v26 =	vmul.f32 v26, v21  }
0x192: {  	v28 =	vadd.s32 $0x20, v28  }
0x193: {  	[tilespmem:v27+s30+$0x0] =	vst.idx.msk $0xffff, v26;
	v26 =	vbroadcast v28, $0x0  }
0x194: {  	v20 =	vld.idx.msk [tilespmem:v20+s31+$0x0], $0xffff  }
0x195: {  	v27 =	vshll.u32 v26, $0x3  }
0x196: {  	v28 =	vor.u32 s3, v16;
	v29 =	vadd.s32 v26, v25;
	v27 =	vand.u32 $0x7FFFFC00, v27  }
0x197: {  	v27 =	vadd.s32 v27, v29;
	_ =	sdelay $0x1  }
0x198: {  	v20 =	vmul.f32 v20, v21;
	_ =	sdelay $0x1  }
0x199: {  	[tilespmem:v28+s30+$0x0] =	vst.idx.msk $0xffff, v20;
	v20 =	vor.u32 $0x81, v26  }
0x19a: {  	v21 =	vshll.u32 v20, $0x3;
	v27 =	vld.idx.msk [tilespmem:v27+s31+$0x0], $0xffff  }
0x19b: {  	v21 =	vand.u32 $0x7FFFFC00, v21  }
0x19c: {  	v28 =	vor.u32 v19, v26;
	v20 =	vand.u32 $0x7D, v20;
	v21 =	vadd.s32 v15, v21  }
0x19d: {  	v20 =	vor.u32 v20, v21;
	_ =	sdelay $0x1  }
0x19e: {  	v21 =	vmul.f32 v27, v22;
	_ =	sdelay $0x1  }
0x19f: {  	v27 =	vor.u32 $0x82, v26;
	[tilespmem:v28+s30+$0x0] =	vst.idx.msk $0xffff, v21  }
0x1a0: {  	v21 =	vshll.u32 v27, $0x3;
	v20 =	vld.idx.msk [tilespmem:v20+s31+$0x0], $0xffff  }
0x1a1: {  	v21 =	vand.u32 $0x7FFFFC00, v21  }
0x1a2: {  	v28 =	vor.u32 v26, v18;
	v27 =	vand.u32 $0x7E, v27;
	v21 =	vadd.s32 v15, v21  }
0x1a3: {  	v21 =	vor.u32 v27, v21;
	_ =	sdelay $0x1  }
0x1a4: {  	v20 =	vmul.f32 v20, v22;
	_ =	sdelay $0x1  }
0x1a5: {  	v27 =	vor.u32 $0x83, v26;
	[tilespmem:v28+s30+$0x0] =	vst.idx.msk $0xffff, v20  }
0x1a6: {  	v20 =	vshll.u32 v27, $0x3;
	v21 =	vld.idx.msk [tilespmem:v21+s31+$0x0], $0xffff  }
0x1a7: {  	v20 =	vand.u32 $0x7FFFFC00, v20  }
0x1a8: {  	v28 =	vor.u32 v26, v17;
	v27 =	vand.u32 $0x7F, v27;
	v20 =	vadd.s32 v15, v20  }
0x1a9: {  	v20 =	vor.u32 v27, v20;
	_ =	sdelay $0x1  }
0x1aa: {  	v27 =	vmov s23;
	v29 =	vmul.f32 v21, v22  }
0x1ab: {  	v21 =	vadd.s32 $0x20, v27  }
0x1ac: {  	v21 =	vbroadcast v21, $0x0;
	[tilespmem:v28+s30+$0x0] =	vst.idx.msk $0xffff, v29  }
0x1ad: {  	v27 =	vld.idx.msk [tilespmem:v20+s31+$0x0], $0xffff  }
0x1ae: {  	v30 =	vor.u32 v26, v16;
	v20 =	vshll.u32 v21, $0x3;
	v28 =	vor.u32 $0x81, v21  }
0x1af: {  	v29 =	vadd.s32 v21, v25;
	v20 =	vand.u32 $0x7FFFFC00, v20;
	v31 =	vshll.u32 v28, $0x3  }
0x1b0: {  	v26 =	vor.u32 $0x82, v21;
	v32 =	vadd.s32 v20, v29;
	v29 =	vand.u32 $0x7FFFFC00, v31  }
0x1b1: {  	v33 =	vshll.u32 v26, $0x3;
	v20 =	vor.u32 $0x83, v21;
	v31 =	vadd.s32 v15, v29  }
0x1b2: {  	v29 =	vand.u32 $0x7FFFFC00, v33;
	v34 =	vshll.u32 v20, $0x3;
	v33 =	vmul.f32 v27, v22  }
0x1b3: {  	s2 =	simm.s32 $0x8;
	v29 =	vadd.s32 v15, v29;
	v27 =	vand.u32 $0x7FFFFC00, v34  }
.LBB2_14:
0x1b4: {  	p0 =	sne.s32 s2, $0x1C;
	[tilespmem:v30+s30+$0x0] =	vst.idx.msk $0xffff, v33;
	s0 =	smov.u32 s2;
	s2 =	sadd.s32 $0x4, s2  }
0x1b5: {  	v30 =	vld.idx.msk [tilespmem:v32+s31+$0x0], $0xffff;
	_ =	sdelay $0x2  }
0x1b6: {  	v28 =	vand.u32 $0x7D, v28;
	v32 =	vor.u32 v19, v21  }
0x1b7: {  	v28 =	vor.u32 v28, v31;
	_ =	sdelay $0x1  }
0x1b8: {  	v30 =	vmul.f32 v30, v22;
	_ =	sdelay $0x1  }
0x1b9: {  	[tilespmem:v32+s30+$0x0] =	vst.idx.msk $0xffff, v30  }
0x1ba: {  	v28 =	vld.idx.msk [tilespmem:v28+s31+$0x0], $0xffff;
	_ =	sdelay $0x2  }
0x1bb: {  	v26 =	vand.u32 $0x7E, v26;
	v30 =	vor.u32 v21, v18  }
0x1bc: {  	v26 =	vor.u32 v26, v29;
	_ =	sdelay $0x1  }
0x1bd: {  	v28 =	vmul.f32 v28, v22;
	_ =	sdelay $0x1  }
0x1be: {  	[tilespmem:v30+s30+$0x0] =	vst.idx.msk $0xffff, v28  }
0x1bf: {  	v26 =	vld.idx.msk [tilespmem:v26+s31+$0x0], $0xffff;
	_ =	sdelay $0x2  }
0x1c0: {  	v20 =	vand.u32 $0x7F, v20;
	v27 =	vadd.s32 v15, v27;
	v28 =	vor.u32 v21, v17  }
0x1c1: {  	v20 =	vor.u32 v20, v27;
	_ =	sdelay $0x1  }
0x1c2: {  	v26 =	vmul.f32 v26, v22  }
0x1c3: {  	v27 =	vmov s0  }
0x1c4: {  	v27 =	vadd.s32 $0x20, v27;
	[tilespmem:v28+s30+$0x0] =	vst.idx.msk $0xffff, v26  }
0x1c5: {  	v27 =	vbroadcast v27, $0x0;
	v33 =	vld.idx.msk [tilespmem:v20+s31+$0x0], $0xffff  }
0x1c6: {  	v30 =	vor.u32 v21, v16  }
0x1c7: {  	v21 =	vmovc v27;
	v28 =	vor.u32 $0x81, v27;
	v26 =	vor.u32 $0x82, v27;
	v20 =	vshll.u32 v27, $0x3  }
.Ltmp5:
0x1c8: {  	v27 =	vadd.s32 v21, v25;
	v29 =	vshll.u32 v28, $0x3;
	v20 =	vand.u32 $0x7FFFFC00, v20;
	(pc) =	sbr.rel @p0 .LBB2_14-.Ltmp5, $4  }
0x1c9: {  	v32 =	vadd.s32 v20, v27;
	v20 =	vand.u32 $0x7FFFFC00, v29;
	v27 =	vshll.u32 v26, $0x3  }
0x1ca: {  	v31 =	vadd.s32 v15, v20;
	v27 =	vand.u32 $0x7FFFFC00, v27;
	v20 =	vor.u32 $0x83, v21  }
0x1cb: {  	v29 =	vadd.s32 v15, v27;
	v27 =	vshll.u32 v20, $0x3;
	v33 =	vmul.f32 v33, v22  }
0x1cc: {  	v27 =	vand.u32 $0x7FFFFC00, v27  }
0x1cd: {  	_ =	sdelay $0x3  }
0x1ce: {  	[tilespmem:v30+s30+$0x0] =	vst.idx.msk $0xffff, v33  }
0x1cf: {  	v30 =	vld.idx.msk [tilespmem:v32+s31+$0x0], $0xffff;
	_ =	sdelay $0x1  }
0x1d0: {  	v62 =	vor.u32 v19, v21;
	v28 =	vand.u32 $0x7D, v28  }
0x1d1: {  	v28 =	vor.u32 v28, v31;
	_ =	sdelay $0x1  }
0x1d2: {  	v30 =	vmul.f32 v30, v22;
	_ =	sdelay $0x1  }
0x1d3: {  	[tilespmem:v62+s30+$0x0] =	vst.idx.msk $0xffff, v30  }
0x1d4: {  	v28 =	vld.idx.msk [tilespmem:v28+s31+$0x0], $0xffff;
	_ =	sdelay $0x1  }
0x1d5: {  	v26 =	vand.u32 $0x7E, v26;
	v30 =	vor.u32 v21, v18  }
0x1d6: {  	v26 =	vor.u32 v26, v29;
	_ =	sdelay $0x1  }
0x1d7: {  	v28 =	vmul.f32 v28, v22;
	_ =	sdelay $0x1  }
0x1d8: {  	[tilespmem:v30+s30+$0x0] =	vst.idx.msk $0xffff, v28  }
0x1d9: {  	v26 =	vld.idx.msk [tilespmem:v26+s31+$0x0], $0xffff;
	_ =	sdelay $0x1  }
0x1da: {  	v20 =	vand.u32 $0x7F, v20;
	v27 =	vadd.s32 v15, v27;
	v28 =	vor.u32 v21, v17  }
0x1db: {  	v27 =	vor.u32 v20, v27  }
0x1dc: {  	s0 =	simm.s32 $0x0  }
0x1dd: {  	v20 =	vmov s0;
	v26 =	vmul.f32 v26, v22  }
0x1de: {  	v29 =	vadd.s32 $0x40, v20  }
0x1df: {  	[tilespmem:v28+s30+$0x0] =	vst.idx.msk $0xffff, v26;
	v26 =	vbroadcast v29, $0x0  }
0x1e0: {  	v27 =	vld.idx.msk [tilespmem:v27+s31+$0x0], $0xffff  }
0x1e1: {  	v28 =	vshll.u32 v26, $0x3  }
0x1e2: {  	v21 =	vor.u32 v21, v16;
	v29 =	vadd.s32 v26, v25;
	v28 =	vand.u32 $0x7FFFFC00, v28  }
0x1e3: {  	v28 =	vadd.s32 v28, v29;
	_ =	sdelay $0x1  }
0x1e4: {  	v22 =	vmul.f32 v27, v22;
	_ =	sdelay $0x1  }
0x1e5: {  	[tilespmem:v21+s30+$0x0] =	vst.idx.msk $0xffff, v22;
	v21 =	vor.u32 $0x81, v26  }
0x1e6: {  	v22 =	vshll.u32 v21, $0x3;
	v27 =	vld.idx.msk [tilespmem:v28+s31+$0x0], $0xffff  }
0x1e7: {  	v22 =	vand.u32 $0x7FFFFC00, v22  }
0x1e8: {  	v28 =	vor.u32 v19, v26;
	v21 =	vand.u32 $0x7D, v21;
	v22 =	vadd.s32 v15, v22  }
0x1e9: {  	v21 =	vor.u32 v21, v22;
	_ =	sdelay $0x1  }
0x1ea: {  	v22 =	vmul.f32 v27, v23;
	_ =	sdelay $0x1  }
0x1eb: {  	v27 =	vor.u32 $0x82, v26;
	[tilespmem:v28+s30+$0x0] =	vst.idx.msk $0xffff, v22  }
0x1ec: {  	v22 =	vshll.u32 v27, $0x3;
	v21 =	vld.idx.msk [tilespmem:v21+s31+$0x0], $0xffff  }
0x1ed: {  	v22 =	vand.u32 $0x7FFFFC00, v22  }
0x1ee: {  	v28 =	vor.u32 v26, v18;
	v27 =	vand.u32 $0x7E, v27;
	v22 =	vadd.s32 v15, v22  }
0x1ef: {  	v22 =	vor.u32 v27, v22;
	_ =	sdelay $0x1  }
0x1f0: {  	v21 =	vmul.f32 v21, v23;
	_ =	sdelay $0x1  }
0x1f1: {  	v27 =	vor.u32 $0x83, v26;
	[tilespmem:v28+s30+$0x0] =	vst.idx.msk $0xffff, v21  }
0x1f2: {  	v21 =	vshll.u32 v27, $0x3;
	v22 =	vld.idx.msk [tilespmem:v22+s31+$0x0], $0xffff  }
0x1f3: {  	v21 =	vand.u32 $0x7FFFFC00, v21  }
0x1f4: {  	v28 =	vor.u32 v26, v17;
	v27 =	vand.u32 $0x7F, v27;
	v21 =	vadd.s32 v15, v21  }
0x1f5: {  	v27 =	vor.u32 v27, v21  }
0x1f6: {  	s23 =	simm.s32 $0x4  }
0x1f7: {  	v21 =	vmov s23;
	v29 =	vmul.f32 v22, v23  }
0x1f8: {  	v22 =	vadd.s32 $0x40, v21  }
0x1f9: {  	v22 =	vbroadcast v22, $0x0;
	[tilespmem:v28+s30+$0x0] =	vst.idx.msk $0xffff, v29  }
0x1fa: {  	v28 =	vld.idx.msk [tilespmem:v27+s31+$0x0], $0xffff  }
0x1fb: {  	v31 =	vor.u32 v26, v16;
	v26 =	vshll.u32 v22, $0x3;
	v29 =	vor.u32 $0x81, v22  }
0x1fc: {  	v30 =	vadd.s32 v22, v25;
	v26 =	vand.u32 $0x7FFFFC00, v26;
	v63 =	vshll.u32 v29, $0x3  }
0x1fd: {  	v27 =	vor.u32 $0x82, v22;
	v33 =	vadd.s32 v26, v30;
	v30 =	vand.u32 $0x7FFFFC00, v63  }
0x1fe: {  	v34 =	vshll.u32 v27, $0x3;
	v26 =	vor.u32 $0x83, v22;
	v32 =	vadd.s32 v15, v30  }
0x1ff: {  	v30 =	vand.u32 $0x7FFFFC00, v34;
	v35 =	vshll.u32 v26, $0x3;
	v34 =	vmul.f32 v28, v23  }
0x200: {  	s2 =	simm.s32 $0x8;
	v30 =	vadd.s32 v15, v30;
	v28 =	vand.u32 $0x7FFFFC00, v35  }
.LBB2_16:
0x201: {  	p0 =	sne.s32 s2, $0x1C;
	[tilespmem:v31+s30+$0x0] =	vst.idx.msk $0xffff, v34;
	s0 =	smov.u32 s2;
	s2 =	sadd.s32 $0x4, s2  }
0x202: {  	v31 =	vld.idx.msk [tilespmem:v33+s31+$0x0], $0xffff;
	_ =	sdelay $0x2  }
0x203: {  	v29 =	vand.u32 $0x7D, v29;
	v33 =	vor.u32 v19, v22  }
0x204: {  	v29 =	vor.u32 v29, v32;
	_ =	sdelay $0x1  }
0x205: {  	v31 =	vmul.f32 v31, v23;
	_ =	sdelay $0x1  }
0x206: {  	[tilespmem:v33+s30+$0x0] =	vst.idx.msk $0xffff, v31  }
0x207: {  	v29 =	vld.idx.msk [tilespmem:v29+s31+$0x0], $0xffff;
	_ =	sdelay $0x2  }
0x208: {  	v27 =	vand.u32 $0x7E, v27;
	v31 =	vor.u32 v22, v18  }
0x209: {  	v27 =	vor.u32 v27, v30;
	_ =	sdelay $0x1  }
0x20a: {  	v29 =	vmul.f32 v29, v23;
	_ =	sdelay $0x1  }
0x20b: {  	[tilespmem:v31+s30+$0x0] =	vst.idx.msk $0xffff, v29  }
0x20c: {  	v27 =	vld.idx.msk [tilespmem:v27+s31+$0x0], $0xffff;
	_ =	sdelay $0x2  }
0x20d: {  	v26 =	vand.u32 $0x7F, v26;
	v28 =	vadd.s32 v15, v28;
	v29 =	vor.u32 v22, v17  }
0x20e: {  	v26 =	vor.u32 v26, v28;
	_ =	sdelay $0x1  }
0x20f: {  	v27 =	vmul.f32 v27, v23  }
0x210: {  	v28 =	vmov s0  }
0x211: {  	v28 =	vadd.s32 $0x40, v28;
	[tilespmem:v29+s30+$0x0] =	vst.idx.msk $0xffff, v27  }
0x212: {  	v28 =	vbroadcast v28, $0x0;
	v34 =	vld.idx.msk [tilespmem:v26+s31+$0x0], $0xffff  }
0x213: {  	v31 =	vor.u32 v22, v16  }
0x214: {  	v22 =	vmovc v28;
	v29 =	vor.u32 $0x81, v28;
	v27 =	vor.u32 $0x82, v28;
	v26 =	vshll.u32 v28, $0x3  }
.Ltmp6:
0x215: {  	v28 =	vadd.s32 v22, v25;
	v30 =	vshll.u32 v29, $0x3;
	v26 =	vand.u32 $0x7FFFFC00, v26;
	(pc) =	sbr.rel @p0 .LBB2_16-.Ltmp6, $4  }
0x216: {  	v33 =	vadd.s32 v26, v28;
	v26 =	vand.u32 $0x7FFFFC00, v30;
	v28 =	vshll.u32 v27, $0x3  }
0x217: {  	v32 =	vadd.s32 v15, v26;
	v28 =	vand.u32 $0x7FFFFC00, v28;
	v26 =	vor.u32 $0x83, v22  }
0x218: {  	v30 =	vadd.s32 v15, v28;
	v28 =	vshll.u32 v26, $0x3;
	v34 =	vmul.f32 v34, v23  }
0x219: {  	v28 =	vand.u32 $0x7FFFFC00, v28  }
0x21a: {  	_ =	sdelay $0x3  }
0x21b: {  	[tilespmem:v31+s30+$0x0] =	vst.idx.msk $0xffff, v34  }
0x21c: {  	v31 =	vld.idx.msk [tilespmem:v33+s31+$0x0], $0xffff;
	_ =	sdelay $0x1  }
0x21d: {  	v62 =	vor.u32 v19, v22;
	v29 =	vand.u32 $0x7D, v29  }
0x21e: {  	v29 =	vor.u32 v29, v32;
	_ =	sdelay $0x1  }
0x21f: {  	v31 =	vmul.f32 v31, v23;
	_ =	sdelay $0x1  }
0x220: {  	[tilespmem:v62+s30+$0x0] =	vst.idx.msk $0xffff, v31  }
0x221: {  	v29 =	vld.idx.msk [tilespmem:v29+s31+$0x0], $0xffff;
	_ =	sdelay $0x1  }
0x222: {  	v27 =	vand.u32 $0x7E, v27;
	v31 =	vor.u32 v22, v18  }
0x223: {  	v27 =	vor.u32 v27, v30;
	_ =	sdelay $0x1  }
0x224: {  	v29 =	vmul.f32 v29, v23;
	_ =	sdelay $0x1  }
0x225: {  	[tilespmem:v31+s30+$0x0] =	vst.idx.msk $0xffff, v29  }
0x226: {  	v27 =	vld.idx.msk [tilespmem:v27+s31+$0x0], $0xffff;
	_ =	sdelay $0x1  }
0x227: {  	v26 =	vand.u32 $0x7F, v26;
	v28 =	vadd.s32 v15, v28;
	v29 =	vor.u32 v22, v17  }
0x228: {  	v26 =	vor.u32 v26, v28;
	_ =	sdelay $0x1  }
0x229: {  	v27 =	vmul.f32 v27, v23  }
0x22a: {  	v20 =	vadd.s32 $0x60, v20  }
0x22b: {  	[tilespmem:v29+s30+$0x0] =	vst.idx.msk $0xffff, v27;
	v27 =	vbroadcast v20, $0x0  }
0x22c: {  	v20 =	vld.idx.msk [tilespmem:v26+s31+$0x0], $0xffff  }
0x22d: {  	v26 =	vshll.u32 v27, $0x3  }
0x22e: {  	v22 =	vor.u32 v22, v16;
	v28 =	vadd.s32 v27, v25;
	v26 =	vand.u32 $0x7FFFFC00, v26  }
0x22f: {  	v26 =	vadd.s32 v26, v28;
	_ =	sdelay $0x1  }
0x230: {  	v20 =	vmul.f32 v20, v23;
	_ =	sdelay $0x1  }
0x231: {  	[tilespmem:v22+s30+$0x0] =	vst.idx.msk $0xffff, v20;
	v20 =	vor.u32 $0x81, v27  }
0x232: {  	v22 =	vshll.u32 v20, $0x3;
	v23 =	vld.idx.msk [tilespmem:v26+s31+$0x0], $0xffff  }
0x233: {  	v22 =	vand.u32 $0x7FFFFC00, v22  }
0x234: {  	v26 =	vor.u32 v19, v27;
	v20 =	vand.u32 $0x7D, v20;
	v22 =	vadd.s32 v15, v22  }
0x235: {  	v20 =	vor.u32 v20, v22;
	_ =	sdelay $0x1  }
0x236: {  	v22 =	vmul.f32 v23, v24;
	_ =	sdelay $0x1  }
0x237: {  	v23 =	vor.u32 $0x82, v27;
	[tilespmem:v26+s30+$0x0] =	vst.idx.msk $0xffff, v22  }
0x238: {  	v22 =	vshll.u32 v23, $0x3;
	v20 =	vld.idx.msk [tilespmem:v20+s31+$0x0], $0xffff  }
0x239: {  	v22 =	vand.u32 $0x7FFFFC00, v22  }
0x23a: {  	v26 =	vor.u32 v27, v18;
	v23 =	vand.u32 $0x7E, v23;
	v22 =	vadd.s32 v15, v22  }
0x23b: {  	v22 =	vor.u32 v23, v22;
	_ =	sdelay $0x1  }
0x23c: {  	v20 =	vmul.f32 v20, v24;
	_ =	sdelay $0x1  }
0x23d: {  	v23 =	vor.u32 $0x83, v27;
	[tilespmem:v26+s30+$0x0] =	vst.idx.msk $0xffff, v20  }
0x23e: {  	v20 =	vshll.u32 v23, $0x3;
	v22 =	vld.idx.msk [tilespmem:v22+s31+$0x0], $0xffff  }
0x23f: {  	v20 =	vand.u32 $0x7FFFFC00, v20  }
0x240: {  	v26 =	vor.u32 v27, v17;
	v23 =	vand.u32 $0x7F, v23;
	v20 =	vadd.s32 v15, v20  }
0x241: {  	v23 =	vor.u32 v23, v20;
	_ =	sdelay $0x1  }
0x242: {  	v22 =	vmul.f32 v22, v24  }
0x243: {  	v20 =	vadd.s32 $0x60, v21  }
0x244: {  	v20 =	vbroadcast v20, $0x0;
	[tilespmem:v26+s30+$0x0] =	vst.idx.msk $0xffff, v22  }
0x245: {  	v23 =	vld.idx.msk [tilespmem:v23+s31+$0x0], $0xffff  }
0x246: {  	v28 =	vor.u32 v27, v16;
	v21 =	vshll.u32 v20, $0x3;
	v27 =	vadd.s32 v20, v25  }
0x247: {  	v21 =	vand.u32 $0x7FFFFC00, v21;
	v26 =	vor.u32 $0x81, v20;
	v22 =	vor.u32 $0x82, v20  }
0x248: {  	v30 =	vadd.s32 v21, v27;
	v21 =	vor.u32 $0x83, v20;
	v29 =	vshll.u32 v26, $0x3  }
0x249: {  	v31 =	vshll.u32 v22, $0x3;
	v63 =	vshll.u32 v21, $0x3;
	v27 =	vand.u32 $0x7FFFFC00, v29  }
0x24a: {  	v29 =	vadd.s32 v15, v27;
	v27 =	vand.u32 $0x7FFFFC00, v31;
	v31 =	vmul.f32 v23, v24  }
0x24b: {  	s2 =	simm.s32 $0x8;
	v27 =	vadd.s32 v15, v27;
	v23 =	vand.u32 $0x7FFFFC00, v63  }
.LBB2_18:
0x24c: {  	p0 =	sne.s32 s2, $0x1C;
	[tilespmem:v28+s30+$0x0] =	vst.idx.msk $0xffff, v31;
	s0 =	smov.u32 s2;
	s2 =	sadd.s32 $0x4, s2  }
0x24d: {  	v28 =	vld.idx.msk [tilespmem:v30+s31+$0x0], $0xffff;
	_ =	sdelay $0x2  }
0x24e: {  	v26 =	vand.u32 $0x7D, v26;
	v30 =	vor.u32 v19, v20  }
0x24f: {  	v26 =	vor.u32 v26, v29;
	_ =	sdelay $0x1  }
0x250: {  	v28 =	vmul.f32 v28, v24;
	_ =	sdelay $0x1  }
0x251: {  	[tilespmem:v30+s30+$0x0] =	vst.idx.msk $0xffff, v28  }
0x252: {  	v26 =	vld.idx.msk [tilespmem:v26+s31+$0x0], $0xffff;
	_ =	sdelay $0x2  }
0x253: {  	v22 =	vand.u32 $0x7E, v22;
	v28 =	vor.u32 v20, v18  }
0x254: {  	v22 =	vor.u32 v22, v27;
	_ =	sdelay $0x1  }
0x255: {  	v26 =	vmul.f32 v26, v24;
	_ =	sdelay $0x1  }
0x256: {  	[tilespmem:v28+s30+$0x0] =	vst.idx.msk $0xffff, v26  }
0x257: {  	v22 =	vld.idx.msk [tilespmem:v22+s31+$0x0], $0xffff;
	_ =	sdelay $0x2  }
0x258: {  	v21 =	vand.u32 $0x7F, v21;
	v23 =	vadd.s32 v15, v23;
	v26 =	vor.u32 v20, v17  }
0x259: {  	v21 =	vor.u32 v21, v23;
	_ =	sdelay $0x1  }
0x25a: {  	v22 =	vmul.f32 v22, v24  }
0x25b: {  	v23 =	vmov s0  }
0x25c: {  	v23 =	vadd.s32 $0x60, v23;
	[tilespmem:v26+s30+$0x0] =	vst.idx.msk $0xffff, v22  }
0x25d: {  	v23 =	vbroadcast v23, $0x0;
	v31 =	vld.idx.msk [tilespmem:v21+s31+$0x0], $0xffff  }
0x25e: {  	v28 =	vor.u32 v20, v16  }
0x25f: {  	v20 =	vmovc v23;
	v26 =	vor.u32 $0x81, v23;
	v22 =	vor.u32 $0x82, v23;
	v21 =	vshll.u32 v23, $0x3  }
.Ltmp7:
0x260: {  	v23 =	vadd.s32 v20, v25;
	v27 =	vshll.u32 v26, $0x3;
	v21 =	vand.u32 $0x7FFFFC00, v21;
	(pc) =	sbr.rel @p0 .LBB2_18-.Ltmp7, $4  }
0x261: {  	v30 =	vadd.s32 v21, v23;
	v21 =	vand.u32 $0x7FFFFC00, v27;
	v23 =	vshll.u32 v22, $0x3  }
0x262: {  	v29 =	vadd.s32 v15, v21;
	v23 =	vand.u32 $0x7FFFFC00, v23;
	v21 =	vor.u32 $0x83, v20  }
0x263: {  	v27 =	vadd.s32 v15, v23;
	v23 =	vshll.u32 v21, $0x3;
	v31 =	vmul.f32 v31, v24  }
0x264: {  	v23 =	vand.u32 $0x7FFFFC00, v23  }
0x265: {  	_ =	sdelay $0x3  }
0x266: {  	[tilespmem:v28+s30+$0x0] =	vst.idx.msk $0xffff, v31  }
0x267: {  	v25 =	vld.idx.msk [tilespmem:v30+s31+$0x0], $0xffff;
	_ =	sdelay $0x1  }
0x268: {  	v19 =	vor.u32 v19, v20;
	v26 =	vand.u32 $0x7D, v26  }
0x269: {  	v26 =	vor.u32 v26, v29;
	_ =	sdelay $0x1  }
0x26a: {  	v25 =	vmul.f32 v25, v24;
	_ =	sdelay $0x1  }
0x26b: {  	[tilespmem:v19+s30+$0x0] =	vst.idx.msk $0xffff, v25  }
0x26c: {  	v19 =	vld.idx.msk [tilespmem:v26+s31+$0x0], $0xffff;
	_ =	sdelay $0x1  }
0x26d: {  	v18 =	vor.u32 v20, v18;
	v22 =	vand.u32 $0x7E, v22  }
0x26e: {  	v22 =	vor.u32 v22, v27;
	_ =	sdelay $0x1  }
0x26f: {  	v19 =	vmul.f32 v19, v24;
	_ =	sdelay $0x1  }
0x270: {  	[tilespmem:v18+s30+$0x0] =	vst.idx.msk $0xffff, v19  }
0x271: {  	v18 =	vld.idx.msk [tilespmem:v22+s31+$0x0], $0xffff;
	_ =	sdelay $0x1  }
0x272: {  	v17 =	vor.u32 v20, v17;
	v63 =	vand.u32 $0x7F, v21;
	v15 =	vadd.s32 v15, v23  }
0x273: {  	v15 =	vor.u32 v63, v15;
	_ =	sdelay $0x1  }
0x274: {  	v18 =	vmul.f32 v18, v24;
	_ =	sdelay $0x1  }
0x275: {  	[tilespmem:v17+s30+$0x0] =	vst.idx.msk $0xffff, v18  }
0x276: {  	v15 =	vld.idx.msk [tilespmem:v15+s31+$0x0], $0xffff  }
0x277: {  	s24 =	sadd.s32 $0x1, s24  }
0x278: {  	v16 =	vor.u32 v20, v16;
	p0 =	sne.s32 s24, $0x4  }
.Ltmp8:
0x279: {  	_ = 	snop;
	(pc) =	sbr.rel @p0 .LBB2_3-.Ltmp8, $3  }
0x27a: {  	_ = 	snop  }
0x27b: {  	v15 =	vmul.f32 v15, v24;
	_ =	sdelay $0x1  }
0x27c: {  	[tilespmem:v16+s30+$0x0] =	vst.idx.msk $0xffff, v15  }
0x27d: {  	s0 =	rddreg [dreg:$0x3];
	s2 =	simm.s32 $0x100  }
0x27e: {  	[spmem:s0] =	stream.indirect.scatter.add.f32 [tilespmem:s30], [sflag:$0x5], $0x80, s2, s29, $0xb8;
	[tilespmem:$0x13A00] =	vst v63  }
0x27f: {  	s23 =	simm.s32 $0x200  }
0x280: {  	[spmem:s5] =	stream.indirect.scatter.add.f32 [tilespmem:s22], [sflag:$0x6], $0x80, s23, s29, $0xb8;
	[tilespmem:$0x13A00] =	vst v63  }
0x281: {  	s24 =	simm.s32 $0x0;
	_ =	swait.ge [sflag:s11], $0x2000  }
0x282: {  	v15 =	vor.u32 s24, v5;
	[sflag:s11] =	ssyncset.done $0x0  }
0x283: {  	[sflag:s11] =	ssyncadd.s32 $0xFFFFE000  }
0x284: {  	_ =	swait.ge [sflag:s13], $0x2000  }
0x285: {  	[sflag:s13] =	ssyncset.done $0x0  }
0x286: {  	[sflag:s13] =	ssyncadd.s32 $0xFFFFE000  }
0x287: {  	v15 =	vld.idx.msk [tilespmem:v15+s25+$0x0], $0xffff;
	_ =	sdelay $0x4  }
0x288: {  	v16 =	vmov s24;
	v15 =	vtrunc.f32 v15  }
0x289: {  	s2 =	simm.s32 $0x10;
	v16 =	vshll.u32 v16, $0x7;
	v18 =	vcvt.f32.s32 v15  }
0x28a: {  	v16 =	vor.u32 v13, v16;
	v15 =	vor.u32 s2, v5  }
0x28b: {  	s0 =	simm.s32 $0x20;
	v20 =	vand.u32 $0xFFFFFF80, v18;
	v19 =	vand.u32 $0x7F, v18;
	v17 =	vadd.s32 $0x3, v18  }
.LBB2_21:
0x28c: {  	p0 =	sne.s32 s0, $0x30;
	v20 =	vadd.s32 v16, v20;
	v21 =	vadd.s32 $0x1, v18;
	v18 =	vadd.s32 $0x2, v18;
	s3 =	smov.u32 s0;
	s0 =	sadd.s32 $0x10, s0  }
0x28d: {  	v19 =	vor.u32 v19, v20;
	v20 =	vand.u32 $0xFFFFFF80, v21;
	v21 =	vand.u32 $0x7F, v21  }
0x28e: {  	v23 =	vand.u32 $0xFFFFFF80, v17;
	v22 =	vand.u32 $0xFFFFFF80, v18;
	v20 =	vadd.s32 v16, v20  }
0x28f: {  	v18 =	vand.u32 $0x7F, v18;
	v20 =	vor.u32 v21, v20;
	v21 =	vadd.s32 v16, v22  }
0x290: {  	v17 =	vand.u32 $0x7F, v17;
	v16 =	vadd.s32 v16, v23;
	v18 =	vor.u32 v18, v21  }
0x291: {  	v16 =	vor.u32 v17, v16;
	_ =	sdelay $0x1  }
0x292: {  	[tilespmem:v19+s22+$0x0] =	vst.idx.msk $0xffff, v14  }
0x293: {  	[tilespmem:v20+s22+$0x0] =	vst.idx.msk $0xffff, v14  }
0x294: {  	v17 =	vmov s2;
	s2 =	smov.u32 s3;
	[tilespmem:v18+s22+$0x0] =	vst.idx.msk $0xffff, v14  }
0x295: {  	v17 =	vshll.u32 v17, $0x7;
	[tilespmem:v16+s22+$0x0] =	vst.idx.msk $0xffff, v14  }
0x296: {  	v16 =	vor.u32 v13, v17;
	v15 =	vld.idx.msk [tilespmem:v15+s25+$0x0], $0xffff;
	_ =	sdelay $0x4  }
.Ltmp9:
0x297: {  	(pc) =	sbr.rel @p0 .LBB2_21-.Ltmp9, $3  }
0x298: {  	v17 =	vtrunc.f32 v15  }
0x299: {  	v15 =	vor.u32 s2, v5;
	v18 =	vcvt.f32.s32 v17;
	_ =	sdelay $0x1  }
0x29a: {  	v20 =	vand.u32 $0xFFFFFF80, v18;
	v19 =	vand.u32 $0x7F, v18;
	v17 =	vadd.s32 $0x3, v18  }
0x29b: {  	v20 =	vadd.s32 v16, v20;
	v21 =	vadd.s32 $0x1, v18;
	v50 =	vadd.s32 $0x2, v18  }
0x29c: {  	v23 =	vand.u32 $0xFFFFFF80, v17;
	v19 =	vor.u32 v19, v20;
	v51 =	vand.u32 $0xFFFFFF80, v21  }
0x29d: {  	v21 =	vand.u32 $0x7F, v21;
	v22 =	vand.u32 $0xFFFFFF80, v50;
	v20 =	vadd.s32 v16, v51  }
0x29e: {  	v18 =	vand.u32 $0x7F, v50;
	v52 =	vadd.s32 v16, v22;
	v20 =	vor.u32 v21, v20  }
0x29f: {  	v53 =	vand.u32 $0x7F, v17;
	v54 =	vadd.s32 v16, v23;
	v18 =	vor.u32 v18, v52  }
0x2a0: {  	v16 =	vor.u32 v53, v54;
	_ =	sdelay $0x1  }
0x2a1: {  	[tilespmem:v19+s22+$0x0] =	vst.idx.msk $0xffff, v14  }
0x2a2: {  	[tilespmem:v20+s22+$0x0] =	vst.idx.msk $0xffff, v14  }
0x2a3: {  	[tilespmem:v18+s22+$0x0] =	vst.idx.msk $0xffff, v14  }
0x2a4: {  	[tilespmem:v16+s22+$0x0] =	vst.idx.msk $0xffff, v14  }
0x2a5: {  	v15 =	vld.idx.msk [tilespmem:v15+s25+$0x0], $0xffff;
	_ =	sdelay $0x4  }
0x2a6: {  	v55 =	vmov s2;
	v15 =	vtrunc.f32 v15  }
0x2a7: {  	v16 =	vshll.u32 v55, $0x7;
	v15 =	vcvt.f32.s32 v15  }
0x2a8: {  	v16 =	vor.u32 v13, v16  }
0x2a9: {  	v56 =	vand.u32 $0xFFFFFF80, v15;
	v57 =	vand.u32 $0x7F, v15;
	v58 =	vadd.s32 $0x3, v15  }
0x2aa: {  	v59 =	vadd.s32 $0x1, v15;
	v15 =	vadd.s32 $0x2, v15;
	v17 =	vadd.s32 v16, v56  }
0x2ab: {  	v60 =	vand.u32 $0xFFFFFF80, v59;
	v20 =	vand.u32 $0x7F, v59;
	v61 =	vand.u32 $0xFFFFFF80, v15  }
0x2ac: {  	v62 =	vand.u32 $0xFFFFFF80, v58;
	v17 =	vor.u32 v57, v17;
	v18 =	vadd.s32 v16, v60  }
0x2ad: {  	v15 =	vand.u32 $0x7F, v15;
	v63 =	vadd.s32 v16, v61;
	v18 =	vor.u32 v20, v18  }
0x2ae: {  	s17 =	sadd.s32 $0x1, s17;
	v19 =	vand.u32 $0x7F, v58;
	v16 =	vadd.s32 v16, v62;
	v15 =	vor.u32 v15, v63  }
0x2af: {  	p0 =	sne.s32 s17, $0x139;
	v16 =	vor.u32 v19, v16  }
.Ltmp10:
0x2b0: {  	_ = 	snop;
	(pc) =	sbr.rel @p0 .LBB2_2-.Ltmp10, $4  }
0x2b1: {  	[tilespmem:v17+s22+$0x0] =	vst.idx.msk $0xffff, v14  }
0x2b2: {  	[tilespmem:v18+s22+$0x0] =	vst.idx.msk $0xffff, v14  }
0x2b3: {  	[tilespmem:v15+s22+$0x0] =	vst.idx.msk $0xffff, v14  }
0x2b4: {  	[tilespmem:v16+s22+$0x0] =	vst.idx.msk $0xffff, v14  }
0x2b5: {  	[bflag:$0x0] =	sbarrier.arrive $0xFFFF  }
0x2b6: {  	s0 =	rddreg [dreg:$0xa]  }
0x2b7: {  	s3 =	rddreg [dreg:$0xf]  }
0x2b8: {  	s2 =	simm.s32 $0x7;
	s4 =	rddreg [dreg:$0x11]  }
0x2b9: {  	[hbm:s0], [sflag:s3] =	dma.local [spmem:s4], $0x1400  }
0x2ba: {  	_ =	swait.ge [sflag:s2], $0x1400  }
0x2bb: {  	[sflag:s2] =	ssyncset.done $0x0;
	s21 =	rddreg [dreg:$0xb]  }
0x2bc: {  	s17 =	rddreg [dreg:$0x12];
	[sflag:s2] =	ssyncadd.s32 $0xFFFFEC00  }
0x2bd: {  	[hbm:s21], [sflag:s3] =	dma.local [spmem:s17], $0x280  }
0x2be: {  	_ =	swait.ge [sflag:s2], $0x280  }
0x2bf: {  	[sflag:s2] =	ssyncset.done $0x0  }
0x2c0: {  	s23 =	rddreg [dreg:$0x7];
	[sflag:s2] =	ssyncadd.s32 $0xFFFFFD80  }
0x2c1: {  	[spmem:s4], [sflag:s3] =	dma.local [hbm:s23], $0x1400  }
0x2c2: {  	_ =	swait.ge [sflag:s2], $0x1400  }
0x2c3: {  	[sflag:s2] =	ssyncset.done $0x0  }
0x2c4: {  	s24 =	rddreg [dreg:$0x9];
	[sflag:s2] =	ssyncadd.s32 $0xFFFFEC00  }
0x2c5: {  	[spmem:s17], [sflag:s3] =	dma.local [hbm:s24], $0x280  }
0x2c6: {  	_ =	swait.ge [sflag:s2], $0x280  }
0x2c7: {  	[sflag:s2] =	ssyncset.done $0x0  }
0x2c8: {  	[sflag:s2] =	ssyncadd.s32 $0xFFFFFD80  }
0x2c9: {  	s21 =	simm.s32 $0x0;
	s17 =	simm.s32 $0x0;
	[bflag:$0x0] =	sbarrier.arrive $0xFFFF  }
.LBB2_24:
0x2ca: {  	s0 =	sadd.s32 s15, s17  }
0x2cb: {  	s2 =	sshll.u32 s0, $0xA  }
0x2cc: {  	s0 =	sshll.u32 s0, $0x9;
	s2 =	sadd.s32 s14, s2  }
0x2cd: {  	s0 =	sadd.s32 s18, s0;
	s2 =	sshrl.u32 s2, $0x3  }
0x2ce: {  	s0 =	sshrl.u32 s0, $0x3;
	s2 =	sadd.s32 s8, s2  }
0x2cf: {  	[tilespmem:s21], [sflag:$0x3] =	stream.linear.gather [hbm4b:s2+s21], $0x300, $0x38;
	[tilespmem:$0x13A00] =	vst v63  }
0x2d0: {  	s0 =	sadd.s32 s9, s0  }
0x2d1: {  	[tilespmem:s25], [sflag:$0x4] =	stream.linear.gather [hbm4b:s0+s21], $0x180, $0x38;
	[tilespmem:$0x13A00] =	vst v63  }
0x2d2: {  	_ =	swait.ge [sflag:s26], $0x300  }
0x2d3: {  	[sflag:s26] =	ssyncset.done $0x0  }
0x2d4: {  	[sflag:s26] =	ssyncadd.s32 $0xFFFFFD00  }
0x2d5: {  	_ =	swait.ge [sflag:s28], $0x180  }
0x2d6: {  	[sflag:s28] =	ssyncset.done $0x0  }
0x2d7: {  	[sflag:s28] =	ssyncadd.s32 $0xFFFFFE80  }
0x2d8: {  	[tilespmem:s30], [sflag:$0x1] =	stream.indirect.gather [hbm4b:s6+s29], $0x80, s21, s29, $0xb8;
	[tilespmem:$0x13A00] =	vst v63  }
0x2d9: {  	v15 =	vld [tilespmem:$0x80];
	_ =	sdelay $0x4  }
0x2da: {  	v16 =	vshll.u32 v15, $0x1  }
0x2db: {  	v15 =	vand.u32 $0x7, v15;
	v16 =	vand.u32 $0xFFFFFFF0, v16  }
0x2dc: {  	v15 =	vor.u32 v15, v16  }
0x2dd: {  	v16 =	vperm.xlane v15, v1;
	_ =	sdelay $0x1  }
0x2de: {  	v15 =	vperm.xlane v15, v4;
	v16 =	vadd.s32 v2, v16;
	_ =	sdelay $0x1  }
0x2df: {  	v15 =	vadd.s32 v2, v15;
	_ =	sdelay $0x2  }
0x2e0: {  	[tilespmem:s31], [sflag:$0x2] =	stream.indirect_vreg.gather [hbm4b:s7+s21], $0x80, v16, vm0, $0xb8;
	[tilespmem:$0x13A00] =	vst v63  }
0x2e1: {  	s4 =	simm.s32 $0x2E00  }
0x2e2: {  	[tilespmem:s4], [sflag:$0x2] =	stream.indirect_vreg.gather [hbm4b:s7+s21], $0x80, v15, vm0, $0xb8;
	[tilespmem:$0x13A00] =	vst v63  }
0x2e3: {  	v15 =	vld [tilespmem:$0x90];
	_ =	sdelay $0x4  }
0x2e4: {  	v61 =	vshll.u32 v15, $0x1  }
0x2e5: {  	v15 =	vand.u32 $0x7, v15;
	v16 =	vand.u32 $0xFFFFFFF0, v61  }
0x2e6: {  	v15 =	vor.u32 v15, v16  }
0x2e7: {  	v16 =	vperm.xlane v15, v1;
	_ =	sdelay $0x1  }
0x2e8: {  	v15 =	vperm.xlane v15, v4;
	v16 =	vadd.s32 v2, v16;
	_ =	sdelay $0x1  }
0x2e9: {  	v15 =	vadd.s32 v2, v15;
	_ =	sdelay $0x1  }
0x2ea: {  	s23 =	simm.s32 $0x3600  }
0x2eb: {  	[tilespmem:s23], [sflag:$0x2] =	stream.indirect_vreg.gather [hbm4b:s7+s21], $0x80, v16, vm0, $0xb8;
	[tilespmem:$0x13A00] =	vst v63  }
0x2ec: {  	s24 =	simm.s32 $0x3E00  }
0x2ed: {  	[tilespmem:s24], [sflag:$0x2] =	stream.indirect_vreg.gather [hbm4b:s7+s21], $0x80, v15, vm0, $0xb8;
	[tilespmem:$0x13A00] =	vst v63  }
0x2ee: {  	v15 =	vld [tilespmem:$0xA0];
	_ =	sdelay $0x4  }
0x2ef: {  	v62 =	vshll.u32 v15, $0x1  }
0x2f0: {  	v15 =	vand.u32 $0x7, v15;
	v16 =	vand.u32 $0xFFFFFFF0, v62  }
0x2f1: {  	v15 =	vor.u32 v15, v16  }
0x2f2: {  	v16 =	vperm.xlane v15, v1;
	_ =	sdelay $0x1  }
0x2f3: {  	v15 =	vperm.xlane v15, v4;
	v16 =	vadd.s32 v2, v16;
	_ =	sdelay $0x1  }
0x2f4: {  	v15 =	vadd.s32 v2, v15;
	_ =	sdelay $0x2  }
0x2f5: {  	[tilespmem:s1], [sflag:$0x2] =	stream.indirect_vreg.gather [hbm4b:s7+s21], $0x80, v16, vm0, $0xb8;
	[tilespmem:$0x13A00] =	vst v63  }
0x2f6: {  	_ = 	snop  }
0x2f7: {  	[tilespmem:s10], [sflag:$0x2] =	stream.indirect_vreg.gather [hbm4b:s7+s21], $0x80, v15, vm0, $0xb8;
	[tilespmem:$0x13A00] =	vst v63  }
0x2f8: {  	v15 =	vld [tilespmem:$0xB0];
	_ =	sdelay $0x4  }
0x2f9: {  	v63 =	vshll.u32 v15, $0x1  }
0x2fa: {  	v15 =	vand.u32 $0x7, v15;
	v16 =	vand.u32 $0xFFFFFFF0, v63  }
0x2fb: {  	v15 =	vor.u32 v15, v16  }
0x2fc: {  	v16 =	vperm.xlane v15, v1;
	_ =	sdelay $0x1  }
0x2fd: {  	v15 =	vperm.xlane v15, v4;
	v16 =	vadd.s32 v2, v16;
	_ =	sdelay $0x1  }
0x2fe: {  	v15 =	vadd.s32 v2, v15;
	_ =	sdelay $0x2  }
0x2ff: {  	[tilespmem:s12], [sflag:$0x2] =	stream.indirect_vreg.gather [hbm4b:s7+s21], $0x80, v16, vm0, $0xb8;
	[tilespmem:$0x13A00] =	vst v63  }
0x300: {  	_ = 	snop  }
0x301: {  	[tilespmem:s16], [sflag:$0x2] =	stream.indirect_vreg.gather [hbm4b:s7+s21], $0x80, v15, vm0, $0xb8;
	[tilespmem:$0x13A00] =	vst v63  }
0x302: {  	_ =	swait.ge [sflag:s19], $0x2000  }
0x303: {  	[sflag:s19] =	ssyncset.done $0x0  }
0x304: {  	[sflag:s19] =	ssyncadd.s32 $0xFFFFE000  }
0x305: {  	_ =	swait.ge [sflag:s20], $0x4000  }
0x306: {  	[sflag:s20] =	ssyncset.done $0x0  }
0x307: {  	s24 =	simm.s32 $0x0;
	[sflag:s20] =	ssyncadd.s32 $0xFFFFC000  }
.LBB2_25:
0x308: {  	s0 =	sshll.u32 s24, $0x4  }
0x309: {  	v15 =	vor.u32 $0x100, v0;
	v17 =	vor.u32 s0, v0  }
0x30a: {  	s23 =	simm.s32 $0x0;
	v23 =	vor.u32 s0, v15;
	v16 =	vshll.u32 v17, $0x8;
	v20 =	vshll.u32 v17, $0x7  }
0x30b: {  	v21 =	vand.u32 $0x3800, v16;
	v24 =	vor.u32 s23, v20;
	v19 =	vor.u32 $0x1, v20  }
0x30c: {  	v16 =	vor.u32 v3, v21;
	v28 =	vor.u32 s23, v19  }
0x30d: {  	v18 =	vor.u32 $0x2, v20;
	v27 =	vor.u32 s23, v16  }
0x30e: {  	v26 =	vor.u32 v6, v21;
	v30 =	vor.u32 s23, v18;
	v22 =	vld.idx.msk [tilespmem:v17+s25+$0x0], $0xffff  }
0x30f: {  	v25 =	vor.u32 v7, v21;
	v29 =	vor.u32 s23, v26;
	v23 =	vld.idx.msk [tilespmem:v23+s25+$0x0], $0xffff  }
0x310: {  	s3 =	simm.s32 $0x4;
	v32 =	vor.u32 s23, v25;
	v31 =	vld.idx.msk [tilespmem:v24+s30+$0x0], $0xffff  }
0x311: {  	v36 =	vor.u32 s3, v20;
	v17 =	vor.u32 $0x3, v20;
	v34 =	vld.idx.msk [tilespmem:v28+s30+$0x0], $0xffff  }
0x312: {  	v33 =	vor.u32 s23, v17;
	v24 =	vor.u32 v8, v21;
	v27 =	vld.idx.msk [tilespmem:v27+s31+$0x0], $0xffff  }
0x313: {  	v35 =	vor.u32 s23, v24;
	v30 =	vld.idx.msk [tilespmem:v30+s30+$0x0], $0xffff  }
0x314: {  	v41 =	vor.u32 s3, v26;
	v37 =	vld.idx.msk [tilespmem:v29+s31+$0x0], $0xffff  }
0x315: {  	v38 =	vor.u32 s3, v16;
	v40 =	vld.idx.msk [tilespmem:v32+s31+$0x0], $0xffff  }
0x316: {  	v39 =	vor.u32 s3, v19;
	v29 =	vld.idx.msk [tilespmem:v36+s30+$0x0], $0xffff  }
0x317: {  	v42 =	vor.u32 s3, v18;
	v28 =	vld.idx.msk [tilespmem:v33+s30+$0x0], $0xffff;
	v27 =	vmul.f32 v27, v31  }
0x318: {  	v62 =	vimm.f32 $0.0e+00;
	v36 =	vor.u32 s3, v25;
	v32 =	vld.idx.msk [tilespmem:v35+s31+$0x0], $0xffff  }
0x319: {  	v33 =	vld.idx.msk [tilespmem:v41+s31+$0x0], $0xffff;
	v43 =	vmul.f32 v37, v34;
	v37 =	vor.u32 s3, v17;
	v63 =	vadd.f32 v27, v62  }
0x31a: {  	s2 =	simm.s32 $0x8;
	v31 =	vld.idx.msk [tilespmem:v38+s31+$0x0], $0xffff;
	v34 =	vor.u32 s3, v24  }
0x31b: {  	v35 =	vor.u32 s2, v20;
	v40 =	vmul.f32 v40, v30;
	v27 =	vld.idx.msk [tilespmem:v39+s30+$0x0], $0xffff;
	v39 =	vadd.f32 v43, v63  }
0x31c: {  	s0 =	simm.s32 $0xC;
	v38 =	vor.u32 s2, v16;
	v30 =	vld.idx.msk [tilespmem:v42+s30+$0x0], $0xffff  }
.LBB2_26:
0x31d: {  	p0 =	sne.s32 s0, $0x1C;
	v41 =	vor.u32 s2, v19;
	v42 =	vld.idx.msk [tilespmem:v36+s31+$0x0], $0xffff;
	v36 =	vadd.f32 v40, v39;
	v39 =	vmul.f32 v32, v28  }
0x31e: {  	v40 =	vor.u32 s2, v26;
	v28 =	vld.idx.msk [tilespmem:v37+s30+$0x0], $0xffff  }
0x31f: {  	v43 =	vor.u32 s2, v18;
	v44 =	vmul.f32 v31, v29;
	v32 =	vld.idx.msk [tilespmem:v34+s31+$0x0], $0xffff;
	v34 =	vadd.f32 v39, v36  }
.Ltmp11:
0x320: {  	v36 =	vor.u32 s2, v25;
	v29 =	vld.idx.msk [tilespmem:v35+s30+$0x0], $0xffff;
	(pc) =	sbr.rel @p0 .LBB2_26-.Ltmp11, $4  }
0x321: {  	v37 =	vor.u32 s2, v17;
	v39 =	vmul.f32 v33, v27;
	v31 =	vld.idx.msk [tilespmem:v38+s31+$0x0], $0xffff;
	v38 =	vadd.f32 v44, v34  }
0x322: {  	v34 =	vor.u32 s2, v24;
	s2 =	smov.u32 s0;
	v27 =	vld.idx.msk [tilespmem:v41+s30+$0x0], $0xffff  }
0x323: {  	v35 =	vor.u32 s0, v20;
	v33 =	vld.idx.msk [tilespmem:v40+s31+$0x0], $0xffff;
	v39 =	vadd.f32 v39, v38;
	v40 =	vmul.f32 v42, v30  }
0x324: {  	s0 =	sadd.s32 $0x4, s0;
	v38 =	vor.u32 s2, v16;
	v30 =	vld.idx.msk [tilespmem:v43+s30+$0x0], $0xffff  }
0x325: {  	_ =	sdelay $0x2  }
0x326: {  	v39 =	vadd.f32 v40, v39;
	v28 =	vmul.f32 v32, v28  }
0x327: {  	v50 =	vor.u32 s2, v19;
	v36 =	vld.idx.msk [tilespmem:v36+s31+$0x0], $0xffff  }
0x328: {  	v26 =	vor.u32 s2, v26;
	v37 =	vld.idx.msk [tilespmem:v37+s30+$0x0], $0xffff;
	v29 =	vmul.f32 v31, v29;
	v28 =	vadd.f32 v28, v39  }
0x329: {  	v34 =	vld.idx.msk [tilespmem:v34+s31+$0x0], $0xffff;
	v25 =	vor.u32 s2, v25  }
0x32a: {  	v35 =	vld.idx.msk [tilespmem:v35+s30+$0x0], $0xffff;
	v31 =	vor.u32 s2, v18;
	v27 =	vmul.f32 v33, v27;
	v28 =	vadd.f32 v29, v28  }
0x32b: {  	v24 =	vor.u32 s2, v24;
	v29 =	vld.idx.msk [tilespmem:v38+s31+$0x0], $0xffff  }
0x32c: {  	v51 =	vor.u32 s2, v17;
	v32 =	vld.idx.msk [tilespmem:v50+s30+$0x0], $0xffff;
	v27 =	vadd.f32 v27, v28;
	v28 =	vmul.f32 v36, v30  }
0x32d: {  	v26 =	vld.idx.msk [tilespmem:v26+s31+$0x0], $0xffff  }
0x32e: {  	v25 =	vld.idx.msk [tilespmem:v25+s31+$0x0], $0xffff;
	v27 =	vadd.f32 v28, v27;
	v28 =	vmul.f32 v34, v37  }
0x32f: {  	v30 =	vld.idx.msk [tilespmem:v31+s30+$0x0], $0xffff  }
0x330: {  	v24 =	vld.idx.msk [tilespmem:v24+s31+$0x0], $0xffff;
	v29 =	vmul.f32 v29, v35;
	v27 =	vadd.f32 v28, v27  }
0x331: {  	v31 =	vld.idx.msk [tilespmem:v51+s30+$0x0], $0xffff  }
0x332: {  	v26 =	vmul.f32 v26, v32;
	v27 =	vadd.f32 v29, v27;
	_ =	sdelay $0x1  }
0x333: {  	v25 =	vmul.f32 v25, v30;
	v26 =	vadd.f32 v26, v27;
	_ =	sdelay $0x1  }
0x334: {  	v24 =	vmul.f32 v24, v31;
	v25 =	vadd.f32 v25, v26;
	_ =	sdelay $0x1  }
0x335: {  	v24 =	vadd.f32 v24, v25;
	_ =	sdelay $0x1  }
0x336: {  	v24 =	vmul.f32 $1.767766920e-01, v24;
	_ =	sdelay $0x1  }
0x337: {  	v24 =	vmul.f32 $1.442695020e+00, v24;
	_ =	sdelay $0x1  }
0x338: {  	(erf) = vpow2.f32 v24  }
0x339: {  	s0 =	simm.s32 $0x0  }
0x33a: {  	v23 =	vtrunc.f32 v23;
	v24 =	vmov s0  }
0x33b: {  	v25 =	vcvt.f32.s32 v23;
	v23 =	vadd.s32 $0x20, v24  }
0x33c: {  	s3 =	simm.s32 $0x4;
	v23 =	vbroadcast v23, $0x0  }
0x33d: {  	v29 =	vmov s3;
	v24 =	vand.u32 $0xFFFFFF80, v25  }
0x33e: {  	v26 =	vand.u32 $0x7F, v25;
	v24 =	vadd.s32 v20, v24;
	v27 =	vshll.u32 v23, $0x3  }
0x33f: {  	v29 =	vadd.s32 $0x20, v29;
	v24 =	vor.u32 v26, v24;
	v26 =	vand.u32 $0x7FFFFC00, v27  }
0x340: {  	v29 =	vbroadcast v29, $0x0;
	v28 =	vor.u32 v20, v23;
	v26 =	vadd.s32 v16, v26  }
0x341: {  	v27 =	vmax.f32 v22, $1.000000010e-10;
	v26 =	vor.u32 v23, v26;
	v22 =	vpop (erf)  }
0x342: {  	v53 =	vshll.u32 v29, $0x3;
	v30 =	vor.u32 v19, v23;
	v22 =	vmul.f32 v22, v27  }
0x343: {  	v33 =	vand.u32 $0x7FFFFC00, v53;
	v31 =	vor.u32 $0x1, v26  }
0x344: {  	v33 =	vadd.s32 v16, v33;
	v52 =	vor.u32 $0x2, v26;
	[tilespmem:v24+s22+$0x0] =	vst.idx.msk $0xffff, v22  }
0x345: {  	v56 =	vor.u32 v29, v33;
	v28 =	vld.idx.msk [tilespmem:v28+s30+$0x0], $0xffff  }
0x346: {  	v24 =	vor.u32 v18, v23;
	v54 =	vld.idx.msk [tilespmem:v26+s31+$0x0], $0xffff  }
0x347: {  	v23 =	vor.u32 v17, v23;
	v30 =	vld.idx.msk [tilespmem:v30+s30+$0x0], $0xffff  }
0x348: {  	v26 =	vor.u32 $0x3, v26;
	v31 =	vld.idx.msk [tilespmem:v31+s31+$0x0], $0xffff  }
0x349: {  	v59 =	vor.u32 $0x1, v56;
	v32 =	vld.idx.msk [tilespmem:v52+s31+$0x0], $0xffff  }
0x34a: {  	s4 =	simm.s32 $0x8;
	s23 =	simm.s32 $0xC;
	v55 =	vor.u32 v20, v29;
	v33 =	vld.idx.msk [tilespmem:v56+s31+$0x0], $0xffff  }
0x34b: {  	v43 =	vmov s23;
	v58 =	vor.u32 v19, v29;
	v57 =	vld.idx.msk [tilespmem:v24+s30+$0x0], $0xffff;
	v24 =	vmov s4  }
0x34c: {  	v41 =	vor.u32 v18, v29;
	v60 =	vld.idx.msk [tilespmem:v23+s30+$0x0], $0xffff;
	v24 =	vadd.s32 $0x20, v24;
	v28 =	vmul.f32 v54, v28  }
0x34d: {  	v44 =	vor.u32 $0x2, v56;
	v42 =	vld.idx.msk [tilespmem:v26+s31+$0x0], $0xffff;
	v26 =	vimm.f32 $0.0e+00;
	v23 =	vbroadcast v24, $0x0  }
0x34e: {  	v34 =	vor.u32 v17, v29;
	v45 =	vmul.f32 v31, v30;
	v30 =	vld.idx.msk [tilespmem:v59+s31+$0x0], $0xffff;
	v28 =	vadd.f32 v28, v26  }
0x34f: {  	v36 =	vor.u32 $0x3, v56;
	v24 =	vld.idx.msk [tilespmem:v55+s30+$0x0], $0xffff;
	v61 =	vshll.u32 v23, $0x3;
	v31 =	vor.u32 v20, v23  }
0x350: {  	v26 =	vld.idx.msk [tilespmem:v58+s30+$0x0], $0xffff;
	v29 =	vand.u32 $0x7FFFFC00, v61;
	v62 =	vadd.f32 v45, v28;
	v63 =	vmul.f32 v32, v57  }
0x351: {  	v37 =	vadd.s32 $0x20, v43;
	v35 =	vor.u32 v19, v23;
	v28 =	vld.idx.msk [tilespmem:v41+s30+$0x0], $0xffff;
	v29 =	vadd.s32 v16, v29  }
0x352: {  	s0 =	simm.s32 $0x10;
	v32 =	vld.idx.msk [tilespmem:v44+s31+$0x0], $0xffff;
	v39 =	vmul.f32 v42, v60;
	v29 =	vor.u32 v23, v29;
	v38 =	vadd.f32 v63, v62  }
.LBB2_28:
0x353: {  	p0 =	sne.s32 s0, $0x1C;
	v37 =	vbroadcast v37, $0x0;
	v40 =	vor.u32 $0x1, v29;
	v41 =	vld.idx.msk [tilespmem:v34+s30+$0x0], $0xffff  }
0x354: {  	v42 =	vor.u32 v18, v23;
	v43 =	vmul.f32 v33, v24;
	v44 =	vld.idx.msk [tilespmem:v36+s31+$0x0], $0xffff;
	v36 =	vadd.f32 v39, v38  }
0x355: {  	v34 =	vor.u32 v17, v23;
	v38 =	vmov s0;
	v39 =	vor.u32 $0x2, v29;
	v24 =	vld.idx.msk [tilespmem:v31+s30+$0x0], $0xffff;
	v23 =	vmovc v37  }
.Ltmp12:
0x356: {  	v45 =	vmul.f32 v30, v26;
	v37 =	vshll.u32 v23, $0x3;
	v33 =	vld.idx.msk [tilespmem:v29+s31+$0x0], $0xffff;
	v43 =	vadd.f32 v43, v36;
	(pc) =	sbr.rel @p0 .LBB2_28-.Ltmp12, $4  }
0x357: {  	v31 =	vor.u32 v20, v23;
	v36 =	vor.u32 $0x3, v29;
	v30 =	vand.u32 $0x7FFFFC00, v37;
	v26 =	vld.idx.msk [tilespmem:v35+s30+$0x0], $0xffff  }
0x358: {  	v29 =	vadd.s32 v16, v30;
	v30 =	vld.idx.msk [tilespmem:v40+s31+$0x0], $0xffff;
	v40 =	vadd.f32 v45, v43;
	v43 =	vmul.f32 v32, v28  }
0x359: {  	v37 =	vadd.s32 $0x20, v38;
	v29 =	vor.u32 v23, v29;
	v28 =	vld.idx.msk [tilespmem:v42+s30+$0x0], $0xffff  }
0x35a: {  	s0 =	sadd.s32 $0x4, s0;
	v35 =	vor.u32 v19, v23;
	v32 =	vld.idx.msk [tilespmem:v39+s31+$0x0], $0xffff;
	v38 =	vadd.f32 v43, v40;
	v39 =	vmul.f32 v44, v41  }
0x35b: {  	_ =	sdelay $0x3  }
0x35c: {  	v40 =	vor.u32 $0x1, v29;
	v34 =	vld.idx.msk [tilespmem:v34+s30+$0x0], $0xffff;
	v24 =	vmul.f32 v33, v24;
	v61 =	vadd.f32 v39, v38  }
0x35d: {  	v37 =	vbroadcast v37, $0x0;
	v62 =	vor.u32 v18, v23;
	v36 =	vld.idx.msk [tilespmem:v36+s31+$0x0], $0xffff  }
0x35e: {  	v63 =	vor.u32 $0x2, v29;
	v31 =	vld.idx.msk [tilespmem:v31+s30+$0x0], $0xffff;
	v26 =	vmul.f32 v30, v26;
	v24 =	vadd.f32 v24, v61  }
0x35f: {  	v23 =	vor.u32 v17, v23;
	v41 =	vshll.u32 v37, $0x3;
	v30 =	vld.idx.msk [tilespmem:v29+s31+$0x0], $0xffff;
	v29 =	vor.u32 $0x3, v29  }
0x360: {  	v35 =	vld.idx.msk [tilespmem:v35+s30+$0x0], $0xffff;
	v42 =	vand.u32 $0x7FFFFC00, v41;
	v24 =	vadd.f32 v26, v24;
	v26 =	vmul.f32 v32, v28  }
0x361: {  	v43 =	vadd.s32 v16, v42;
	v28 =	vor.u32 v20, v37;
	v44 =	vld.idx.msk [tilespmem:v40+s31+$0x0], $0xffff  }
0x362: {  	v32 =	vor.u32 v37, v43;
	v38 =	vld.idx.msk [tilespmem:v62+s30+$0x0], $0xffff;
	v24 =	vadd.f32 v26, v24;
	v26 =	vmul.f32 v36, v34  }
0x363: {  	v45 =	vor.u32 v19, v37;
	v46 =	vld.idx.msk [tilespmem:v63+s31+$0x0], $0xffff  }
0x364: {  	v23 =	vld.idx.msk [tilespmem:v23+s30+$0x0], $0xffff;
	v47 =	vor.u32 $0x1, v32;
	v30 =	vmul.f32 v30, v31;
	v24 =	vadd.f32 v26, v24  }
0x365: {  	v29 =	vld.idx.msk [tilespmem:v29+s31+$0x0], $0xffff;
	v31 =	vor.u32 $0x2, v32  }
0x366: {  	v26 =	vor.u32 v18, v37;
	v28 =	vld.idx.msk [tilespmem:v28+s30+$0x0], $0xffff;
	v24 =	vadd.f32 v30, v24;
	v30 =	vmul.f32 v44, v35  }
0x367: {  	v48 =	vor.u32 v17, v37;
	v49 =	vld.idx.msk [tilespmem:v32+s31+$0x0], $0xffff  }
0x368: {  	v34 =	vld.idx.msk [tilespmem:v45+s30+$0x0], $0xffff;
	v32 =	vor.u32 $0x3, v32;
	v24 =	vadd.f32 v30, v24;
	v30 =	vmul.f32 v46, v38  }
0x369: {  	v50 =	vld.idx.msk [tilespmem:v47+s31+$0x0], $0xffff  }
0x36a: {  	v23 =	vmul.f32 v29, v23;
	v29 =	vld.idx.msk [tilespmem:v31+s31+$0x0], $0xffff;
	v24 =	vadd.f32 v30, v24  }
0x36b: {  	v26 =	vld.idx.msk [tilespmem:v26+s30+$0x0], $0xffff  }
0x36c: {  	v30 =	vld.idx.msk [tilespmem:v48+s30+$0x0], $0xffff;
	v28 =	vmul.f32 v49, v28;
	v23 =	vadd.f32 v23, v24  }
0x36d: {  	v24 =	vld.idx.msk [tilespmem:v32+s31+$0x0], $0xffff  }
0x36e: {  	v23 =	vadd.f32 v28, v23;
	v28 =	vmul.f32 v50, v34;
	_ =	sdelay $0x1  }
0x36f: {  	v26 =	vmul.f32 v29, v26;
	v23 =	vadd.f32 v28, v23;
	_ =	sdelay $0x1  }
0x370: {  	v24 =	vmul.f32 v24, v30;
	v23 =	vadd.f32 v26, v23;
	_ =	sdelay $0x1  }
0x371: {  	v23 =	vadd.f32 v24, v23;
	_ =	sdelay $0x1  }
0x372: {  	v23 =	vmul.f32 $1.767766920e-01, v23;
	_ =	sdelay $0x1  }
0x373: {  	v23 =	vmul.f32 $1.442695020e+00, v23;
	_ =	sdelay $0x1  }
0x374: {  	(erf) = vpow2.f32 v23  }
0x375: {  	s0 =	simm.s32 $0x0  }
0x376: {  	v23 =	vmov s0  }
0x377: {  	v23 =	vadd.s32 $0x40, v23  }
0x378: {  	v24 =	vadd.s32 $0x1, v25;
	v26 =	vbroadcast v23, $0x0  }
0x379: {  	v23 =	vand.u32 $0xFFFFFF80, v24  }
0x37a: {  	v24 =	vand.u32 $0x7F, v24;
	v23 =	vadd.s32 v20, v23;
	v28 =	vshll.u32 v26, $0x3  }
0x37b: {  	v24 =	vor.u32 v24, v23;
	v23 =	vand.u32 $0x7FFFFC00, v28  }
0x37c: {  	v28 =	vor.u32 v20, v26;
	v23 =	vadd.s32 v16, v23  }
0x37d: {  	v30 =	vor.u32 v26, v23;
	v29 =	vpop (erf)  }
0x37e: {  	s3 =	simm.s32 $0x4;
	v31 =	vor.u32 v19, v26;
	v23 =	vmul.f32 v29, v27  }
0x37f: {  	v51 =	vor.u32 $0x1, v30;
	v29 =	vmov s3  }
0x380: {  	v52 =	vor.u32 $0x2, v30;
	v29 =	vadd.s32 $0x40, v29;
	[tilespmem:v24+s22+$0x0] =	vst.idx.msk $0xffff, v23  }
0x381: {  	v29 =	vbroadcast v29, $0x0;
	v24 =	vor.u32 v18, v26;
	v28 =	vld.idx.msk [tilespmem:v28+s30+$0x0], $0xffff  }
0x382: {  	v26 =	vor.u32 v17, v26;
	v54 =	vld.idx.msk [tilespmem:v30+s31+$0x0], $0xffff  }
0x383: {  	v31 =	vld.idx.msk [tilespmem:v31+s30+$0x0], $0xffff;
	v30 =	vor.u32 $0x3, v30;
	v53 =	vshll.u32 v29, $0x3  }
0x384: {  	v32 =	vld.idx.msk [tilespmem:v51+s31+$0x0], $0xffff;
	v55 =	vor.u32 v20, v29;
	v34 =	vand.u32 $0x7FFFFC00, v53  }
0x385: {  	v33 =	vld.idx.msk [tilespmem:v52+s31+$0x0], $0xffff;
	v58 =	vor.u32 v19, v29;
	v34 =	vadd.s32 v16, v34  }
0x386: {  	s4 =	simm.s32 $0x8;
	s23 =	simm.s32 $0xC;
	v56 =	vor.u32 v29, v34;
	v57 =	vld.idx.msk [tilespmem:v24+s30+$0x0], $0xffff  }
0x387: {  	v44 =	vmov s23;
	v24 =	vmov s4;
	v60 =	vld.idx.msk [tilespmem:v26+s30+$0x0], $0xffff;
	v59 =	vor.u32 $0x1, v56  }
0x388: {  	v24 =	vadd.s32 $0x40, v24;
	v28 =	vmul.f32 v54, v28;
	v43 =	vld.idx.msk [tilespmem:v30+s31+$0x0], $0xffff;
	v45 =	vor.u32 $0x2, v56  }
0x389: {  	v42 =	vor.u32 v18, v29;
	v30 =	vimm.f32 $0.0e+00;
	v24 =	vbroadcast v24, $0x0;
	v26 =	vld.idx.msk [tilespmem:v55+s30+$0x0], $0xffff  }
0x38a: {  	v35 =	vor.u32 v17, v29;
	v46 =	vmul.f32 v32, v31;
	v30 =	vadd.f32 v28, v30;
	v28 =	vld.idx.msk [tilespmem:v58+s30+$0x0], $0xffff  }
0x38b: {  	v37 =	vor.u32 $0x3, v56;
	v61 =	vshll.u32 v24, $0x3;
	v32 =	vor.u32 v20, v24;
	v34 =	vld.idx.msk [tilespmem:v56+s31+$0x0], $0xffff  }
0x38c: {  	v29 =	vand.u32 $0x7FFFFC00, v61;
	v62 =	vadd.f32 v46, v30;
	v63 =	vmul.f32 v33, v57;
	v31 =	vld.idx.msk [tilespmem:v59+s31+$0x0], $0xffff  }
0x38d: {  	v38 =	vadd.s32 $0x40, v44;
	v36 =	vor.u32 v19, v24;
	v29 =	vadd.s32 v16, v29;
	v33 =	vld.idx.msk [tilespmem:v45+s31+$0x0], $0xffff  }
0x38e: {  	s0 =	simm.s32 $0x10;
	v40 =	vmul.f32 v43, v60;
	v30 =	vor.u32 v24, v29;
	v29 =	vld.idx.msk [tilespmem:v42+s30+$0x0], $0xffff;
	v39 =	vadd.f32 v63, v62  }
.LBB2_30:
0x38f: {  	p0 =	sne.s32 s0, $0x1C;
	v38 =	vbroadcast v38, $0x0;
	v41 =	vor.u32 $0x1, v30;
	v42 =	vld.idx.msk [tilespmem:v35+s30+$0x0], $0xffff  }
0x390: {  	v43 =	vor.u32 v18, v24;
	v44 =	vmul.f32 v34, v26;
	v45 =	vld.idx.msk [tilespmem:v37+s31+$0x0], $0xffff;
	v37 =	vadd.f32 v40, v39  }
0x391: {  	v35 =	vor.u32 v17, v24;
	v39 =	vmov s0;
	v40 =	vor.u32 $0x2, v30;
	v26 =	vld.idx.msk [tilespmem:v32+s30+$0x0], $0xffff;
	v24 =	vmovc v38  }
.Ltmp13:
0x392: {  	v46 =	vmul.f32 v31, v28;
	v38 =	vshll.u32 v24, $0x3;
	v34 =	vld.idx.msk [tilespmem:v30+s31+$0x0], $0xffff;
	v44 =	vadd.f32 v44, v37;
	(pc) =	sbr.rel @p0 .LBB2_30-.Ltmp13, $4  }
0x393: {  	v32 =	vor.u32 v20, v24;
	v37 =	vor.u32 $0x3, v30;
	v31 =	vand.u32 $0x7FFFFC00, v38;
	v28 =	vld.idx.msk [tilespmem:v36+s30+$0x0], $0xffff  }
0x394: {  	v30 =	vadd.s32 v16, v31;
	v31 =	vld.idx.msk [tilespmem:v41+s31+$0x0], $0xffff;
	v41 =	vadd.f32 v46, v44;
	v44 =	vmul.f32 v33, v29  }
0x395: {  	v38 =	vadd.s32 $0x40, v39;
	v30 =	vor.u32 v24, v30;
	v29 =	vld.idx.msk [tilespmem:v43+s30+$0x0], $0xffff  }
0x396: {  	s0 =	sadd.s32 $0x4, s0;
	v36 =	vor.u32 v19, v24;
	v33 =	vld.idx.msk [tilespmem:v40+s31+$0x0], $0xffff;
	v39 =	vadd.f32 v44, v41;
	v40 =	vmul.f32 v45, v42  }
0x397: {  	_ =	sdelay $0x3  }
0x398: {  	v41 =	vor.u32 $0x1, v30;
	v35 =	vld.idx.msk [tilespmem:v35+s30+$0x0], $0xffff;
	v26 =	vmul.f32 v34, v26;
	v57 =	vadd.f32 v40, v39  }
0x399: {  	v38 =	vbroadcast v38, $0x0;
	v58 =	vor.u32 v18, v24;
	v37 =	vld.idx.msk [tilespmem:v37+s31+$0x0], $0xffff  }
0x39a: {  	v59 =	vor.u32 $0x2, v30;
	v32 =	vld.idx.msk [tilespmem:v32+s30+$0x0], $0xffff;
	v28 =	vmul.f32 v31, v28;
	v26 =	vadd.f32 v26, v57  }
0x39b: {  	v24 =	vor.u32 v17, v24;
	v42 =	vshll.u32 v38, $0x3;
	v31 =	vld.idx.msk [tilespmem:v30+s31+$0x0], $0xffff;
	v30 =	vor.u32 $0x3, v30  }
0x39c: {  	v36 =	vld.idx.msk [tilespmem:v36+s30+$0x0], $0xffff;
	v60 =	vand.u32 $0x7FFFFC00, v42;
	v26 =	vadd.f32 v28, v26;
	v28 =	vmul.f32 v33, v29  }
0x39d: {  	v61 =	vadd.s32 v16, v60;
	v29 =	vor.u32 v20, v38;
	v62 =	vld.idx.msk [tilespmem:v41+s31+$0x0], $0xffff  }
0x39e: {  	v33 =	vor.u32 v38, v61;
	v39 =	vld.idx.msk [tilespmem:v58+s30+$0x0], $0xffff;
	v26 =	vadd.f32 v28, v26;
	v28 =	vmul.f32 v37, v35  }
0x39f: {  	v63 =	vor.u32 v19, v38;
	v44 =	vld.idx.msk [tilespmem:v59+s31+$0x0], $0xffff  }
0x3a0: {  	v24 =	vld.idx.msk [tilespmem:v24+s30+$0x0], $0xffff;
	v45 =	vor.u32 $0x1, v33;
	v31 =	vmul.f32 v31, v32;
	v26 =	vadd.f32 v28, v26  }
0x3a1: {  	v46 =	vor.u32 $0x2, v33;
	v30 =	vld.idx.msk [tilespmem:v30+s31+$0x0], $0xffff  }
0x3a2: {  	v28 =	vor.u32 v18, v38;
	v29 =	vld.idx.msk [tilespmem:v29+s30+$0x0], $0xffff;
	v26 =	vadd.f32 v31, v26;
	v31 =	vmul.f32 v62, v36  }
0x3a3: {  	v47 =	vor.u32 v17, v38;
	v48 =	vld.idx.msk [tilespmem:v33+s31+$0x0], $0xffff  }
0x3a4: {  	v35 =	vld.idx.msk [tilespmem:v63+s30+$0x0], $0xffff;
	v33 =	vor.u32 $0x3, v33;
	v26 =	vadd.f32 v31, v26;
	v31 =	vmul.f32 v44, v39  }
0x3a5: {  	v49 =	vld.idx.msk [tilespmem:v45+s31+$0x0], $0xffff  }
0x3a6: {  	v24 =	vmul.f32 v30, v24;
	v30 =	vld.idx.msk [tilespmem:v46+s31+$0x0], $0xffff;
	v26 =	vadd.f32 v31, v26  }
0x3a7: {  	v28 =	vld.idx.msk [tilespmem:v28+s30+$0x0], $0xffff  }
0x3a8: {  	v31 =	vld.idx.msk [tilespmem:v47+s30+$0x0], $0xffff;
	v29 =	vmul.f32 v48, v29;
	v24 =	vadd.f32 v24, v26  }
0x3a9: {  	v26 =	vld.idx.msk [tilespmem:v33+s31+$0x0], $0xffff  }
0x3aa: {  	v24 =	vadd.f32 v29, v24;
	v29 =	vmul.f32 v49, v35;
	_ =	sdelay $0x1  }
0x3ab: {  	v28 =	vmul.f32 v30, v28;
	v24 =	vadd.f32 v29, v24;
	_ =	sdelay $0x1  }
0x3ac: {  	v26 =	vmul.f32 v26, v31;
	v24 =	vadd.f32 v28, v24;
	_ =	sdelay $0x1  }
0x3ad: {  	v24 =	vadd.f32 v26, v24;
	_ =	sdelay $0x1  }
0x3ae: {  	v24 =	vmul.f32 $1.767766920e-01, v24;
	_ =	sdelay $0x1  }
0x3af: {  	v24 =	vmul.f32 $1.442695020e+00, v24;
	_ =	sdelay $0x1  }
0x3b0: {  	(erf) = vpow2.f32 v24  }
0x3b1: {  	s0 =	simm.s32 $0x0  }
0x3b2: {  	v24 =	vmov s0  }
0x3b3: {  	v24 =	vadd.s32 $0x60, v24  }
0x3b4: {  	v26 =	vadd.s32 $0x2, v25;
	v28 =	vbroadcast v24, $0x0  }
0x3b5: {  	v24 =	vand.u32 $0xFFFFFF80, v26  }
0x3b6: {  	v26 =	vand.u32 $0x7F, v26;
	v24 =	vadd.s32 v20, v24;
	v29 =	vshll.u32 v28, $0x3  }
0x3b7: {  	v26 =	vor.u32 v26, v24;
	v24 =	vand.u32 $0x7FFFFC00, v29  }
0x3b8: {  	v29 =	vor.u32 v20, v28;
	v24 =	vadd.s32 v16, v24  }
0x3b9: {  	v31 =	vor.u32 v28, v24;
	v30 =	vpop (erf)  }
0x3ba: {  	s3 =	simm.s32 $0x4;
	v50 =	vor.u32 v19, v28;
	v24 =	vmul.f32 v30, v27  }
0x3bb: {  	v51 =	vor.u32 $0x1, v31;
	v30 =	vmov s3  }
0x3bc: {  	v52 =	vor.u32 $0x2, v31;
	v30 =	vadd.s32 $0x60, v30;
	[tilespmem:v26+s22+$0x0] =	vst.idx.msk $0xffff, v24  }
0x3bd: {  	v30 =	vbroadcast v30, $0x0;
	v26 =	vor.u32 v18, v28;
	v29 =	vld.idx.msk [tilespmem:v29+s30+$0x0], $0xffff  }
0x3be: {  	v28 =	vor.u32 v17, v28;
	v54 =	vld.idx.msk [tilespmem:v31+s31+$0x0], $0xffff  }
0x3bf: {  	v32 =	vld.idx.msk [tilespmem:v50+s30+$0x0], $0xffff;
	v31 =	vor.u32 $0x3, v31;
	v53 =	vshll.u32 v30, $0x3  }
0x3c0: {  	v33 =	vld.idx.msk [tilespmem:v51+s31+$0x0], $0xffff;
	v55 =	vor.u32 v20, v30;
	v35 =	vand.u32 $0x7FFFFC00, v53  }
0x3c1: {  	v34 =	vld.idx.msk [tilespmem:v52+s31+$0x0], $0xffff;
	v58 =	vor.u32 v19, v30;
	v35 =	vadd.s32 v16, v35  }
0x3c2: {  	s4 =	simm.s32 $0x8;
	s23 =	simm.s32 $0xC;
	v56 =	vor.u32 v30, v35;
	v57 =	vld.idx.msk [tilespmem:v26+s30+$0x0], $0xffff  }
0x3c3: {  	v45 =	vmov s23;
	v26 =	vmov s4;
	v60 =	vld.idx.msk [tilespmem:v28+s30+$0x0], $0xffff;
	v59 =	vor.u32 $0x1, v56  }
0x3c4: {  	v26 =	vadd.s32 $0x60, v26;
	v29 =	vmul.f32 v54, v29;
	v44 =	vld.idx.msk [tilespmem:v31+s31+$0x0], $0xffff;
	v46 =	vor.u32 $0x2, v56  }
0x3c5: {  	v43 =	vor.u32 v18, v30;
	v31 =	vimm.f32 $0.0e+00;
	v26 =	vbroadcast v26, $0x0;
	v28 =	vld.idx.msk [tilespmem:v55+s30+$0x0], $0xffff  }
0x3c6: {  	v36 =	vor.u32 v17, v30;
	v47 =	vmul.f32 v33, v32;
	v31 =	vadd.f32 v29, v31;
	v29 =	vld.idx.msk [tilespmem:v58+s30+$0x0], $0xffff  }
0x3c7: {  	v38 =	vor.u32 $0x3, v56;
	v61 =	vshll.u32 v26, $0x3;
	v33 =	vor.u32 v20, v26;
	v35 =	vld.idx.msk [tilespmem:v56+s31+$0x0], $0xffff  }
0x3c8: {  	v30 =	vand.u32 $0x7FFFFC00, v61;
	v62 =	vadd.f32 v47, v31;
	v63 =	vmul.f32 v34, v57;
	v32 =	vld.idx.msk [tilespmem:v59+s31+$0x0], $0xffff  }
0x3c9: {  	v39 =	vadd.s32 $0x60, v45;
	v37 =	vor.u32 v19, v26;
	v30 =	vadd.s32 v16, v30;
	v34 =	vld.idx.msk [tilespmem:v46+s31+$0x0], $0xffff  }
0x3ca: {  	s0 =	simm.s32 $0x10;
	v41 =	vmul.f32 v44, v60;
	v31 =	vor.u32 v26, v30;
	v30 =	vld.idx.msk [tilespmem:v43+s30+$0x0], $0xffff;
	v40 =	vadd.f32 v63, v62  }
.LBB2_32:
0x3cb: {  	p0 =	sne.s32 s0, $0x1C;
	v39 =	vbroadcast v39, $0x0;
	v42 =	vor.u32 $0x1, v31;
	v43 =	vld.idx.msk [tilespmem:v36+s30+$0x0], $0xffff  }
0x3cc: {  	v44 =	vor.u32 v18, v26;
	v45 =	vmul.f32 v35, v28;
	v46 =	vld.idx.msk [tilespmem:v38+s31+$0x0], $0xffff;
	v38 =	vadd.f32 v41, v40  }
0x3cd: {  	v36 =	vor.u32 v17, v26;
	v40 =	vmov s0;
	v41 =	vor.u32 $0x2, v31;
	v28 =	vld.idx.msk [tilespmem:v33+s30+$0x0], $0xffff;
	v26 =	vmovc v39  }
.Ltmp14:
0x3ce: {  	v47 =	vmul.f32 v32, v29;
	v39 =	vshll.u32 v26, $0x3;
	v35 =	vld.idx.msk [tilespmem:v31+s31+$0x0], $0xffff;
	v45 =	vadd.f32 v45, v38;
	(pc) =	sbr.rel @p0 .LBB2_32-.Ltmp14, $4  }
0x3cf: {  	v33 =	vor.u32 v20, v26;
	v38 =	vor.u32 $0x3, v31;
	v32 =	vand.u32 $0x7FFFFC00, v39;
	v29 =	vld.idx.msk [tilespmem:v37+s30+$0x0], $0xffff  }
0x3d0: {  	v31 =	vadd.s32 v16, v32;
	v32 =	vld.idx.msk [tilespmem:v42+s31+$0x0], $0xffff;
	v42 =	vadd.f32 v47, v45;
	v45 =	vmul.f32 v34, v30  }
0x3d1: {  	v39 =	vadd.s32 $0x60, v40;
	v31 =	vor.u32 v26, v31;
	v30 =	vld.idx.msk [tilespmem:v44+s30+$0x0], $0xffff  }
0x3d2: {  	s0 =	sadd.s32 $0x4, s0;
	v37 =	vor.u32 v19, v26;
	v34 =	vld.idx.msk [tilespmem:v41+s31+$0x0], $0xffff;
	v40 =	vadd.f32 v45, v42;
	v41 =	vmul.f32 v46, v43  }
0x3d3: {  	_ =	sdelay $0x3  }
0x3d4: {  	v42 =	vor.u32 $0x1, v31;
	v36 =	vld.idx.msk [tilespmem:v36+s30+$0x0], $0xffff;
	v28 =	vmul.f32 v35, v28;
	v47 =	vadd.f32 v41, v40  }
0x3d5: {  	v39 =	vbroadcast v39, $0x0;
	v48 =	vor.u32 v18, v26;
	v38 =	vld.idx.msk [tilespmem:v38+s31+$0x0], $0xffff  }
0x3d6: {  	v49 =	vor.u32 $0x2, v31;
	v33 =	vld.idx.msk [tilespmem:v33+s30+$0x0], $0xffff;
	v29 =	vmul.f32 v32, v29;
	v28 =	vadd.f32 v28, v47  }
0x3d7: {  	v26 =	vor.u32 v17, v26;
	v50 =	vld.idx.msk [tilespmem:v31+s31+$0x0], $0xffff;
	v31 =	vor.u32 $0x3, v31;
	v43 =	vshll.u32 v39, $0x3  }
0x3d8: {  	v37 =	vld.idx.msk [tilespmem:v37+s30+$0x0], $0xffff;
	v51 =	vand.u32 $0x7FFFFC00, v43;
	v28 =	vadd.f32 v29, v28;
	v29 =	vmul.f32 v34, v30  }
0x3d9: {  	v52 =	vadd.s32 v16, v51;
	v30 =	vor.u32 v20, v39;
	v53 =	vld.idx.msk [tilespmem:v42+s31+$0x0], $0xffff  }
0x3da: {  	v34 =	vor.u32 v39, v52;
	v40 =	vld.idx.msk [tilespmem:v48+s30+$0x0], $0xffff;
	v28 =	vadd.f32 v29, v28;
	v29 =	vmul.f32 v38, v36  }
0x3db: {  	v54 =	vor.u32 v19, v39;
	v55 =	vld.idx.msk [tilespmem:v49+s31+$0x0], $0xffff  }
0x3dc: {  	v26 =	vld.idx.msk [tilespmem:v26+s30+$0x0], $0xffff;
	v32 =	vmul.f32 v50, v33;
	v56 =	vor.u32 $0x1, v34;
	v28 =	vadd.f32 v29, v28  }
0x3dd: {  	v31 =	vld.idx.msk [tilespmem:v31+s31+$0x0], $0xffff;
	v57 =	vor.u32 $0x2, v34  }
0x3de: {  	v29 =	vor.u32 v18, v39;
	v30 =	vld.idx.msk [tilespmem:v30+s30+$0x0], $0xffff;
	v58 =	vmul.f32 v53, v37;
	v28 =	vadd.f32 v32, v28  }
0x3df: {  	v59 =	vor.u32 v17, v39;
	v60 =	vld.idx.msk [tilespmem:v34+s31+$0x0], $0xffff  }
0x3e0: {  	v36 =	vld.idx.msk [tilespmem:v54+s30+$0x0], $0xffff;
	v34 =	vor.u32 $0x3, v34;
	v61 =	vmul.f32 v55, v40;
	v28 =	vadd.f32 v58, v28  }
0x3e1: {  	v62 =	vld.idx.msk [tilespmem:v56+s31+$0x0], $0xffff  }
0x3e2: {  	v26 =	vmul.f32 v31, v26;
	v31 =	vld.idx.msk [tilespmem:v57+s31+$0x0], $0xffff;
	v28 =	vadd.f32 v61, v28  }
0x3e3: {  	v29 =	vld.idx.msk [tilespmem:v29+s30+$0x0], $0xffff  }
0x3e4: {  	v63 =	vld.idx.msk [tilespmem:v59+s30+$0x0], $0xffff;
	v30 =	vmul.f32 v60, v30;
	v26 =	vadd.f32 v26, v28  }
0x3e5: {  	v28 =	vld.idx.msk [tilespmem:v34+s31+$0x0], $0xffff  }
0x3e6: {  	v26 =	vadd.f32 v30, v26;
	v30 =	vmul.f32 v62, v36;
	_ =	sdelay $0x1  }
0x3e7: {  	v29 =	vmul.f32 v31, v29;
	v26 =	vadd.f32 v30, v26;
	_ =	sdelay $0x1  }
0x3e8: {  	v28 =	vmul.f32 v28, v63;
	v26 =	vadd.f32 v29, v26;
	_ =	sdelay $0x1  }
0x3e9: {  	v26 =	vadd.f32 v28, v26;
	_ =	sdelay $0x1  }
0x3ea: {  	v26 =	vmul.f32 $1.767766920e-01, v26;
	_ =	sdelay $0x1  }
0x3eb: {  	v26 =	vmul.f32 $1.442695020e+00, v26;
	_ =	sdelay $0x1  }
0x3ec: {  	(erf) = vpow2.f32 v26;
	_ =	sdelay $0x3  }
0x3ed: {  	v25 =	vadd.s32 $0x3, v25  }
0x3ee: {  	v26 =	vand.u32 $0xFFFFFF80, v25  }
0x3ef: {  	v25 =	vand.u32 $0x7F, v25;
	v26 =	vadd.s32 v20, v26  }
0x3f0: {  	s2 =	simm.s32 $0x0;
	v28 =	vor.u32 v25, v26;
	v26 =	vor.u32 v9, v21  }
0x3f1: {  	v29 =	vor.u32 s2, v26  }
0x3f2: {  	v25 =	vpop (erf)  }
0x3f3: {  	v25 =	vmul.f32 v25, v27;
	_ =	sdelay $0x1  }
0x3f4: {  	[tilespmem:v28+s22+$0x0] =	vst.idx.msk $0xffff, v25  }
0x3f5: {  	v27 =	vld.idx.msk [tilespmem:v29+s31+$0x0], $0xffff;
	_ =	sdelay $0x1  }
0x3f6: {  	v28 =	vor.u32 s2, v20;
	v29 =	vor.u32 s2, v21  }
0x3f7: {  	v30 =	vor.u32 v10, v29;
	_ =	sdelay $0x1  }
0x3f8: {  	v27 =	vmul.f32 v27, v22;
	_ =	sdelay $0x1  }
0x3f9: {  	[tilespmem:v28+s30+$0x0] =	vst.idx.msk $0xffff, v27  }
0x3fa: {  	v27 =	vld.idx.msk [tilespmem:v30+s31+$0x0], $0xffff;
	_ =	sdelay $0x1  }
0x3fb: {  	v28 =	vor.u32 s2, v19  }
0x3fc: {  	v30 =	vor.u32 v11, v29;
	_ =	sdelay $0x1  }
0x3fd: {  	v27 =	vmul.f32 v27, v22;
	_ =	sdelay $0x1  }
0x3fe: {  	[tilespmem:v28+s30+$0x0] =	vst.idx.msk $0xffff, v27  }
0x3ff: {  	v27 =	vld.idx.msk [tilespmem:v30+s31+$0x0], $0xffff;
	_ =	sdelay $0x1  }
0x400: {  	v28 =	vor.u32 s2, v18  }
0x401: {  	v29 =	vor.u32 v12, v29;
	_ =	sdelay $0x1  }
0x402: {  	v27 =	vmul.f32 v27, v22;
	_ =	sdelay $0x1  }
0x403: {  	[tilespmem:v28+s30+$0x0] =	vst.idx.msk $0xffff, v27  }
0x404: {  	v29 =	vld.idx.msk [tilespmem:v29+s31+$0x0], $0xffff;
	_ =	sdelay $0x1  }
0x405: {  	s23 =	simm.s32 $0x4;
	v28 =	vor.u32 s2, v17  }
0x406: {  	v27 =	vor.u32 s23, v26;
	_ =	sdelay $0x1  }
0x407: {  	s0 =	simm.s32 $0x8;
	s3 =	simm.s32 $0x4;
	v29 =	vmul.f32 v29, v22  }
.LBB2_34:
0x408: {  	_ = 	snop  }
0x409: {  	p0 =	sne.s32 s0, $0x1C;
	s4 =	smov.u32 s0;
	s0 =	sadd.s32 $0x4, s0;
	[tilespmem:v28+s30+$0x0] =	vst.idx.msk $0xffff, v29  }
0x40a: {  	v27 =	vld.idx.msk [tilespmem:v27+s31+$0x0], $0xffff;
	_ =	sdelay $0x2  }
0x40b: {  	v28 =	vor.u32 s3, v20;
	v29 =	vor.u32 s3, v21  }
0x40c: {  	v30 =	vor.u32 v10, v29;
	_ =	sdelay $0x1  }
0x40d: {  	v27 =	vmul.f32 v27, v22;
	_ =	sdelay $0x1  }
0x40e: {  	[tilespmem:v28+s30+$0x0] =	vst.idx.msk $0xffff, v27  }
0x40f: {  	v27 =	vld.idx.msk [tilespmem:v30+s31+$0x0], $0xffff;
	_ =	sdelay $0x2  }
0x410: {  	v28 =	vor.u32 s3, v19  }
0x411: {  	v30 =	vor.u32 v11, v29;
	_ =	sdelay $0x1  }
0x412: {  	v27 =	vmul.f32 v27, v22;
	_ =	sdelay $0x1  }
0x413: {  	[tilespmem:v28+s30+$0x0] =	vst.idx.msk $0xffff, v27  }
0x414: {  	v27 =	vld.idx.msk [tilespmem:v30+s31+$0x0], $0xffff;
	_ =	sdelay $0x2  }
0x415: {  	v28 =	vor.u32 s3, v18  }
0x416: {  	v29 =	vor.u32 v12, v29;
	_ =	sdelay $0x1  }
0x417: {  	v27 =	vmul.f32 v27, v22;
	_ =	sdelay $0x1  }
0x418: {  	[tilespmem:v28+s30+$0x0] =	vst.idx.msk $0xffff, v27  }
0x419: {  	v29 =	vld.idx.msk [tilespmem:v29+s31+$0x0], $0xffff;
	_ =	sdelay $0x1  }
.Ltmp15:
0x41a: {  	(pc) =	sbr.rel @p0 .LBB2_34-.Ltmp15, $3  }
0x41b: {  	v28 =	vor.u32 s3, v17;
	s3 =	smov.u32 s4  }
0x41c: {  	v27 =	vor.u32 s3, v26;
	_ =	sdelay $0x1  }
0x41d: {  	v29 =	vmul.f32 v29, v22  }
0x41e: {  	_ =	sdelay $0x3  }
0x41f: {  	[tilespmem:v28+s30+$0x0] =	vst.idx.msk $0xffff, v29  }
0x420: {  	v27 =	vld.idx.msk [tilespmem:v27+s31+$0x0], $0xffff;
	_ =	sdelay $0x1  }
0x421: {  	v21 =	vor.u32 s3, v21;
	v28 =	vor.u32 s3, v20  }
0x422: {  	v29 =	vor.u32 v10, v21;
	_ =	sdelay $0x1  }
0x423: {  	v27 =	vmul.f32 v27, v22;
	_ =	sdelay $0x1  }
0x424: {  	[tilespmem:v28+s30+$0x0] =	vst.idx.msk $0xffff, v27  }
0x425: {  	v27 =	vld.idx.msk [tilespmem:v29+s31+$0x0], $0xffff;
	_ =	sdelay $0x1  }
0x426: {  	v28 =	vor.u32 s3, v19  }
0x427: {  	v29 =	vor.u32 v11, v21;
	_ =	sdelay $0x1  }
0x428: {  	v27 =	vmul.f32 v27, v22;
	_ =	sdelay $0x1  }
0x429: {  	[tilespmem:v28+s30+$0x0] =	vst.idx.msk $0xffff, v27  }
0x42a: {  	v27 =	vld.idx.msk [tilespmem:v29+s31+$0x0], $0xffff;
	_ =	sdelay $0x1  }
0x42b: {  	v28 =	vor.u32 s3, v18  }
0x42c: {  	v21 =	vor.u32 v12, v21;
	_ =	sdelay $0x1  }
0x42d: {  	v29 =	vmov s2;
	v27 =	vmul.f32 v27, v22  }
0x42e: {  	v29 =	vadd.s32 $0x20, v29  }
0x42f: {  	[tilespmem:v28+s30+$0x0] =	vst.idx.msk $0xffff, v27;
	v27 =	vbroadcast v29, $0x0  }
0x430: {  	v21 =	vld.idx.msk [tilespmem:v21+s31+$0x0], $0xffff  }
0x431: {  	v28 =	vshll.u32 v27, $0x3  }
0x432: {  	v29 =	vor.u32 s3, v17;
	v30 =	vadd.s32 v27, v26;
	v28 =	vand.u32 $0x7FFFFC00, v28  }
0x433: {  	v28 =	vadd.s32 v28, v30;
	_ =	sdelay $0x1  }
0x434: {  	v21 =	vmul.f32 v21, v22;
	_ =	sdelay $0x1  }
0x435: {  	[tilespmem:v29+s30+$0x0] =	vst.idx.msk $0xffff, v21;
	v21 =	vor.u32 $0x81, v27  }
0x436: {  	v22 =	vshll.u32 v21, $0x3;
	v28 =	vld.idx.msk [tilespmem:v28+s31+$0x0], $0xffff  }
0x437: {  	v22 =	vand.u32 $0x7FFFFC00, v22  }
0x438: {  	v29 =	vor.u32 v20, v27;
	v21 =	vand.u32 $0x7D, v21;
	v22 =	vadd.s32 v16, v22  }
0x439: {  	v21 =	vor.u32 v21, v22;
	_ =	sdelay $0x1  }
0x43a: {  	v22 =	vmul.f32 v28, v23;
	_ =	sdelay $0x1  }
0x43b: {  	v28 =	vor.u32 $0x82, v27;
	[tilespmem:v29+s30+$0x0] =	vst.idx.msk $0xffff, v22  }
0x43c: {  	v22 =	vshll.u32 v28, $0x3;
	v21 =	vld.idx.msk [tilespmem:v21+s31+$0x0], $0xffff  }
0x43d: {  	v22 =	vand.u32 $0x7FFFFC00, v22  }
0x43e: {  	v29 =	vor.u32 v27, v19;
	v28 =	vand.u32 $0x7E, v28;
	v22 =	vadd.s32 v16, v22  }
0x43f: {  	v22 =	vor.u32 v28, v22;
	_ =	sdelay $0x1  }
0x440: {  	v21 =	vmul.f32 v21, v23;
	_ =	sdelay $0x1  }
0x441: {  	v28 =	vor.u32 $0x83, v27;
	[tilespmem:v29+s30+$0x0] =	vst.idx.msk $0xffff, v21  }
0x442: {  	v21 =	vshll.u32 v28, $0x3;
	v22 =	vld.idx.msk [tilespmem:v22+s31+$0x0], $0xffff  }
0x443: {  	v21 =	vand.u32 $0x7FFFFC00, v21  }
0x444: {  	v29 =	vor.u32 v27, v18;
	v28 =	vand.u32 $0x7F, v28;
	v21 =	vadd.s32 v16, v21  }
0x445: {  	v21 =	vor.u32 v28, v21;
	_ =	sdelay $0x1  }
0x446: {  	v28 =	vmov s23;
	v30 =	vmul.f32 v22, v23  }
0x447: {  	v22 =	vadd.s32 $0x20, v28  }
0x448: {  	v22 =	vbroadcast v22, $0x0;
	[tilespmem:v29+s30+$0x0] =	vst.idx.msk $0xffff, v30  }
0x449: {  	v28 =	vld.idx.msk [tilespmem:v21+s31+$0x0], $0xffff  }
0x44a: {  	v31 =	vor.u32 v27, v17;
	v21 =	vshll.u32 v22, $0x3;
	v29 =	vor.u32 $0x81, v22  }
0x44b: {  	v30 =	vadd.s32 v22, v26;
	v21 =	vand.u32 $0x7FFFFC00, v21;
	v32 =	vshll.u32 v29, $0x3  }
0x44c: {  	v27 =	vor.u32 $0x82, v22;
	v33 =	vadd.s32 v21, v30;
	v30 =	vand.u32 $0x7FFFFC00, v32  }
0x44d: {  	v34 =	vshll.u32 v27, $0x3;
	v21 =	vor.u32 $0x83, v22;
	v32 =	vadd.s32 v16, v30  }
0x44e: {  	v30 =	vand.u32 $0x7FFFFC00, v34;
	v35 =	vshll.u32 v21, $0x3;
	v34 =	vmul.f32 v28, v23  }
0x44f: {  	s2 =	simm.s32 $0x8;
	v30 =	vadd.s32 v16, v30;
	v28 =	vand.u32 $0x7FFFFC00, v35  }
.LBB2_36:
0x450: {  	p0 =	sne.s32 s2, $0x1C;
	[tilespmem:v31+s30+$0x0] =	vst.idx.msk $0xffff, v34;
	s0 =	smov.u32 s2;
	s2 =	sadd.s32 $0x4, s2  }
0x451: {  	v31 =	vld.idx.msk [tilespmem:v33+s31+$0x0], $0xffff;
	_ =	sdelay $0x2  }
0x452: {  	v29 =	vand.u32 $0x7D, v29;
	v33 =	vor.u32 v20, v22  }
0x453: {  	v29 =	vor.u32 v29, v32;
	_ =	sdelay $0x1  }
0x454: {  	v31 =	vmul.f32 v31, v23;
	_ =	sdelay $0x1  }
0x455: {  	[tilespmem:v33+s30+$0x0] =	vst.idx.msk $0xffff, v31  }
0x456: {  	v29 =	vld.idx.msk [tilespmem:v29+s31+$0x0], $0xffff;
	_ =	sdelay $0x2  }
0x457: {  	v27 =	vand.u32 $0x7E, v27;
	v31 =	vor.u32 v22, v19  }
0x458: {  	v27 =	vor.u32 v27, v30;
	_ =	sdelay $0x1  }
0x459: {  	v29 =	vmul.f32 v29, v23;
	_ =	sdelay $0x1  }
0x45a: {  	[tilespmem:v31+s30+$0x0] =	vst.idx.msk $0xffff, v29  }
0x45b: {  	v27 =	vld.idx.msk [tilespmem:v27+s31+$0x0], $0xffff;
	_ =	sdelay $0x2  }
0x45c: {  	v21 =	vand.u32 $0x7F, v21;
	v28 =	vadd.s32 v16, v28;
	v29 =	vor.u32 v22, v18  }
0x45d: {  	v21 =	vor.u32 v21, v28;
	_ =	sdelay $0x1  }
0x45e: {  	v27 =	vmul.f32 v27, v23  }
0x45f: {  	v28 =	vmov s0  }
0x460: {  	v28 =	vadd.s32 $0x20, v28;
	[tilespmem:v29+s30+$0x0] =	vst.idx.msk $0xffff, v27  }
0x461: {  	v28 =	vbroadcast v28, $0x0;
	v34 =	vld.idx.msk [tilespmem:v21+s31+$0x0], $0xffff  }
0x462: {  	v31 =	vor.u32 v22, v17  }
0x463: {  	v22 =	vmovc v28;
	v29 =	vor.u32 $0x81, v28;
	v27 =	vor.u32 $0x82, v28;
	v21 =	vshll.u32 v28, $0x3  }
.Ltmp16:
0x464: {  	v28 =	vadd.s32 v22, v26;
	v30 =	vshll.u32 v29, $0x3;
	v21 =	vand.u32 $0x7FFFFC00, v21;
	(pc) =	sbr.rel @p0 .LBB2_36-.Ltmp16, $4  }
0x465: {  	v33 =	vadd.s32 v21, v28;
	v21 =	vand.u32 $0x7FFFFC00, v30;
	v28 =	vshll.u32 v27, $0x3  }
0x466: {  	v32 =	vadd.s32 v16, v21;
	v28 =	vand.u32 $0x7FFFFC00, v28;
	v21 =	vor.u32 $0x83, v22  }
0x467: {  	v30 =	vadd.s32 v16, v28;
	v28 =	vshll.u32 v21, $0x3;
	v34 =	vmul.f32 v34, v23  }
0x468: {  	v28 =	vand.u32 $0x7FFFFC00, v28  }
0x469: {  	_ =	sdelay $0x3  }
0x46a: {  	[tilespmem:v31+s30+$0x0] =	vst.idx.msk $0xffff, v34  }
0x46b: {  	v31 =	vld.idx.msk [tilespmem:v33+s31+$0x0], $0xffff;
	_ =	sdelay $0x1  }
0x46c: {  	v62 =	vor.u32 v20, v22;
	v29 =	vand.u32 $0x7D, v29  }
0x46d: {  	v29 =	vor.u32 v29, v32;
	_ =	sdelay $0x1  }
0x46e: {  	v31 =	vmul.f32 v31, v23;
	_ =	sdelay $0x1  }
0x46f: {  	[tilespmem:v62+s30+$0x0] =	vst.idx.msk $0xffff, v31  }
0x470: {  	v29 =	vld.idx.msk [tilespmem:v29+s31+$0x0], $0xffff;
	_ =	sdelay $0x1  }
0x471: {  	v27 =	vand.u32 $0x7E, v27;
	v31 =	vor.u32 v22, v19  }
0x472: {  	v27 =	vor.u32 v27, v30;
	_ =	sdelay $0x1  }
0x473: {  	v29 =	vmul.f32 v29, v23;
	_ =	sdelay $0x1  }
0x474: {  	[tilespmem:v31+s30+$0x0] =	vst.idx.msk $0xffff, v29  }
0x475: {  	v27 =	vld.idx.msk [tilespmem:v27+s31+$0x0], $0xffff;
	_ =	sdelay $0x1  }
0x476: {  	v21 =	vand.u32 $0x7F, v21;
	v28 =	vadd.s32 v16, v28;
	v29 =	vor.u32 v22, v18  }
0x477: {  	v28 =	vor.u32 v21, v28  }
0x478: {  	s0 =	simm.s32 $0x0  }
0x479: {  	v21 =	vmov s0;
	v27 =	vmul.f32 v27, v23  }
0x47a: {  	v30 =	vadd.s32 $0x40, v21  }
0x47b: {  	[tilespmem:v29+s30+$0x0] =	vst.idx.msk $0xffff, v27;
	v27 =	vbroadcast v30, $0x0  }
0x47c: {  	v28 =	vld.idx.msk [tilespmem:v28+s31+$0x0], $0xffff  }
0x47d: {  	v29 =	vshll.u32 v27, $0x3  }
0x47e: {  	v22 =	vor.u32 v22, v17;
	v30 =	vadd.s32 v27, v26;
	v29 =	vand.u32 $0x7FFFFC00, v29  }
0x47f: {  	v29 =	vadd.s32 v29, v30;
	_ =	sdelay $0x1  }
0x480: {  	v23 =	vmul.f32 v28, v23;
	_ =	sdelay $0x1  }
0x481: {  	[tilespmem:v22+s30+$0x0] =	vst.idx.msk $0xffff, v23;
	v22 =	vor.u32 $0x81, v27  }
0x482: {  	v23 =	vshll.u32 v22, $0x3;
	v28 =	vld.idx.msk [tilespmem:v29+s31+$0x0], $0xffff  }
0x483: {  	v23 =	vand.u32 $0x7FFFFC00, v23  }
0x484: {  	v29 =	vor.u32 v20, v27;
	v22 =	vand.u32 $0x7D, v22;
	v23 =	vadd.s32 v16, v23  }
0x485: {  	v22 =	vor.u32 v22, v23;
	_ =	sdelay $0x1  }
0x486: {  	v23 =	vmul.f32 v28, v24;
	_ =	sdelay $0x1  }
0x487: {  	v28 =	vor.u32 $0x82, v27;
	[tilespmem:v29+s30+$0x0] =	vst.idx.msk $0xffff, v23  }
0x488: {  	v23 =	vshll.u32 v28, $0x3;
	v22 =	vld.idx.msk [tilespmem:v22+s31+$0x0], $0xffff  }
0x489: {  	v23 =	vand.u32 $0x7FFFFC00, v23  }
0x48a: {  	v29 =	vor.u32 v27, v19;
	v28 =	vand.u32 $0x7E, v28;
	v23 =	vadd.s32 v16, v23  }
0x48b: {  	v23 =	vor.u32 v28, v23;
	_ =	sdelay $0x1  }
0x48c: {  	v22 =	vmul.f32 v22, v24;
	_ =	sdelay $0x1  }
0x48d: {  	v28 =	vor.u32 $0x83, v27;
	[tilespmem:v29+s30+$0x0] =	vst.idx.msk $0xffff, v22  }
0x48e: {  	v22 =	vshll.u32 v28, $0x3;
	v23 =	vld.idx.msk [tilespmem:v23+s31+$0x0], $0xffff  }
0x48f: {  	v22 =	vand.u32 $0x7FFFFC00, v22  }
0x490: {  	v29 =	vor.u32 v27, v18;
	v28 =	vand.u32 $0x7F, v28;
	v22 =	vadd.s32 v16, v22  }
0x491: {  	v28 =	vor.u32 v28, v22  }
0x492: {  	s23 =	simm.s32 $0x4  }
0x493: {  	v22 =	vmov s23;
	v30 =	vmul.f32 v23, v24  }
0x494: {  	v23 =	vadd.s32 $0x40, v22  }
0x495: {  	v23 =	vbroadcast v23, $0x0;
	[tilespmem:v29+s30+$0x0] =	vst.idx.msk $0xffff, v30  }
0x496: {  	v29 =	vld.idx.msk [tilespmem:v28+s31+$0x0], $0xffff  }
0x497: {  	v32 =	vor.u32 v27, v17;
	v27 =	vshll.u32 v23, $0x3;
	v30 =	vor.u32 $0x81, v23  }
0x498: {  	v31 =	vadd.s32 v23, v26;
	v27 =	vand.u32 $0x7FFFFC00, v27;
	v63 =	vshll.u32 v30, $0x3  }
0x499: {  	v28 =	vor.u32 $0x82, v23;
	v34 =	vadd.s32 v27, v31;
	v31 =	vand.u32 $0x7FFFFC00, v63  }
0x49a: {  	v35 =	vshll.u32 v28, $0x3;
	v27 =	vor.u32 $0x83, v23;
	v33 =	vadd.s32 v16, v31  }
0x49b: {  	v31 =	vand.u32 $0x7FFFFC00, v35;
	v36 =	vshll.u32 v27, $0x3;
	v35 =	vmul.f32 v29, v24  }
0x49c: {  	s2 =	simm.s32 $0x8;
	v31 =	vadd.s32 v16, v31;
	v29 =	vand.u32 $0x7FFFFC00, v36  }
.LBB2_38:
0x49d: {  	p0 =	sne.s32 s2, $0x1C;
	[tilespmem:v32+s30+$0x0] =	vst.idx.msk $0xffff, v35;
	s0 =	smov.u32 s2;
	s2 =	sadd.s32 $0x4, s2  }
0x49e: {  	v32 =	vld.idx.msk [tilespmem:v34+s31+$0x0], $0xffff;
	_ =	sdelay $0x2  }
0x49f: {  	v30 =	vand.u32 $0x7D, v30;
	v34 =	vor.u32 v20, v23  }
0x4a0: {  	v30 =	vor.u32 v30, v33;
	_ =	sdelay $0x1  }
0x4a1: {  	v32 =	vmul.f32 v32, v24;
	_ =	sdelay $0x1  }
0x4a2: {  	[tilespmem:v34+s30+$0x0] =	vst.idx.msk $0xffff, v32  }
0x4a3: {  	v30 =	vld.idx.msk [tilespmem:v30+s31+$0x0], $0xffff;
	_ =	sdelay $0x2  }
0x4a4: {  	v28 =	vand.u32 $0x7E, v28;
	v32 =	vor.u32 v23, v19  }
0x4a5: {  	v28 =	vor.u32 v28, v31;
	_ =	sdelay $0x1  }
0x4a6: {  	v30 =	vmul.f32 v30, v24;
	_ =	sdelay $0x1  }
0x4a7: {  	[tilespmem:v32+s30+$0x0] =	vst.idx.msk $0xffff, v30  }
0x4a8: {  	v28 =	vld.idx.msk [tilespmem:v28+s31+$0x0], $0xffff;
	_ =	sdelay $0x2  }
0x4a9: {  	v27 =	vand.u32 $0x7F, v27;
	v29 =	vadd.s32 v16, v29;
	v30 =	vor.u32 v23, v18  }
0x4aa: {  	v27 =	vor.u32 v27, v29;
	_ =	sdelay $0x1  }
0x4ab: {  	v28 =	vmul.f32 v28, v24  }
0x4ac: {  	v29 =	vmov s0  }
0x4ad: {  	v29 =	vadd.s32 $0x40, v29;
	[tilespmem:v30+s30+$0x0] =	vst.idx.msk $0xffff, v28  }
0x4ae: {  	v29 =	vbroadcast v29, $0x0;
	v35 =	vld.idx.msk [tilespmem:v27+s31+$0x0], $0xffff  }
0x4af: {  	v32 =	vor.u32 v23, v17  }
0x4b0: {  	v23 =	vmovc v29;
	v30 =	vor.u32 $0x81, v29;
	v28 =	vor.u32 $0x82, v29;
	v27 =	vshll.u32 v29, $0x3  }
.Ltmp17:
0x4b1: {  	v29 =	vadd.s32 v23, v26;
	v31 =	vshll.u32 v30, $0x3;
	v27 =	vand.u32 $0x7FFFFC00, v27;
	(pc) =	sbr.rel @p0 .LBB2_38-.Ltmp17, $4  }
0x4b2: {  	v34 =	vadd.s32 v27, v29;
	v27 =	vand.u32 $0x7FFFFC00, v31;
	v29 =	vshll.u32 v28, $0x3  }
0x4b3: {  	v33 =	vadd.s32 v16, v27;
	v29 =	vand.u32 $0x7FFFFC00, v29;
	v27 =	vor.u32 $0x83, v23  }
0x4b4: {  	v31 =	vadd.s32 v16, v29;
	v29 =	vshll.u32 v27, $0x3;
	v35 =	vmul.f32 v35, v24  }
0x4b5: {  	v29 =	vand.u32 $0x7FFFFC00, v29  }
0x4b6: {  	_ =	sdelay $0x3  }
0x4b7: {  	[tilespmem:v32+s30+$0x0] =	vst.idx.msk $0xffff, v35  }
0x4b8: {  	v32 =	vld.idx.msk [tilespmem:v34+s31+$0x0], $0xffff;
	_ =	sdelay $0x1  }
0x4b9: {  	v60 =	vor.u32 v20, v23;
	v30 =	vand.u32 $0x7D, v30  }
0x4ba: {  	v30 =	vor.u32 v30, v33;
	_ =	sdelay $0x1  }
0x4bb: {  	v32 =	vmul.f32 v32, v24;
	_ =	sdelay $0x1  }
0x4bc: {  	[tilespmem:v60+s30+$0x0] =	vst.idx.msk $0xffff, v32  }
0x4bd: {  	v30 =	vld.idx.msk [tilespmem:v30+s31+$0x0], $0xffff;
	_ =	sdelay $0x1  }
0x4be: {  	v61 =	vor.u32 v23, v19;
	v28 =	vand.u32 $0x7E, v28  }
0x4bf: {  	v28 =	vor.u32 v28, v31;
	_ =	sdelay $0x1  }
0x4c0: {  	v30 =	vmul.f32 v30, v24;
	_ =	sdelay $0x1  }
0x4c1: {  	[tilespmem:v61+s30+$0x0] =	vst.idx.msk $0xffff, v30  }
0x4c2: {  	v28 =	vld.idx.msk [tilespmem:v28+s31+$0x0], $0xffff;
	_ =	sdelay $0x1  }
0x4c3: {  	v27 =	vand.u32 $0x7F, v27;
	v29 =	vadd.s32 v16, v29;
	v30 =	vor.u32 v23, v18  }
0x4c4: {  	v27 =	vor.u32 v27, v29;
	_ =	sdelay $0x1  }
0x4c5: {  	v28 =	vmul.f32 v28, v24  }
0x4c6: {  	v21 =	vadd.s32 $0x60, v21  }
0x4c7: {  	[tilespmem:v30+s30+$0x0] =	vst.idx.msk $0xffff, v28;
	v28 =	vbroadcast v21, $0x0  }
0x4c8: {  	v21 =	vld.idx.msk [tilespmem:v27+s31+$0x0], $0xffff  }
0x4c9: {  	v27 =	vshll.u32 v28, $0x3  }
0x4ca: {  	v23 =	vor.u32 v23, v17;
	v29 =	vadd.s32 v28, v26;
	v27 =	vand.u32 $0x7FFFFC00, v27  }
0x4cb: {  	v27 =	vadd.s32 v27, v29;
	_ =	sdelay $0x1  }
0x4cc: {  	v21 =	vmul.f32 v21, v24;
	_ =	sdelay $0x1  }
0x4cd: {  	[tilespmem:v23+s30+$0x0] =	vst.idx.msk $0xffff, v21;
	v21 =	vor.u32 $0x81, v28  }
0x4ce: {  	v23 =	vshll.u32 v21, $0x3;
	v24 =	vld.idx.msk [tilespmem:v27+s31+$0x0], $0xffff  }
0x4cf: {  	v23 =	vand.u32 $0x7FFFFC00, v23  }
0x4d0: {  	v27 =	vor.u32 v20, v28;
	v21 =	vand.u32 $0x7D, v21;
	v23 =	vadd.s32 v16, v23  }
0x4d1: {  	v21 =	vor.u32 v21, v23;
	_ =	sdelay $0x1  }
0x4d2: {  	v23 =	vmul.f32 v24, v25;
	_ =	sdelay $0x1  }
0x4d3: {  	v24 =	vor.u32 $0x82, v28;
	[tilespmem:v27+s30+$0x0] =	vst.idx.msk $0xffff, v23  }
0x4d4: {  	v23 =	vshll.u32 v24, $0x3;
	v21 =	vld.idx.msk [tilespmem:v21+s31+$0x0], $0xffff  }
0x4d5: {  	v23 =	vand.u32 $0x7FFFFC00, v23  }
0x4d6: {  	v27 =	vor.u32 v28, v19;
	v24 =	vand.u32 $0x7E, v24;
	v23 =	vadd.s32 v16, v23  }
0x4d7: {  	v23 =	vor.u32 v24, v23;
	_ =	sdelay $0x1  }
0x4d8: {  	v21 =	vmul.f32 v21, v25;
	_ =	sdelay $0x1  }
0x4d9: {  	v24 =	vor.u32 $0x83, v28;
	[tilespmem:v27+s30+$0x0] =	vst.idx.msk $0xffff, v21  }
0x4da: {  	v21 =	vshll.u32 v24, $0x3;
	v23 =	vld.idx.msk [tilespmem:v23+s31+$0x0], $0xffff  }
0x4db: {  	v21 =	vand.u32 $0x7FFFFC00, v21  }
0x4dc: {  	v27 =	vor.u32 v28, v18;
	v24 =	vand.u32 $0x7F, v24;
	v21 =	vadd.s32 v16, v21  }
0x4dd: {  	v24 =	vor.u32 v24, v21;
	_ =	sdelay $0x1  }
0x4de: {  	v23 =	vmul.f32 v23, v25  }
0x4df: {  	v21 =	vadd.s32 $0x60, v22  }
0x4e0: {  	v21 =	vbroadcast v21, $0x0;
	[tilespmem:v27+s30+$0x0] =	vst.idx.msk $0xffff, v23  }
0x4e1: {  	v24 =	vld.idx.msk [tilespmem:v24+s31+$0x0], $0xffff  }
0x4e2: {  	v29 =	vor.u32 v28, v17;
	v22 =	vshll.u32 v21, $0x3;
	v28 =	vadd.s32 v21, v26  }
0x4e3: {  	v22 =	vand.u32 $0x7FFFFC00, v22;
	v27 =	vor.u32 $0x81, v21;
	v23 =	vor.u32 $0x82, v21  }
0x4e4: {  	v31 =	vadd.s32 v22, v28;
	v22 =	vor.u32 $0x83, v21;
	v30 =	vshll.u32 v27, $0x3  }
0x4e5: {  	v62 =	vshll.u32 v23, $0x3;
	v63 =	vshll.u32 v22, $0x3;
	v28 =	vand.u32 $0x7FFFFC00, v30  }
0x4e6: {  	v30 =	vadd.s32 v16, v28;
	v28 =	vand.u32 $0x7FFFFC00, v62;
	v32 =	vmul.f32 v24, v25  }
0x4e7: {  	s2 =	simm.s32 $0x8;
	v28 =	vadd.s32 v16, v28;
	v24 =	vand.u32 $0x7FFFFC00, v63  }
.LBB2_40:
0x4e8: {  	p0 =	sne.s32 s2, $0x1C;
	[tilespmem:v29+s30+$0x0] =	vst.idx.msk $0xffff, v32;
	s0 =	smov.u32 s2;
	s2 =	sadd.s32 $0x4, s2  }
0x4e9: {  	v29 =	vld.idx.msk [tilespmem:v31+s31+$0x0], $0xffff;
	_ =	sdelay $0x2  }
0x4ea: {  	v27 =	vand.u32 $0x7D, v27;
	v31 =	vor.u32 v20, v21  }
0x4eb: {  	v27 =	vor.u32 v27, v30;
	_ =	sdelay $0x1  }
0x4ec: {  	v29 =	vmul.f32 v29, v25;
	_ =	sdelay $0x1  }
0x4ed: {  	[tilespmem:v31+s30+$0x0] =	vst.idx.msk $0xffff, v29  }
0x4ee: {  	v27 =	vld.idx.msk [tilespmem:v27+s31+$0x0], $0xffff;
	_ =	sdelay $0x2  }
0x4ef: {  	v23 =	vand.u32 $0x7E, v23;
	v29 =	vor.u32 v21, v19  }
0x4f0: {  	v23 =	vor.u32 v23, v28;
	_ =	sdelay $0x1  }
0x4f1: {  	v27 =	vmul.f32 v27, v25;
	_ =	sdelay $0x1  }
0x4f2: {  	[tilespmem:v29+s30+$0x0] =	vst.idx.msk $0xffff, v27  }
0x4f3: {  	v23 =	vld.idx.msk [tilespmem:v23+s31+$0x0], $0xffff;
	_ =	sdelay $0x2  }
0x4f4: {  	v22 =	vand.u32 $0x7F, v22;
	v24 =	vadd.s32 v16, v24;
	v27 =	vor.u32 v21, v18  }
0x4f5: {  	v22 =	vor.u32 v22, v24;
	_ =	sdelay $0x1  }
0x4f6: {  	v23 =	vmul.f32 v23, v25  }
0x4f7: {  	v24 =	vmov s0  }
0x4f8: {  	v24 =	vadd.s32 $0x60, v24;
	[tilespmem:v27+s30+$0x0] =	vst.idx.msk $0xffff, v23  }
0x4f9: {  	v24 =	vbroadcast v24, $0x0;
	v32 =	vld.idx.msk [tilespmem:v22+s31+$0x0], $0xffff  }
0x4fa: {  	v29 =	vor.u32 v21, v17  }
0x4fb: {  	v21 =	vmovc v24;
	v27 =	vor.u32 $0x81, v24;
	v23 =	vor.u32 $0x82, v24;
	v22 =	vshll.u32 v24, $0x3  }
.Ltmp18:
0x4fc: {  	v24 =	vadd.s32 v21, v26;
	v28 =	vshll.u32 v27, $0x3;
	v22 =	vand.u32 $0x7FFFFC00, v22;
	(pc) =	sbr.rel @p0 .LBB2_40-.Ltmp18, $4  }
0x4fd: {  	v31 =	vadd.s32 v22, v24;
	v22 =	vand.u32 $0x7FFFFC00, v28;
	v24 =	vshll.u32 v23, $0x3  }
0x4fe: {  	v30 =	vadd.s32 v16, v22;
	v24 =	vand.u32 $0x7FFFFC00, v24;
	v22 =	vor.u32 $0x83, v21  }
0x4ff: {  	v28 =	vadd.s32 v16, v24;
	v24 =	vshll.u32 v22, $0x3;
	v32 =	vmul.f32 v32, v25  }
0x500: {  	v24 =	vand.u32 $0x7FFFFC00, v24  }
0x501: {  	_ =	sdelay $0x3  }
0x502: {  	[tilespmem:v29+s30+$0x0] =	vst.idx.msk $0xffff, v32  }
0x503: {  	v26 =	vld.idx.msk [tilespmem:v31+s31+$0x0], $0xffff;
	_ =	sdelay $0x1  }
0x504: {  	v20 =	vor.u32 v20, v21;
	v27 =	vand.u32 $0x7D, v27  }
0x505: {  	v27 =	vor.u32 v27, v30;
	_ =	sdelay $0x1  }
0x506: {  	v26 =	vmul.f32 v26, v25;
	_ =	sdelay $0x1  }
0x507: {  	[tilespmem:v20+s30+$0x0] =	vst.idx.msk $0xffff, v26  }
0x508: {  	v20 =	vld.idx.msk [tilespmem:v27+s31+$0x0], $0xffff;
	_ =	sdelay $0x1  }
0x509: {  	v19 =	vor.u32 v21, v19;
	v23 =	vand.u32 $0x7E, v23  }
0x50a: {  	v23 =	vor.u32 v23, v28;
	_ =	sdelay $0x1  }
0x50b: {  	v20 =	vmul.f32 v20, v25;
	_ =	sdelay $0x1  }
0x50c: {  	[tilespmem:v19+s30+$0x0] =	vst.idx.msk $0xffff, v20  }
0x50d: {  	v19 =	vld.idx.msk [tilespmem:v23+s31+$0x0], $0xffff;
	_ =	sdelay $0x1  }
0x50e: {  	v18 =	vor.u32 v21, v18;
	v63 =	vand.u32 $0x7F, v22;
	v16 =	vadd.s32 v16, v24  }
0x50f: {  	v16 =	vor.u32 v63, v16;
	_ =	sdelay $0x1  }
0x510: {  	v19 =	vmul.f32 v19, v25;
	_ =	sdelay $0x1  }
0x511: {  	[tilespmem:v18+s30+$0x0] =	vst.idx.msk $0xffff, v19  }
0x512: {  	v16 =	vld.idx.msk [tilespmem:v16+s31+$0x0], $0xffff  }
0x513: {  	s24 =	sadd.s32 $0x1, s24  }
0x514: {  	v17 =	vor.u32 v21, v17;
	p0 =	sne.s32 s24, $0x4  }
.Ltmp19:
0x515: {  	_ = 	snop;
	(pc) =	sbr.rel @p0 .LBB2_25-.Ltmp19, $3  }
0x516: {  	_ = 	snop  }
0x517: {  	v16 =	vmul.f32 v16, v25;
	_ =	sdelay $0x1  }
0x518: {  	[tilespmem:v17+s30+$0x0] =	vst.idx.msk $0xffff, v16  }
0x519: {  	s0 =	rddreg [dreg:$0x3];
	s2 =	simm.s32 $0x180  }
0x51a: {  	[spmem:s0] =	stream.indirect.scatter.add.f32 [tilespmem:s30], [sflag:$0x5], $0x80, s2, s29, $0xb8;
	[tilespmem:$0x13A00] =	vst v63  }
0x51b: {  	s23 =	simm.s32 $0x280  }
0x51c: {  	[spmem:s5] =	stream.indirect.scatter.add.f32 [tilespmem:s22], [sflag:$0x6], $0x80, s23, s29, $0xb8;
	[tilespmem:$0x13A00] =	vst v63  }
0x51d: {  	s24 =	simm.s32 $0x0;
	_ =	swait.ge [sflag:s11], $0x2000  }
0x51e: {  	v16 =	vor.u32 s24, v15;
	[sflag:s11] =	ssyncset.done $0x0  }
0x51f: {  	[sflag:s11] =	ssyncadd.s32 $0xFFFFE000  }
0x520: {  	_ =	swait.ge [sflag:s13], $0x2000  }
0x521: {  	[sflag:s13] =	ssyncset.done $0x0  }
0x522: {  	[sflag:s13] =	ssyncadd.s32 $0xFFFFE000  }
0x523: {  	v16 =	vld.idx.msk [tilespmem:v16+s25+$0x0], $0xffff;
	_ =	sdelay $0x4  }
0x524: {  	v17 =	vmov s24;
	v16 =	vtrunc.f32 v16  }
0x525: {  	s2 =	simm.s32 $0x10;
	v17 =	vshll.u32 v17, $0x7;
	v19 =	vcvt.f32.s32 v16  }
0x526: {  	v17 =	vor.u32 v13, v17;
	v16 =	vor.u32 s2, v15  }
0x527: {  	s0 =	simm.s32 $0x20;
	v21 =	vand.u32 $0xFFFFFF80, v19;
	v20 =	vand.u32 $0x7F, v19;
	v18 =	vadd.s32 $0x3, v19  }
.LBB2_43:
0x528: {  	p0 =	sne.s32 s0, $0x30;
	v21 =	vadd.s32 v17, v21;
	v22 =	vadd.s32 $0x1, v19;
	v19 =	vadd.s32 $0x2, v19;
	s3 =	smov.u32 s0;
	s0 =	sadd.s32 $0x10, s0  }
0x529: {  	v20 =	vor.u32 v20, v21;
	v21 =	vand.u32 $0xFFFFFF80, v22;
	v22 =	vand.u32 $0x7F, v22  }
0x52a: {  	v24 =	vand.u32 $0xFFFFFF80, v18;
	v23 =	vand.u32 $0xFFFFFF80, v19;
	v21 =	vadd.s32 v17, v21  }
0x52b: {  	v19 =	vand.u32 $0x7F, v19;
	v21 =	vor.u32 v22, v21;
	v22 =	vadd.s32 v17, v23  }
0x52c: {  	v18 =	vand.u32 $0x7F, v18;
	v17 =	vadd.s32 v17, v24;
	v19 =	vor.u32 v19, v22  }
0x52d: {  	v17 =	vor.u32 v18, v17;
	_ =	sdelay $0x1  }
0x52e: {  	[tilespmem:v20+s22+$0x0] =	vst.idx.msk $0xffff, v14  }
0x52f: {  	[tilespmem:v21+s22+$0x0] =	vst.idx.msk $0xffff, v14  }
0x530: {  	v18 =	vmov s2;
	s2 =	smov.u32 s3;
	[tilespmem:v19+s22+$0x0] =	vst.idx.msk $0xffff, v14  }
0x531: {  	v18 =	vshll.u32 v18, $0x7;
	[tilespmem:v17+s22+$0x0] =	vst.idx.msk $0xffff, v14  }
0x532: {  	v17 =	vor.u32 v13, v18;
	v16 =	vld.idx.msk [tilespmem:v16+s25+$0x0], $0xffff;
	_ =	sdelay $0x4  }
.Ltmp20:
0x533: {  	(pc) =	sbr.rel @p0 .LBB2_43-.Ltmp20, $3  }
0x534: {  	v18 =	vtrunc.f32 v16  }
0x535: {  	v16 =	vor.u32 s2, v15;
	v19 =	vcvt.f32.s32 v18;
	_ =	sdelay $0x1  }
0x536: {  	v21 =	vand.u32 $0xFFFFFF80, v19;
	v20 =	vand.u32 $0x7F, v19;
	v18 =	vadd.s32 $0x3, v19  }
0x537: {  	v15 =	vadd.s32 v17, v21;
	v49 =	vadd.s32 $0x1, v19;
	v50 =	vadd.s32 $0x2, v19  }
0x538: {  	v23 =	vand.u32 $0xFFFFFF80, v18;
	v15 =	vor.u32 v20, v15;
	v51 =	vand.u32 $0xFFFFFF80, v49  }
0x539: {  	v21 =	vand.u32 $0x7F, v49;
	v22 =	vand.u32 $0xFFFFFF80, v50;
	v20 =	vadd.s32 v17, v51  }
0x53a: {  	v19 =	vand.u32 $0x7F, v50;
	v52 =	vadd.s32 v17, v22;
	v20 =	vor.u32 v21, v20  }
0x53b: {  	v53 =	vand.u32 $0x7F, v18;
	v54 =	vadd.s32 v17, v23;
	v19 =	vor.u32 v19, v52  }
0x53c: {  	v17 =	vor.u32 v53, v54;
	_ =	sdelay $0x1  }
0x53d: {  	[tilespmem:v15+s22+$0x0] =	vst.idx.msk $0xffff, v14  }
0x53e: {  	[tilespmem:v20+s22+$0x0] =	vst.idx.msk $0xffff, v14  }
0x53f: {  	[tilespmem:v19+s22+$0x0] =	vst.idx.msk $0xffff, v14  }
0x540: {  	[tilespmem:v17+s22+$0x0] =	vst.idx.msk $0xffff, v14  }
0x541: {  	v15 =	vld.idx.msk [tilespmem:v16+s25+$0x0], $0xffff;
	_ =	sdelay $0x4  }
0x542: {  	v55 =	vmov s2;
	v15 =	vtrunc.f32 v15  }
0x543: {  	v16 =	vshll.u32 v55, $0x7;
	v15 =	vcvt.f32.s32 v15  }
0x544: {  	v16 =	vor.u32 v13, v16  }
0x545: {  	v56 =	vand.u32 $0xFFFFFF80, v15;
	v57 =	vand.u32 $0x7F, v15;
	v58 =	vadd.s32 $0x3, v15  }
0x546: {  	v59 =	vadd.s32 $0x1, v15;
	v15 =	vadd.s32 $0x2, v15;
	v17 =	vadd.s32 v16, v56  }
0x547: {  	v60 =	vand.u32 $0xFFFFFF80, v59;
	v20 =	vand.u32 $0x7F, v59;
	v61 =	vand.u32 $0xFFFFFF80, v15  }
0x548: {  	v62 =	vand.u32 $0xFFFFFF80, v58;
	v17 =	vor.u32 v57, v17;
	v18 =	vadd.s32 v16, v60  }
0x549: {  	v15 =	vand.u32 $0x7F, v15;
	v63 =	vadd.s32 v16, v61;
	v18 =	vor.u32 v20, v18  }
0x54a: {  	s17 =	sadd.s32 $0x1, s17;
	v19 =	vand.u32 $0x7F, v58;
	v16 =	vadd.s32 v16, v62;
	v15 =	vor.u32 v15, v63  }
0x54b: {  	p0 =	sne.s32 s17, $0x139;
	v16 =	vor.u32 v19, v16  }
.Ltmp21:
0x54c: {  	_ = 	snop;
	(pc) =	sbr.rel @p0 .LBB2_24-.Ltmp21, $4  }
0x54d: {  	[tilespmem:v17+s22+$0x0] =	vst.idx.msk $0xffff, v14  }
0x54e: {  	[tilespmem:v18+s22+$0x0] =	vst.idx.msk $0xffff, v14  }
0x54f: {  	[tilespmem:v15+s22+$0x0] =	vst.idx.msk $0xffff, v14  }
0x550: {  	[tilespmem:v16+s22+$0x0] =	vst.idx.msk $0xffff, v14  }
0x551: {  	[bflag:$0x0] =	sbarrier.arrive $0xFFFF  }
0x552: {  	s0 =	rddreg [dreg:$0xc]  }
0x553: {  	s4 =	rddreg [dreg:$0xf]  }
0x554: {  	s3 =	simm.s32 $0x7;
	s2 =	rddreg [dreg:$0x11]  }
0x555: {  	[hbm:s0], [sflag:s4] =	dma.local [spmem:s2], $0x1400  }
0x556: {  	_ =	swait.ge [sflag:s3], $0x1400  }
0x557: {  	[sflag:s3] =	ssyncset.done $0x0;
	s17 =	rddreg [dreg:$0xd]  }
0x558: {  	s21 =	rddreg [dreg:$0x12];
	[sflag:s3] =	ssyncadd.s32 $0xFFFFEC00  }
0x559: {  	[hbm:s17], [sflag:s4] =	dma.local [spmem:s21], $0x280  }
0x55a: {  	_ =	swait.ge [sflag:s3], $0x280  }
0x55b: {  	s23 =	rddreg [dreg:$0x10]  }
0x55c: {  	s24 =	rddreg [dreg:$0xe];
	s2 =	sadd.s32 $0x1, s23  }
0x55d: {  	p0 =	sne.s32 s2, s24  }
.Ltmp22:
0x55e: {  	_ = 	snop;
	(pc) =	sbr.rel @p0 .LBB2_1-.Ltmp22, $3  }
0x55f: {  	_ =	sdelay $0x1  }
0x560: {  	[sflag:s3] =	ssyncset.done $0x0  }
0x561: {  	[sflag:s3] =	ssyncadd.s32 $0xFFFFFD80  }
0x562: {  	_ =	sfence.sel $0x180000  }
0x563: {  	[bflag:$0x0] =	sbarrier.arrive $0xFFFF  }
0x564: {  	_ =	strace $0x90000047  }
0x565: {  	s0 =	stileid.u32;
	[bflag:$0x2] =	sbarrier.arrive $0xFFFF  }
0x566: {  	p0 =	sne.s32 s0, $0x0;
	s0 =	rddreg [dreg:$0x5]  }
0x567: {  	s0 =	sadd.s32 @!p0 $0x100000, s0  }
0x568: {  	[sflag:s0] =	ssyncadd.tile.s32 @!p0 $0x1;
	_ =	shalt  }
.Lfunc_end2:
_tile_overlayer_lowered:
.L_overlay_start_2:
0x569: {  	(tag) =	ssettag $0x2  }
0x56a: {  	s0 =	rddreg [dreg:$0x0];
	s2 =	stileid.u32  }
0x56b: {  	s1 =	rddreg [dreg:$0x1];
	p0 =	sne.s32 s2, $0x0  }
0x56c: {  	s3 =	rddreg [dreg:$0x2];
	[bflag:$0x3] =	sbarrier.arrive $0xFFFF;
	s2 =	simm.s32 @!p0 $0x1C07  }
0x56d: {  	[timem:s3], [sflag:s2] =	dma.local @!p0 [hbm:s0], s1  }
0x56e: {  	s0 =	simm.s32 @!p0 $0x7  }
0x56f: {  	_ =	swait.ge @!p0 [sflag:s0], s1  }
0x570: {  	s1 =	ssub.s32 @!p0 $0x0, s1;
	[sflag:s0] =	ssyncset.done @!p0 $0x0  }
0x571: {  	[sflag:s0] =	ssyncadd.s32 @!p0 s1  }
0x572: {  	[bflag:$0x3] =	sbarrier.arrive $0xFFFF  }
0x573: {  	_ =	shalt  }

</sc_bundles>
